<compile_context>
chip_gen: v7x
topology: tpu7x:2x2x1
jax: 0.10.2.dev20260603
libtpu: 0.0.44.dev20260713+nightly
codegen_flags: <defaults>
</compile_context>

<pallas_src>
import functools

import jax
import jax.numpy as jnp
from jax import lax
from jax.experimental import pallas as pl
from jax.experimental.pallas import tpu as pltpu
from jax.experimental.pallas import tpu_sc as plsc

N = 10000
E = 320000
B = 128

NC = 2
NS = 16
NW = NC * NS
EPW = E // NW
CHUNK = 80
NCHUNK = EPW // CHUNK
RPT = N // NS
WBR = 624

_f32 = jnp.float32



def _sc_mesh():
    return plsc.VectorSubcoreMesh(core_axis_name="c", subcore_axis_name="s")


NBUF = 5


@functools.cache
def _sc_scatter(F):

    def body(y_hbm, edge_hbm, zero_hbm, out_hbm,
             srcall, dstall, *rest):
        msgbuf = rest[0:NBUF]
        acc_sh = rest[NBUF]
        gsem = rest[NBUF + 1:NBUF + 1 + NBUF]
        ssem = rest[2 * NBUF + 1:2 * NBUF + 1 + NBUF]
        c = lax.axis_index("c")
        s = lax.axis_index("s")
        w = c * NS + s

        pltpu.sync_copy(zero_hbm.at[pl.ds(s * WBR, WBR)],
                        acc_sh.at[pl.ds(s * WBR, WBR)])

        @pl.when(s == NS - 1)
        def _():
            pltpu.sync_copy(zero_hbm.at[pl.ds(NS * WBR, N - NS * WBR)],
                            acc_sh.at[pl.ds(NS * WBR, N - NS * WBR)])

        pltpu.sync_copy(edge_hbm.at[0, w], srcall)
        pltpu.sync_copy(edge_hbm.at[1, w], dstall)
        plsc.subcore_barrier()

        for b in range(NBUF):
            pltpu.async_copy(y_hbm.at[srcall.at[b]], msgbuf[b], gsem[b])

        def outer(j):
            for b in range(NBUF):
                i = j + b
                pltpu.make_async_copy(y_hbm.at[srcall.at[i]], msgbuf[b],
                                      gsem[b]).wait()
                pltpu.async_copy(msgbuf[b], acc_sh.at[dstall.at[i]],
                                 ssem[b], add=True)

                @pl.when(i + NBUF < NCHUNK)
                def _():
                    pltpu.make_async_copy(msgbuf[b],
                                          acc_sh.at[dstall.at[i]],
                                          ssem[b]).wait()
                    pltpu.async_copy(y_hbm.at[srcall.at[i + NBUF]], msgbuf[b],
                                     gsem[b])

        pl.loop(0, NCHUNK, step=NBUF)(outer)

        for b in range(NBUF):
            pltpu.make_async_copy(msgbuf[b],
                                  acc_sh.at[dstall.at[NCHUNK - NBUF + b]],
                                  ssem[b]).wait()

        plsc.subcore_barrier()
        pltpu.sync_copy(acc_sh.at[pl.ds(s * WBR, WBR)],
                        out_hbm.at[pl.ds(c * N + s * WBR, WBR)])

        @pl.when(s == NS - 1)
        def _():
            pltpu.sync_copy(acc_sh.at[pl.ds(NS * WBR, N - NS * WBR)],
                            out_hbm.at[pl.ds(c * N + NS * WBR, N - NS * WBR)])

    return pl.kernel(
        body,
        out_type=jax.ShapeDtypeStruct((NC * N, F), _f32),
        mesh=_sc_mesh(),
        compiler_params=pltpu.CompilerParams(use_tc_tiling_on_sc=False),
        scratch_types=[
            pltpu.VMEM((NCHUNK, CHUNK), jnp.int32),
            pltpu.VMEM((NCHUNK, CHUNK), jnp.int32),
        ] + [pltpu.VMEM((CHUNK, F), _f32) for _ in range(NBUF)] + [
            pltpu.VMEM_SHARED((N, F), _f32),
        ] + [pltpu.SemaphoreType.DMA for _ in range(2 * NBUF)],
    )


@functools.cache
def _sc_degree():

    def body(edge_hbm, ones_hbm, zero_hbm, out_hbm, onesbuf, dstall, deg_sh,
             sem):
        c = lax.axis_index("c")
        s = lax.axis_index("s")

        pltpu.sync_copy(zero_hbm.at[pl.ds(s * WBR, WBR)],
                        deg_sh.at[pl.ds(s * WBR, WBR)])

        @pl.when(s == NS - 1)
        def _():
            pltpu.sync_copy(zero_hbm.at[pl.ds(NS * WBR, N - NS * WBR)],
                            deg_sh.at[pl.ds(NS * WBR, N - NS * WBR)])

        pltpu.sync_copy(ones_hbm, onesbuf)
        pltpu.sync_copy(edge_hbm.at[1, c * NS + s], dstall)
        plsc.subcore_barrier()

        def outer(j):
            for b in range(NBUF):
                pltpu.async_copy(onesbuf, deg_sh.at[dstall.at[j + b]], sem,
                                 add=True)
            for b in range(NBUF):
                pltpu.make_async_copy(onesbuf, deg_sh.at[dstall.at[j + b]],
                                      sem).wait()

        pl.loop(0, NCHUNK, step=NBUF)(outer)
        plsc.subcore_barrier()
        pltpu.sync_copy(deg_sh.at[pl.ds(s * WBR, WBR)],
                        out_hbm.at[pl.ds(c * N + s * WBR, WBR)])

        @pl.when(s == NS - 1)
        def _():
            pltpu.sync_copy(deg_sh.at[pl.ds(NS * WBR, N - NS * WBR)],
                            out_hbm.at[pl.ds(c * N + NS * WBR, N - NS * WBR)])

    return pl.kernel(
        body,
        out_type=jax.ShapeDtypeStruct((NC * N, 8), _f32),
        mesh=_sc_mesh(),
        compiler_params=pltpu.CompilerParams(use_tc_tiling_on_sc=False),
        scratch_types=[
            pltpu.VMEM((CHUNK, 8), _f32),
            pltpu.VMEM((NCHUNK, CHUNK), jnp.int32),
            pltpu.VMEM_SHARED((N, 8), _f32),
            pltpu.SemaphoreType.DMA,
        ],
    )



def _tc_pre(degp, x, w0):

    def body(degp_ref, x_ref, w_ref, dinv_ref, y_ref):
        deg = degp_ref[pl.ds(0, N), :] + degp_ref[pl.ds(N, N), :] + 1.0
        dinv = lax.rsqrt(deg)
        dinv_ref[...] = dinv
        h = jnp.dot(x_ref[...], w_ref[...], preferred_element_type=_f32)
        y_ref[...] = h * dinv[:, 0:1]

    return pl.pallas_call(
        body,
        out_shape=(jax.ShapeDtypeStruct((N, 8), _f32),
                   jax.ShapeDtypeStruct((N, w0.shape[1]), _f32)),
    )(degp, x, w0)


@functools.cache
def _tc_mid(f_in, f_out, act):

    def body(accp_ref, y_ref, dinv_ref, b_ref, w_ref, ynew_ref):
        dinv = dinv_ref[...][:, 0:1]
        a = accp_ref[pl.ds(0, N), :] + accp_ref[pl.ds(N, N), :] + y_ref[...]
        z = a * dinv + b_ref[...]
        z = jnp.tanh(z) if act == "tanh" else jnp.maximum(z, 0.0)
        h = jnp.dot(z, w_ref[...], preferred_element_type=_f32)
        ynew_ref[...] = h * dinv

    return pl.pallas_call(
        body,
        out_shape=jax.ShapeDtypeStruct((N, f_out), _f32),
    )


RB = 400
NBLK = N // RB


def _tc_last(accp, y, dinv, batch_col, b3, wout, bout):
    F = 32

    def body(acc0_ref, acc1_ref, y_ref, dinv_ref, bat_ref, b_ref, wout_ref,
             bout_ref, out_ref, gmp_ref, ssum_ref, cnt_ref):
        i = pl.program_id(0)

        @pl.when(i == 0)
        def _():
            gmp_ref[...] = jnp.zeros_like(gmp_ref)
            ssum_ref[...] = jnp.zeros_like(ssum_ref)
            cnt_ref[...] = jnp.zeros_like(cnt_ref)

        a = acc0_ref[...] + acc1_ref[...] + y_ref[...]
        z = a * dinv_ref[...][:, 0:1] + b_ref[...]
        z = jnp.maximum(z, 0.0)
        batc = bat_ref[...][:, 0:1]
        seg_ids = lax.broadcasted_iota(jnp.int32, (1, B), 1)
        mask = (batc == seg_ids).astype(_f32)

        dn = (((0,), (0,)), ((), ()))
        ssum_ref[...] += lax.dot_general(mask, z, dn,
                                         preferred_element_type=_f32)
        cnt_ref[...] += lax.dot_general(mask, jnp.ones((RB, 1), _f32), dn,
                                        preferred_element_type=_f32)

        first = bat_ref[0, 0]
        last = bat_ref[RB - 1, 0]
        rows = lax.broadcasted_iota(jnp.int32, (B, 1), 0)

        def seg(bidx, g):
            m = batc == bidx
            zm = jnp.where(m, z, 0.0)
            vmax = jnp.max(zm, axis=0, keepdims=True)
            return jnp.where(rows == bidx, jnp.maximum(g, vmax), g)

        gmp_ref[...] = lax.fori_loop(first, last + 1, seg, gmp_ref[...])

        @pl.when(i == NBLK - 1)
        def _():
            cnt = cnt_ref[...]
            gm = jnp.where(cnt > 0.0, gmp_ref[...], -jnp.inf)
            gap = ssum_ref[...] / jnp.maximum(cnt, 1.0)
            w_max = wout_ref[pl.ds(0, F), :]
            w_avg = wout_ref[pl.ds(F, F), :]
            o = jnp.dot(gm, w_max, preferred_element_type=_f32)
            o += jnp.dot(gap, w_avg, preferred_element_type=_f32)
            out_ref[...] = o + bout_ref[...]

    return pl.pallas_call(
        body,
        grid=(NBLK,),
        in_specs=[
            pl.BlockSpec((RB, F), lambda i: (i, 0)),
            pl.BlockSpec((RB, F), lambda i: (NBLK + i, 0)),
            pl.BlockSpec((RB, F), lambda i: (i, 0)),
            pl.BlockSpec((RB, 8), lambda i: (i, 0)),
            pl.BlockSpec((RB, 8), lambda i: (i, 0)),
            pl.BlockSpec((1, F), lambda i: (0, 0)),
            pl.BlockSpec((2 * F, 10), lambda i: (0, 0)),
            pl.BlockSpec((1, 10), lambda i: (0, 0)),
        ],
        out_specs=pl.BlockSpec((B, 10), lambda i: (0, 0)),
        out_shape=jax.ShapeDtypeStruct((B, 10), _f32),
        scratch_shapes=[
            pltpu.VMEM((B, F), _f32),
            pltpu.VMEM((B, F), _f32),
            pltpu.VMEM((B, 1), _f32),
        ],
    )(accp, accp, y, dinv, batch_col, b3, wout, bout)



def kernel(x, edge_index, batch_index, W0, b0, W1, b1, W2, b2, W3, b3,
           Wout, bout):
    e4 = edge_index.reshape(2, NW, NCHUNK, CHUNK)
    zeros64 = jnp.zeros((N, 64), _f32)
    zeros32 = jnp.zeros((N, 32), _f32)
    zeros8 = jnp.zeros((N, 8), _f32)
    ones_chunk = jnp.ones((CHUNK, 8), _f32)
    batch8 = jnp.broadcast_to(batch_index.reshape(N, 1), (N, 8))

    degp = _sc_degree()(e4, ones_chunk, zeros8)
    dinv, y0 = _tc_pre(degp, x, W0)

    acc0 = _sc_scatter(64)(y0, e4, zeros64)
    y1 = _tc_mid(64, 64, "tanh")(acc0, y0, dinv, b0.reshape(1, -1), W1)

    acc1 = _sc_scatter(64)(y1, e4, zeros64)
    y2 = _tc_mid(64, 32, "relu")(acc1, y1, dinv, b1.reshape(1, -1), W2)

    acc2 = _sc_scatter(32)(y2, e4, zeros32)
    y3 = _tc_mid(32, 32, "relu")(acc2, y2, dinv, b2.reshape(1, -1), W3)

    acc3 = _sc_scatter(32)(y3, e4, zeros32)
    out = _tc_last(acc3, y3, dinv, batch8, b3.reshape(1, -1), Wout,
                   bout.reshape(1, -1))
    return out

# --- scband reference (transcript-rebuilt; emitter-appended) ---
"""Pipeline reference for scband-mnist-gcn-65721589563632 (READ-ONLY COPY).

The authoritative reference and input builder live on the scoring server;
editing this copy changes nothing except your own understanding.
"""

import jax, jax.numpy as jnp
import numpy as np

N = 10000
E = 320000
F_IN = 128
B = 128


def _init_linear(key, fan_in, fan_out):
    k1, k2 = jax.random.split(key)
    bound = 1.0 / np.sqrt(fan_in)
    W = jax.random.uniform(k1, (fan_in, fan_out), minval=-bound, maxval=bound, dtype=jnp.float32)
    b = jax.random.uniform(k2, (fan_out,), minval=-bound, maxval=bound, dtype=jnp.float32)
    return W, b


def setup_inputs(seed: int = 0) -> dict:
    key = jax.random.key(seed)
    ks = jax.random.split(key, 8)
    x = jax.random.normal(ks[0], (N, F_IN), dtype=jnp.float32)
    edge_index = jax.random.randint(ks[1], (2, E), 0, N, dtype=jnp.int32)
    batch_index = jnp.sort(jax.random.randint(ks[2], (N,), 0, B, dtype=jnp.int32))
    W0, b0 = _init_linear(ks[3], F_IN, 64)
    W1, b1 = _init_linear(ks[4], 64, 64)
    W2, b2 = _init_linear(ks[5], 64, 32)
    W3, b3 = _init_linear(ks[6], 32, 32)
    Wout, bout = _init_linear(ks[7], 64, 10)
    return {"x": x, "edge_index": edge_index, "batch_index": batch_index,
            "W0": W0, "b0": b0, "W1": W1, "b1": b1, "W2": W2, "b2": b2,
            "W3": W3, "b3": b3, "Wout": Wout, "bout": bout}


def _gcn_conv(x, edge_index, W, b):
    # PyG GCNConv: linear transform, add self-loops, sym-normalize, scatter-add, bias
    h = x @ W
    loop = jnp.arange(N, dtype=edge_index.dtype)
    src = jnp.concatenate([edge_index[0], loop])
    dst = jnp.concatenate([edge_index[1], loop])
    deg = jax.ops.segment_sum(jnp.ones_like(src, dtype=h.dtype), dst, num_segments=N)
    dinv = jnp.where(deg > 0, deg ** -0.5, 0.0)
    norm = dinv[src] * dinv[dst]
    msg = h[src] * norm[:, None]
    out = jax.ops.segment_sum(msg, dst, num_segments=N)
    return out + b


def reference(x, edge_index, batch_index, W0, b0, W1, b1, W2, b2, W3, b3, Wout, bout):
    hidden = _gcn_conv(x, edge_index, W0, b0)
    hidden = jnp.tanh(hidden)
    hidden = _gcn_conv(hidden, edge_index, W1, b1)
    hidden = jax.nn.relu(hidden)
    hidden = _gcn_conv(hidden, edge_index, W2, b2)
    hidden = jax.nn.relu(hidden)
    hidden = _gcn_conv(hidden, edge_index, W3, b3)
    hidden = jax.nn.relu(hidden)
    gmp = jax.ops.segment_max(hidden, batch_index, num_segments=B)
    ssum = jax.ops.segment_sum(hidden, batch_index, num_segments=B)
    cnt = jax.ops.segment_sum(jnp.ones((N,), dtype=hidden.dtype), batch_index, num_segments=B)
    gap = ssum / jnp.clip(cnt, 1.0)[:, None]
    pooled = jnp.concatenate([gmp, gap], axis=1)
    out = pooled @ Wout + bout
    return out

if __name__ == "__main__":
    import jax
    _d = setup_inputs()
    print(jax.jit(kernel)(*tuple(_d.values())))

</pallas_src>

<mosaic_0001>
#map = affine_map<(d0, d1) -> (0, 0, 0, 0)>
#map1 = affine_map<(d0, d1) -> (0, 0)>
module attributes {stable_mosaic.version = 14 : i64} {
  func.func @body(%arg0: i32, %arg1: i32, %arg2: memref<2x32x125x80xi32, #tpu.memory_space<hbm>>, %arg3: memref<80x8xf32, #tpu.memory_space<hbm>>, %arg4: memref<10000x8xf32, #tpu.memory_space<hbm>>, %arg5: memref<20000x8xf32, #tpu.memory_space<hbm>>, %arg6: memref<80x8xf32, #tpu.memory_space<vmem>>, %arg7: memref<125x80xi32, #tpu.memory_space<vmem>>, %arg8: memref<10000x8xf32, #tpu.memory_space<vmem_shared>>, %arg9: memref<!tpu.dma_semaphore, #tpu.memory_space<semaphore_mem>>) attributes {dimension_semantics = [#tpu.dimension_semantics<core_parallel>, #tpu.dimension_semantics<subcore_parallel>], iteration_bounds = array<i64: 2, 16>, scalar_prefetch = 0 : i64, scratch_operands = 4 : i64, tpu.core_type = #tpu.core_type<sc_vector_subcore>, window_params = [{transform_indices = #map}, {transform_indices = #map1}, {transform_indices = #map1}, {transform_indices = #map1}]} {
    %mul3A = arith.constant 624 : i32
    %mul3A_0 = arith.muli %arg1, %mul3A : i32
    %mul3A_1 = arith.constant 624 : i32
    %mul3A_2 = arith.muli %arg1, %mul3A_1 : i32
    "tpu.region"() ({
      %run_scoped3A_24 = tpu.sem_alloc : memref<!tpu.dma_semaphore, #tpu.memory_space<semaphore_mem>>
      %dma_start3A = arith.constant 0 : i32
      %dma_start3A_25 = tpu.memref_slice %arg8[%mul3A_2, %dma_start3A] : memref<10000x8xf32, #tpu.memory_space<vmem_shared>> -> memref<624x8xf32, #tpu.memory_space<vmem_shared>>
      %dma_start3A_26 = arith.constant 0 : i32
      %dma_start3A_27 = tpu.memref_slice %arg4[%mul3A_0, %dma_start3A_26] : memref<10000x8xf32, #tpu.memory_space<hbm>> -> memref<624x8xf32, #tpu.memory_space<hbm>>
      tpu.enqueue_dma source(%dma_start3A_27 : memref<624x8xf32, #tpu.memory_space<hbm>>) target(%dma_start3A_25 : memref<624x8xf32, #tpu.memory_space<vmem_shared>>) target_semaphore(%run_scoped3A_24 : memref<!tpu.dma_semaphore, #tpu.memory_space<semaphore_mem>>)
      %dma_wait3A = arith.constant 0 : i32
      %dma_wait3A_28 = tpu.memref_slice %arg8[%mul3A_2, %dma_wait3A] : memref<10000x8xf32, #tpu.memory_space<vmem_shared>> -> memref<624x8xf32, #tpu.memory_space<vmem_shared>>
      %dma_wait3A_29 = arith.constant 0 : i32
      %dma_wait3A_30 = tpu.memref_slice %arg4[%mul3A_0, %dma_wait3A_29] : memref<10000x8xf32, #tpu.memory_space<hbm>> -> memref<624x8xf32, #tpu.memory_space<hbm>>
      tpu.wait_dma2 semaphore(%run_scoped3A_24 : memref<!tpu.dma_semaphore, #tpu.memory_space<semaphore_mem>>) src(%dma_wait3A_30 : memref<624x8xf32, #tpu.memory_space<hbm>>) dst(%dma_wait3A_28 : memref<624x8xf32, #tpu.memory_space<vmem_shared>>)
      tpu.yield
    }) : () -> ()
    %eq3A = arith.constant 15 : i32
    %eq3A_3 = arith.cmpi eq, %arg1, %eq3A : i32
    %convert_element_type3A = arith.extui %eq3A_3 : i1 to i32
    %cond3A = arith.constant 0 : i32
    %cond3A_4 = arith.cmpi ne, %convert_element_type3A, %cond3A : i32
    scf.if %cond3A_4 {
      "tpu.region"() ({
        %run_scoped3A_24 = tpu.sem_alloc : memref<!tpu.dma_semaphore, #tpu.memory_space<semaphore_mem>>
        %dma_start3A = arith.constant 9984 : i32
        %dma_start3A_25 = arith.constant 0 : i32
        %dma_start3A_26 = tpu.memref_slice %arg8[%dma_start3A, %dma_start3A_25] : memref<10000x8xf32, #tpu.memory_space<vmem_shared>> -> memref<16x8xf32, #tpu.memory_space<vmem_shared>>
        %dma_start3A_27 = arith.constant 9984 : i32
        %dma_start3A_28 = arith.constant 0 : i32
        %dma_start3A_29 = tpu.memref_slice %arg4[%dma_start3A_27, %dma_start3A_28] : memref<10000x8xf32, #tpu.memory_space<hbm>> -> memref<16x8xf32, #tpu.memory_space<hbm>>
        tpu.enqueue_dma source(%dma_start3A_29 : memref<16x8xf32, #tpu.memory_space<hbm>>) target(%dma_start3A_26 : memref<16x8xf32, #tpu.memory_space<vmem_shared>>) target_semaphore(%run_scoped3A_24 : memref<!tpu.dma_semaphore, #tpu.memory_space<semaphore_mem>>)
        %dma_wait3A = arith.constant 9984 : i32
        %dma_wait3A_30 = arith.constant 0 : i32
        %dma_wait3A_31 = tpu.memref_slice %arg8[%dma_wait3A, %dma_wait3A_30] : memref<10000x8xf32, #tpu.memory_space<vmem_shared>> -> memref<16x8xf32, #tpu.memory_space<vmem_shared>>
        %dma_wait3A_32 = arith.constant 9984 : i32
        %dma_wait3A_33 = arith.constant 0 : i32
        %dma_wait3A_34 = tpu.memref_slice %arg4[%dma_wait3A_32, %dma_wait3A_33] : memref<10000x8xf32, #tpu.memory_space<hbm>> -> memref<16x8xf32, #tpu.memory_space<hbm>>
        tpu.wait_dma2 semaphore(%run_scoped3A_24 : memref<!tpu.dma_semaphore, #tpu.memory_space<semaphore_mem>>) src(%dma_wait3A_34 : memref<16x8xf32, #tpu.memory_space<hbm>>) dst(%dma_wait3A_31 : memref<16x8xf32, #tpu.memory_space<vmem_shared>>)
        tpu.yield
      }) : () -> ()
    } else {
    }
    "tpu.region"() ({
      %run_scoped3A_24 = tpu.sem_alloc : memref<!tpu.dma_semaphore, #tpu.memory_space<semaphore_mem>>
      tpu.enqueue_dma source(%arg3 : memref<80x8xf32, #tpu.memory_space<hbm>>) target(%arg6 : memref<80x8xf32, #tpu.memory_space<vmem>>) target_semaphore(%run_scoped3A_24 : memref<!tpu.dma_semaphore, #tpu.memory_space<semaphore_mem>>)
      tpu.wait_dma2 semaphore(%run_scoped3A_24 : memref<!tpu.dma_semaphore, #tpu.memory_space<semaphore_mem>>) src(%arg3 : memref<80x8xf32, #tpu.memory_space<hbm>>) dst(%arg6 : memref<80x8xf32, #tpu.memory_space<vmem>>)
      tpu.yield
    }) : () -> ()
    %mul3A_5 = arith.constant 16 : i32
    %mul3A_6 = arith.muli %arg0, %mul3A_5 : i32
    %add3A = arith.addi %mul3A_6, %arg1 : i32
    %run_scoped3A = arith.constant 1 : i32
    "tpu.region"() ({
      %run_scoped3A_24 = tpu.sem_alloc : memref<!tpu.dma_semaphore, #tpu.memory_space<semaphore_mem>>
      %dma_start3A = arith.constant 0 : i32
      %dma_start3A_25 = arith.constant 0 : i32
      %dma_start3A_26 = tpu.memref_slice %arg2[%run_scoped3A, %add3A, %dma_start3A, %dma_start3A_25] : memref<2x32x125x80xi32, #tpu.memory_space<hbm>> -> memref<1x1x125x80xi32, #tpu.memory_space<hbm>>
      %dma_start3A_27 = tpu.memref_squeeze %dma_start3A_26 : memref<1x1x125x80xi32, #tpu.memory_space<hbm>> -> memref<125x80xi32, #tpu.memory_space<hbm>>
      %dma_start3A_28 = arith.constant 0 : i32
      %dma_start3A_29 = arith.constant 0 : i32
      %dma_start3A_30 = tpu.memref_slice %arg2[%run_scoped3A, %add3A, %dma_start3A_28, %dma_start3A_29] : memref<2x32x125x80xi32, #tpu.memory_space<hbm>> -> memref<1x1x125x80xi32, #tpu.memory_space<hbm>>
      %dma_start3A_31 = tpu.memref_squeeze %dma_start3A_30 : memref<1x1x125x80xi32, #tpu.memory_space<hbm>> -> memref<125x80xi32, #tpu.memory_space<hbm>>
      tpu.enqueue_dma source(%dma_start3A_31 : memref<125x80xi32, #tpu.memory_space<hbm>>) target(%arg7 : memref<125x80xi32, #tpu.memory_space<vmem>>) target_semaphore(%run_scoped3A_24 : memref<!tpu.dma_semaphore, #tpu.memory_space<semaphore_mem>>)
      %dma_wait3A = arith.constant 0 : i32
      %dma_wait3A_32 = arith.constant 0 : i32
      %dma_wait3A_33 = tpu.memref_slice %arg2[%run_scoped3A, %add3A, %dma_wait3A, %dma_wait3A_32] : memref<2x32x125x80xi32, #tpu.memory_space<hbm>> -> memref<1x1x125x80xi32, #tpu.memory_space<hbm>>
      %dma_wait3A_34 = tpu.memref_squeeze %dma_wait3A_33 : memref<1x1x125x80xi32, #tpu.memory_space<hbm>> -> memref<125x80xi32, #tpu.memory_space<hbm>>
      %dma_wait3A_35 = arith.constant 0 : i32
      %dma_wait3A_36 = arith.constant 0 : i32
      %dma_wait3A_37 = tpu.memref_slice %arg2[%run_scoped3A, %add3A, %dma_wait3A_35, %dma_wait3A_36] : memref<2x32x125x80xi32, #tpu.memory_space<hbm>> -> memref<1x1x125x80xi32, #tpu.memory_space<hbm>>
      %dma_wait3A_38 = tpu.memref_squeeze %dma_wait3A_37 : memref<1x1x125x80xi32, #tpu.memory_space<hbm>> -> memref<125x80xi32, #tpu.memory_space<hbm>>
      tpu.wait_dma2 semaphore(%run_scoped3A_24 : memref<!tpu.dma_semaphore, #tpu.memory_space<semaphore_mem>>) src(%dma_wait3A_38 : memref<125x80xi32, #tpu.memory_space<hbm>>) dst(%arg7 : memref<125x80xi32, #tpu.memory_space<vmem>>)
      tpu.yield
    }) : () -> ()
    %barrier3A = arith.constant 0 : index
    tpu.barrier barrier_id(%barrier3A)
    %scan3A = arith.constant 0 : i32
    %scan3A_7 = arith.constant 25 : i32
    %scan3A_8 = arith.addi %scan3A, %scan3A_7 : i32
    %scan3A_9 = arith.constant 1 : i32
    scf.for %scan3A_24 = %scan3A to %scan3A_8 step %scan3A_9  : i32 {
      %mul3A_25 = arith.constant 5 : i32
      %mul3A_26 = arith.muli %scan3A_24, %mul3A_25 : i32
      %add3A_27 = arith.constant 0 : i32
      %add3A_28 = arith.addi %add3A_27, %mul3A_26 : i32
      %add3A_29 = arith.constant 0 : i32
      %add3A_30 = arith.addi %add3A_28, %add3A_29 : i32
      %dma_start3A = arith.constant 0 : i32
      %dma_start3A_31 = tpu.memref_slice %arg7[%add3A_30, %dma_start3A] : memref<125x80xi32, #tpu.memory_space<vmem>> -> memref<1x80xi32, #tpu.memory_space<vmem>>
      %dma_start3A_32 = tpu.memref_squeeze %dma_start3A_31 : memref<1x80xi32, #tpu.memory_space<vmem>> -> memref<80xi32, #tpu.memory_space<vmem>>
      %dma_start3A_33 = arith.constant 0 : i32
      %dma_start3A_34 = arith.constant 0 : i32
      %dma_start3A_35 = tpu.memref_slice %arg8[%dma_start3A_33, %dma_start3A_34] : memref<10000x8xf32, #tpu.memory_space<vmem_shared>> -> memref<10000x8xf32, #tpu.memory_space<vmem_shared>>
      tpu.enqueue_indirect_dma source(%arg6 : memref<80x8xf32, #tpu.memory_space<vmem>>) target(%dma_start3A_35 : memref<10000x8xf32, #tpu.memory_space<vmem_shared>>) offsets(%dma_start3A_32 : memref<80xi32, #tpu.memory_space<vmem>>) semaphore(%arg9 : memref<!tpu.dma_semaphore, #tpu.memory_space<semaphore_mem>>) {add = true}
      %add3A_36 = arith.constant 1 : i32
      %add3A_37 = arith.addi %add3A_28, %add3A_36 : i32
      %dma_start3A_38 = arith.constant 0 : i32
      %dma_start3A_39 = tpu.memref_slice %arg7[%add3A_37, %dma_start3A_38] : memref<125x80xi32, #tpu.memory_space<vmem>> -> memref<1x80xi32, #tpu.memory_space<vmem>>
      %dma_start3A_40 = tpu.memref_squeeze %dma_start3A_39 : memref<1x80xi32, #tpu.memory_space<vmem>> -> memref<80xi32, #tpu.memory_space<vmem>>
      %dma_start3A_41 = arith.constant 0 : i32
      %dma_start3A_42 = arith.constant 0 : i32
      %dma_start3A_43 = tpu.memref_slice %arg8[%dma_start3A_41, %dma_start3A_42] : memref<10000x8xf32, #tpu.memory_space<vmem_shared>> -> memref<10000x8xf32, #tpu.memory_space<vmem_shared>>
      tpu.enqueue_indirect_dma source(%arg6 : memref<80x8xf32, #tpu.memory_space<vmem>>) target(%dma_start3A_43 : memref<10000x8xf32, #tpu.memory_space<vmem_shared>>) offsets(%dma_start3A_40 : memref<80xi32, #tpu.memory_space<vmem>>) semaphore(%arg9 : memref<!tpu.dma_semaphore, #tpu.memory_space<semaphore_mem>>) {add = true}
      %add3A_44 = arith.constant 2 : i32
      %add3A_45 = arith.addi %add3A_28, %add3A_44 : i32
      %dma_start3A_46 = arith.constant 0 : i32
      %dma_start3A_47 = tpu.memref_slice %arg7[%add3A_45, %dma_start3A_46] : memref<125x80xi32, #tpu.memory_space<vmem>> -> memref<1x80xi32, #tpu.memory_space<vmem>>
      %dma_start3A_48 = tpu.memref_squeeze %dma_start3A_47 : memref<1x80xi32, #tpu.memory_space<vmem>> -> memref<80xi32, #tpu.memory_space<vmem>>
      %dma_start3A_49 = arith.constant 0 : i32
      %dma_start3A_50 = arith.constant 0 : i32
      %dma_start3A_51 = tpu.memref_slice %arg8[%dma_start3A_49, %dma_start3A_50] : memref<10000x8xf32, #tpu.memory_space<vmem_shared>> -> memref<10000x8xf32, #tpu.memory_space<vmem_shared>>
      tpu.enqueue_indirect_dma source(%arg6 : memref<80x8xf32, #tpu.memory_space<vmem>>) target(%dma_start3A_51 : memref<10000x8xf32, #tpu.memory_space<vmem_shared>>) offsets(%dma_start3A_48 : memref<80xi32, #tpu.memory_space<vmem>>) semaphore(%arg9 : memref<!tpu.dma_semaphore, #tpu.memory_space<semaphore_mem>>) {add = true}
      %add3A_52 = arith.constant 3 : i32
      %add3A_53 = arith.addi %add3A_28, %add3A_52 : i32
      %dma_start3A_54 = arith.constant 0 : i32
      %dma_start3A_55 = tpu.memref_slice %arg7[%add3A_53, %dma_start3A_54] : memref<125x80xi32, #tpu.memory_space<vmem>> -> memref<1x80xi32, #tpu.memory_space<vmem>>
      %dma_start3A_56 = tpu.memref_squeeze %dma_start3A_55 : memref<1x80xi32, #tpu.memory_space<vmem>> -> memref<80xi32, #tpu.memory_space<vmem>>
      %dma_start3A_57 = arith.constant 0 : i32
      %dma_start3A_58 = arith.constant 0 : i32
      %dma_start3A_59 = tpu.memref_slice %arg8[%dma_start3A_57, %dma_start3A_58] : memref<10000x8xf32, #tpu.memory_space<vmem_shared>> -> memref<10000x8xf32, #tpu.memory_space<vmem_shared>>
      tpu.enqueue_indirect_dma source(%arg6 : memref<80x8xf32, #tpu.memory_space<vmem>>) target(%dma_start3A_59 : memref<10000x8xf32, #tpu.memory_space<vmem_shared>>) offsets(%dma_start3A_56 : memref<80xi32, #tpu.memory_space<vmem>>) semaphore(%arg9 : memref<!tpu.dma_semaphore, #tpu.memory_space<semaphore_mem>>) {add = true}
      %add3A_60 = arith.constant 4 : i32
      %add3A_61 = arith.addi %add3A_28, %add3A_60 : i32
      %dma_start3A_62 = arith.constant 0 : i32
      %dma_start3A_63 = tpu.memref_slice %arg7[%add3A_61, %dma_start3A_62] : memref<125x80xi32, #tpu.memory_space<vmem>> -> memref<1x80xi32, #tpu.memory_space<vmem>>
      %dma_start3A_64 = tpu.memref_squeeze %dma_start3A_63 : memref<1x80xi32, #tpu.memory_space<vmem>> -> memref<80xi32, #tpu.memory_space<vmem>>
      %dma_start3A_65 = arith.constant 0 : i32
      %dma_start3A_66 = arith.constant 0 : i32
      %dma_start3A_67 = tpu.memref_slice %arg8[%dma_start3A_65, %dma_start3A_66] : memref<10000x8xf32, #tpu.memory_space<vmem_shared>> -> memref<10000x8xf32, #tpu.memory_space<vmem_shared>>
      tpu.enqueue_indirect_dma source(%arg6 : memref<80x8xf32, #tpu.memory_space<vmem>>) target(%dma_start3A_67 : memref<10000x8xf32, #tpu.memory_space<vmem_shared>>) offsets(%dma_start3A_64 : memref<80xi32, #tpu.memory_space<vmem>>) semaphore(%arg9 : memref<!tpu.dma_semaphore, #tpu.memory_space<semaphore_mem>>) {add = true}
      %add3A_68 = arith.constant 0 : i32
      %add3A_69 = arith.addi %add3A_28, %add3A_68 : i32
      %dma_wait3A = arith.constant 0 : i32
      %dma_wait3A_70 = tpu.memref_slice %arg7[%add3A_69, %dma_wait3A] : memref<125x80xi32, #tpu.memory_space<vmem>> -> memref<1x80xi32, #tpu.memory_space<vmem>>
      %dma_wait3A_71 = tpu.memref_squeeze %dma_wait3A_70 : memref<1x80xi32, #tpu.memory_space<vmem>> -> memref<80xi32, #tpu.memory_space<vmem>>
      %dma_wait3A_72 = arith.constant 0 : i32
      %dma_wait3A_73 = arith.constant 0 : i32
      %dma_wait3A_74 = tpu.memref_slice %arg8[%dma_wait3A_72, %dma_wait3A_73] : memref<10000x8xf32, #tpu.memory_space<vmem_shared>> -> memref<10000x8xf32, #tpu.memory_space<vmem_shared>>
      tpu.wait_indirect_dma semaphore(%arg9 : memref<!tpu.dma_semaphore, #tpu.memory_space<semaphore_mem>>) src(%arg6 : memref<80x8xf32, #tpu.memory_space<vmem>>) dst(%dma_wait3A_74 : memref<10000x8xf32, #tpu.memory_space<vmem_shared>>)
      %add3A_75 = arith.constant 1 : i32
      %add3A_76 = arith.addi %add3A_28, %add3A_75 : i32
      %dma_wait3A_77 = arith.constant 0 : i32
      %dma_wait3A_78 = tpu.memref_slice %arg7[%add3A_76, %dma_wait3A_77] : memref<125x80xi32, #tpu.memory_space<vmem>> -> memref<1x80xi32, #tpu.memory_space<vmem>>
      %dma_wait3A_79 = tpu.memref_squeeze %dma_wait3A_78 : memref<1x80xi32, #tpu.memory_space<vmem>> -> memref<80xi32, #tpu.memory_space<vmem>>
      %dma_wait3A_80 = arith.constant 0 : i32
      %dma_wait3A_81 = arith.constant 0 : i32
      %dma_wait3A_82 = tpu.memref_slice %arg8[%dma_wait3A_80, %dma_wait3A_81] : memref<10000x8xf32, #tpu.memory_space<vmem_shared>> -> memref<10000x8xf32, #tpu.memory_space<vmem_shared>>
      tpu.wait_indirect_dma semaphore(%arg9 : memref<!tpu.dma_semaphore, #tpu.memory_space<semaphore_mem>>) src(%arg6 : memref<80x8xf32, #tpu.memory_space<vmem>>) dst(%dma_wait3A_82 : memref<10000x8xf32, #tpu.memory_space<vmem_shared>>)
      %add3A_83 = arith.constant 2 : i32
      %add3A_84 = arith.addi %add3A_28, %add3A_83 : i32
      %dma_wait3A_85 = arith.constant 0 : i32
      %dma_wait3A_86 = tpu.memref_slice %arg7[%add3A_84, %dma_wait3A_85] : memref<125x80xi32, #tpu.memory_space<vmem>> -> memref<1x80xi32, #tpu.memory_space<vmem>>
      %dma_wait3A_87 = tpu.memref_squeeze %dma_wait3A_86 : memref<1x80xi32, #tpu.memory_space<vmem>> -> memref<80xi32, #tpu.memory_space<vmem>>
      %dma_wait3A_88 = arith.constant 0 : i32
      %dma_wait3A_89 = arith.constant 0 : i32
      %dma_wait3A_90 = tpu.memref_slice %arg8[%dma_wait3A_88, %dma_wait3A_89] : memref<10000x8xf32, #tpu.memory_space<vmem_shared>> -> memref<10000x8xf32, #tpu.memory_space<vmem_shared>>
      tpu.wait_indirect_dma semaphore(%arg9 : memref<!tpu.dma_semaphore, #tpu.memory_space<semaphore_mem>>) src(%arg6 : memref<80x8xf32, #tpu.memory_space<vmem>>) dst(%dma_wait3A_90 : memref<10000x8xf32, #tpu.memory_space<vmem_shared>>)
      %add3A_91 = arith.constant 3 : i32
      %add3A_92 = arith.addi %add3A_28, %add3A_91 : i32
      %dma_wait3A_93 = arith.constant 0 : i32
      %dma_wait3A_94 = tpu.memref_slice %arg7[%add3A_92, %dma_wait3A_93] : memref<125x80xi32, #tpu.memory_space<vmem>> -> memref<1x80xi32, #tpu.memory_space<vmem>>
      %dma_wait3A_95 = tpu.memref_squeeze %dma_wait3A_94 : memref<1x80xi32, #tpu.memory_space<vmem>> -> memref<80xi32, #tpu.memory_space<vmem>>
      %dma_wait3A_96 = arith.constant 0 : i32
      %dma_wait3A_97 = arith.constant 0 : i32
      %dma_wait3A_98 = tpu.memref_slice %arg8[%dma_wait3A_96, %dma_wait3A_97] : memref<10000x8xf32, #tpu.memory_space<vmem_shared>> -> memref<10000x8xf32, #tpu.memory_space<vmem_shared>>
      tpu.wait_indirect_dma semaphore(%arg9 : memref<!tpu.dma_semaphore, #tpu.memory_space<semaphore_mem>>) src(%arg6 : memref<80x8xf32, #tpu.memory_space<vmem>>) dst(%dma_wait3A_98 : memref<10000x8xf32, #tpu.memory_space<vmem_shared>>)
      %add3A_99 = arith.constant 4 : i32
      %add3A_100 = arith.addi %add3A_28, %add3A_99 : i32
      %dma_wait3A_101 = arith.constant 0 : i32
      %dma_wait3A_102 = tpu.memref_slice %arg7[%add3A_100, %dma_wait3A_101] : memref<125x80xi32, #tpu.memory_space<vmem>> -> memref<1x80xi32, #tpu.memory_space<vmem>>
      %dma_wait3A_103 = tpu.memref_squeeze %dma_wait3A_102 : memref<1x80xi32, #tpu.memory_space<vmem>> -> memref<80xi32, #tpu.memory_space<vmem>>
      %dma_wait3A_104 = arith.constant 0 : i32
      %dma_wait3A_105 = arith.constant 0 : i32
      %dma_wait3A_106 = tpu.memref_slice %arg8[%dma_wait3A_104, %dma_wait3A_105] : memref<10000x8xf32, #tpu.memory_space<vmem_shared>> -> memref<10000x8xf32, #tpu.memory_space<vmem_shared>>
      tpu.wait_indirect_dma semaphore(%arg9 : memref<!tpu.dma_semaphore, #tpu.memory_space<semaphore_mem>>) src(%arg6 : memref<80x8xf32, #tpu.memory_space<vmem>>) dst(%dma_wait3A_106 : memref<10000x8xf32, #tpu.memory_space<vmem_shared>>)
    }
    %scan3A_10 = arith.constant 25 : i32
    %barrier3A_11 = arith.constant 0 : index
    tpu.barrier barrier_id(%barrier3A_11)
    %mul3A_12 = arith.constant 624 : i32
    %mul3A_13 = arith.muli %arg1, %mul3A_12 : i32
    %mul3A_14 = arith.constant 10000 : i32
    %mul3A_15 = arith.muli %arg0, %mul3A_14 : i32
    %mul3A_16 = arith.constant 624 : i32
    %mul3A_17 = arith.muli %arg1, %mul3A_16 : i32
    %add3A_18 = arith.addi %mul3A_15, %mul3A_17 : i32
    "tpu.region"() ({
      %run_scoped3A_24 = tpu.sem_alloc : memref<!tpu.dma_semaphore, #tpu.memory_space<semaphore_mem>>
      %dma_start3A = arith.constant 0 : i32
      %dma_start3A_25 = tpu.memref_slice %arg5[%add3A_18, %dma_start3A] : memref<20000x8xf32, #tpu.memory_space<hbm>> -> memref<624x8xf32, #tpu.memory_space<hbm>>
      %dma_start3A_26 = arith.constant 0 : i32
      %dma_start3A_27 = tpu.memref_slice %arg8[%mul3A_13, %dma_start3A_26] : memref<10000x8xf32, #tpu.memory_space<vmem_shared>> -> memref<624x8xf32, #tpu.memory_space<vmem_shared>>
      tpu.enqueue_dma source(%dma_start3A_27 : memref<624x8xf32, #tpu.memory_space<vmem_shared>>) target(%dma_start3A_25 : memref<624x8xf32, #tpu.memory_space<hbm>>) target_semaphore(%run_scoped3A_24 : memref<!tpu.dma_semaphore, #tpu.memory_space<semaphore_mem>>)
      %dma_wait3A = arith.constant 0 : i32
      %dma_wait3A_28 = tpu.memref_slice %arg5[%add3A_18, %dma_wait3A] : memref<20000x8xf32, #tpu.memory_space<hbm>> -> memref<624x8xf32, #tpu.memory_space<hbm>>
      %dma_wait3A_29 = arith.constant 0 : i32
      %dma_wait3A_30 = tpu.memref_slice %arg8[%mul3A_13, %dma_wait3A_29] : memref<10000x8xf32, #tpu.memory_space<vmem_shared>> -> memref<624x8xf32, #tpu.memory_space<vmem_shared>>
      tpu.wait_dma2 semaphore(%run_scoped3A_24 : memref<!tpu.dma_semaphore, #tpu.memory_space<semaphore_mem>>) src(%dma_wait3A_30 : memref<624x8xf32, #tpu.memory_space<vmem_shared>>) dst(%dma_wait3A_28 : memref<624x8xf32, #tpu.memory_space<hbm>>)
      tpu.yield
    }) : () -> ()
    %eq3A_19 = arith.constant 15 : i32
    %eq3A_20 = arith.cmpi eq, %arg1, %eq3A_19 : i32
    %convert_element_type3A_21 = arith.extui %eq3A_20 : i1 to i32
    %cond3A_22 = arith.constant 0 : i32
    %cond3A_23 = arith.cmpi ne, %convert_element_type3A_21, %cond3A_22 : i32
    scf.if %cond3A_23 {
      %mul3A_24 = arith.constant 10000 : i32
      %mul3A_25 = arith.muli %arg0, %mul3A_24 : i32
      %add3A_26 = arith.constant 9984 : i32
      %add3A_27 = arith.addi %mul3A_25, %add3A_26 : i32
      "tpu.region"() ({
        %run_scoped3A_28 = tpu.sem_alloc : memref<!tpu.dma_semaphore, #tpu.memory_space<semaphore_mem>>
        %dma_start3A = arith.constant 0 : i32
        %dma_start3A_29 = tpu.memref_slice %arg5[%add3A_27, %dma_start3A] : memref<20000x8xf32, #tpu.memory_space<hbm>> -> memref<16x8xf32, #tpu.memory_space<hbm>>
        %dma_start3A_30 = arith.constant 9984 : i32
        %dma_start3A_31 = arith.constant 0 : i32
        %dma_start3A_32 = tpu.memref_slice %arg8[%dma_start3A_30, %dma_start3A_31] : memref<10000x8xf32, #tpu.memory_space<vmem_shared>> -> memref<16x8xf32, #tpu.memory_space<vmem_shared>>
        tpu.enqueue_dma source(%dma_start3A_32 : memref<16x8xf32, #tpu.memory_space<vmem_shared>>) target(%dma_start3A_29 : memref<16x8xf32, #tpu.memory_space<hbm>>) target_semaphore(%run_scoped3A_28 : memref<!tpu.dma_semaphore, #tpu.memory_space<semaphore_mem>>)
        %dma_wait3A = arith.constant 0 : i32
        %dma_wait3A_33 = tpu.memref_slice %arg5[%add3A_27, %dma_wait3A] : memref<20000x8xf32, #tpu.memory_space<hbm>> -> memref<16x8xf32, #tpu.memory_space<hbm>>
        %dma_wait3A_34 = arith.constant 9984 : i32
        %dma_wait3A_35 = arith.constant 0 : i32
        %dma_wait3A_36 = tpu.memref_slice %arg8[%dma_wait3A_34, %dma_wait3A_35] : memref<10000x8xf32, #tpu.memory_space<vmem_shared>> -> memref<16x8xf32, #tpu.memory_space<vmem_shared>>
        tpu.wait_dma2 semaphore(%run_scoped3A_28 : memref<!tpu.dma_semaphore, #tpu.memory_space<semaphore_mem>>) src(%dma_wait3A_36 : memref<16x8xf32, #tpu.memory_space<vmem_shared>>) dst(%dma_wait3A_33 : memref<16x8xf32, #tpu.memory_space<hbm>>)
        tpu.yield
      }) : () -> ()
    } else {
    }
    return
  }
}

#map = affine_map<(d0, d1) -> (0, 0)>
#map1 = affine_map<(d0, d1) -> (0, 0, 0, 0)>
module attributes {stable_mosaic.version = 14 : i64} {
  func.func @body(%arg0: i32, %arg1: i32, %arg2: memref<10000x64xf32, #tpu.memory_space<hbm>>, %arg3: memref<2x32x125x80xi32, #tpu.memory_space<hbm>>, %arg4: memref<10000x64xf32, #tpu.memory_space<hbm>>, %arg5: memref<20000x64xf32, #tpu.memory_space<hbm>>, %arg6: memref<125x80xi32, #tpu.memory_space<vmem>>, %arg7: memref<125x80xi32, #tpu.memory_space<vmem>>, %arg8: memref<80x64xf32, #tpu.memory_space<vmem>>, %arg9: memref<80x64xf32, #tpu.memory_space<vmem>>, %arg10: memref<80x64xf32, #tpu.memory_space<vmem>>, %arg11: memref<80x64xf32, #tpu.memory_space<vmem>>, %arg12: memref<80x64xf32, #tpu.memory_space<vmem>>, %arg13: memref<10000x64xf32, #tpu.memory_space<vmem_shared>>, %arg14: memref<!tpu.dma_semaphore, #tpu.memory_space<semaphore_mem>>, %arg15: memref<!tpu.dma_semaphore, #tpu.memory_space<semaphore_mem>>, %arg16: memref<!tpu.dma_semaphore, #tpu.memory_space<semaphore_mem>>, %arg17: memref<!tpu.dma_semaphore, #tpu.memory_space<semaphore_mem>>, %arg18: memref<!tpu.dma_semaphore, #tpu.memory_space<semaphore_mem>>, %arg19: memref<!tpu.dma_semaphore, #tpu.memory_space<semaphore_mem>>, %arg20: memref<!tpu.dma_semaphore, #tpu.memory_space<semaphore_mem>>, %arg21: memref<!tpu.dma_semaphore, #tpu.memory_space<semaphore_mem>>, %arg22: memref<!tpu.dma_semaphore, #tpu.memory_space<semaphore_mem>>, %arg23: memref<!tpu.dma_semaphore, #tpu.memory_space<semaphore_mem>>) attributes {dimension_semantics = [#tpu.dimension_semantics<core_parallel>, #tpu.dimension_semantics<subcore_parallel>], iteration_bounds = array<i64: 2, 16>, scalar_prefetch = 0 : i64, scratch_operands = 18 : i64, tpu.core_type = #tpu.core_type<sc_vector_subcore>, window_params = [{transform_indices = #map}, {transform_indices = #map1}, {transform_indices = #map}, {transform_indices = #map}]} {
    %mul3A = arith.constant 16 : i32
    %mul3A_0 = arith.muli %arg0, %mul3A : i32
    %add3A = arith.addi %mul3A_0, %arg1 : i32
    %mul3A_1 = arith.constant 624 : i32
    %mul3A_2 = arith.muli %arg1, %mul3A_1 : i32
    %mul3A_3 = arith.constant 624 : i32
    %mul3A_4 = arith.muli %arg1, %mul3A_3 : i32
    "tpu.region"() ({
      %run_scoped3A_93 = tpu.sem_alloc : memref<!tpu.dma_semaphore, #tpu.memory_space<semaphore_mem>>
      %dma_start3A_94 = arith.constant 0 : i32
      %dma_start3A_95 = tpu.memref_slice %arg13[%mul3A_4, %dma_start3A_94] : memref<10000x64xf32, #tpu.memory_space<vmem_shared>> -> memref<624x64xf32, #tpu.memory_space<vmem_shared>>
      %dma_start3A_96 = arith.constant 0 : i32
      %dma_start3A_97 = tpu.memref_slice %arg4[%mul3A_2, %dma_start3A_96] : memref<10000x64xf32, #tpu.memory_space<hbm>> -> memref<624x64xf32, #tpu.memory_space<hbm>>
      tpu.enqueue_dma source(%dma_start3A_97 : memref<624x64xf32, #tpu.memory_space<hbm>>) target(%dma_start3A_95 : memref<624x64xf32, #tpu.memory_space<vmem_shared>>) target_semaphore(%run_scoped3A_93 : memref<!tpu.dma_semaphore, #tpu.memory_space<semaphore_mem>>)
      %dma_wait3A_98 = arith.constant 0 : i32
      %dma_wait3A_99 = tpu.memref_slice %arg13[%mul3A_4, %dma_wait3A_98] : memref<10000x64xf32, #tpu.memory_space<vmem_shared>> -> memref<624x64xf32, #tpu.memory_space<vmem_shared>>
      %dma_wait3A_100 = arith.constant 0 : i32
      %dma_wait3A_101 = tpu.memref_slice %arg4[%mul3A_2, %dma_wait3A_100] : memref<10000x64xf32, #tpu.memory_space<hbm>> -> memref<624x64xf32, #tpu.memory_space<hbm>>
      tpu.wait_dma2 semaphore(%run_scoped3A_93 : memref<!tpu.dma_semaphore, #tpu.memory_space<semaphore_mem>>) src(%dma_wait3A_101 : memref<624x64xf32, #tpu.memory_space<hbm>>) dst(%dma_wait3A_99 : memref<624x64xf32, #tpu.memory_space<vmem_shared>>)
      tpu.yield
    }) : () -> ()
    %eq3A = arith.constant 15 : i32
    %eq3A_5 = arith.cmpi eq, %arg1, %eq3A : i32
    %convert_element_type3A = arith.extui %eq3A_5 : i1 to i32
    %cond3A = arith.constant 0 : i32
    %cond3A_6 = arith.cmpi ne, %convert_element_type3A, %cond3A : i32
    scf.if %cond3A_6 {
      "tpu.region"() ({
        %run_scoped3A_93 = tpu.sem_alloc : memref<!tpu.dma_semaphore, #tpu.memory_space<semaphore_mem>>
        %dma_start3A_94 = arith.constant 9984 : i32
        %dma_start3A_95 = arith.constant 0 : i32
        %dma_start3A_96 = tpu.memref_slice %arg13[%dma_start3A_94, %dma_start3A_95] : memref<10000x64xf32, #tpu.memory_space<vmem_shared>> -> memref<16x64xf32, #tpu.memory_space<vmem_shared>>
        %dma_start3A_97 = arith.constant 9984 : i32
        %dma_start3A_98 = arith.constant 0 : i32
        %dma_start3A_99 = tpu.memref_slice %arg4[%dma_start3A_97, %dma_start3A_98] : memref<10000x64xf32, #tpu.memory_space<hbm>> -> memref<16x64xf32, #tpu.memory_space<hbm>>
        tpu.enqueue_dma source(%dma_start3A_99 : memref<16x64xf32, #tpu.memory_space<hbm>>) target(%dma_start3A_96 : memref<16x64xf32, #tpu.memory_space<vmem_shared>>) target_semaphore(%run_scoped3A_93 : memref<!tpu.dma_semaphore, #tpu.memory_space<semaphore_mem>>)
        %dma_wait3A_100 = arith.constant 9984 : i32
        %dma_wait3A_101 = arith.constant 0 : i32
        %dma_wait3A_102 = tpu.memref_slice %arg13[%dma_wait3A_100, %dma_wait3A_101] : memref<10000x64xf32, #tpu.memory_space<vmem_shared>> -> memref<16x64xf32, #tpu.memory_space<vmem_shared>>
        %dma_wait3A_103 = arith.constant 9984 : i32
        %dma_wait3A_104 = arith.constant 0 : i32
        %dma_wait3A_105 = tpu.memref_slice %arg4[%dma_wait3A_103, %dma_wait3A_104] : memref<10000x64xf32, #tpu.memory_space<hbm>> -> memref<16x64xf32, #tpu.memory_space<hbm>>
        tpu.wait_dma2 semaphore(%run_scoped3A_93 : memref<!tpu.dma_semaphore, #tpu.memory_space<semaphore_mem>>) src(%dma_wait3A_105 : memref<16x64xf32, #tpu.memory_space<hbm>>) dst(%dma_wait3A_102 : memref<16x64xf32, #tpu.memory_space<vmem_shared>>)
        tpu.yield
      }) : () -> ()
    } else {
    }
    %run_scoped3A = arith.constant 0 : i32
    "tpu.region"() ({
      %run_scoped3A_93 = tpu.sem_alloc : memref<!tpu.dma_semaphore, #tpu.memory_space<semaphore_mem>>
      %dma_start3A_94 = arith.constant 0 : i32
      %dma_start3A_95 = arith.constant 0 : i32
      %dma_start3A_96 = tpu.memref_slice %arg3[%run_scoped3A, %add3A, %dma_start3A_94, %dma_start3A_95] : memref<2x32x125x80xi32, #tpu.memory_space<hbm>> -> memref<1x1x125x80xi32, #tpu.memory_space<hbm>>
      %dma_start3A_97 = tpu.memref_squeeze %dma_start3A_96 : memref<1x1x125x80xi32, #tpu.memory_space<hbm>> -> memref<125x80xi32, #tpu.memory_space<hbm>>
      %dma_start3A_98 = arith.constant 0 : i32
      %dma_start3A_99 = arith.constant 0 : i32
      %dma_start3A_100 = tpu.memref_slice %arg3[%run_scoped3A, %add3A, %dma_start3A_98, %dma_start3A_99] : memref<2x32x125x80xi32, #tpu.memory_space<hbm>> -> memref<1x1x125x80xi32, #tpu.memory_space<hbm>>
      %dma_start3A_101 = tpu.memref_squeeze %dma_start3A_100 : memref<1x1x125x80xi32, #tpu.memory_space<hbm>> -> memref<125x80xi32, #tpu.memory_space<hbm>>
      tpu.enqueue_dma source(%dma_start3A_101 : memref<125x80xi32, #tpu.memory_space<hbm>>) target(%arg6 : memref<125x80xi32, #tpu.memory_space<vmem>>) target_semaphore(%run_scoped3A_93 : memref<!tpu.dma_semaphore, #tpu.memory_space<semaphore_mem>>)
      %dma_wait3A_102 = arith.constant 0 : i32
      %dma_wait3A_103 = arith.constant 0 : i32
      %dma_wait3A_104 = tpu.memref_slice %arg3[%run_scoped3A, %add3A, %dma_wait3A_102, %dma_wait3A_103] : memref<2x32x125x80xi32, #tpu.memory_space<hbm>> -> memref<1x1x125x80xi32, #tpu.memory_space<hbm>>
      %dma_wait3A_105 = tpu.memref_squeeze %dma_wait3A_104 : memref<1x1x125x80xi32, #tpu.memory_space<hbm>> -> memref<125x80xi32, #tpu.memory_space<hbm>>
      %dma_wait3A_106 = arith.constant 0 : i32
      %dma_wait3A_107 = arith.constant 0 : i32
      %dma_wait3A_108 = tpu.memref_slice %arg3[%run_scoped3A, %add3A, %dma_wait3A_106, %dma_wait3A_107] : memref<2x32x125x80xi32, #tpu.memory_space<hbm>> -> memref<1x1x125x80xi32, #tpu.memory_space<hbm>>
      %dma_wait3A_109 = tpu.memref_squeeze %dma_wait3A_108 : memref<1x1x125x80xi32, #tpu.memory_space<hbm>> -> memref<125x80xi32, #tpu.memory_space<hbm>>
      tpu.wait_dma2 semaphore(%run_scoped3A_93 : memref<!tpu.dma_semaphore, #tpu.memory_space<semaphore_mem>>) src(%dma_wait3A_109 : memref<125x80xi32, #tpu.memory_space<hbm>>) dst(%arg6 : memref<125x80xi32, #tpu.memory_space<vmem>>)
      tpu.yield
    }) : () -> ()
    %run_scoped3A_7 = arith.constant 1 : i32
    "tpu.region"() ({
      %run_scoped3A_93 = tpu.sem_alloc : memref<!tpu.dma_semaphore, #tpu.memory_space<semaphore_mem>>
      %dma_start3A_94 = arith.constant 0 : i32
      %dma_start3A_95 = arith.constant 0 : i32
      %dma_start3A_96 = tpu.memref_slice %arg3[%run_scoped3A_7, %add3A, %dma_start3A_94, %dma_start3A_95] : memref<2x32x125x80xi32, #tpu.memory_space<hbm>> -> memref<1x1x125x80xi32, #tpu.memory_space<hbm>>
      %dma_start3A_97 = tpu.memref_squeeze %dma_start3A_96 : memref<1x1x125x80xi32, #tpu.memory_space<hbm>> -> memref<125x80xi32, #tpu.memory_space<hbm>>
      %dma_start3A_98 = arith.constant 0 : i32
      %dma_start3A_99 = arith.constant 0 : i32
      %dma_start3A_100 = tpu.memref_slice %arg3[%run_scoped3A_7, %add3A, %dma_start3A_98, %dma_start3A_99] : memref<2x32x125x80xi32, #tpu.memory_space<hbm>> -> memref<1x1x125x80xi32, #tpu.memory_space<hbm>>
      %dma_start3A_101 = tpu.memref_squeeze %dma_start3A_100 : memref<1x1x125x80xi32, #tpu.memory_space<hbm>> -> memref<125x80xi32, #tpu.memory_space<hbm>>
      tpu.enqueue_dma source(%dma_start3A_101 : memref<125x80xi32, #tpu.memory_space<hbm>>) target(%arg7 : memref<125x80xi32, #tpu.memory_space<vmem>>) target_semaphore(%run_scoped3A_93 : memref<!tpu.dma_semaphore, #tpu.memory_space<semaphore_mem>>)
      %dma_wait3A_102 = arith.constant 0 : i32
      %dma_wait3A_103 = arith.constant 0 : i32
      %dma_wait3A_104 = tpu.memref_slice %arg3[%run_scoped3A_7, %add3A, %dma_wait3A_102, %dma_wait3A_103] : memref<2x32x125x80xi32, #tpu.memory_space<hbm>> -> memref<1x1x125x80xi32, #tpu.memory_space<hbm>>
      %dma_wait3A_105 = tpu.memref_squeeze %dma_wait3A_104 : memref<1x1x125x80xi32, #tpu.memory_space<hbm>> -> memref<125x80xi32, #tpu.memory_space<hbm>>
      %dma_wait3A_106 = arith.constant 0 : i32
      %dma_wait3A_107 = arith.constant 0 : i32
      %dma_wait3A_108 = tpu.memref_slice %arg3[%run_scoped3A_7, %add3A, %dma_wait3A_106, %dma_wait3A_107] : memref<2x32x125x80xi32, #tpu.memory_space<hbm>> -> memref<1x1x125x80xi32, #tpu.memory_space<hbm>>
      %dma_wait3A_109 = tpu.memref_squeeze %dma_wait3A_108 : memref<1x1x125x80xi32, #tpu.memory_space<hbm>> -> memref<125x80xi32, #tpu.memory_space<hbm>>
      tpu.wait_dma2 semaphore(%run_scoped3A_93 : memref<!tpu.dma_semaphore, #tpu.memory_space<semaphore_mem>>) src(%dma_wait3A_109 : memref<125x80xi32, #tpu.memory_space<hbm>>) dst(%arg7 : memref<125x80xi32, #tpu.memory_space<vmem>>)
      tpu.yield
    }) : () -> ()
    %barrier3A = arith.constant 0 : index
    tpu.barrier barrier_id(%barrier3A)
    %dma_start3A = arith.constant 0 : i32
    %dma_start3A_8 = arith.constant 0 : i32
    %dma_start3A_9 = tpu.memref_slice %arg6[%dma_start3A, %dma_start3A_8] : memref<125x80xi32, #tpu.memory_space<vmem>> -> memref<1x80xi32, #tpu.memory_space<vmem>>
    %dma_start3A_10 = tpu.memref_squeeze %dma_start3A_9 : memref<1x80xi32, #tpu.memory_space<vmem>> -> memref<80xi32, #tpu.memory_space<vmem>>
    %dma_start3A_11 = arith.constant 0 : i32
    %dma_start3A_12 = arith.constant 0 : i32
    %dma_start3A_13 = tpu.memref_slice %arg2[%dma_start3A_11, %dma_start3A_12] : memref<10000x64xf32, #tpu.memory_space<hbm>> -> memref<10000x64xf32, #tpu.memory_space<hbm>>
    tpu.enqueue_indirect_dma source(%dma_start3A_13 : memref<10000x64xf32, #tpu.memory_space<hbm>>) target(%arg8 : memref<80x64xf32, #tpu.memory_space<vmem>>) offsets(%dma_start3A_10 : memref<80xi32, #tpu.memory_space<vmem>>) semaphore(%arg14 : memref<!tpu.dma_semaphore, #tpu.memory_space<semaphore_mem>>)
    %dma_start3A_14 = arith.constant 1 : i32
    %dma_start3A_15 = arith.constant 0 : i32
    %dma_start3A_16 = tpu.memref_slice %arg6[%dma_start3A_14, %dma_start3A_15] : memref<125x80xi32, #tpu.memory_space<vmem>> -> memref<1x80xi32, #tpu.memory_space<vmem>>
    %dma_start3A_17 = tpu.memref_squeeze %dma_start3A_16 : memref<1x80xi32, #tpu.memory_space<vmem>> -> memref<80xi32, #tpu.memory_space<vmem>>
    %dma_start3A_18 = arith.constant 0 : i32
    %dma_start3A_19 = arith.constant 0 : i32
    %dma_start3A_20 = tpu.memref_slice %arg2[%dma_start3A_18, %dma_start3A_19] : memref<10000x64xf32, #tpu.memory_space<hbm>> -> memref<10000x64xf32, #tpu.memory_space<hbm>>
    tpu.enqueue_indirect_dma source(%dma_start3A_20 : memref<10000x64xf32, #tpu.memory_space<hbm>>) target(%arg9 : memref<80x64xf32, #tpu.memory_space<vmem>>) offsets(%dma_start3A_17 : memref<80xi32, #tpu.memory_space<vmem>>) semaphore(%arg15 : memref<!tpu.dma_semaphore, #tpu.memory_space<semaphore_mem>>)
    %dma_start3A_21 = arith.constant 2 : i32
    %dma_start3A_22 = arith.constant 0 : i32
    %dma_start3A_23 = tpu.memref_slice %arg6[%dma_start3A_21, %dma_start3A_22] : memref<125x80xi32, #tpu.memory_space<vmem>> -> memref<1x80xi32, #tpu.memory_space<vmem>>
    %dma_start3A_24 = tpu.memref_squeeze %dma_start3A_23 : memref<1x80xi32, #tpu.memory_space<vmem>> -> memref<80xi32, #tpu.memory_space<vmem>>
    %dma_start3A_25 = arith.constant 0 : i32
    %dma_start3A_26 = arith.constant 0 : i32
    %dma_start3A_27 = tpu.memref_slice %arg2[%dma_start3A_25, %dma_start3A_26] : memref<10000x64xf32, #tpu.memory_space<hbm>> -> memref<10000x64xf32, #tpu.memory_space<hbm>>
    tpu.enqueue_indirect_dma source(%dma_start3A_27 : memref<10000x64xf32, #tpu.memory_space<hbm>>) target(%arg10 : memref<80x64xf32, #tpu.memory_space<vmem>>) offsets(%dma_start3A_24 : memref<80xi32, #tpu.memory_space<vmem>>) semaphore(%arg16 : memref<!tpu.dma_semaphore, #tpu.memory_space<semaphore_mem>>)
    %dma_start3A_28 = arith.constant 3 : i32
    %dma_start3A_29 = arith.constant 0 : i32
    %dma_start3A_30 = tpu.memref_slice %arg6[%dma_start3A_28, %dma_start3A_29] : memref<125x80xi32, #tpu.memory_space<vmem>> -> memref<1x80xi32, #tpu.memory_space<vmem>>
    %dma_start3A_31 = tpu.memref_squeeze %dma_start3A_30 : memref<1x80xi32, #tpu.memory_space<vmem>> -> memref<80xi32, #tpu.memory_space<vmem>>
    %dma_start3A_32 = arith.constant 0 : i32
    %dma_start3A_33 = arith.constant 0 : i32
    %dma_start3A_34 = tpu.memref_slice %arg2[%dma_start3A_32, %dma_start3A_33] : memref<10000x64xf32, #tpu.memory_space<hbm>> -> memref<10000x64xf32, #tpu.memory_space<hbm>>
    tpu.enqueue_indirect_dma source(%dma_start3A_34 : memref<10000x64xf32, #tpu.memory_space<hbm>>) target(%arg11 : memref<80x64xf32, #tpu.memory_space<vmem>>) offsets(%dma_start3A_31 : memref<80xi32, #tpu.memory_space<vmem>>) semaphore(%arg17 : memref<!tpu.dma_semaphore, #tpu.memory_space<semaphore_mem>>)
    %dma_start3A_35 = arith.constant 4 : i32
    %dma_start3A_36 = arith.constant 0 : i32
    %dma_start3A_37 = tpu.memref_slice %arg6[%dma_start3A_35, %dma_start3A_36] : memref<125x80xi32, #tpu.memory_space<vmem>> -> memref<1x80xi32, #tpu.memory_space<vmem>>
    %dma_start3A_38 = tpu.memref_squeeze %dma_start3A_37 : memref<1x80xi32, #tpu.memory_space<vmem>> -> memref<80xi32, #tpu.memory_space<vmem>>
    %dma_start3A_39 = arith.constant 0 : i32
    %dma_start3A_40 = arith.constant 0 : i32
    %dma_start3A_41 = tpu.memref_slice %arg2[%dma_start3A_39, %dma_start3A_40] : memref<10000x64xf32, #tpu.memory_space<hbm>> -> memref<10000x64xf32, #tpu.memory_space<hbm>>
    tpu.enqueue_indirect_dma source(%dma_start3A_41 : memref<10000x64xf32, #tpu.memory_space<hbm>>) target(%arg12 : memref<80x64xf32, #tpu.memory_space<vmem>>) offsets(%dma_start3A_38 : memref<80xi32, #tpu.memory_space<vmem>>) semaphore(%arg18 : memref<!tpu.dma_semaphore, #tpu.memory_space<semaphore_mem>>)
    %scan3A = arith.constant 0 : i32
    %scan3A_42 = arith.constant 25 : i32
    %scan3A_43 = arith.addi %scan3A, %scan3A_42 : i32
    %scan3A_44 = arith.constant 1 : i32
    scf.for %scan3A_93 = %scan3A to %scan3A_43 step %scan3A_44  : i32 {
      %mul3A_94 = arith.constant 5 : i32
      %mul3A_95 = arith.muli %scan3A_93, %mul3A_94 : i32
      %add3A_96 = arith.constant 0 : i32
      %add3A_97 = arith.addi %add3A_96, %mul3A_95 : i32
      %add3A_98 = arith.constant 0 : i32
      %add3A_99 = arith.addi %add3A_97, %add3A_98 : i32
      %dma_wait3A_100 = arith.constant 0 : i32
      %dma_wait3A_101 = tpu.memref_slice %arg6[%add3A_99, %dma_wait3A_100] : memref<125x80xi32, #tpu.memory_space<vmem>> -> memref<1x80xi32, #tpu.memory_space<vmem>>
      %dma_wait3A_102 = tpu.memref_squeeze %dma_wait3A_101 : memref<1x80xi32, #tpu.memory_space<vmem>> -> memref<80xi32, #tpu.memory_space<vmem>>
      %dma_wait3A_103 = arith.constant 0 : i32
      %dma_wait3A_104 = arith.constant 0 : i32
      %dma_wait3A_105 = tpu.memref_slice %arg2[%dma_wait3A_103, %dma_wait3A_104] : memref<10000x64xf32, #tpu.memory_space<hbm>> -> memref<10000x64xf32, #tpu.memory_space<hbm>>
      tpu.wait_indirect_dma semaphore(%arg14 : memref<!tpu.dma_semaphore, #tpu.memory_space<semaphore_mem>>) src(%dma_wait3A_105 : memref<10000x64xf32, #tpu.memory_space<hbm>>) dst(%arg8 : memref<80x64xf32, #tpu.memory_space<vmem>>)
      %dma_start3A_106 = arith.constant 0 : i32
      %dma_start3A_107 = tpu.memref_slice %arg7[%add3A_99, %dma_start3A_106] : memref<125x80xi32, #tpu.memory_space<vmem>> -> memref<1x80xi32, #tpu.memory_space<vmem>>
      %dma_start3A_108 = tpu.memref_squeeze %dma_start3A_107 : memref<1x80xi32, #tpu.memory_space<vmem>> -> memref<80xi32, #tpu.memory_space<vmem>>
      %dma_start3A_109 = arith.constant 0 : i32
      %dma_start3A_110 = arith.constant 0 : i32
      %dma_start3A_111 = tpu.memref_slice %arg13[%dma_start3A_109, %dma_start3A_110] : memref<10000x64xf32, #tpu.memory_space<vmem_shared>> -> memref<10000x64xf32, #tpu.memory_space<vmem_shared>>
      tpu.enqueue_indirect_dma source(%arg8 : memref<80x64xf32, #tpu.memory_space<vmem>>) target(%dma_start3A_111 : memref<10000x64xf32, #tpu.memory_space<vmem_shared>>) offsets(%dma_start3A_108 : memref<80xi32, #tpu.memory_space<vmem>>) semaphore(%arg19 : memref<!tpu.dma_semaphore, #tpu.memory_space<semaphore_mem>>) {add = true}
      %add3A_112 = arith.constant 5 : i32
      %add3A_113 = arith.addi %add3A_99, %add3A_112 : i32
      %lt3A = arith.constant 125 : i32
      %lt3A_114 = arith.cmpi slt, %add3A_113, %lt3A : i32
      %convert_element_type3A_115 = arith.extui %lt3A_114 : i1 to i32
      %cond3A_116 = arith.constant 0 : i32
      %cond3A_117 = arith.cmpi ne, %convert_element_type3A_115, %cond3A_116 : i32
      scf.if %cond3A_117 {
        %dma_wait3A_202 = arith.constant 0 : i32
        %dma_wait3A_203 = tpu.memref_slice %arg7[%add3A_99, %dma_wait3A_202] : memref<125x80xi32, #tpu.memory_space<vmem>> -> memref<1x80xi32, #tpu.memory_space<vmem>>
        %dma_wait3A_204 = tpu.memref_squeeze %dma_wait3A_203 : memref<1x80xi32, #tpu.memory_space<vmem>> -> memref<80xi32, #tpu.memory_space<vmem>>
        %dma_wait3A_205 = arith.constant 0 : i32
        %dma_wait3A_206 = arith.constant 0 : i32
        %dma_wait3A_207 = tpu.memref_slice %arg13[%dma_wait3A_205, %dma_wait3A_206] : memref<10000x64xf32, #tpu.memory_space<vmem_shared>> -> memref<10000x64xf32, #tpu.memory_space<vmem_shared>>
        tpu.wait_indirect_dma semaphore(%arg19 : memref<!tpu.dma_semaphore, #tpu.memory_space<semaphore_mem>>) src(%arg8 : memref<80x64xf32, #tpu.memory_space<vmem>>) dst(%dma_wait3A_207 : memref<10000x64xf32, #tpu.memory_space<vmem_shared>>)
        %add3A_208 = arith.constant 5 : i32
        %add3A_209 = arith.addi %add3A_99, %add3A_208 : i32
        %dma_start3A_210 = arith.constant 0 : i32
        %dma_start3A_211 = tpu.memref_slice %arg6[%add3A_209, %dma_start3A_210] : memref<125x80xi32, #tpu.memory_space<vmem>> -> memref<1x80xi32, #tpu.memory_space<vmem>>
        %dma_start3A_212 = tpu.memref_squeeze %dma_start3A_211 : memref<1x80xi32, #tpu.memory_space<vmem>> -> memref<80xi32, #tpu.memory_space<vmem>>
        %dma_start3A_213 = arith.constant 0 : i32
        %dma_start3A_214 = arith.constant 0 : i32
        %dma_start3A_215 = tpu.memref_slice %arg2[%dma_start3A_213, %dma_start3A_214] : memref<10000x64xf32, #tpu.memory_space<hbm>> -> memref<10000x64xf32, #tpu.memory_space<hbm>>
        tpu.enqueue_indirect_dma source(%dma_start3A_215 : memref<10000x64xf32, #tpu.memory_space<hbm>>) target(%arg8 : memref<80x64xf32, #tpu.memory_space<vmem>>) offsets(%dma_start3A_212 : memref<80xi32, #tpu.memory_space<vmem>>) semaphore(%arg14 : memref<!tpu.dma_semaphore, #tpu.memory_space<semaphore_mem>>)
      } else {
      }
      %add3A_118 = arith.constant 1 : i32
      %add3A_119 = arith.addi %add3A_97, %add3A_118 : i32
      %dma_wait3A_120 = arith.constant 0 : i32
      %dma_wait3A_121 = tpu.memref_slice %arg6[%add3A_119, %dma_wait3A_120] : memref<125x80xi32, #tpu.memory_space<vmem>> -> memref<1x80xi32, #tpu.memory_space<vmem>>
      %dma_wait3A_122 = tpu.memref_squeeze %dma_wait3A_121 : memref<1x80xi32, #tpu.memory_space<vmem>> -> memref<80xi32, #tpu.memory_space<vmem>>
      %dma_wait3A_123 = arith.constant 0 : i32
      %dma_wait3A_124 = arith.constant 0 : i32
      %dma_wait3A_125 = tpu.memref_slice %arg2[%dma_wait3A_123, %dma_wait3A_124] : memref<10000x64xf32, #tpu.memory_space<hbm>> -> memref<10000x64xf32, #tpu.memory_space<hbm>>
      tpu.wait_indirect_dma semaphore(%arg15 : memref<!tpu.dma_semaphore, #tpu.memory_space<semaphore_mem>>) src(%dma_wait3A_125 : memref<10000x64xf32, #tpu.memory_space<hbm>>) dst(%arg9 : memref<80x64xf32, #tpu.memory_space<vmem>>)
      %dma_start3A_126 = arith.constant 0 : i32
      %dma_start3A_127 = tpu.memref_slice %arg7[%add3A_119, %dma_start3A_126] : memref<125x80xi32, #tpu.memory_space<vmem>> -> memref<1x80xi32, #tpu.memory_space<vmem>>
      %dma_start3A_128 = tpu.memref_squeeze %dma_start3A_127 : memref<1x80xi32, #tpu.memory_space<vmem>> -> memref<80xi32, #tpu.memory_space<vmem>>
      %dma_start3A_129 = arith.constant 0 : i32
      %dma_start3A_130 = arith.constant 0 : i32
      %dma_start3A_131 = tpu.memref_slice %arg13[%dma_start3A_129, %dma_start3A_130] : memref<10000x64xf32, #tpu.memory_space<vmem_shared>> -> memref<10000x64xf32, #tpu.memory_space<vmem_shared>>
      tpu.enqueue_indirect_dma source(%arg9 : memref<80x64xf32, #tpu.memory_space<vmem>>) target(%dma_start3A_131 : memref<10000x64xf32, #tpu.memory_space<vmem_shared>>) offsets(%dma_start3A_128 : memref<80xi32, #tpu.memory_space<vmem>>) semaphore(%arg20 : memref<!tpu.dma_semaphore, #tpu.memory_space<semaphore_mem>>) {add = true}
      %add3A_132 = arith.constant 5 : i32
      %add3A_133 = arith.addi %add3A_119, %add3A_132 : i32
      %lt3A_134 = arith.constant 125 : i32
      %lt3A_135 = arith.cmpi slt, %add3A_133, %lt3A_134 : i32
      %convert_element_type3A_136 = arith.extui %lt3A_135 : i1 to i32
      %cond3A_137 = arith.constant 0 : i32
      %cond3A_138 = arith.cmpi ne, %convert_element_type3A_136, %cond3A_137 : i32
      scf.if %cond3A_138 {
        %dma_wait3A_202 = arith.constant 0 : i32
        %dma_wait3A_203 = tpu.memref_slice %arg7[%add3A_119, %dma_wait3A_202] : memref<125x80xi32, #tpu.memory_space<vmem>> -> memref<1x80xi32, #tpu.memory_space<vmem>>
        %dma_wait3A_204 = tpu.memref_squeeze %dma_wait3A_203 : memref<1x80xi32, #tpu.memory_space<vmem>> -> memref<80xi32, #tpu.memory_space<vmem>>
        %dma_wait3A_205 = arith.constant 0 : i32
        %dma_wait3A_206 = arith.constant 0 : i32
        %dma_wait3A_207 = tpu.memref_slice %arg13[%dma_wait3A_205, %dma_wait3A_206] : memref<10000x64xf32, #tpu.memory_space<vmem_shared>> -> memref<10000x64xf32, #tpu.memory_space<vmem_shared>>
        tpu.wait_indirect_dma semaphore(%arg20 : memref<!tpu.dma_semaphore, #tpu.memory_space<semaphore_mem>>) src(%arg9 : memref<80x64xf32, #tpu.memory_space<vmem>>) dst(%dma_wait3A_207 : memref<10000x64xf32, #tpu.memory_space<vmem_shared>>)
        %add3A_208 = arith.constant 5 : i32
        %add3A_209 = arith.addi %add3A_119, %add3A_208 : i32
        %dma_start3A_210 = arith.constant 0 : i32
        %dma_start3A_211 = tpu.memref_slice %arg6[%add3A_209, %dma_start3A_210] : memref<125x80xi32, #tpu.memory_space<vmem>> -> memref<1x80xi32, #tpu.memory_space<vmem>>
        %dma_start3A_212 = tpu.memref_squeeze %dma_start3A_211 : memref<1x80xi32, #tpu.memory_space<vmem>> -> memref<80xi32, #tpu.memory_space<vmem>>
        %dma_start3A_213 = arith.constant 0 : i32
        %dma_start3A_214 = arith.constant 0 : i32
        %dma_start3A_215 = tpu.memref_slice %arg2[%dma_start3A_213, %dma_start3A_214] : memref<10000x64xf32, #tpu.memory_space<hbm>> -> memref<10000x64xf32, #tpu.memory_space<hbm>>
        tpu.enqueue_indirect_dma source(%dma_start3A_215 : memref<10000x64xf32, #tpu.memory_space<hbm>>) target(%arg9 : memref<80x64xf32, #tpu.memory_space<vmem>>) offsets(%dma_start3A_212 : memref<80xi32, #tpu.memory_space<vmem>>) semaphore(%arg15 : memref<!tpu.dma_semaphore, #tpu.memory_space<semaphore_mem>>)
      } else {
      }
      %add3A_139 = arith.constant 2 : i32
      %add3A_140 = arith.addi %add3A_97, %add3A_139 : i32
      %dma_wait3A_141 = arith.constant 0 : i32
      %dma_wait3A_142 = tpu.memref_slice %arg6[%add3A_140, %dma_wait3A_141] : memref<125x80xi32, #tpu.memory_space<vmem>> -> memref<1x80xi32, #tpu.memory_space<vmem>>
      %dma_wait3A_143 = tpu.memref_squeeze %dma_wait3A_142 : memref<1x80xi32, #tpu.memory_space<vmem>> -> memref<80xi32, #tpu.memory_space<vmem>>
      %dma_wait3A_144 = arith.constant 0 : i32
      %dma_wait3A_145 = arith.constant 0 : i32
      %dma_wait3A_146 = tpu.memref_slice %arg2[%dma_wait3A_144, %dma_wait3A_145] : memref<10000x64xf32, #tpu.memory_space<hbm>> -> memref<10000x64xf32, #tpu.memory_space<hbm>>
      tpu.wait_indirect_dma semaphore(%arg16 : memref<!tpu.dma_semaphore, #tpu.memory_space<semaphore_mem>>) src(%dma_wait3A_146 : memref<10000x64xf32, #tpu.memory_space<hbm>>) dst(%arg10 : memref<80x64xf32, #tpu.memory_space<vmem>>)
      %dma_start3A_147 = arith.constant 0 : i32
      %dma_start3A_148 = tpu.memref_slice %arg7[%add3A_140, %dma_start3A_147] : memref<125x80xi32, #tpu.memory_space<vmem>> -> memref<1x80xi32, #tpu.memory_space<vmem>>
      %dma_start3A_149 = tpu.memref_squeeze %dma_start3A_148 : memref<1x80xi32, #tpu.memory_space<vmem>> -> memref<80xi32, #tpu.memory_space<vmem>>
      %dma_start3A_150 = arith.constant 0 : i32
      %dma_start3A_151 = arith.constant 0 : i32
      %dma_start3A_152 = tpu.memref_slice %arg13[%dma_start3A_150, %dma_start3A_151] : memref<10000x64xf32, #tpu.memory_space<vmem_shared>> -> memref<10000x64xf32, #tpu.memory_space<vmem_shared>>
      tpu.enqueue_indirect_dma source(%arg10 : memref<80x64xf32, #tpu.memory_space<vmem>>) target(%dma_start3A_152 : memref<10000x64xf32, #tpu.memory_space<vmem_shared>>) offsets(%dma_start3A_149 : memref<80xi32, #tpu.memory_space<vmem>>) semaphore(%arg21 : memref<!tpu.dma_semaphore, #tpu.memory_space<semaphore_mem>>) {add = true}
      %add3A_153 = arith.constant 5 : i32
      %add3A_154 = arith.addi %add3A_140, %add3A_153 : i32
      %lt3A_155 = arith.constant 125 : i32
      %lt3A_156 = arith.cmpi slt, %add3A_154, %lt3A_155 : i32
      %convert_element_type3A_157 = arith.extui %lt3A_156 : i1 to i32
      %cond3A_158 = arith.constant 0 : i32
      %cond3A_159 = arith.cmpi ne, %convert_element_type3A_157, %cond3A_158 : i32
      scf.if %cond3A_159 {
        %dma_wait3A_202 = arith.constant 0 : i32
        %dma_wait3A_203 = tpu.memref_slice %arg7[%add3A_140, %dma_wait3A_202] : memref<125x80xi32, #tpu.memory_space<vmem>> -> memref<1x80xi32, #tpu.memory_space<vmem>>
        %dma_wait3A_204 = tpu.memref_squeeze %dma_wait3A_203 : memref<1x80xi32, #tpu.memory_space<vmem>> -> memref<80xi32, #tpu.memory_space<vmem>>
        %dma_wait3A_205 = arith.constant 0 : i32
        %dma_wait3A_206 = arith.constant 0 : i32
        %dma_wait3A_207 = tpu.memref_slice %arg13[%dma_wait3A_205, %dma_wait3A_206] : memref<10000x64xf32, #tpu.memory_space<vmem_shared>> -> memref<10000x64xf32, #tpu.memory_space<vmem_shared>>
        tpu.wait_indirect_dma semaphore(%arg21 : memref<!tpu.dma_semaphore, #tpu.memory_space<semaphore_mem>>) src(%arg10 : memref<80x64xf32, #tpu.memory_space<vmem>>) dst(%dma_wait3A_207 : memref<10000x64xf32, #tpu.memory_space<vmem_shared>>)
        %add3A_208 = arith.constant 5 : i32
        %add3A_209 = arith.addi %add3A_140, %add3A_208 : i32
        %dma_start3A_210 = arith.constant 0 : i32
        %dma_start3A_211 = tpu.memref_slice %arg6[%add3A_209, %dma_start3A_210] : memref<125x80xi32, #tpu.memory_space<vmem>> -> memref<1x80xi32, #tpu.memory_space<vmem>>
        %dma_start3A_212 = tpu.memref_squeeze %dma_start3A_211 : memref<1x80xi32, #tpu.memory_space<vmem>> -> memref<80xi32, #tpu.memory_space<vmem>>
        %dma_start3A_213 = arith.constant 0 : i32
        %dma_start3A_214 = arith.constant 0 : i32
        %dma_start3A_215 = tpu.memref_slice %arg2[%dma_start3A_213, %dma_start3A_214] : memref<10000x64xf32, #tpu.memory_space<hbm>> -> memref<10000x64xf32, #tpu.memory_space<hbm>>
        tpu.enqueue_indirect_dma source(%dma_start3A_215 : memref<10000x64xf32, #tpu.memory_space<hbm>>) target(%arg10 : memref<80x64xf32, #tpu.memory_space<vmem>>) offsets(%dma_start3A_212 : memref<80xi32, #tpu.memory_space<vmem>>) semaphore(%arg16 : memref<!tpu.dma_semaphore, #tpu.memory_space<semaphore_mem>>)
      } else {
      }
      %add3A_160 = arith.constant 3 : i32
      %add3A_161 = arith.addi %add3A_97, %add3A_160 : i32
      %dma_wait3A_162 = arith.constant 0 : i32
      %dma_wait3A_163 = tpu.memref_slice %arg6[%add3A_161, %dma_wait3A_162] : memref<125x80xi32, #tpu.memory_space<vmem>> -> memref<1x80xi32, #tpu.memory_space<vmem>>
      %dma_wait3A_164 = tpu.memref_squeeze %dma_wait3A_163 : memref<1x80xi32, #tpu.memory_space<vmem>> -> memref<80xi32, #tpu.memory_space<vmem>>
      %dma_wait3A_165 = arith.constant 0 : i32
      %dma_wait3A_166 = arith.constant 0 : i32
      %dma_wait3A_167 = tpu.memref_slice %arg2[%dma_wait3A_165, %dma_wait3A_166] : memref<10000x64xf32, #tpu.memory_space<hbm>> -> memref<10000x64xf32, #tpu.memory_space<hbm>>
      tpu.wait_indirect_dma semaphore(%arg17 : memref<!tpu.dma_semaphore, #tpu.memory_space<semaphore_mem>>) src(%dma_wait3A_167 : memref<10000x64xf32, #tpu.memory_space<hbm>>) dst(%arg11 : memref<80x64xf32, #tpu.memory_space<vmem>>)
      %dma_start3A_168 = arith.constant 0 : i32
      %dma_start3A_169 = tpu.memref_slice %arg7[%add3A_161, %dma_start3A_168] : memref<125x80xi32, #tpu.memory_space<vmem>> -> memref<1x80xi32, #tpu.memory_space<vmem>>
      %dma_start3A_170 = tpu.memref_squeeze %dma_start3A_169 : memref<1x80xi32, #tpu.memory_space<vmem>> -> memref<80xi32, #tpu.memory_space<vmem>>
      %dma_start3A_171 = arith.constant 0 : i32
      %dma_start3A_172 = arith.constant 0 : i32
      %dma_start3A_173 = tpu.memref_slice %arg13[%dma_start3A_171, %dma_start3A_172] : memref<10000x64xf32, #tpu.memory_space<vmem_shared>> -> memref<10000x64xf32, #tpu.memory_space<vmem_shared>>
      tpu.enqueue_indirect_dma source(%arg11 : memref<80x64xf32, #tpu.memory_space<vmem>>) target(%dma_start3A_173 : memref<10000x64xf32, #tpu.memory_space<vmem_shared>>) offsets(%dma_start3A_170 : memref<80xi32, #tpu.memory_space<vmem>>) semaphore(%arg22 : memref<!tpu.dma_semaphore, #tpu.memory_space<semaphore_mem>>) {add = true}
      %add3A_174 = arith.constant 5 : i32
      %add3A_175 = arith.addi %add3A_161, %add3A_174 : i32
      %lt3A_176 = arith.constant 125 : i32
      %lt3A_177 = arith.cmpi slt, %add3A_175, %lt3A_176 : i32
      %convert_element_type3A_178 = arith.extui %lt3A_177 : i1 to i32
      %cond3A_179 = arith.constant 0 : i32
      %cond3A_180 = arith.cmpi ne, %convert_element_type3A_178, %cond3A_179 : i32
      scf.if %cond3A_180 {
        %dma_wait3A_202 = arith.constant 0 : i32
        %dma_wait3A_203 = tpu.memref_slice %arg7[%add3A_161, %dma_wait3A_202] : memref<125x80xi32, #tpu.memory_space<vmem>> -> memref<1x80xi32, #tpu.memory_space<vmem>>
        %dma_wait3A_204 = tpu.memref_squeeze %dma_wait3A_203 : memref<1x80xi32, #tpu.memory_space<vmem>> -> memref<80xi32, #tpu.memory_space<vmem>>
        %dma_wait3A_205 = arith.constant 0 : i32
        %dma_wait3A_206 = arith.constant 0 : i32
        %dma_wait3A_207 = tpu.memref_slice %arg13[%dma_wait3A_205, %dma_wait3A_206] : memref<10000x64xf32, #tpu.memory_space<vmem_shared>> -> memref<10000x64xf32, #tpu.memory_space<vmem_shared>>
        tpu.wait_indirect_dma semaphore(%arg22 : memref<!tpu.dma_semaphore, #tpu.memory_space<semaphore_mem>>) src(%arg11 : memref<80x64xf32, #tpu.memory_space<vmem>>) dst(%dma_wait3A_207 : memref<10000x64xf32, #tpu.memory_space<vmem_shared>>)
        %add3A_208 = arith.constant 5 : i32
        %add3A_209 = arith.addi %add3A_161, %add3A_208 : i32
        %dma_start3A_210 = arith.constant 0 : i32
        %dma_start3A_211 = tpu.memref_slice %arg6[%add3A_209, %dma_start3A_210] : memref<125x80xi32, #tpu.memory_space<vmem>> -> memref<1x80xi32, #tpu.memory_space<vmem>>
        %dma_start3A_212 = tpu.memref_squeeze %dma_start3A_211 : memref<1x80xi32, #tpu.memory_space<vmem>> -> memref<80xi32, #tpu.memory_space<vmem>>
        %dma_start3A_213 = arith.constant 0 : i32
        %dma_start3A_214 = arith.constant 0 : i32
        %dma_start3A_215 = tpu.memref_slice %arg2[%dma_start3A_213, %dma_start3A_214] : memref<10000x64xf32, #tpu.memory_space<hbm>> -> memref<10000x64xf32, #tpu.memory_space<hbm>>
        tpu.enqueue_indirect_dma source(%dma_start3A_215 : memref<10000x64xf32, #tpu.memory_space<hbm>>) target(%arg11 : memref<80x64xf32, #tpu.memory_space<vmem>>) offsets(%dma_start3A_212 : memref<80xi32, #tpu.memory_space<vmem>>) semaphore(%arg17 : memref<!tpu.dma_semaphore, #tpu.memory_space<semaphore_mem>>)
      } else {
      }
      %add3A_181 = arith.constant 4 : i32
      %add3A_182 = arith.addi %add3A_97, %add3A_181 : i32
      %dma_wait3A_183 = arith.constant 0 : i32
      %dma_wait3A_184 = tpu.memref_slice %arg6[%add3A_182, %dma_wait3A_183] : memref<125x80xi32, #tpu.memory_space<vmem>> -> memref<1x80xi32, #tpu.memory_space<vmem>>
      %dma_wait3A_185 = tpu.memref_squeeze %dma_wait3A_184 : memref<1x80xi32, #tpu.memory_space<vmem>> -> memref<80xi32, #tpu.memory_space<vmem>>
      %dma_wait3A_186 = arith.constant 0 : i32
      %dma_wait3A_187 = arith.constant 0 : i32
      %dma_wait3A_188 = tpu.memref_slice %arg2[%dma_wait3A_186, %dma_wait3A_187] : memref<10000x64xf32, #tpu.memory_space<hbm>> -> memref<10000x64xf32, #tpu.memory_space<hbm>>
      tpu.wait_indirect_dma semaphore(%arg18 : memref<!tpu.dma_semaphore, #tpu.memory_space<semaphore_mem>>) src(%dma_wait3A_188 : memref<10000x64xf32, #tpu.memory_space<hbm>>) dst(%arg12 : memref<80x64xf32, #tpu.memory_space<vmem>>)
      %dma_start3A_189 = arith.constant 0 : i32
      %dma_start3A_190 = tpu.memref_slice %arg7[%add3A_182, %dma_start3A_189] : memref<125x80xi32, #tpu.memory_space<vmem>> -> memref<1x80xi32, #tpu.memory_space<vmem>>
      %dma_start3A_191 = tpu.memref_squeeze %dma_start3A_190 : memref<1x80xi32, #tpu.memory_space<vmem>> -> memref<80xi32, #tpu.memory_space<vmem>>
      %dma_start3A_192 = arith.constant 0 : i32
      %dma_start3A_193 = arith.constant 0 : i32
      %dma_start3A_194 = tpu.memref_slice %arg13[%dma_start3A_192, %dma_start3A_193] : memref<10000x64xf32, #tpu.memory_space<vmem_shared>> -> memref<10000x64xf32, #tpu.memory_space<vmem_shared>>
      tpu.enqueue_indirect_dma source(%arg12 : memref<80x64xf32, #tpu.memory_space<vmem>>) target(%dma_start3A_194 : memref<10000x64xf32, #tpu.memory_space<vmem_shared>>) offsets(%dma_start3A_191 : memref<80xi32, #tpu.memory_space<vmem>>) semaphore(%arg23 : memref<!tpu.dma_semaphore, #tpu.memory_space<semaphore_mem>>) {add = true}
      %add3A_195 = arith.constant 5 : i32
      %add3A_196 = arith.addi %add3A_182, %add3A_195 : i32
      %lt3A_197 = arith.constant 125 : i32
      %lt3A_198 = arith.cmpi slt, %add3A_196, %lt3A_197 : i32
      %convert_element_type3A_199 = arith.extui %lt3A_198 : i1 to i32
      %cond3A_200 = arith.constant 0 : i32
      %cond3A_201 = arith.cmpi ne, %convert_element_type3A_199, %cond3A_200 : i32
      scf.if %cond3A_201 {
        %dma_wait3A_202 = arith.constant 0 : i32
        %dma_wait3A_203 = tpu.memref_slice %arg7[%add3A_182, %dma_wait3A_202] : memref<125x80xi32, #tpu.memory_space<vmem>> -> memref<1x80xi32, #tpu.memory_space<vmem>>
        %dma_wait3A_204 = tpu.memref_squeeze %dma_wait3A_203 : memref<1x80xi32, #tpu.memory_space<vmem>> -> memref<80xi32, #tpu.memory_space<vmem>>
        %dma_wait3A_205 = arith.constant 0 : i32
        %dma_wait3A_206 = arith.constant 0 : i32
        %dma_wait3A_207 = tpu.memref_slice %arg13[%dma_wait3A_205, %dma_wait3A_206] : memref<10000x64xf32, #tpu.memory_space<vmem_shared>> -> memref<10000x64xf32, #tpu.memory_space<vmem_shared>>
        tpu.wait_indirect_dma semaphore(%arg23 : memref<!tpu.dma_semaphore, #tpu.memory_space<semaphore_mem>>) src(%arg12 : memref<80x64xf32, #tpu.memory_space<vmem>>) dst(%dma_wait3A_207 : memref<10000x64xf32, #tpu.memory_space<vmem_shared>>)
        %add3A_208 = arith.constant 5 : i32
        %add3A_209 = arith.addi %add3A_182, %add3A_208 : i32
        %dma_start3A_210 = arith.constant 0 : i32
        %dma_start3A_211 = tpu.memref_slice %arg6[%add3A_209, %dma_start3A_210] : memref<125x80xi32, #tpu.memory_space<vmem>> -> memref<1x80xi32, #tpu.memory_space<vmem>>
        %dma_start3A_212 = tpu.memref_squeeze %dma_start3A_211 : memref<1x80xi32, #tpu.memory_space<vmem>> -> memref<80xi32, #tpu.memory_space<vmem>>
        %dma_start3A_213 = arith.constant 0 : i32
        %dma_start3A_214 = arith.constant 0 : i32
        %dma_start3A_215 = tpu.memref_slice %arg2[%dma_start3A_213, %dma_start3A_214] : memref<10000x64xf32, #tpu.memory_space<hbm>> -> memref<10000x64xf32, #tpu.memory_space<hbm>>
        tpu.enqueue_indirect_dma source(%dma_start3A_215 : memref<10000x64xf32, #tpu.memory_space<hbm>>) target(%arg12 : memref<80x64xf32, #tpu.memory_space<vmem>>) offsets(%dma_start3A_212 : memref<80xi32, #tpu.memory_space<vmem>>) semaphore(%arg18 : memref<!tpu.dma_semaphore, #tpu.memory_space<semaphore_mem>>)
      } else {
      }
    }
    %scan3A_45 = arith.constant 25 : i32
    %dma_wait3A = arith.constant 120 : i32
    %dma_wait3A_46 = arith.constant 0 : i32
    %dma_wait3A_47 = tpu.memref_slice %arg7[%dma_wait3A, %dma_wait3A_46] : memref<125x80xi32, #tpu.memory_space<vmem>> -> memref<1x80xi32, #tpu.memory_space<vmem>>
    %dma_wait3A_48 = tpu.memref_squeeze %dma_wait3A_47 : memref<1x80xi32, #tpu.memory_space<vmem>> -> memref<80xi32, #tpu.memory_space<vmem>>
    %dma_wait3A_49 = arith.constant 0 : i32
    %dma_wait3A_50 = arith.constant 0 : i32
    %dma_wait3A_51 = tpu.memref_slice %arg13[%dma_wait3A_49, %dma_wait3A_50] : memref<10000x64xf32, #tpu.memory_space<vmem_shared>> -> memref<10000x64xf32, #tpu.memory_space<vmem_shared>>
    tpu.wait_indirect_dma semaphore(%arg19 : memref<!tpu.dma_semaphore, #tpu.memory_space<semaphore_mem>>) src(%arg8 : memref<80x64xf32, #tpu.memory_space<vmem>>) dst(%dma_wait3A_51 : memref<10000x64xf32, #tpu.memory_space<vmem_shared>>)
    %dma_wait3A_52 = arith.constant 121 : i32
    %dma_wait3A_53 = arith.constant 0 : i32
    %dma_wait3A_54 = tpu.memref_slice %arg7[%dma_wait3A_52, %dma_wait3A_53] : memref<125x80xi32, #tpu.memory_space<vmem>> -> memref<1x80xi32, #tpu.memory_space<vmem>>
    %dma_wait3A_55 = tpu.memref_squeeze %dma_wait3A_54 : memref<1x80xi32, #tpu.memory_space<vmem>> -> memref<80xi32, #tpu.memory_space<vmem>>
    %dma_wait3A_56 = arith.constant 0 : i32
    %dma_wait3A_57 = arith.constant 0 : i32
    %dma_wait3A_58 = tpu.memref_slice %arg13[%dma_wait3A_56, %dma_wait3A_57] : memref<10000x64xf32, #tpu.memory_space<vmem_shared>> -> memref<10000x64xf32, #tpu.memory_space<vmem_shared>>
    tpu.wait_indirect_dma semaphore(%arg20 : memref<!tpu.dma_semaphore, #tpu.memory_space<semaphore_mem>>) src(%arg9 : memref<80x64xf32, #tpu.memory_space<vmem>>) dst(%dma_wait3A_58 : memref<10000x64xf32, #tpu.memory_space<vmem_shared>>)
    %dma_wait3A_59 = arith.constant 122 : i32
    %dma_wait3A_60 = arith.constant 0 : i32
    %dma_wait3A_61 = tpu.memref_slice %arg7[%dma_wait3A_59, %dma_wait3A_60] : memref<125x80xi32, #tpu.memory_space<vmem>> -> memref<1x80xi32, #tpu.memory_space<vmem>>
    %dma_wait3A_62 = tpu.memref_squeeze %dma_wait3A_61 : memref<1x80xi32, #tpu.memory_space<vmem>> -> memref<80xi32, #tpu.memory_space<vmem>>
    %dma_wait3A_63 = arith.constant 0 : i32
    %dma_wait3A_64 = arith.constant 0 : i32
    %dma_wait3A_65 = tpu.memref_slice %arg13[%dma_wait3A_63, %dma_wait3A_64] : memref<10000x64xf32, #tpu.memory_space<vmem_shared>> -> memref<10000x64xf32, #tpu.memory_space<vmem_shared>>
    tpu.wait_indirect_dma semaphore(%arg21 : memref<!tpu.dma_semaphore, #tpu.memory_space<semaphore_mem>>) src(%arg10 : memref<80x64xf32, #tpu.memory_space<vmem>>) dst(%dma_wait3A_65 : memref<10000x64xf32, #tpu.memory_space<vmem_shared>>)
    %dma_wait3A_66 = arith.constant 123 : i32
    %dma_wait3A_67 = arith.constant 0 : i32
    %dma_wait3A_68 = tpu.memref_slice %arg7[%dma_wait3A_66, %dma_wait3A_67] : memref<125x80xi32, #tpu.memory_space<vmem>> -> memref<1x80xi32, #tpu.memory_space<vmem>>
    %dma_wait3A_69 = tpu.memref_squeeze %dma_wait3A_68 : memref<1x80xi32, #tpu.memory_space<vmem>> -> memref<80xi32, #tpu.memory_space<vmem>>
    %dma_wait3A_70 = arith.constant 0 : i32
    %dma_wait3A_71 = arith.constant 0 : i32
    %dma_wait3A_72 = tpu.memref_slice %arg13[%dma_wait3A_70, %dma_wait3A_71] : memref<10000x64xf32, #tpu.memory_space<vmem_shared>> -> memref<10000x64xf32, #tpu.memory_space<vmem_shared>>
    tpu.wait_indirect_dma semaphore(%arg22 : memref<!tpu.dma_semaphore, #tpu.memory_space<semaphore_mem>>) src(%arg11 : memref<80x64xf32, #tpu.memory_space<vmem>>) dst(%dma_wait3A_72 : memref<10000x64xf32, #tpu.memory_space<vmem_shared>>)
    %dma_wait3A_73 = arith.constant 124 : i32
    %dma_wait3A_74 = arith.constant 0 : i32
    %dma_wait3A_75 = tpu.memref_slice %arg7[%dma_wait3A_73, %dma_wait3A_74] : memref<125x80xi32, #tpu.memory_space<vmem>> -> memref<1x80xi32, #tpu.memory_space<vmem>>
    %dma_wait3A_76 = tpu.memref_squeeze %dma_wait3A_75 : memref<1x80xi32, #tpu.memory_space<vmem>> -> memref<80xi32, #tpu.memory_space<vmem>>
    %dma_wait3A_77 = arith.constant 0 : i32
    %dma_wait3A_78 = arith.constant 0 : i32
    %dma_wait3A_79 = tpu.memref_slice %arg13[%dma_wait3A_77, %dma_wait3A_78] : memref<10000x64xf32, #tpu.memory_space<vmem_shared>> -> memref<10000x64xf32, #tpu.memory_space<vmem_shared>>
    tpu.wait_indirect_dma semaphore(%arg23 : memref<!tpu.dma_semaphore, #tpu.memory_space<semaphore_mem>>) src(%arg12 : memref<80x64xf32, #tpu.memory_space<vmem>>) dst(%dma_wait3A_79 : memref<10000x64xf32, #tpu.memory_space<vmem_shared>>)
    %barrier3A_80 = arith.constant 0 : index
    tpu.barrier barrier_id(%barrier3A_80)
    %mul3A_81 = arith.constant 624 : i32
    %mul3A_82 = arith.muli %arg1, %mul3A_81 : i32
    %mul3A_83 = arith.constant 10000 : i32
    %mul3A_84 = arith.muli %arg0, %mul3A_83 : i32
    %mul3A_85 = arith.constant 624 : i32
    %mul3A_86 = arith.muli %arg1, %mul3A_85 : i32
    %add3A_87 = arith.addi %mul3A_84, %mul3A_86 : i32
    "tpu.region"() ({
      %run_scoped3A_93 = tpu.sem_alloc : memref<!tpu.dma_semaphore, #tpu.memory_space<semaphore_mem>>
      %dma_start3A_94 = arith.constant 0 : i32
      %dma_start3A_95 = tpu.memref_slice %arg5[%add3A_87, %dma_start3A_94] : memref<20000x64xf32, #tpu.memory_space<hbm>> -> memref<624x64xf32, #tpu.memory_space<hbm>>
      %dma_start3A_96 = arith.constant 0 : i32
      %dma_start3A_97 = tpu.memref_slice %arg13[%mul3A_82, %dma_start3A_96] : memref<10000x64xf32, #tpu.memory_space<vmem_shared>> -> memref<624x64xf32, #tpu.memory_space<vmem_shared>>
      tpu.enqueue_dma source(%dma_start3A_97 : memref<624x64xf32, #tpu.memory_space<vmem_shared>>) target(%dma_start3A_95 : memref<624x64xf32, #tpu.memory_space<hbm>>) target_semaphore(%run_scoped3A_93 : memref<!tpu.dma_semaphore, #tpu.memory_space<semaphore_mem>>)
      %dma_wait3A_98 = arith.constant 0 : i32
      %dma_wait3A_99 = tpu.memref_slice %arg5[%add3A_87, %dma_wait3A_98] : memref<20000x64xf32, #tpu.memory_space<hbm>> -> memref<624x64xf32, #tpu.memory_space<hbm>>
      %dma_wait3A_100 = arith.constant 0 : i32
      %dma_wait3A_101 = tpu.memref_slice %arg13[%mul3A_82, %dma_wait3A_100] : memref<10000x64xf32, #tpu.memory_space<vmem_shared>> -> memref<624x64xf32, #tpu.memory_space<vmem_shared>>
      tpu.wait_dma2 semaphore(%run_scoped3A_93 : memref<!tpu.dma_semaphore, #tpu.memory_space<semaphore_mem>>) src(%dma_wait3A_101 : memref<624x64xf32, #tpu.memory_space<vmem_shared>>) dst(%dma_wait3A_99 : memref<624x64xf32, #tpu.memory_space<hbm>>)
      tpu.yield
    }) : () -> ()
    %eq3A_88 = arith.constant 15 : i32
    %eq3A_89 = arith.cmpi eq, %arg1, %eq3A_88 : i32
    %convert_element_type3A_90 = arith.extui %eq3A_89 : i1 to i32
    %cond3A_91 = arith.constant 0 : i32
    %cond3A_92 = arith.cmpi ne, %convert_element_type3A_90, %cond3A_91 : i32
    scf.if %cond3A_92 {
      %mul3A_93 = arith.constant 10000 : i32
      %mul3A_94 = arith.muli %arg0, %mul3A_93 : i32
      %add3A_95 = arith.constant 9984 : i32
      %add3A_96 = arith.addi %mul3A_94, %add3A_95 : i32
      "tpu.region"() ({
        %run_scoped3A_97 = tpu.sem_alloc : memref<!tpu.dma_semaphore, #tpu.memory_space<semaphore_mem>>
        %dma_start3A_98 = arith.constant 0 : i32
        %dma_start3A_99 = tpu.memref_slice %arg5[%add3A_96, %dma_start3A_98] : memref<20000x64xf32, #tpu.memory_space<hbm>> -> memref<16x64xf32, #tpu.memory_space<hbm>>
        %dma_start3A_100 = arith.constant 9984 : i32
        %dma_start3A_101 = arith.constant 0 : i32
        %dma_start3A_102 = tpu.memref_slice %arg13[%dma_start3A_100, %dma_start3A_101] : memref<10000x64xf32, #tpu.memory_space<vmem_shared>> -> memref<16x64xf32, #tpu.memory_space<vmem_shared>>
        tpu.enqueue_dma source(%dma_start3A_102 : memref<16x64xf32, #tpu.memory_space<vmem_shared>>) target(%dma_start3A_99 : memref<16x64xf32, #tpu.memory_space<hbm>>) target_semaphore(%run_scoped3A_97 : memref<!tpu.dma_semaphore, #tpu.memory_space<semaphore_mem>>)
        %dma_wait3A_103 = arith.constant 0 : i32
        %dma_wait3A_104 = tpu.memref_slice %arg5[%add3A_96, %dma_wait3A_103] : memref<20000x64xf32, #tpu.memory_space<hbm>> -> memref<16x64xf32, #tpu.memory_space<hbm>>
        %dma_wait3A_105 = arith.constant 9984 : i32
        %dma_wait3A_106 = arith.constant 0 : i32
        %dma_wait3A_107 = tpu.memref_slice %arg13[%dma_wait3A_105, %dma_wait3A_106] : memref<10000x64xf32, #tpu.memory_space<vmem_shared>> -> memref<16x64xf32, #tpu.memory_space<vmem_shared>>
        tpu.wait_dma2 semaphore(%run_scoped3A_97 : memref<!tpu.dma_semaphore, #tpu.memory_space<semaphore_mem>>) src(%dma_wait3A_107 : memref<16x64xf32, #tpu.memory_space<vmem_shared>>) dst(%dma_wait3A_104 : memref<16x64xf32, #tpu.memory_space<hbm>>)
        tpu.yield
      }) : () -> ()
    } else {
    }
    return
  }
}

#map = affine_map<(d0, d1) -> (0, 0)>
#map1 = affine_map<(d0, d1) -> (0, 0, 0, 0)>
module attributes {stable_mosaic.version = 14 : i64} {
  func.func @body(%arg0: i32, %arg1: i32, %arg2: memref<10000x64xf32, #tpu.memory_space<hbm>>, %arg3: memref<2x32x125x80xi32, #tpu.memory_space<hbm>>, %arg4: memref<10000x64xf32, #tpu.memory_space<hbm>>, %arg5: memref<20000x64xf32, #tpu.memory_space<hbm>>, %arg6: memref<125x80xi32, #tpu.memory_space<vmem>>, %arg7: memref<125x80xi32, #tpu.memory_space<vmem>>, %arg8: memref<80x64xf32, #tpu.memory_space<vmem>>, %arg9: memref<80x64xf32, #tpu.memory_space<vmem>>, %arg10: memref<80x64xf32, #tpu.memory_space<vmem>>, %arg11: memref<80x64xf32, #tpu.memory_space<vmem>>, %arg12: memref<80x64xf32, #tpu.memory_space<vmem>>, %arg13: memref<10000x64xf32, #tpu.memory_space<vmem_shared>>, %arg14: memref<!tpu.dma_semaphore, #tpu.memory_space<semaphore_mem>>, %arg15: memref<!tpu.dma_semaphore, #tpu.memory_space<semaphore_mem>>, %arg16: memref<!tpu.dma_semaphore, #tpu.memory_space<semaphore_mem>>, %arg17: memref<!tpu.dma_semaphore, #tpu.memory_space<semaphore_mem>>, %arg18: memref<!tpu.dma_semaphore, #tpu.memory_space<semaphore_mem>>, %arg19: memref<!tpu.dma_semaphore, #tpu.memory_space<semaphore_mem>>, %arg20: memref<!tpu.dma_semaphore, #tpu.memory_space<semaphore_mem>>, %arg21: memref<!tpu.dma_semaphore, #tpu.memory_space<semaphore_mem>>, %arg22: memref<!tpu.dma_semaphore, #tpu.memory_space<semaphore_mem>>, %arg23: memref<!tpu.dma_semaphore, #tpu.memory_space<semaphore_mem>>) attributes {dimension_semantics = [#tpu.dimension_semantics<core_parallel>, #tpu.dimension_semantics<subcore_parallel>], iteration_bounds = array<i64: 2, 16>, scalar_prefetch = 0 : i64, scratch_operands = 18 : i64, tpu.core_type = #tpu.core_type<sc_vector_subcore>, window_params = [{transform_indices = #map}, {transform_indices = #map1}, {transform_indices = #map}, {transform_indices = #map}]} {
    %mul3A = arith.constant 16 : i32
    %mul3A_0 = arith.muli %arg0, %mul3A : i32
    %add3A = arith.addi %mul3A_0, %arg1 : i32
    %mul3A_1 = arith.constant 624 : i32
    %mul3A_2 = arith.muli %arg1, %mul3A_1 : i32
    %mul3A_3 = arith.constant 624 : i32
    %mul3A_4 = arith.muli %arg1, %mul3A_3 : i32
    "tpu.region"() ({
      %run_scoped3A_93 = tpu.sem_alloc : memref<!tpu.dma_semaphore, #tpu.memory_space<semaphore_mem>>
      %dma_start3A_94 = arith.constant 0 : i32
      %dma_start3A_95 = tpu.memref_slice %arg13[%mul3A_4, %dma_start3A_94] : memref<10000x64xf32, #tpu.memory_space<vmem_shared>> -> memref<624x64xf32, #tpu.memory_space<vmem_shared>>
      %dma_start3A_96 = arith.constant 0 : i32
      %dma_start3A_97 = tpu.memref_slice %arg4[%mul3A_2, %dma_start3A_96] : memref<10000x64xf32, #tpu.memory_space<hbm>> -> memref<624x64xf32, #tpu.memory_space<hbm>>
      tpu.enqueue_dma source(%dma_start3A_97 : memref<624x64xf32, #tpu.memory_space<hbm>>) target(%dma_start3A_95 : memref<624x64xf32, #tpu.memory_space<vmem_shared>>) target_semaphore(%run_scoped3A_93 : memref<!tpu.dma_semaphore, #tpu.memory_space<semaphore_mem>>)
      %dma_wait3A_98 = arith.constant 0 : i32
      %dma_wait3A_99 = tpu.memref_slice %arg13[%mul3A_4, %dma_wait3A_98] : memref<10000x64xf32, #tpu.memory_space<vmem_shared>> -> memref<624x64xf32, #tpu.memory_space<vmem_shared>>
      %dma_wait3A_100 = arith.constant 0 : i32
      %dma_wait3A_101 = tpu.memref_slice %arg4[%mul3A_2, %dma_wait3A_100] : memref<10000x64xf32, #tpu.memory_space<hbm>> -> memref<624x64xf32, #tpu.memory_space<hbm>>
      tpu.wait_dma2 semaphore(%run_scoped3A_93 : memref<!tpu.dma_semaphore, #tpu.memory_space<semaphore_mem>>) src(%dma_wait3A_101 : memref<624x64xf32, #tpu.memory_space<hbm>>) dst(%dma_wait3A_99 : memref<624x64xf32, #tpu.memory_space<vmem_shared>>)
      tpu.yield
    }) : () -> ()
    %eq3A = arith.constant 15 : i32
    %eq3A_5 = arith.cmpi eq, %arg1, %eq3A : i32
    %convert_element_type3A = arith.extui %eq3A_5 : i1 to i32
    %cond3A = arith.constant 0 : i32
    %cond3A_6 = arith.cmpi ne, %convert_element_type3A, %cond3A : i32
    scf.if %cond3A_6 {
      "tpu.region"() ({
        %run_scoped3A_93 = tpu.sem_alloc : memref<!tpu.dma_semaphore, #tpu.memory_space<semaphore_mem>>
        %dma_start3A_94 = arith.constant 9984 : i32
        %dma_start3A_95 = arith.constant 0 : i32
        %dma_start3A_96 = tpu.memref_slice %arg13[%dma_start3A_94, %dma_start3A_95] : memref<10000x64xf32, #tpu.memory_space<vmem_shared>> -> memref<16x64xf32, #tpu.memory_space<vmem_shared>>
        %dma_start3A_97 = arith.constant 9984 : i32
        %dma_start3A_98 = arith.constant 0 : i32
        %dma_start3A_99 = tpu.memref_slice %arg4[%dma_start3A_97, %dma_start3A_98] : memref<10000x64xf32, #tpu.memory_space<hbm>> -> memref<16x64xf32, #tpu.memory_space<hbm>>
        tpu.enqueue_dma source(%dma_start3A_99 : memref<16x64xf32, #tpu.memory_space<hbm>>) target(%dma_start3A_96 : memref<16x64xf32, #tpu.memory_space<vmem_shared>>) target_semaphore(%run_scoped3A_93 : memref<!tpu.dma_semaphore, #tpu.memory_space<semaphore_mem>>)
        %dma_wait3A_100 = arith.constant 9984 : i32
        %dma_wait3A_101 = arith.constant 0 : i32
        %dma_wait3A_102 = tpu.memref_slice %arg13[%dma_wait3A_100, %dma_wait3A_101] : memref<10000x64xf32, #tpu.memory_space<vmem_shared>> -> memref<16x64xf32, #tpu.memory_space<vmem_shared>>
        %dma_wait3A_103 = arith.constant 9984 : i32
        %dma_wait3A_104 = arith.constant 0 : i32
        %dma_wait3A_105 = tpu.memref_slice %arg4[%dma_wait3A_103, %dma_wait3A_104] : memref<10000x64xf32, #tpu.memory_space<hbm>> -> memref<16x64xf32, #tpu.memory_space<hbm>>
        tpu.wait_dma2 semaphore(%run_scoped3A_93 : memref<!tpu.dma_semaphore, #tpu.memory_space<semaphore_mem>>) src(%dma_wait3A_105 : memref<16x64xf32, #tpu.memory_space<hbm>>) dst(%dma_wait3A_102 : memref<16x64xf32, #tpu.memory_space<vmem_shared>>)
        tpu.yield
      }) : () -> ()
    } else {
    }
    %run_scoped3A = arith.constant 0 : i32
    "tpu.region"() ({
      %run_scoped3A_93 = tpu.sem_alloc : memref<!tpu.dma_semaphore, #tpu.memory_space<semaphore_mem>>
      %dma_start3A_94 = arith.constant 0 : i32
      %dma_start3A_95 = arith.constant 0 : i32
      %dma_start3A_96 = tpu.memref_slice %arg3[%run_scoped3A, %add3A, %dma_start3A_94, %dma_start3A_95] : memref<2x32x125x80xi32, #tpu.memory_space<hbm>> -> memref<1x1x125x80xi32, #tpu.memory_space<hbm>>
      %dma_start3A_97 = tpu.memref_squeeze %dma_start3A_96 : memref<1x1x125x80xi32, #tpu.memory_space<hbm>> -> memref<125x80xi32, #tpu.memory_space<hbm>>
      %dma_start3A_98 = arith.constant 0 : i32
      %dma_start3A_99 = arith.constant 0 : i32
      %dma_start3A_100 = tpu.memref_slice %arg3[%run_scoped3A, %add3A, %dma_start3A_98, %dma_start3A_99] : memref<2x32x125x80xi32, #tpu.memory_space<hbm>> -> memref<1x1x125x80xi32, #tpu.memory_space<hbm>>
      %dma_start3A_101 = tpu.memref_squeeze %dma_start3A_100 : memref<1x1x125x80xi32, #tpu.memory_space<hbm>> -> memref<125x80xi32, #tpu.memory_space<hbm>>
      tpu.enqueue_dma source(%dma_start3A_101 : memref<125x80xi32, #tpu.memory_space<hbm>>) target(%arg6 : memref<125x80xi32, #tpu.memory_space<vmem>>) target_semaphore(%run_scoped3A_93 : memref<!tpu.dma_semaphore, #tpu.memory_space<semaphore_mem>>)
      %dma_wait3A_102 = arith.constant 0 : i32
      %dma_wait3A_103 = arith.constant 0 : i32
      %dma_wait3A_104 = tpu.memref_slice %arg3[%run_scoped3A, %add3A, %dma_wait3A_102, %dma_wait3A_103] : memref<2x32x125x80xi32, #tpu.memory_space<hbm>> -> memref<1x1x125x80xi32, #tpu.memory_space<hbm>>
      %dma_wait3A_105 = tpu.memref_squeeze %dma_wait3A_104 : memref<1x1x125x80xi32, #tpu.memory_space<hbm>> -> memref<125x80xi32, #tpu.memory_space<hbm>>
      %dma_wait3A_106 = arith.constant 0 : i32
      %dma_wait3A_107 = arith.constant 0 : i32
      %dma_wait3A_108 = tpu.memref_slice %arg3[%run_scoped3A, %add3A, %dma_wait3A_106, %dma_wait3A_107] : memref<2x32x125x80xi32, #tpu.memory_space<hbm>> -> memref<1x1x125x80xi32, #tpu.memory_space<hbm>>
      %dma_wait3A_109 = tpu.memref_squeeze %dma_wait3A_108 : memref<1x1x125x80xi32, #tpu.memory_space<hbm>> -> memref<125x80xi32, #tpu.memory_space<hbm>>
      tpu.wait_dma2 semaphore(%run_scoped3A_93 : memref<!tpu.dma_semaphore, #tpu.memory_space<semaphore_mem>>) src(%dma_wait3A_109 : memref<125x80xi32, #tpu.memory_space<hbm>>) dst(%arg6 : memref<125x80xi32, #tpu.memory_space<vmem>>)
      tpu.yield
    }) : () -> ()
    %run_scoped3A_7 = arith.constant 1 : i32
    "tpu.region"() ({
      %run_scoped3A_93 = tpu.sem_alloc : memref<!tpu.dma_semaphore, #tpu.memory_space<semaphore_mem>>
      %dma_start3A_94 = arith.constant 0 : i32
      %dma_start3A_95 = arith.constant 0 : i32
      %dma_start3A_96 = tpu.memref_slice %arg3[%run_scoped3A_7, %add3A, %dma_start3A_94, %dma_start3A_95] : memref<2x32x125x80xi32, #tpu.memory_space<hbm>> -> memref<1x1x125x80xi32, #tpu.memory_space<hbm>>
      %dma_start3A_97 = tpu.memref_squeeze %dma_start3A_96 : memref<1x1x125x80xi32, #tpu.memory_space<hbm>> -> memref<125x80xi32, #tpu.memory_space<hbm>>
      %dma_start3A_98 = arith.constant 0 : i32
      %dma_start3A_99 = arith.constant 0 : i32
      %dma_start3A_100 = tpu.memref_slice %arg3[%run_scoped3A_7, %add3A, %dma_start3A_98, %dma_start3A_99] : memref<2x32x125x80xi32, #tpu.memory_space<hbm>> -> memref<1x1x125x80xi32, #tpu.memory_space<hbm>>
      %dma_start3A_101 = tpu.memref_squeeze %dma_start3A_100 : memref<1x1x125x80xi32, #tpu.memory_space<hbm>> -> memref<125x80xi32, #tpu.memory_space<hbm>>
      tpu.enqueue_dma source(%dma_start3A_101 : memref<125x80xi32, #tpu.memory_space<hbm>>) target(%arg7 : memref<125x80xi32, #tpu.memory_space<vmem>>) target_semaphore(%run_scoped3A_93 : memref<!tpu.dma_semaphore, #tpu.memory_space<semaphore_mem>>)
      %dma_wait3A_102 = arith.constant 0 : i32
      %dma_wait3A_103 = arith.constant 0 : i32
      %dma_wait3A_104 = tpu.memref_slice %arg3[%run_scoped3A_7, %add3A, %dma_wait3A_102, %dma_wait3A_103] : memref<2x32x125x80xi32, #tpu.memory_space<hbm>> -> memref<1x1x125x80xi32, #tpu.memory_space<hbm>>
      %dma_wait3A_105 = tpu.memref_squeeze %dma_wait3A_104 : memref<1x1x125x80xi32, #tpu.memory_space<hbm>> -> memref<125x80xi32, #tpu.memory_space<hbm>>
      %dma_wait3A_106 = arith.constant 0 : i32
      %dma_wait3A_107 = arith.constant 0 : i32
      %dma_wait3A_108 = tpu.memref_slice %arg3[%run_scoped3A_7, %add3A, %dma_wait3A_106, %dma_wait3A_107] : memref<2x32x125x80xi32, #tpu.memory_space<hbm>> -> memref<1x1x125x80xi32, #tpu.memory_space<hbm>>
      %dma_wait3A_109 = tpu.memref_squeeze %dma_wait3A_108 : memref<1x1x125x80xi32, #tpu.memory_space<hbm>> -> memref<125x80xi32, #tpu.memory_space<hbm>>
      tpu.wait_dma2 semaphore(%run_scoped3A_93 : memref<!tpu.dma_semaphore, #tpu.memory_space<semaphore_mem>>) src(%dma_wait3A_109 : memref<125x80xi32, #tpu.memory_space<hbm>>) dst(%arg7 : memref<125x80xi32, #tpu.memory_space<vmem>>)
      tpu.yield
    }) : () -> ()
    %barrier3A = arith.constant 0 : index
    tpu.barrier barrier_id(%barrier3A)
    %dma_start3A = arith.constant 0 : i32
    %dma_start3A_8 = arith.constant 0 : i32
    %dma_start3A_9 = tpu.memref_slice %arg6[%dma_start3A, %dma_start3A_8] : memref<125x80xi32, #tpu.memory_space<vmem>> -> memref<1x80xi32, #tpu.memory_space<vmem>>
    %dma_start3A_10 = tpu.memref_squeeze %dma_start3A_9 : memref<1x80xi32, #tpu.memory_space<vmem>> -> memref<80xi32, #tpu.memory_space<vmem>>
    %dma_start3A_11 = arith.constant 0 : i32
    %dma_start3A_12 = arith.constant 0 : i32
    %dma_start3A_13 = tpu.memref_slice %arg2[%dma_start3A_11, %dma_start3A_12] : memref<10000x64xf32, #tpu.memory_space<hbm>> -> memref<10000x64xf32, #tpu.memory_space<hbm>>
    tpu.enqueue_indirect_dma source(%dma_start3A_13 : memref<10000x64xf32, #tpu.memory_space<hbm>>) target(%arg8 : memref<80x64xf32, #tpu.memory_space<vmem>>) offsets(%dma_start3A_10 : memref<80xi32, #tpu.memory_space<vmem>>) semaphore(%arg14 : memref<!tpu.dma_semaphore, #tpu.memory_space<semaphore_mem>>)
    %dma_start3A_14 = arith.constant 1 : i32
    %dma_start3A_15 = arith.constant 0 : i32
    %dma_start3A_16 = tpu.memref_slice %arg6[%dma_start3A_14, %dma_start3A_15] : memref<125x80xi32, #tpu.memory_space<vmem>> -> memref<1x80xi32, #tpu.memory_space<vmem>>
    %dma_start3A_17 = tpu.memref_squeeze %dma_start3A_16 : memref<1x80xi32, #tpu.memory_space<vmem>> -> memref<80xi32, #tpu.memory_space<vmem>>
    %dma_start3A_18 = arith.constant 0 : i32
    %dma_start3A_19 = arith.constant 0 : i32
    %dma_start3A_20 = tpu.memref_slice %arg2[%dma_start3A_18, %dma_start3A_19] : memref<10000x64xf32, #tpu.memory_space<hbm>> -> memref<10000x64xf32, #tpu.memory_space<hbm>>
    tpu.enqueue_indirect_dma source(%dma_start3A_20 : memref<10000x64xf32, #tpu.memory_space<hbm>>) target(%arg9 : memref<80x64xf32, #tpu.memory_space<vmem>>) offsets(%dma_start3A_17 : memref<80xi32, #tpu.memory_space<vmem>>) semaphore(%arg15 : memref<!tpu.dma_semaphore, #tpu.memory_space<semaphore_mem>>)
    %dma_start3A_21 = arith.constant 2 : i32
    %dma_start3A_22 = arith.constant 0 : i32
    %dma_start3A_23 = tpu.memref_slice %arg6[%dma_start3A_21, %dma_start3A_22] : memref<125x80xi32, #tpu.memory_space<vmem>> -> memref<1x80xi32, #tpu.memory_space<vmem>>
    %dma_start3A_24 = tpu.memref_squeeze %dma_start3A_23 : memref<1x80xi32, #tpu.memory_space<vmem>> -> memref<80xi32, #tpu.memory_space<vmem>>
    %dma_start3A_25 = arith.constant 0 : i32
    %dma_start3A_26 = arith.constant 0 : i32
    %dma_start3A_27 = tpu.memref_slice %arg2[%dma_start3A_25, %dma_start3A_26] : memref<10000x64xf32, #tpu.memory_space<hbm>> -> memref<10000x64xf32, #tpu.memory_space<hbm>>
    tpu.enqueue_indirect_dma source(%dma_start3A_27 : memref<10000x64xf32, #tpu.memory_space<hbm>>) target(%arg10 : memref<80x64xf32, #tpu.memory_space<vmem>>) offsets(%dma_start3A_24 : memref<80xi32, #tpu.memory_space<vmem>>) semaphore(%arg16 : memref<!tpu.dma_semaphore, #tpu.memory_space<semaphore_mem>>)
    %dma_start3A_28 = arith.constant 3 : i32
    %dma_start3A_29 = arith.constant 0 : i32
    %dma_start3A_30 = tpu.memref_slice %arg6[%dma_start3A_28, %dma_start3A_29] : memref<125x80xi32, #tpu.memory_space<vmem>> -> memref<1x80xi32, #tpu.memory_space<vmem>>
    %dma_start3A_31 = tpu.memref_squeeze %dma_start3A_30 : memref<1x80xi32, #tpu.memory_space<vmem>> -> memref<80xi32, #tpu.memory_space<vmem>>
    %dma_start3A_32 = arith.constant 0 : i32
    %dma_start3A_33 = arith.constant 0 : i32
    %dma_start3A_34 = tpu.memref_slice %arg2[%dma_start3A_32, %dma_start3A_33] : memref<10000x64xf32, #tpu.memory_space<hbm>> -> memref<10000x64xf32, #tpu.memory_space<hbm>>
    tpu.enqueue_indirect_dma source(%dma_start3A_34 : memref<10000x64xf32, #tpu.memory_space<hbm>>) target(%arg11 : memref<80x64xf32, #tpu.memory_space<vmem>>) offsets(%dma_start3A_31 : memref<80xi32, #tpu.memory_space<vmem>>) semaphore(%arg17 : memref<!tpu.dma_semaphore, #tpu.memory_space<semaphore_mem>>)
    %dma_start3A_35 = arith.constant 4 : i32
    %dma_start3A_36 = arith.constant 0 : i32
    %dma_start3A_37 = tpu.memref_slice %arg6[%dma_start3A_35, %dma_start3A_36] : memref<125x80xi32, #tpu.memory_space<vmem>> -> memref<1x80xi32, #tpu.memory_space<vmem>>
    %dma_start3A_38 = tpu.memref_squeeze %dma_start3A_37 : memref<1x80xi32, #tpu.memory_space<vmem>> -> memref<80xi32, #tpu.memory_space<vmem>>
    %dma_start3A_39 = arith.constant 0 : i32
    %dma_start3A_40 = arith.constant 0 : i32
    %dma_start3A_41 = tpu.memref_slice %arg2[%dma_start3A_39, %dma_start3A_40] : memref<10000x64xf32, #tpu.memory_space<hbm>> -> memref<10000x64xf32, #tpu.memory_space<hbm>>
    tpu.enqueue_indirect_dma source(%dma_start3A_41 : memref<10000x64xf32, #tpu.memory_space<hbm>>) target(%arg12 : memref<80x64xf32, #tpu.memory_space<vmem>>) offsets(%dma_start3A_38 : memref<80xi32, #tpu.memory_space<vmem>>) semaphore(%arg18 : memref<!tpu.dma_semaphore, #tpu.memory_space<semaphore_mem>>)
    %scan3A = arith.constant 0 : i32
    %scan3A_42 = arith.constant 25 : i32
    %scan3A_43 = arith.addi %scan3A, %scan3A_42 : i32
    %scan3A_44 = arith.constant 1 : i32
    scf.for %scan3A_93 = %scan3A to %scan3A_43 step %scan3A_44  : i32 {
      %mul3A_94 = arith.constant 5 : i32
      %mul3A_95 = arith.muli %scan3A_93, %mul3A_94 : i32
      %add3A_96 = arith.constant 0 : i32
      %add3A_97 = arith.addi %add3A_96, %mul3A_95 : i32
      %add3A_98 = arith.constant 0 : i32
      %add3A_99 = arith.addi %add3A_97, %add3A_98 : i32
      %dma_wait3A_100 = arith.constant 0 : i32
      %dma_wait3A_101 = tpu.memref_slice %arg6[%add3A_99, %dma_wait3A_100] : memref<125x80xi32, #tpu.memory_space<vmem>> -> memref<1x80xi32, #tpu.memory_space<vmem>>
      %dma_wait3A_102 = tpu.memref_squeeze %dma_wait3A_101 : memref<1x80xi32, #tpu.memory_space<vmem>> -> memref<80xi32, #tpu.memory_space<vmem>>
      %dma_wait3A_103 = arith.constant 0 : i32
      %dma_wait3A_104 = arith.constant 0 : i32
      %dma_wait3A_105 = tpu.memref_slice %arg2[%dma_wait3A_103, %dma_wait3A_104] : memref<10000x64xf32, #tpu.memory_space<hbm>> -> memref<10000x64xf32, #tpu.memory_space<hbm>>
      tpu.wait_indirect_dma semaphore(%arg14 : memref<!tpu.dma_semaphore, #tpu.memory_space<semaphore_mem>>) src(%dma_wait3A_105 : memref<10000x64xf32, #tpu.memory_space<hbm>>) dst(%arg8 : memref<80x64xf32, #tpu.memory_space<vmem>>)
      %dma_start3A_106 = arith.constant 0 : i32
      %dma_start3A_107 = tpu.memref_slice %arg7[%add3A_99, %dma_start3A_106] : memref<125x80xi32, #tpu.memory_space<vmem>> -> memref<1x80xi32, #tpu.memory_space<vmem>>
      %dma_start3A_108 = tpu.memref_squeeze %dma_start3A_107 : memref<1x80xi32, #tpu.memory_space<vmem>> -> memref<80xi32, #tpu.memory_space<vmem>>
      %dma_start3A_109 = arith.constant 0 : i32
      %dma_start3A_110 = arith.constant 0 : i32
      %dma_start3A_111 = tpu.memref_slice %arg13[%dma_start3A_109, %dma_start3A_110] : memref<10000x64xf32, #tpu.memory_space<vmem_shared>> -> memref<10000x64xf32, #tpu.memory_space<vmem_shared>>
      tpu.enqueue_indirect_dma source(%arg8 : memref<80x64xf32, #tpu.memory_space<vmem>>) target(%dma_start3A_111 : memref<10000x64xf32, #tpu.memory_space<vmem_shared>>) offsets(%dma_start3A_108 : memref<80xi32, #tpu.memory_space<vmem>>) semaphore(%arg19 : memref<!tpu.dma_semaphore, #tpu.memory_space<semaphore_mem>>) {add = true}
      %add3A_112 = arith.constant 5 : i32
      %add3A_113 = arith.addi %add3A_99, %add3A_112 : i32
      %lt3A = arith.constant 125 : i32
      %lt3A_114 = arith.cmpi slt, %add3A_113, %lt3A : i32
      %convert_element_type3A_115 = arith.extui %lt3A_114 : i1 to i32
      %cond3A_116 = arith.constant 0 : i32
      %cond3A_117 = arith.cmpi ne, %convert_element_type3A_115, %cond3A_116 : i32
      scf.if %cond3A_117 {
        %dma_wait3A_202 = arith.constant 0 : i32
        %dma_wait3A_203 = tpu.memref_slice %arg7[%add3A_99, %dma_wait3A_202] : memref<125x80xi32, #tpu.memory_space<vmem>> -> memref<1x80xi32, #tpu.memory_space<vmem>>
        %dma_wait3A_204 = tpu.memref_squeeze %dma_wait3A_203 : memref<1x80xi32, #tpu.memory_space<vmem>> -> memref<80xi32, #tpu.memory_space<vmem>>
        %dma_wait3A_205 = arith.constant 0 : i32
        %dma_wait3A_206 = arith.constant 0 : i32
        %dma_wait3A_207 = tpu.memref_slice %arg13[%dma_wait3A_205, %dma_wait3A_206] : memref<10000x64xf32, #tpu.memory_space<vmem_shared>> -> memref<10000x64xf32, #tpu.memory_space<vmem_shared>>
        tpu.wait_indirect_dma semaphore(%arg19 : memref<!tpu.dma_semaphore, #tpu.memory_space<semaphore_mem>>) src(%arg8 : memref<80x64xf32, #tpu.memory_space<vmem>>) dst(%dma_wait3A_207 : memref<10000x64xf32, #tpu.memory_space<vmem_shared>>)
        %add3A_208 = arith.constant 5 : i32
        %add3A_209 = arith.addi %add3A_99, %add3A_208 : i32
        %dma_start3A_210 = arith.constant 0 : i32
        %dma_start3A_211 = tpu.memref_slice %arg6[%add3A_209, %dma_start3A_210] : memref<125x80xi32, #tpu.memory_space<vmem>> -> memref<1x80xi32, #tpu.memory_space<vmem>>
        %dma_start3A_212 = tpu.memref_squeeze %dma_start3A_211 : memref<1x80xi32, #tpu.memory_space<vmem>> -> memref<80xi32, #tpu.memory_space<vmem>>
        %dma_start3A_213 = arith.constant 0 : i32
        %dma_start3A_214 = arith.constant 0 : i32
        %dma_start3A_215 = tpu.memref_slice %arg2[%dma_start3A_213, %dma_start3A_214] : memref<10000x64xf32, #tpu.memory_space<hbm>> -> memref<10000x64xf32, #tpu.memory_space<hbm>>
        tpu.enqueue_indirect_dma source(%dma_start3A_215 : memref<10000x64xf32, #tpu.memory_space<hbm>>) target(%arg8 : memref<80x64xf32, #tpu.memory_space<vmem>>) offsets(%dma_start3A_212 : memref<80xi32, #tpu.memory_space<vmem>>) semaphore(%arg14 : memref<!tpu.dma_semaphore, #tpu.memory_space<semaphore_mem>>)
      } else {
      }
      %add3A_118 = arith.constant 1 : i32
      %add3A_119 = arith.addi %add3A_97, %add3A_118 : i32
      %dma_wait3A_120 = arith.constant 0 : i32
      %dma_wait3A_121 = tpu.memref_slice %arg6[%add3A_119, %dma_wait3A_120] : memref<125x80xi32, #tpu.memory_space<vmem>> -> memref<1x80xi32, #tpu.memory_space<vmem>>
      %dma_wait3A_122 = tpu.memref_squeeze %dma_wait3A_121 : memref<1x80xi32, #tpu.memory_space<vmem>> -> memref<80xi32, #tpu.memory_space<vmem>>
      %dma_wait3A_123 = arith.constant 0 : i32
      %dma_wait3A_124 = arith.constant 0 : i32
      %dma_wait3A_125 = tpu.memref_slice %arg2[%dma_wait3A_123, %dma_wait3A_124] : memref<10000x64xf32, #tpu.memory_space<hbm>> -> memref<10000x64xf32, #tpu.memory_space<hbm>>
      tpu.wait_indirect_dma semaphore(%arg15 : memref<!tpu.dma_semaphore, #tpu.memory_space<semaphore_mem>>) src(%dma_wait3A_125 : memref<10000x64xf32, #tpu.memory_space<hbm>>) dst(%arg9 : memref<80x64xf32, #tpu.memory_space<vmem>>)
      %dma_start3A_126 = arith.constant 0 : i32
      %dma_start3A_127 = tpu.memref_slice %arg7[%add3A_119, %dma_start3A_126] : memref<125x80xi32, #tpu.memory_space<vmem>> -> memref<1x80xi32, #tpu.memory_space<vmem>>
      %dma_start3A_128 = tpu.memref_squeeze %dma_start3A_127 : memref<1x80xi32, #tpu.memory_space<vmem>> -> memref<80xi32, #tpu.memory_space<vmem>>
      %dma_start3A_129 = arith.constant 0 : i32
      %dma_start3A_130 = arith.constant 0 : i32
      %dma_start3A_131 = tpu.memref_slice %arg13[%dma_start3A_129, %dma_start3A_130] : memref<10000x64xf32, #tpu.memory_space<vmem_shared>> -> memref<10000x64xf32, #tpu.memory_space<vmem_shared>>
      tpu.enqueue_indirect_dma source(%arg9 : memref<80x64xf32, #tpu.memory_space<vmem>>) target(%dma_start3A_131 : memref<10000x64xf32, #tpu.memory_space<vmem_shared>>) offsets(%dma_start3A_128 : memref<80xi32, #tpu.memory_space<vmem>>) semaphore(%arg20 : memref<!tpu.dma_semaphore, #tpu.memory_space<semaphore_mem>>) {add = true}
      %add3A_132 = arith.constant 5 : i32
      %add3A_133 = arith.addi %add3A_119, %add3A_132 : i32
      %lt3A_134 = arith.constant 125 : i32
      %lt3A_135 = arith.cmpi slt, %add3A_133, %lt3A_134 : i32
      %convert_element_type3A_136 = arith.extui %lt3A_135 : i1 to i32
      %cond3A_137 = arith.constant 0 : i32
      %cond3A_138 = arith.cmpi ne, %convert_element_type3A_136, %cond3A_137 : i32
      scf.if %cond3A_138 {
        %dma_wait3A_202 = arith.constant 0 : i32
        %dma_wait3A_203 = tpu.memref_slice %arg7[%add3A_119, %dma_wait3A_202] : memref<125x80xi32, #tpu.memory_space<vmem>> -> memref<1x80xi32, #tpu.memory_space<vmem>>
        %dma_wait3A_204 = tpu.memref_squeeze %dma_wait3A_203 : memref<1x80xi32, #tpu.memory_space<vmem>> -> memref<80xi32, #tpu.memory_space<vmem>>
        %dma_wait3A_205 = arith.constant 0 : i32
        %dma_wait3A_206 = arith.constant 0 : i32
        %dma_wait3A_207 = tpu.memref_slice %arg13[%dma_wait3A_205, %dma_wait3A_206] : memref<10000x64xf32, #tpu.memory_space<vmem_shared>> -> memref<10000x64xf32, #tpu.memory_space<vmem_shared>>
        tpu.wait_indirect_dma semaphore(%arg20 : memref<!tpu.dma_semaphore, #tpu.memory_space<semaphore_mem>>) src(%arg9 : memref<80x64xf32, #tpu.memory_space<vmem>>) dst(%dma_wait3A_207 : memref<10000x64xf32, #tpu.memory_space<vmem_shared>>)
        %add3A_208 = arith.constant 5 : i32
        %add3A_209 = arith.addi %add3A_119, %add3A_208 : i32
        %dma_start3A_210 = arith.constant 0 : i32
        %dma_start3A_211 = tpu.memref_slice %arg6[%add3A_209, %dma_start3A_210] : memref<125x80xi32, #tpu.memory_space<vmem>> -> memref<1x80xi32, #tpu.memory_space<vmem>>
        %dma_start3A_212 = tpu.memref_squeeze %dma_start3A_211 : memref<1x80xi32, #tpu.memory_space<vmem>> -> memref<80xi32, #tpu.memory_space<vmem>>
        %dma_start3A_213 = arith.constant 0 : i32
        %dma_start3A_214 = arith.constant 0 : i32
        %dma_start3A_215 = tpu.memref_slice %arg2[%dma_start3A_213, %dma_start3A_214] : memref<10000x64xf32, #tpu.memory_space<hbm>> -> memref<10000x64xf32, #tpu.memory_space<hbm>>
        tpu.enqueue_indirect_dma source(%dma_start3A_215 : memref<10000x64xf32, #tpu.memory_space<hbm>>) target(%arg9 : memref<80x64xf32, #tpu.memory_space<vmem>>) offsets(%dma_start3A_212 : memref<80xi32, #tpu.memory_space<vmem>>) semaphore(%arg15 : memref<!tpu.dma_semaphore, #tpu.memory_space<semaphore_mem>>)
      } else {
      }
      %add3A_139 = arith.constant 2 : i32
      %add3A_140 = arith.addi %add3A_97, %add3A_139 : i32
      %dma_wait3A_141 = arith.constant 0 : i32
      %dma_wait3A_142 = tpu.memref_slice %arg6[%add3A_140, %dma_wait3A_141] : memref<125x80xi32, #tpu.memory_space<vmem>> -> memref<1x80xi32, #tpu.memory_space<vmem>>
      %dma_wait3A_143 = tpu.memref_squeeze %dma_wait3A_142 : memref<1x80xi32, #tpu.memory_space<vmem>> -> memref<80xi32, #tpu.memory_space<vmem>>
      %dma_wait3A_144 = arith.constant 0 : i32
      %dma_wait3A_145 = arith.constant 0 : i32
      %dma_wait3A_146 = tpu.memref_slice %arg2[%dma_wait3A_144, %dma_wait3A_145] : memref<10000x64xf32, #tpu.memory_space<hbm>> -> memref<10000x64xf32, #tpu.memory_space<hbm>>
      tpu.wait_indirect_dma semaphore(%arg16 : memref<!tpu.dma_semaphore, #tpu.memory_space<semaphore_mem>>) src(%dma_wait3A_146 : memref<10000x64xf32, #tpu.memory_space<hbm>>) dst(%arg10 : memref<80x64xf32, #tpu.memory_space<vmem>>)
      %dma_start3A_147 = arith.constant 0 : i32
      %dma_start3A_148 = tpu.memref_slice %arg7[%add3A_140, %dma_start3A_147] : memref<125x80xi32, #tpu.memory_space<vmem>> -> memref<1x80xi32, #tpu.memory_space<vmem>>
      %dma_start3A_149 = tpu.memref_squeeze %dma_start3A_148 : memref<1x80xi32, #tpu.memory_space<vmem>> -> memref<80xi32, #tpu.memory_space<vmem>>
      %dma_start3A_150 = arith.constant 0 : i32
      %dma_start3A_151 = arith.constant 0 : i32
      %dma_start3A_152 = tpu.memref_slice %arg13[%dma_start3A_150, %dma_start3A_151] : memref<10000x64xf32, #tpu.memory_space<vmem_shared>> -> memref<10000x64xf32, #tpu.memory_space<vmem_shared>>
      tpu.enqueue_indirect_dma source(%arg10 : memref<80x64xf32, #tpu.memory_space<vmem>>) target(%dma_start3A_152 : memref<10000x64xf32, #tpu.memory_space<vmem_shared>>) offsets(%dma_start3A_149 : memref<80xi32, #tpu.memory_space<vmem>>) semaphore(%arg21 : memref<!tpu.dma_semaphore, #tpu.memory_space<semaphore_mem>>) {add = true}
      %add3A_153 = arith.constant 5 : i32
      %add3A_154 = arith.addi %add3A_140, %add3A_153 : i32
      %lt3A_155 = arith.constant 125 : i32
      %lt3A_156 = arith.cmpi slt, %add3A_154, %lt3A_155 : i32
      %convert_element_type3A_157 = arith.extui %lt3A_156 : i1 to i32
      %cond3A_158 = arith.constant 0 : i32
      %cond3A_159 = arith.cmpi ne, %convert_element_type3A_157, %cond3A_158 : i32
      scf.if %cond3A_159 {
        %dma_wait3A_202 = arith.constant 0 : i32
        %dma_wait3A_203 = tpu.memref_slice %arg7[%add3A_140, %dma_wait3A_202] : memref<125x80xi32, #tpu.memory_space<vmem>> -> memref<1x80xi32, #tpu.memory_space<vmem>>
        %dma_wait3A_204 = tpu.memref_squeeze %dma_wait3A_203 : memref<1x80xi32, #tpu.memory_space<vmem>> -> memref<80xi32, #tpu.memory_space<vmem>>
        %dma_wait3A_205 = arith.constant 0 : i32
        %dma_wait3A_206 = arith.constant 0 : i32
        %dma_wait3A_207 = tpu.memref_slice %arg13[%dma_wait3A_205, %dma_wait3A_206] : memref<10000x64xf32, #tpu.memory_space<vmem_shared>> -> memref<10000x64xf32, #tpu.memory_space<vmem_shared>>
        tpu.wait_indirect_dma semaphore(%arg21 : memref<!tpu.dma_semaphore, #tpu.memory_space<semaphore_mem>>) src(%arg10 : memref<80x64xf32, #tpu.memory_space<vmem>>) dst(%dma_wait3A_207 : memref<10000x64xf32, #tpu.memory_space<vmem_shared>>)
        %add3A_208 = arith.constant 5 : i32
        %add3A_209 = arith.addi %add3A_140, %add3A_208 : i32
        %dma_start3A_210 = arith.constant 0 : i32
        %dma_start3A_211 = tpu.memref_slice %arg6[%add3A_209, %dma_start3A_210] : memref<125x80xi32, #tpu.memory_space<vmem>> -> memref<1x80xi32, #tpu.memory_space<vmem>>
        %dma_start3A_212 = tpu.memref_squeeze %dma_start3A_211 : memref<1x80xi32, #tpu.memory_space<vmem>> -> memref<80xi32, #tpu.memory_space<vmem>>
        %dma_start3A_213 = arith.constant 0 : i32
        %dma_start3A_214 = arith.constant 0 : i32
        %dma_start3A_215 = tpu.memref_slice %arg2[%dma_start3A_213, %dma_start3A_214] : memref<10000x64xf32, #tpu.memory_space<hbm>> -> memref<10000x64xf32, #tpu.memory_space<hbm>>
        tpu.enqueue_indirect_dma source(%dma_start3A_215 : memref<10000x64xf32, #tpu.memory_space<hbm>>) target(%arg10 : memref<80x64xf32, #tpu.memory_space<vmem>>) offsets(%dma_start3A_212 : memref<80xi32, #tpu.memory_space<vmem>>) semaphore(%arg16 : memref<!tpu.dma_semaphore, #tpu.memory_space<semaphore_mem>>)
      } else {
      }
      %add3A_160 = arith.constant 3 : i32
      %add3A_161 = arith.addi %add3A_97, %add3A_160 : i32
      %dma_wait3A_162 = arith.constant 0 : i32
      %dma_wait3A_163 = tpu.memref_slice %arg6[%add3A_161, %dma_wait3A_162] : memref<125x80xi32, #tpu.memory_space<vmem>> -> memref<1x80xi32, #tpu.memory_space<vmem>>
      %dma_wait3A_164 = tpu.memref_squeeze %dma_wait3A_163 : memref<1x80xi32, #tpu.memory_space<vmem>> -> memref<80xi32, #tpu.memory_space<vmem>>
      %dma_wait3A_165 = arith.constant 0 : i32
      %dma_wait3A_166 = arith.constant 0 : i32
      %dma_wait3A_167 = tpu.memref_slice %arg2[%dma_wait3A_165, %dma_wait3A_166] : memref<10000x64xf32, #tpu.memory_space<hbm>> -> memref<10000x64xf32, #tpu.memory_space<hbm>>
      tpu.wait_indirect_dma semaphore(%arg17 : memref<!tpu.dma_semaphore, #tpu.memory_space<semaphore_mem>>) src(%dma_wait3A_167 : memref<10000x64xf32, #tpu.memory_space<hbm>>) dst(%arg11 : memref<80x64xf32, #tpu.memory_space<vmem>>)
      %dma_start3A_168 = arith.constant 0 : i32
      %dma_start3A_169 = tpu.memref_slice %arg7[%add3A_161, %dma_start3A_168] : memref<125x80xi32, #tpu.memory_space<vmem>> -> memref<1x80xi32, #tpu.memory_space<vmem>>
      %dma_start3A_170 = tpu.memref_squeeze %dma_start3A_169 : memref<1x80xi32, #tpu.memory_space<vmem>> -> memref<80xi32, #tpu.memory_space<vmem>>
      %dma_start3A_171 = arith.constant 0 : i32
      %dma_start3A_172 = arith.constant 0 : i32
      %dma_start3A_173 = tpu.memref_slice %arg13[%dma_start3A_171, %dma_start3A_172] : memref<10000x64xf32, #tpu.memory_space<vmem_shared>> -> memref<10000x64xf32, #tpu.memory_space<vmem_shared>>
      tpu.enqueue_indirect_dma source(%arg11 : memref<80x64xf32, #tpu.memory_space<vmem>>) target(%dma_start3A_173 : memref<10000x64xf32, #tpu.memory_space<vmem_shared>>) offsets(%dma_start3A_170 : memref<80xi32, #tpu.memory_space<vmem>>) semaphore(%arg22 : memref<!tpu.dma_semaphore, #tpu.memory_space<semaphore_mem>>) {add = true}
      %add3A_174 = arith.constant 5 : i32
      %add3A_175 = arith.addi %add3A_161, %add3A_174 : i32
      %lt3A_176 = arith.constant 125 : i32
      %lt3A_177 = arith.cmpi slt, %add3A_175, %lt3A_176 : i32
      %convert_element_type3A_178 = arith.extui %lt3A_177 : i1 to i32
      %cond3A_179 = arith.constant 0 : i32
      %cond3A_180 = arith.cmpi ne, %convert_element_type3A_178, %cond3A_179 : i32
      scf.if %cond3A_180 {
        %dma_wait3A_202 = arith.constant 0 : i32
        %dma_wait3A_203 = tpu.memref_slice %arg7[%add3A_161, %dma_wait3A_202] : memref<125x80xi32, #tpu.memory_space<vmem>> -> memref<1x80xi32, #tpu.memory_space<vmem>>
        %dma_wait3A_204 = tpu.memref_squeeze %dma_wait3A_203 : memref<1x80xi32, #tpu.memory_space<vmem>> -> memref<80xi32, #tpu.memory_space<vmem>>
        %dma_wait3A_205 = arith.constant 0 : i32
        %dma_wait3A_206 = arith.constant 0 : i32
        %dma_wait3A_207 = tpu.memref_slice %arg13[%dma_wait3A_205, %dma_wait3A_206] : memref<10000x64xf32, #tpu.memory_space<vmem_shared>> -> memref<10000x64xf32, #tpu.memory_space<vmem_shared>>
        tpu.wait_indirect_dma semaphore(%arg22 : memref<!tpu.dma_semaphore, #tpu.memory_space<semaphore_mem>>) src(%arg11 : memref<80x64xf32, #tpu.memory_space<vmem>>) dst(%dma_wait3A_207 : memref<10000x64xf32, #tpu.memory_space<vmem_shared>>)
        %add3A_208 = arith.constant 5 : i32
        %add3A_209 = arith.addi %add3A_161, %add3A_208 : i32
        %dma_start3A_210 = arith.constant 0 : i32
        %dma_start3A_211 = tpu.memref_slice %arg6[%add3A_209, %dma_start3A_210] : memref<125x80xi32, #tpu.memory_space<vmem>> -> memref<1x80xi32, #tpu.memory_space<vmem>>
        %dma_start3A_212 = tpu.memref_squeeze %dma_start3A_211 : memref<1x80xi32, #tpu.memory_space<vmem>> -> memref<80xi32, #tpu.memory_space<vmem>>
        %dma_start3A_213 = arith.constant 0 : i32
        %dma_start3A_214 = arith.constant 0 : i32
        %dma_start3A_215 = tpu.memref_slice %arg2[%dma_start3A_213, %dma_start3A_214] : memref<10000x64xf32, #tpu.memory_space<hbm>> -> memref<10000x64xf32, #tpu.memory_space<hbm>>
        tpu.enqueue_indirect_dma source(%dma_start3A_215 : memref<10000x64xf32, #tpu.memory_space<hbm>>) target(%arg11 : memref<80x64xf32, #tpu.memory_space<vmem>>) offsets(%dma_start3A_212 : memref<80xi32, #tpu.memory_space<vmem>>) semaphore(%arg17 : memref<!tpu.dma_semaphore, #tpu.memory_space<semaphore_mem>>)
      } else {
      }
      %add3A_181 = arith.constant 4 : i32
      %add3A_182 = arith.addi %add3A_97, %add3A_181 : i32
      %dma_wait3A_183 = arith.constant 0 : i32
      %dma_wait3A_184 = tpu.memref_slice %arg6[%add3A_182, %dma_wait3A_183] : memref<125x80xi32, #tpu.memory_space<vmem>> -> memref<1x80xi32, #tpu.memory_space<vmem>>
      %dma_wait3A_185 = tpu.memref_squeeze %dma_wait3A_184 : memref<1x80xi32, #tpu.memory_space<vmem>> -> memref<80xi32, #tpu.memory_space<vmem>>
      %dma_wait3A_186 = arith.constant 0 : i32
      %dma_wait3A_187 = arith.constant 0 : i32
      %dma_wait3A_188 = tpu.memref_slice %arg2[%dma_wait3A_186, %dma_wait3A_187] : memref<10000x64xf32, #tpu.memory_space<hbm>> -> memref<10000x64xf32, #tpu.memory_space<hbm>>
      tpu.wait_indirect_dma semaphore(%arg18 : memref<!tpu.dma_semaphore, #tpu.memory_space<semaphore_mem>>) src(%dma_wait3A_188 : memref<10000x64xf32, #tpu.memory_space<hbm>>) dst(%arg12 : memref<80x64xf32, #tpu.memory_space<vmem>>)
      %dma_start3A_189 = arith.constant 0 : i32
      %dma_start3A_190 = tpu.memref_slice %arg7[%add3A_182, %dma_start3A_189] : memref<125x80xi32, #tpu.memory_space<vmem>> -> memref<1x80xi32, #tpu.memory_space<vmem>>
      %dma_start3A_191 = tpu.memref_squeeze %dma_start3A_190 : memref<1x80xi32, #tpu.memory_space<vmem>> -> memref<80xi32, #tpu.memory_space<vmem>>
      %dma_start3A_192 = arith.constant 0 : i32
      %dma_start3A_193 = arith.constant 0 : i32
      %dma_start3A_194 = tpu.memref_slice %arg13[%dma_start3A_192, %dma_start3A_193] : memref<10000x64xf32, #tpu.memory_space<vmem_shared>> -> memref<10000x64xf32, #tpu.memory_space<vmem_shared>>
      tpu.enqueue_indirect_dma source(%arg12 : memref<80x64xf32, #tpu.memory_space<vmem>>) target(%dma_start3A_194 : memref<10000x64xf32, #tpu.memory_space<vmem_shared>>) offsets(%dma_start3A_191 : memref<80xi32, #tpu.memory_space<vmem>>) semaphore(%arg23 : memref<!tpu.dma_semaphore, #tpu.memory_space<semaphore_mem>>) {add = true}
      %add3A_195 = arith.constant 5 : i32
      %add3A_196 = arith.addi %add3A_182, %add3A_195 : i32
      %lt3A_197 = arith.constant 125 : i32
      %lt3A_198 = arith.cmpi slt, %add3A_196, %lt3A_197 : i32
      %convert_element_type3A_199 = arith.extui %lt3A_198 : i1 to i32
      %cond3A_200 = arith.constant 0 : i32
      %cond3A_201 = arith.cmpi ne, %convert_element_type3A_199, %cond3A_200 : i32
      scf.if %cond3A_201 {
        %dma_wait3A_202 = arith.constant 0 : i32
        %dma_wait3A_203 = tpu.memref_slice %arg7[%add3A_182, %dma_wait3A_202] : memref<125x80xi32, #tpu.memory_space<vmem>> -> memref<1x80xi32, #tpu.memory_space<vmem>>
        %dma_wait3A_204 = tpu.memref_squeeze %dma_wait3A_203 : memref<1x80xi32, #tpu.memory_space<vmem>> -> memref<80xi32, #tpu.memory_space<vmem>>
        %dma_wait3A_205 = arith.constant 0 : i32
        %dma_wait3A_206 = arith.constant 0 : i32
        %dma_wait3A_207 = tpu.memref_slice %arg13[%dma_wait3A_205, %dma_wait3A_206] : memref<10000x64xf32, #tpu.memory_space<vmem_shared>> -> memref<10000x64xf32, #tpu.memory_space<vmem_shared>>
        tpu.wait_indirect_dma semaphore(%arg23 : memref<!tpu.dma_semaphore, #tpu.memory_space<semaphore_mem>>) src(%arg12 : memref<80x64xf32, #tpu.memory_space<vmem>>) dst(%dma_wait3A_207 : memref<10000x64xf32, #tpu.memory_space<vmem_shared>>)
        %add3A_208 = arith.constant 5 : i32
        %add3A_209 = arith.addi %add3A_182, %add3A_208 : i32
        %dma_start3A_210 = arith.constant 0 : i32
        %dma_start3A_211 = tpu.memref_slice %arg6[%add3A_209, %dma_start3A_210] : memref<125x80xi32, #tpu.memory_space<vmem>> -> memref<1x80xi32, #tpu.memory_space<vmem>>
        %dma_start3A_212 = tpu.memref_squeeze %dma_start3A_211 : memref<1x80xi32, #tpu.memory_space<vmem>> -> memref<80xi32, #tpu.memory_space<vmem>>
        %dma_start3A_213 = arith.constant 0 : i32
        %dma_start3A_214 = arith.constant 0 : i32
        %dma_start3A_215 = tpu.memref_slice %arg2[%dma_start3A_213, %dma_start3A_214] : memref<10000x64xf32, #tpu.memory_space<hbm>> -> memref<10000x64xf32, #tpu.memory_space<hbm>>
        tpu.enqueue_indirect_dma source(%dma_start3A_215 : memref<10000x64xf32, #tpu.memory_space<hbm>>) target(%arg12 : memref<80x64xf32, #tpu.memory_space<vmem>>) offsets(%dma_start3A_212 : memref<80xi32, #tpu.memory_space<vmem>>) semaphore(%arg18 : memref<!tpu.dma_semaphore, #tpu.memory_space<semaphore_mem>>)
      } else {
      }
    }
    %scan3A_45 = arith.constant 25 : i32
    %dma_wait3A = arith.constant 120 : i32
    %dma_wait3A_46 = arith.constant 0 : i32
    %dma_wait3A_47 = tpu.memref_slice %arg7[%dma_wait3A, %dma_wait3A_46] : memref<125x80xi32, #tpu.memory_space<vmem>> -> memref<1x80xi32, #tpu.memory_space<vmem>>
    %dma_wait3A_48 = tpu.memref_squeeze %dma_wait3A_47 : memref<1x80xi32, #tpu.memory_space<vmem>> -> memref<80xi32, #tpu.memory_space<vmem>>
    %dma_wait3A_49 = arith.constant 0 : i32
    %dma_wait3A_50 = arith.constant 0 : i32
    %dma_wait3A_51 = tpu.memref_slice %arg13[%dma_wait3A_49, %dma_wait3A_50] : memref<10000x64xf32, #tpu.memory_space<vmem_shared>> -> memref<10000x64xf32, #tpu.memory_space<vmem_shared>>
    tpu.wait_indirect_dma semaphore(%arg19 : memref<!tpu.dma_semaphore, #tpu.memory_space<semaphore_mem>>) src(%arg8 : memref<80x64xf32, #tpu.memory_space<vmem>>) dst(%dma_wait3A_51 : memref<10000x64xf32, #tpu.memory_space<vmem_shared>>)
    %dma_wait3A_52 = arith.constant 121 : i32
    %dma_wait3A_53 = arith.constant 0 : i32
    %dma_wait3A_54 = tpu.memref_slice %arg7[%dma_wait3A_52, %dma_wait3A_53] : memref<125x80xi32, #tpu.memory_space<vmem>> -> memref<1x80xi32, #tpu.memory_space<vmem>>
    %dma_wait3A_55 = tpu.memref_squeeze %dma_wait3A_54 : memref<1x80xi32, #tpu.memory_space<vmem>> -> memref<80xi32, #tpu.memory_space<vmem>>
    %dma_wait3A_56 = arith.constant 0 : i32
    %dma_wait3A_57 = arith.constant 0 : i32
    %dma_wait3A_58 = tpu.memref_slice %arg13[%dma_wait3A_56, %dma_wait3A_57] : memref<10000x64xf32, #tpu.memory_space<vmem_shared>> -> memref<10000x64xf32, #tpu.memory_space<vmem_shared>>
    tpu.wait_indirect_dma semaphore(%arg20 : memref<!tpu.dma_semaphore, #tpu.memory_space<semaphore_mem>>) src(%arg9 : memref<80x64xf32, #tpu.memory_space<vmem>>) dst(%dma_wait3A_58 : memref<10000x64xf32, #tpu.memory_space<vmem_shared>>)
    %dma_wait3A_59 = arith.constant 122 : i32
    %dma_wait3A_60 = arith.constant 0 : i32
    %dma_wait3A_61 = tpu.memref_slice %arg7[%dma_wait3A_59, %dma_wait3A_60] : memref<125x80xi32, #tpu.memory_space<vmem>> -> memref<1x80xi32, #tpu.memory_space<vmem>>
    %dma_wait3A_62 = tpu.memref_squeeze %dma_wait3A_61 : memref<1x80xi32, #tpu.memory_space<vmem>> -> memref<80xi32, #tpu.memory_space<vmem>>
    %dma_wait3A_63 = arith.constant 0 : i32
    %dma_wait3A_64 = arith.constant 0 : i32
    %dma_wait3A_65 = tpu.memref_slice %arg13[%dma_wait3A_63, %dma_wait3A_64] : memref<10000x64xf32, #tpu.memory_space<vmem_shared>> -> memref<10000x64xf32, #tpu.memory_space<vmem_shared>>
    tpu.wait_indirect_dma semaphore(%arg21 : memref<!tpu.dma_semaphore, #tpu.memory_space<semaphore_mem>>) src(%arg10 : memref<80x64xf32, #tpu.memory_space<vmem>>) dst(%dma_wait3A_65 : memref<10000x64xf32, #tpu.memory_space<vmem_shared>>)
    %dma_wait3A_66 = arith.constant 123 : i32
    %dma_wait3A_67 = arith.constant 0 : i32
    %dma_wait3A_68 = tpu.memref_slice %arg7[%dma_wait3A_66, %dma_wait3A_67] : memref<125x80xi32, #tpu.memory_space<vmem>> -> memref<1x80xi32, #tpu.memory_space<vmem>>
    %dma_wait3A_69 = tpu.memref_squeeze %dma_wait3A_68 : memref<1x80xi32, #tpu.memory_space<vmem>> -> memref<80xi32, #tpu.memory_space<vmem>>
    %dma_wait3A_70 = arith.constant 0 : i32
    %dma_wait3A_71 = arith.constant 0 : i32
    %dma_wait3A_72 = tpu.memref_slice %arg13[%dma_wait3A_70, %dma_wait3A_71] : memref<10000x64xf32, #tpu.memory_space<vmem_shared>> -> memref<10000x64xf32, #tpu.memory_space<vmem_shared>>
    tpu.wait_indirect_dma semaphore(%arg22 : memref<!tpu.dma_semaphore, #tpu.memory_space<semaphore_mem>>) src(%arg11 : memref<80x64xf32, #tpu.memory_space<vmem>>) dst(%dma_wait3A_72 : memref<10000x64xf32, #tpu.memory_space<vmem_shared>>)
    %dma_wait3A_73 = arith.constant 124 : i32
    %dma_wait3A_74 = arith.constant 0 : i32
    %dma_wait3A_75 = tpu.memref_slice %arg7[%dma_wait3A_73, %dma_wait3A_74] : memref<125x80xi32, #tpu.memory_space<vmem>> -> memref<1x80xi32, #tpu.memory_space<vmem>>
    %dma_wait3A_76 = tpu.memref_squeeze %dma_wait3A_75 : memref<1x80xi32, #tpu.memory_space<vmem>> -> memref<80xi32, #tpu.memory_space<vmem>>
    %dma_wait3A_77 = arith.constant 0 : i32
    %dma_wait3A_78 = arith.constant 0 : i32
    %dma_wait3A_79 = tpu.memref_slice %arg13[%dma_wait3A_77, %dma_wait3A_78] : memref<10000x64xf32, #tpu.memory_space<vmem_shared>> -> memref<10000x64xf32, #tpu.memory_space<vmem_shared>>
    tpu.wait_indirect_dma semaphore(%arg23 : memref<!tpu.dma_semaphore, #tpu.memory_space<semaphore_mem>>) src(%arg12 : memref<80x64xf32, #tpu.memory_space<vmem>>) dst(%dma_wait3A_79 : memref<10000x64xf32, #tpu.memory_space<vmem_shared>>)
    %barrier3A_80 = arith.constant 0 : index
    tpu.barrier barrier_id(%barrier3A_80)
    %mul3A_81 = arith.constant 624 : i32
    %mul3A_82 = arith.muli %arg1, %mul3A_81 : i32
    %mul3A_83 = arith.constant 10000 : i32
    %mul3A_84 = arith.muli %arg0, %mul3A_83 : i32
    %mul3A_85 = arith.constant 624 : i32
    %mul3A_86 = arith.muli %arg1, %mul3A_85 : i32
    %add3A_87 = arith.addi %mul3A_84, %mul3A_86 : i32
    "tpu.region"() ({
      %run_scoped3A_93 = tpu.sem_alloc : memref<!tpu.dma_semaphore, #tpu.memory_space<semaphore_mem>>
      %dma_start3A_94 = arith.constant 0 : i32
      %dma_start3A_95 = tpu.memref_slice %arg5[%add3A_87, %dma_start3A_94] : memref<20000x64xf32, #tpu.memory_space<hbm>> -> memref<624x64xf32, #tpu.memory_space<hbm>>
      %dma_start3A_96 = arith.constant 0 : i32
      %dma_start3A_97 = tpu.memref_slice %arg13[%mul3A_82, %dma_start3A_96] : memref<10000x64xf32, #tpu.memory_space<vmem_shared>> -> memref<624x64xf32, #tpu.memory_space<vmem_shared>>
      tpu.enqueue_dma source(%dma_start3A_97 : memref<624x64xf32, #tpu.memory_space<vmem_shared>>) target(%dma_start3A_95 : memref<624x64xf32, #tpu.memory_space<hbm>>) target_semaphore(%run_scoped3A_93 : memref<!tpu.dma_semaphore, #tpu.memory_space<semaphore_mem>>)
      %dma_wait3A_98 = arith.constant 0 : i32
      %dma_wait3A_99 = tpu.memref_slice %arg5[%add3A_87, %dma_wait3A_98] : memref<20000x64xf32, #tpu.memory_space<hbm>> -> memref<624x64xf32, #tpu.memory_space<hbm>>
      %dma_wait3A_100 = arith.constant 0 : i32
      %dma_wait3A_101 = tpu.memref_slice %arg13[%mul3A_82, %dma_wait3A_100] : memref<10000x64xf32, #tpu.memory_space<vmem_shared>> -> memref<624x64xf32, #tpu.memory_space<vmem_shared>>
      tpu.wait_dma2 semaphore(%run_scoped3A_93 : memref<!tpu.dma_semaphore, #tpu.memory_space<semaphore_mem>>) src(%dma_wait3A_101 : memref<624x64xf32, #tpu.memory_space<vmem_shared>>) dst(%dma_wait3A_99 : memref<624x64xf32, #tpu.memory_space<hbm>>)
      tpu.yield
    }) : () -> ()
    %eq3A_88 = arith.constant 15 : i32
    %eq3A_89 = arith.cmpi eq, %arg1, %eq3A_88 : i32
    %convert_element_type3A_90 = arith.extui %eq3A_89 : i1 to i32
    %cond3A_91 = arith.constant 0 : i32
    %cond3A_92 = arith.cmpi ne, %convert_element_type3A_90, %cond3A_91 : i32
    scf.if %cond3A_92 {
      %mul3A_93 = arith.constant 10000 : i32
      %mul3A_94 = arith.muli %arg0, %mul3A_93 : i32
      %add3A_95 = arith.constant 9984 : i32
      %add3A_96 = arith.addi %mul3A_94, %add3A_95 : i32
      "tpu.region"() ({
        %run_scoped3A_97 = tpu.sem_alloc : memref<!tpu.dma_semaphore, #tpu.memory_space<semaphore_mem>>
        %dma_start3A_98 = arith.constant 0 : i32
        %dma_start3A_99 = tpu.memref_slice %arg5[%add3A_96, %dma_start3A_98] : memref<20000x64xf32, #tpu.memory_space<hbm>> -> memref<16x64xf32, #tpu.memory_space<hbm>>
        %dma_start3A_100 = arith.constant 9984 : i32
        %dma_start3A_101 = arith.constant 0 : i32
        %dma_start3A_102 = tpu.memref_slice %arg13[%dma_start3A_100, %dma_start3A_101] : memref<10000x64xf32, #tpu.memory_space<vmem_shared>> -> memref<16x64xf32, #tpu.memory_space<vmem_shared>>
        tpu.enqueue_dma source(%dma_start3A_102 : memref<16x64xf32, #tpu.memory_space<vmem_shared>>) target(%dma_start3A_99 : memref<16x64xf32, #tpu.memory_space<hbm>>) target_semaphore(%run_scoped3A_97 : memref<!tpu.dma_semaphore, #tpu.memory_space<semaphore_mem>>)
        %dma_wait3A_103 = arith.constant 0 : i32
        %dma_wait3A_104 = tpu.memref_slice %arg5[%add3A_96, %dma_wait3A_103] : memref<20000x64xf32, #tpu.memory_space<hbm>> -> memref<16x64xf32, #tpu.memory_space<hbm>>
        %dma_wait3A_105 = arith.constant 9984 : i32
        %dma_wait3A_106 = arith.constant 0 : i32
        %dma_wait3A_107 = tpu.memref_slice %arg13[%dma_wait3A_105, %dma_wait3A_106] : memref<10000x64xf32, #tpu.memory_space<vmem_shared>> -> memref<16x64xf32, #tpu.memory_space<vmem_shared>>
        tpu.wait_dma2 semaphore(%run_scoped3A_97 : memref<!tpu.dma_semaphore, #tpu.memory_space<semaphore_mem>>) src(%dma_wait3A_107 : memref<16x64xf32, #tpu.memory_space<vmem_shared>>) dst(%dma_wait3A_104 : memref<16x64xf32, #tpu.memory_space<hbm>>)
        tpu.yield
      }) : () -> ()
    } else {
    }
    return
  }
}

#map = affine_map<(d0, d1) -> (0, 0)>
#map1 = affine_map<(d0, d1) -> (0, 0, 0, 0)>
module attributes {stable_mosaic.version = 14 : i64} {
  func.func @body(%arg0: i32, %arg1: i32, %arg2: memref<10000x32xf32, #tpu.memory_space<hbm>>, %arg3: memref<2x32x125x80xi32, #tpu.memory_space<hbm>>, %arg4: memref<10000x32xf32, #tpu.memory_space<hbm>>, %arg5: memref<20000x32xf32, #tpu.memory_space<hbm>>, %arg6: memref<125x80xi32, #tpu.memory_space<vmem>>, %arg7: memref<125x80xi32, #tpu.memory_space<vmem>>, %arg8: memref<80x32xf32, #tpu.memory_space<vmem>>, %arg9: memref<80x32xf32, #tpu.memory_space<vmem>>, %arg10: memref<80x32xf32, #tpu.memory_space<vmem>>, %arg11: memref<80x32xf32, #tpu.memory_space<vmem>>, %arg12: memref<80x32xf32, #tpu.memory_space<vmem>>, %arg13: memref<10000x32xf32, #tpu.memory_space<vmem_shared>>, %arg14: memref<!tpu.dma_semaphore, #tpu.memory_space<semaphore_mem>>, %arg15: memref<!tpu.dma_semaphore, #tpu.memory_space<semaphore_mem>>, %arg16: memref<!tpu.dma_semaphore, #tpu.memory_space<semaphore_mem>>, %arg17: memref<!tpu.dma_semaphore, #tpu.memory_space<semaphore_mem>>, %arg18: memref<!tpu.dma_semaphore, #tpu.memory_space<semaphore_mem>>, %arg19: memref<!tpu.dma_semaphore, #tpu.memory_space<semaphore_mem>>, %arg20: memref<!tpu.dma_semaphore, #tpu.memory_space<semaphore_mem>>, %arg21: memref<!tpu.dma_semaphore, #tpu.memory_space<semaphore_mem>>, %arg22: memref<!tpu.dma_semaphore, #tpu.memory_space<semaphore_mem>>, %arg23: memref<!tpu.dma_semaphore, #tpu.memory_space<semaphore_mem>>) attributes {dimension_semantics = [#tpu.dimension_semantics<core_parallel>, #tpu.dimension_semantics<subcore_parallel>], iteration_bounds = array<i64: 2, 16>, scalar_prefetch = 0 : i64, scratch_operands = 18 : i64, tpu.core_type = #tpu.core_type<sc_vector_subcore>, window_params = [{transform_indices = #map}, {transform_indices = #map1}, {transform_indices = #map}, {transform_indices = #map}]} {
    %mul3A = arith.constant 16 : i32
    %mul3A_0 = arith.muli %arg0, %mul3A : i32
    %add3A = arith.addi %mul3A_0, %arg1 : i32
    %mul3A_1 = arith.constant 624 : i32
    %mul3A_2 = arith.muli %arg1, %mul3A_1 : i32
    %mul3A_3 = arith.constant 624 : i32
    %mul3A_4 = arith.muli %arg1, %mul3A_3 : i32
    "tpu.region"() ({
      %run_scoped3A_93 = tpu.sem_alloc : memref<!tpu.dma_semaphore, #tpu.memory_space<semaphore_mem>>
      %dma_start3A_94 = arith.constant 0 : i32
      %dma_start3A_95 = tpu.memref_slice %arg13[%mul3A_4, %dma_start3A_94] : memref<10000x32xf32, #tpu.memory_space<vmem_shared>> -> memref<624x32xf32, #tpu.memory_space<vmem_shared>>
      %dma_start3A_96 = arith.constant 0 : i32
      %dma_start3A_97 = tpu.memref_slice %arg4[%mul3A_2, %dma_start3A_96] : memref<10000x32xf32, #tpu.memory_space<hbm>> -> memref<624x32xf32, #tpu.memory_space<hbm>>
      tpu.enqueue_dma source(%dma_start3A_97 : memref<624x32xf32, #tpu.memory_space<hbm>>) target(%dma_start3A_95 : memref<624x32xf32, #tpu.memory_space<vmem_shared>>) target_semaphore(%run_scoped3A_93 : memref<!tpu.dma_semaphore, #tpu.memory_space<semaphore_mem>>)
      %dma_wait3A_98 = arith.constant 0 : i32
      %dma_wait3A_99 = tpu.memref_slice %arg13[%mul3A_4, %dma_wait3A_98] : memref<10000x32xf32, #tpu.memory_space<vmem_shared>> -> memref<624x32xf32, #tpu.memory_space<vmem_shared>>
      %dma_wait3A_100 = arith.constant 0 : i32
      %dma_wait3A_101 = tpu.memref_slice %arg4[%mul3A_2, %dma_wait3A_100] : memref<10000x32xf32, #tpu.memory_space<hbm>> -> memref<624x32xf32, #tpu.memory_space<hbm>>
      tpu.wait_dma2 semaphore(%run_scoped3A_93 : memref<!tpu.dma_semaphore, #tpu.memory_space<semaphore_mem>>) src(%dma_wait3A_101 : memref<624x32xf32, #tpu.memory_space<hbm>>) dst(%dma_wait3A_99 : memref<624x32xf32, #tpu.memory_space<vmem_shared>>)
      tpu.yield
    }) : () -> ()
    %eq3A = arith.constant 15 : i32
    %eq3A_5 = arith.cmpi eq, %arg1, %eq3A : i32
    %convert_element_type3A = arith.extui %eq3A_5 : i1 to i32
    %cond3A = arith.constant 0 : i32
    %cond3A_6 = arith.cmpi ne, %convert_element_type3A, %cond3A : i32
    scf.if %cond3A_6 {
      "tpu.region"() ({
        %run_scoped3A_93 = tpu.sem_alloc : memref<!tpu.dma_semaphore, #tpu.memory_space<semaphore_mem>>
        %dma_start3A_94 = arith.constant 9984 : i32
        %dma_start3A_95 = arith.constant 0 : i32
        %dma_start3A_96 = tpu.memref_slice %arg13[%dma_start3A_94, %dma_start3A_95] : memref<10000x32xf32, #tpu.memory_space<vmem_shared>> -> memref<16x32xf32, #tpu.memory_space<vmem_shared>>
        %dma_start3A_97 = arith.constant 9984 : i32
        %dma_start3A_98 = arith.constant 0 : i32
        %dma_start3A_99 = tpu.memref_slice %arg4[%dma_start3A_97, %dma_start3A_98] : memref<10000x32xf32, #tpu.memory_space<hbm>> -> memref<16x32xf32, #tpu.memory_space<hbm>>
        tpu.enqueue_dma source(%dma_start3A_99 : memref<16x32xf32, #tpu.memory_space<hbm>>) target(%dma_start3A_96 : memref<16x32xf32, #tpu.memory_space<vmem_shared>>) target_semaphore(%run_scoped3A_93 : memref<!tpu.dma_semaphore, #tpu.memory_space<semaphore_mem>>)
        %dma_wait3A_100 = arith.constant 9984 : i32
        %dma_wait3A_101 = arith.constant 0 : i32
        %dma_wait3A_102 = tpu.memref_slice %arg13[%dma_wait3A_100, %dma_wait3A_101] : memref<10000x32xf32, #tpu.memory_space<vmem_shared>> -> memref<16x32xf32, #tpu.memory_space<vmem_shared>>
        %dma_wait3A_103 = arith.constant 9984 : i32
        %dma_wait3A_104 = arith.constant 0 : i32
        %dma_wait3A_105 = tpu.memref_slice %arg4[%dma_wait3A_103, %dma_wait3A_104] : memref<10000x32xf32, #tpu.memory_space<hbm>> -> memref<16x32xf32, #tpu.memory_space<hbm>>
        tpu.wait_dma2 semaphore(%run_scoped3A_93 : memref<!tpu.dma_semaphore, #tpu.memory_space<semaphore_mem>>) src(%dma_wait3A_105 : memref<16x32xf32, #tpu.memory_space<hbm>>) dst(%dma_wait3A_102 : memref<16x32xf32, #tpu.memory_space<vmem_shared>>)
        tpu.yield
      }) : () -> ()
    } else {
    }
    %run_scoped3A = arith.constant 0 : i32
    "tpu.region"() ({
      %run_scoped3A_93 = tpu.sem_alloc : memref<!tpu.dma_semaphore, #tpu.memory_space<semaphore_mem>>
      %dma_start3A_94 = arith.constant 0 : i32
      %dma_start3A_95 = arith.constant 0 : i32
      %dma_start3A_96 = tpu.memref_slice %arg3[%run_scoped3A, %add3A, %dma_start3A_94, %dma_start3A_95] : memref<2x32x125x80xi32, #tpu.memory_space<hbm>> -> memref<1x1x125x80xi32, #tpu.memory_space<hbm>>
      %dma_start3A_97 = tpu.memref_squeeze %dma_start3A_96 : memref<1x1x125x80xi32, #tpu.memory_space<hbm>> -> memref<125x80xi32, #tpu.memory_space<hbm>>
      %dma_start3A_98 = arith.constant 0 : i32
      %dma_start3A_99 = arith.constant 0 : i32
      %dma_start3A_100 = tpu.memref_slice %arg3[%run_scoped3A, %add3A, %dma_start3A_98, %dma_start3A_99] : memref<2x32x125x80xi32, #tpu.memory_space<hbm>> -> memref<1x1x125x80xi32, #tpu.memory_space<hbm>>
      %dma_start3A_101 = tpu.memref_squeeze %dma_start3A_100 : memref<1x1x125x80xi32, #tpu.memory_space<hbm>> -> memref<125x80xi32, #tpu.memory_space<hbm>>
      tpu.enqueue_dma source(%dma_start3A_101 : memref<125x80xi32, #tpu.memory_space<hbm>>) target(%arg6 : memref<125x80xi32, #tpu.memory_space<vmem>>) target_semaphore(%run_scoped3A_93 : memref<!tpu.dma_semaphore, #tpu.memory_space<semaphore_mem>>)
      %dma_wait3A_102 = arith.constant 0 : i32
      %dma_wait3A_103 = arith.constant 0 : i32
      %dma_wait3A_104 = tpu.memref_slice %arg3[%run_scoped3A, %add3A, %dma_wait3A_102, %dma_wait3A_103] : memref<2x32x125x80xi32, #tpu.memory_space<hbm>> -> memref<1x1x125x80xi32, #tpu.memory_space<hbm>>
      %dma_wait3A_105 = tpu.memref_squeeze %dma_wait3A_104 : memref<1x1x125x80xi32, #tpu.memory_space<hbm>> -> memref<125x80xi32, #tpu.memory_space<hbm>>
      %dma_wait3A_106 = arith.constant 0 : i32
      %dma_wait3A_107 = arith.constant 0 : i32
      %dma_wait3A_108 = tpu.memref_slice %arg3[%run_scoped3A, %add3A, %dma_wait3A_106, %dma_wait3A_107] : memref<2x32x125x80xi32, #tpu.memory_space<hbm>> -> memref<1x1x125x80xi32, #tpu.memory_space<hbm>>
      %dma_wait3A_109 = tpu.memref_squeeze %dma_wait3A_108 : memref<1x1x125x80xi32, #tpu.memory_space<hbm>> -> memref<125x80xi32, #tpu.memory_space<hbm>>
      tpu.wait_dma2 semaphore(%run_scoped3A_93 : memref<!tpu.dma_semaphore, #tpu.memory_space<semaphore_mem>>) src(%dma_wait3A_109 : memref<125x80xi32, #tpu.memory_space<hbm>>) dst(%arg6 : memref<125x80xi32, #tpu.memory_space<vmem>>)
      tpu.yield
    }) : () -> ()
    %run_scoped3A_7 = arith.constant 1 : i32
    "tpu.region"() ({
      %run_scoped3A_93 = tpu.sem_alloc : memref<!tpu.dma_semaphore, #tpu.memory_space<semaphore_mem>>
      %dma_start3A_94 = arith.constant 0 : i32
      %dma_start3A_95 = arith.constant 0 : i32
      %dma_start3A_96 = tpu.memref_slice %arg3[%run_scoped3A_7, %add3A, %dma_start3A_94, %dma_start3A_95] : memref<2x32x125x80xi32, #tpu.memory_space<hbm>> -> memref<1x1x125x80xi32, #tpu.memory_space<hbm>>
      %dma_start3A_97 = tpu.memref_squeeze %dma_start3A_96 : memref<1x1x125x80xi32, #tpu.memory_space<hbm>> -> memref<125x80xi32, #tpu.memory_space<hbm>>
      %dma_start3A_98 = arith.constant 0 : i32
      %dma_start3A_99 = arith.constant 0 : i32
      %dma_start3A_100 = tpu.memref_slice %arg3[%run_scoped3A_7, %add3A, %dma_start3A_98, %dma_start3A_99] : memref<2x32x125x80xi32, #tpu.memory_space<hbm>> -> memref<1x1x125x80xi32, #tpu.memory_space<hbm>>
      %dma_start3A_101 = tpu.memref_squeeze %dma_start3A_100 : memref<1x1x125x80xi32, #tpu.memory_space<hbm>> -> memref<125x80xi32, #tpu.memory_space<hbm>>
      tpu.enqueue_dma source(%dma_start3A_101 : memref<125x80xi32, #tpu.memory_space<hbm>>) target(%arg7 : memref<125x80xi32, #tpu.memory_space<vmem>>) target_semaphore(%run_scoped3A_93 : memref<!tpu.dma_semaphore, #tpu.memory_space<semaphore_mem>>)
      %dma_wait3A_102 = arith.constant 0 : i32
      %dma_wait3A_103 = arith.constant 0 : i32
      %dma_wait3A_104 = tpu.memref_slice %arg3[%run_scoped3A_7, %add3A, %dma_wait3A_102, %dma_wait3A_103] : memref<2x32x125x80xi32, #tpu.memory_space<hbm>> -> memref<1x1x125x80xi32, #tpu.memory_space<hbm>>
      %dma_wait3A_105 = tpu.memref_squeeze %dma_wait3A_104 : memref<1x1x125x80xi32, #tpu.memory_space<hbm>> -> memref<125x80xi32, #tpu.memory_space<hbm>>
      %dma_wait3A_106 = arith.constant 0 : i32
      %dma_wait3A_107 = arith.constant 0 : i32
      %dma_wait3A_108 = tpu.memref_slice %arg3[%run_scoped3A_7, %add3A, %dma_wait3A_106, %dma_wait3A_107] : memref<2x32x125x80xi32, #tpu.memory_space<hbm>> -> memref<1x1x125x80xi32, #tpu.memory_space<hbm>>
      %dma_wait3A_109 = tpu.memref_squeeze %dma_wait3A_108 : memref<1x1x125x80xi32, #tpu.memory_space<hbm>> -> memref<125x80xi32, #tpu.memory_space<hbm>>
      tpu.wait_dma2 semaphore(%run_scoped3A_93 : memref<!tpu.dma_semaphore, #tpu.memory_space<semaphore_mem>>) src(%dma_wait3A_109 : memref<125x80xi32, #tpu.memory_space<hbm>>) dst(%arg7 : memref<125x80xi32, #tpu.memory_space<vmem>>)
      tpu.yield
    }) : () -> ()
    %barrier3A = arith.constant 0 : index
    tpu.barrier barrier_id(%barrier3A)
    %dma_start3A = arith.constant 0 : i32
    %dma_start3A_8 = arith.constant 0 : i32
    %dma_start3A_9 = tpu.memref_slice %arg6[%dma_start3A, %dma_start3A_8] : memref<125x80xi32, #tpu.memory_space<vmem>> -> memref<1x80xi32, #tpu.memory_space<vmem>>
    %dma_start3A_10 = tpu.memref_squeeze %dma_start3A_9 : memref<1x80xi32, #tpu.memory_space<vmem>> -> memref<80xi32, #tpu.memory_space<vmem>>
    %dma_start3A_11 = arith.constant 0 : i32
    %dma_start3A_12 = arith.constant 0 : i32
    %dma_start3A_13 = tpu.memref_slice %arg2[%dma_start3A_11, %dma_start3A_12] : memref<10000x32xf32, #tpu.memory_space<hbm>> -> memref<10000x32xf32, #tpu.memory_space<hbm>>
    tpu.enqueue_indirect_dma source(%dma_start3A_13 : memref<10000x32xf32, #tpu.memory_space<hbm>>) target(%arg8 : memref<80x32xf32, #tpu.memory_space<vmem>>) offsets(%dma_start3A_10 : memref<80xi32, #tpu.memory_space<vmem>>) semaphore(%arg14 : memref<!tpu.dma_semaphore, #tpu.memory_space<semaphore_mem>>)
    %dma_start3A_14 = arith.constant 1 : i32
    %dma_start3A_15 = arith.constant 0 : i32
    %dma_start3A_16 = tpu.memref_slice %arg6[%dma_start3A_14, %dma_start3A_15] : memref<125x80xi32, #tpu.memory_space<vmem>> -> memref<1x80xi32, #tpu.memory_space<vmem>>
    %dma_start3A_17 = tpu.memref_squeeze %dma_start3A_16 : memref<1x80xi32, #tpu.memory_space<vmem>> -> memref<80xi32, #tpu.memory_space<vmem>>
    %dma_start3A_18 = arith.constant 0 : i32
    %dma_start3A_19 = arith.constant 0 : i32
    %dma_start3A_20 = tpu.memref_slice %arg2[%dma_start3A_18, %dma_start3A_19] : memref<10000x32xf32, #tpu.memory_space<hbm>> -> memref<10000x32xf32, #tpu.memory_space<hbm>>
    tpu.enqueue_indirect_dma source(%dma_start3A_20 : memref<10000x32xf32, #tpu.memory_space<hbm>>) target(%arg9 : memref<80x32xf32, #tpu.memory_space<vmem>>) offsets(%dma_start3A_17 : memref<80xi32, #tpu.memory_space<vmem>>) semaphore(%arg15 : memref<!tpu.dma_semaphore, #tpu.memory_space<semaphore_mem>>)
    %dma_start3A_21 = arith.constant 2 : i32
    %dma_start3A_22 = arith.constant 0 : i32
    %dma_start3A_23 = tpu.memref_slice %arg6[%dma_start3A_21, %dma_start3A_22] : memref<125x80xi32, #tpu.memory_space<vmem>> -> memref<1x80xi32, #tpu.memory_space<vmem>>
    %dma_start3A_24 = tpu.memref_squeeze %dma_start3A_23 : memref<1x80xi32, #tpu.memory_space<vmem>> -> memref<80xi32, #tpu.memory_space<vmem>>
    %dma_start3A_25 = arith.constant 0 : i32
    %dma_start3A_26 = arith.constant 0 : i32
    %dma_start3A_27 = tpu.memref_slice %arg2[%dma_start3A_25, %dma_start3A_26] : memref<10000x32xf32, #tpu.memory_space<hbm>> -> memref<10000x32xf32, #tpu.memory_space<hbm>>
    tpu.enqueue_indirect_dma source(%dma_start3A_27 : memref<10000x32xf32, #tpu.memory_space<hbm>>) target(%arg10 : memref<80x32xf32, #tpu.memory_space<vmem>>) offsets(%dma_start3A_24 : memref<80xi32, #tpu.memory_space<vmem>>) semaphore(%arg16 : memref<!tpu.dma_semaphore, #tpu.memory_space<semaphore_mem>>)
    %dma_start3A_28 = arith.constant 3 : i32
    %dma_start3A_29 = arith.constant 0 : i32
    %dma_start3A_30 = tpu.memref_slice %arg6[%dma_start3A_28, %dma_start3A_29] : memref<125x80xi32, #tpu.memory_space<vmem>> -> memref<1x80xi32, #tpu.memory_space<vmem>>
    %dma_start3A_31 = tpu.memref_squeeze %dma_start3A_30 : memref<1x80xi32, #tpu.memory_space<vmem>> -> memref<80xi32, #tpu.memory_space<vmem>>
    %dma_start3A_32 = arith.constant 0 : i32
    %dma_start3A_33 = arith.constant 0 : i32
    %dma_start3A_34 = tpu.memref_slice %arg2[%dma_start3A_32, %dma_start3A_33] : memref<10000x32xf32, #tpu.memory_space<hbm>> -> memref<10000x32xf32, #tpu.memory_space<hbm>>
    tpu.enqueue_indirect_dma source(%dma_start3A_34 : memref<10000x32xf32, #tpu.memory_space<hbm>>) target(%arg11 : memref<80x32xf32, #tpu.memory_space<vmem>>) offsets(%dma_start3A_31 : memref<80xi32, #tpu.memory_space<vmem>>) semaphore(%arg17 : memref<!tpu.dma_semaphore, #tpu.memory_space<semaphore_mem>>)
    %dma_start3A_35 = arith.constant 4 : i32
    %dma_start3A_36 = arith.constant 0 : i32
    %dma_start3A_37 = tpu.memref_slice %arg6[%dma_start3A_35, %dma_start3A_36] : memref<125x80xi32, #tpu.memory_space<vmem>> -> memref<1x80xi32, #tpu.memory_space<vmem>>
    %dma_start3A_38 = tpu.memref_squeeze %dma_start3A_37 : memref<1x80xi32, #tpu.memory_space<vmem>> -> memref<80xi32, #tpu.memory_space<vmem>>
    %dma_start3A_39 = arith.constant 0 : i32
    %dma_start3A_40 = arith.constant 0 : i32
    %dma_start3A_41 = tpu.memref_slice %arg2[%dma_start3A_39, %dma_start3A_40] : memref<10000x32xf32, #tpu.memory_space<hbm>> -> memref<10000x32xf32, #tpu.memory_space<hbm>>
    tpu.enqueue_indirect_dma source(%dma_start3A_41 : memref<10000x32xf32, #tpu.memory_space<hbm>>) target(%arg12 : memref<80x32xf32, #tpu.memory_space<vmem>>) offsets(%dma_start3A_38 : memref<80xi32, #tpu.memory_space<vmem>>) semaphore(%arg18 : memref<!tpu.dma_semaphore, #tpu.memory_space<semaphore_mem>>)
    %scan3A = arith.constant 0 : i32
    %scan3A_42 = arith.constant 25 : i32
    %scan3A_43 = arith.addi %scan3A, %scan3A_42 : i32
    %scan3A_44 = arith.constant 1 : i32
    scf.for %scan3A_93 = %scan3A to %scan3A_43 step %scan3A_44  : i32 {
      %mul3A_94 = arith.constant 5 : i32
      %mul3A_95 = arith.muli %scan3A_93, %mul3A_94 : i32
      %add3A_96 = arith.constant 0 : i32
      %add3A_97 = arith.addi %add3A_96, %mul3A_95 : i32
      %add3A_98 = arith.constant 0 : i32
      %add3A_99 = arith.addi %add3A_97, %add3A_98 : i32
      %dma_wait3A_100 = arith.constant 0 : i32
      %dma_wait3A_101 = tpu.memref_slice %arg6[%add3A_99, %dma_wait3A_100] : memref<125x80xi32, #tpu.memory_space<vmem>> -> memref<1x80xi32, #tpu.memory_space<vmem>>
      %dma_wait3A_102 = tpu.memref_squeeze %dma_wait3A_101 : memref<1x80xi32, #tpu.memory_space<vmem>> -> memref<80xi32, #tpu.memory_space<vmem>>
      %dma_wait3A_103 = arith.constant 0 : i32
      %dma_wait3A_104 = arith.constant 0 : i32
      %dma_wait3A_105 = tpu.memref_slice %arg2[%dma_wait3A_103, %dma_wait3A_104] : memref<10000x32xf32, #tpu.memory_space<hbm>> -> memref<10000x32xf32, #tpu.memory_space<hbm>>
      tpu.wait_indirect_dma semaphore(%arg14 : memref<!tpu.dma_semaphore, #tpu.memory_space<semaphore_mem>>) src(%dma_wait3A_105 : memref<10000x32xf32, #tpu.memory_space<hbm>>) dst(%arg8 : memref<80x32xf32, #tpu.memory_space<vmem>>)
      %dma_start3A_106 = arith.constant 0 : i32
      %dma_start3A_107 = tpu.memref_slice %arg7[%add3A_99, %dma_start3A_106] : memref<125x80xi32, #tpu.memory_space<vmem>> -> memref<1x80xi32, #tpu.memory_space<vmem>>
      %dma_start3A_108 = tpu.memref_squeeze %dma_start3A_107 : memref<1x80xi32, #tpu.memory_space<vmem>> -> memref<80xi32, #tpu.memory_space<vmem>>
      %dma_start3A_109 = arith.constant 0 : i32
      %dma_start3A_110 = arith.constant 0 : i32
      %dma_start3A_111 = tpu.memref_slice %arg13[%dma_start3A_109, %dma_start3A_110] : memref<10000x32xf32, #tpu.memory_space<vmem_shared>> -> memref<10000x32xf32, #tpu.memory_space<vmem_shared>>
      tpu.enqueue_indirect_dma source(%arg8 : memref<80x32xf32, #tpu.memory_space<vmem>>) target(%dma_start3A_111 : memref<10000x32xf32, #tpu.memory_space<vmem_shared>>) offsets(%dma_start3A_108 : memref<80xi32, #tpu.memory_space<vmem>>) semaphore(%arg19 : memref<!tpu.dma_semaphore, #tpu.memory_space<semaphore_mem>>) {add = true}
      %add3A_112 = arith.constant 5 : i32
      %add3A_113 = arith.addi %add3A_99, %add3A_112 : i32
      %lt3A = arith.constant 125 : i32
      %lt3A_114 = arith.cmpi slt, %add3A_113, %lt3A : i32
      %convert_element_type3A_115 = arith.extui %lt3A_114 : i1 to i32
      %cond3A_116 = arith.constant 0 : i32
      %cond3A_117 = arith.cmpi ne, %convert_element_type3A_115, %cond3A_116 : i32
      scf.if %cond3A_117 {
        %dma_wait3A_202 = arith.constant 0 : i32
        %dma_wait3A_203 = tpu.memref_slice %arg7[%add3A_99, %dma_wait3A_202] : memref<125x80xi32, #tpu.memory_space<vmem>> -> memref<1x80xi32, #tpu.memory_space<vmem>>
        %dma_wait3A_204 = tpu.memref_squeeze %dma_wait3A_203 : memref<1x80xi32, #tpu.memory_space<vmem>> -> memref<80xi32, #tpu.memory_space<vmem>>
        %dma_wait3A_205 = arith.constant 0 : i32
        %dma_wait3A_206 = arith.constant 0 : i32
        %dma_wait3A_207 = tpu.memref_slice %arg13[%dma_wait3A_205, %dma_wait3A_206] : memref<10000x32xf32, #tpu.memory_space<vmem_shared>> -> memref<10000x32xf32, #tpu.memory_space<vmem_shared>>
        tpu.wait_indirect_dma semaphore(%arg19 : memref<!tpu.dma_semaphore, #tpu.memory_space<semaphore_mem>>) src(%arg8 : memref<80x32xf32, #tpu.memory_space<vmem>>) dst(%dma_wait3A_207 : memref<10000x32xf32, #tpu.memory_space<vmem_shared>>)
        %add3A_208 = arith.constant 5 : i32
        %add3A_209 = arith.addi %add3A_99, %add3A_208 : i32
        %dma_start3A_210 = arith.constant 0 : i32
        %dma_start3A_211 = tpu.memref_slice %arg6[%add3A_209, %dma_start3A_210] : memref<125x80xi32, #tpu.memory_space<vmem>> -> memref<1x80xi32, #tpu.memory_space<vmem>>
        %dma_start3A_212 = tpu.memref_squeeze %dma_start3A_211 : memref<1x80xi32, #tpu.memory_space<vmem>> -> memref<80xi32, #tpu.memory_space<vmem>>
        %dma_start3A_213 = arith.constant 0 : i32
        %dma_start3A_214 = arith.constant 0 : i32
        %dma_start3A_215 = tpu.memref_slice %arg2[%dma_start3A_213, %dma_start3A_214] : memref<10000x32xf32, #tpu.memory_space<hbm>> -> memref<10000x32xf32, #tpu.memory_space<hbm>>
        tpu.enqueue_indirect_dma source(%dma_start3A_215 : memref<10000x32xf32, #tpu.memory_space<hbm>>) target(%arg8 : memref<80x32xf32, #tpu.memory_space<vmem>>) offsets(%dma_start3A_212 : memref<80xi32, #tpu.memory_space<vmem>>) semaphore(%arg14 : memref<!tpu.dma_semaphore, #tpu.memory_space<semaphore_mem>>)
      } else {
      }
      %add3A_118 = arith.constant 1 : i32
      %add3A_119 = arith.addi %add3A_97, %add3A_118 : i32
      %dma_wait3A_120 = arith.constant 0 : i32
      %dma_wait3A_121 = tpu.memref_slice %arg6[%add3A_119, %dma_wait3A_120] : memref<125x80xi32, #tpu.memory_space<vmem>> -> memref<1x80xi32, #tpu.memory_space<vmem>>
      %dma_wait3A_122 = tpu.memref_squeeze %dma_wait3A_121 : memref<1x80xi32, #tpu.memory_space<vmem>> -> memref<80xi32, #tpu.memory_space<vmem>>
      %dma_wait3A_123 = arith.constant 0 : i32
      %dma_wait3A_124 = arith.constant 0 : i32
      %dma_wait3A_125 = tpu.memref_slice %arg2[%dma_wait3A_123, %dma_wait3A_124] : memref<10000x32xf32, #tpu.memory_space<hbm>> -> memref<10000x32xf32, #tpu.memory_space<hbm>>
      tpu.wait_indirect_dma semaphore(%arg15 : memref<!tpu.dma_semaphore, #tpu.memory_space<semaphore_mem>>) src(%dma_wait3A_125 : memref<10000x32xf32, #tpu.memory_space<hbm>>) dst(%arg9 : memref<80x32xf32, #tpu.memory_space<vmem>>)
      %dma_start3A_126 = arith.constant 0 : i32
      %dma_start3A_127 = tpu.memref_slice %arg7[%add3A_119, %dma_start3A_126] : memref<125x80xi32, #tpu.memory_space<vmem>> -> memref<1x80xi32, #tpu.memory_space<vmem>>
      %dma_start3A_128 = tpu.memref_squeeze %dma_start3A_127 : memref<1x80xi32, #tpu.memory_space<vmem>> -> memref<80xi32, #tpu.memory_space<vmem>>
      %dma_start3A_129 = arith.constant 0 : i32
      %dma_start3A_130 = arith.constant 0 : i32
      %dma_start3A_131 = tpu.memref_slice %arg13[%dma_start3A_129, %dma_start3A_130] : memref<10000x32xf32, #tpu.memory_space<vmem_shared>> -> memref<10000x32xf32, #tpu.memory_space<vmem_shared>>
      tpu.enqueue_indirect_dma source(%arg9 : memref<80x32xf32, #tpu.memory_space<vmem>>) target(%dma_start3A_131 : memref<10000x32xf32, #tpu.memory_space<vmem_shared>>) offsets(%dma_start3A_128 : memref<80xi32, #tpu.memory_space<vmem>>) semaphore(%arg20 : memref<!tpu.dma_semaphore, #tpu.memory_space<semaphore_mem>>) {add = true}
      %add3A_132 = arith.constant 5 : i32
      %add3A_133 = arith.addi %add3A_119, %add3A_132 : i32
      %lt3A_134 = arith.constant 125 : i32
      %lt3A_135 = arith.cmpi slt, %add3A_133, %lt3A_134 : i32
      %convert_element_type3A_136 = arith.extui %lt3A_135 : i1 to i32
      %cond3A_137 = arith.constant 0 : i32
      %cond3A_138 = arith.cmpi ne, %convert_element_type3A_136, %cond3A_137 : i32
      scf.if %cond3A_138 {
        %dma_wait3A_202 = arith.constant 0 : i32
        %dma_wait3A_203 = tpu.memref_slice %arg7[%add3A_119, %dma_wait3A_202] : memref<125x80xi32, #tpu.memory_space<vmem>> -> memref<1x80xi32, #tpu.memory_space<vmem>>
        %dma_wait3A_204 = tpu.memref_squeeze %dma_wait3A_203 : memref<1x80xi32, #tpu.memory_space<vmem>> -> memref<80xi32, #tpu.memory_space<vmem>>
        %dma_wait3A_205 = arith.constant 0 : i32
        %dma_wait3A_206 = arith.constant 0 : i32
        %dma_wait3A_207 = tpu.memref_slice %arg13[%dma_wait3A_205, %dma_wait3A_206] : memref<10000x32xf32, #tpu.memory_space<vmem_shared>> -> memref<10000x32xf32, #tpu.memory_space<vmem_shared>>
        tpu.wait_indirect_dma semaphore(%arg20 : memref<!tpu.dma_semaphore, #tpu.memory_space<semaphore_mem>>) src(%arg9 : memref<80x32xf32, #tpu.memory_space<vmem>>) dst(%dma_wait3A_207 : memref<10000x32xf32, #tpu.memory_space<vmem_shared>>)
        %add3A_208 = arith.constant 5 : i32
        %add3A_209 = arith.addi %add3A_119, %add3A_208 : i32
        %dma_start3A_210 = arith.constant 0 : i32
        %dma_start3A_211 = tpu.memref_slice %arg6[%add3A_209, %dma_start3A_210] : memref<125x80xi32, #tpu.memory_space<vmem>> -> memref<1x80xi32, #tpu.memory_space<vmem>>
        %dma_start3A_212 = tpu.memref_squeeze %dma_start3A_211 : memref<1x80xi32, #tpu.memory_space<vmem>> -> memref<80xi32, #tpu.memory_space<vmem>>
        %dma_start3A_213 = arith.constant 0 : i32
        %dma_start3A_214 = arith.constant 0 : i32
        %dma_start3A_215 = tpu.memref_slice %arg2[%dma_start3A_213, %dma_start3A_214] : memref<10000x32xf32, #tpu.memory_space<hbm>> -> memref<10000x32xf32, #tpu.memory_space<hbm>>
        tpu.enqueue_indirect_dma source(%dma_start3A_215 : memref<10000x32xf32, #tpu.memory_space<hbm>>) target(%arg9 : memref<80x32xf32, #tpu.memory_space<vmem>>) offsets(%dma_start3A_212 : memref<80xi32, #tpu.memory_space<vmem>>) semaphore(%arg15 : memref<!tpu.dma_semaphore, #tpu.memory_space<semaphore_mem>>)
      } else {
      }
      %add3A_139 = arith.constant 2 : i32
      %add3A_140 = arith.addi %add3A_97, %add3A_139 : i32
      %dma_wait3A_141 = arith.constant 0 : i32
      %dma_wait3A_142 = tpu.memref_slice %arg6[%add3A_140, %dma_wait3A_141] : memref<125x80xi32, #tpu.memory_space<vmem>> -> memref<1x80xi32, #tpu.memory_space<vmem>>
      %dma_wait3A_143 = tpu.memref_squeeze %dma_wait3A_142 : memref<1x80xi32, #tpu.memory_space<vmem>> -> memref<80xi32, #tpu.memory_space<vmem>>
      %dma_wait3A_144 = arith.constant 0 : i32
      %dma_wait3A_145 = arith.constant 0 : i32
      %dma_wait3A_146 = tpu.memref_slice %arg2[%dma_wait3A_144, %dma_wait3A_145] : memref<10000x32xf32, #tpu.memory_space<hbm>> -> memref<10000x32xf32, #tpu.memory_space<hbm>>
      tpu.wait_indirect_dma semaphore(%arg16 : memref<!tpu.dma_semaphore, #tpu.memory_space<semaphore_mem>>) src(%dma_wait3A_146 : memref<10000x32xf32, #tpu.memory_space<hbm>>) dst(%arg10 : memref<80x32xf32, #tpu.memory_space<vmem>>)
      %dma_start3A_147 = arith.constant 0 : i32
      %dma_start3A_148 = tpu.memref_slice %arg7[%add3A_140, %dma_start3A_147] : memref<125x80xi32, #tpu.memory_space<vmem>> -> memref<1x80xi32, #tpu.memory_space<vmem>>
      %dma_start3A_149 = tpu.memref_squeeze %dma_start3A_148 : memref<1x80xi32, #tpu.memory_space<vmem>> -> memref<80xi32, #tpu.memory_space<vmem>>
      %dma_start3A_150 = arith.constant 0 : i32
      %dma_start3A_151 = arith.constant 0 : i32
      %dma_start3A_152 = tpu.memref_slice %arg13[%dma_start3A_150, %dma_start3A_151] : memref<10000x32xf32, #tpu.memory_space<vmem_shared>> -> memref<10000x32xf32, #tpu.memory_space<vmem_shared>>
      tpu.enqueue_indirect_dma source(%arg10 : memref<80x32xf32, #tpu.memory_space<vmem>>) target(%dma_start3A_152 : memref<10000x32xf32, #tpu.memory_space<vmem_shared>>) offsets(%dma_start3A_149 : memref<80xi32, #tpu.memory_space<vmem>>) semaphore(%arg21 : memref<!tpu.dma_semaphore, #tpu.memory_space<semaphore_mem>>) {add = true}
      %add3A_153 = arith.constant 5 : i32
      %add3A_154 = arith.addi %add3A_140, %add3A_153 : i32
      %lt3A_155 = arith.constant 125 : i32
      %lt3A_156 = arith.cmpi slt, %add3A_154, %lt3A_155 : i32
      %convert_element_type3A_157 = arith.extui %lt3A_156 : i1 to i32
      %cond3A_158 = arith.constant 0 : i32
      %cond3A_159 = arith.cmpi ne, %convert_element_type3A_157, %cond3A_158 : i32
      scf.if %cond3A_159 {
        %dma_wait3A_202 = arith.constant 0 : i32
        %dma_wait3A_203 = tpu.memref_slice %arg7[%add3A_140, %dma_wait3A_202] : memref<125x80xi32, #tpu.memory_space<vmem>> -> memref<1x80xi32, #tpu.memory_space<vmem>>
        %dma_wait3A_204 = tpu.memref_squeeze %dma_wait3A_203 : memref<1x80xi32, #tpu.memory_space<vmem>> -> memref<80xi32, #tpu.memory_space<vmem>>
        %dma_wait3A_205 = arith.constant 0 : i32
        %dma_wait3A_206 = arith.constant 0 : i32
        %dma_wait3A_207 = tpu.memref_slice %arg13[%dma_wait3A_205, %dma_wait3A_206] : memref<10000x32xf32, #tpu.memory_space<vmem_shared>> -> memref<10000x32xf32, #tpu.memory_space<vmem_shared>>
        tpu.wait_indirect_dma semaphore(%arg21 : memref<!tpu.dma_semaphore, #tpu.memory_space<semaphore_mem>>) src(%arg10 : memref<80x32xf32, #tpu.memory_space<vmem>>) dst(%dma_wait3A_207 : memref<10000x32xf32, #tpu.memory_space<vmem_shared>>)
        %add3A_208 = arith.constant 5 : i32
        %add3A_209 = arith.addi %add3A_140, %add3A_208 : i32
        %dma_start3A_210 = arith.constant 0 : i32
        %dma_start3A_211 = tpu.memref_slice %arg6[%add3A_209, %dma_start3A_210] : memref<125x80xi32, #tpu.memory_space<vmem>> -> memref<1x80xi32, #tpu.memory_space<vmem>>
        %dma_start3A_212 = tpu.memref_squeeze %dma_start3A_211 : memref<1x80xi32, #tpu.memory_space<vmem>> -> memref<80xi32, #tpu.memory_space<vmem>>
        %dma_start3A_213 = arith.constant 0 : i32
        %dma_start3A_214 = arith.constant 0 : i32
        %dma_start3A_215 = tpu.memref_slice %arg2[%dma_start3A_213, %dma_start3A_214] : memref<10000x32xf32, #tpu.memory_space<hbm>> -> memref<10000x32xf32, #tpu.memory_space<hbm>>
        tpu.enqueue_indirect_dma source(%dma_start3A_215 : memref<10000x32xf32, #tpu.memory_space<hbm>>) target(%arg10 : memref<80x32xf32, #tpu.memory_space<vmem>>) offsets(%dma_start3A_212 : memref<80xi32, #tpu.memory_space<vmem>>) semaphore(%arg16 : memref<!tpu.dma_semaphore, #tpu.memory_space<semaphore_mem>>)
      } else {
      }
      %add3A_160 = arith.constant 3 : i32
      %add3A_161 = arith.addi %add3A_97, %add3A_160 : i32
      %dma_wait3A_162 = arith.constant 0 : i32
      %dma_wait3A_163 = tpu.memref_slice %arg6[%add3A_161, %dma_wait3A_162] : memref<125x80xi32, #tpu.memory_space<vmem>> -> memref<1x80xi32, #tpu.memory_space<vmem>>
      %dma_wait3A_164 = tpu.memref_squeeze %dma_wait3A_163 : memref<1x80xi32, #tpu.memory_space<vmem>> -> memref<80xi32, #tpu.memory_space<vmem>>
      %dma_wait3A_165 = arith.constant 0 : i32
      %dma_wait3A_166 = arith.constant 0 : i32
      %dma_wait3A_167 = tpu.memref_slice %arg2[%dma_wait3A_165, %dma_wait3A_166] : memref<10000x32xf32, #tpu.memory_space<hbm>> -> memref<10000x32xf32, #tpu.memory_space<hbm>>
      tpu.wait_indirect_dma semaphore(%arg17 : memref<!tpu.dma_semaphore, #tpu.memory_space<semaphore_mem>>) src(%dma_wait3A_167 : memref<10000x32xf32, #tpu.memory_space<hbm>>) dst(%arg11 : memref<80x32xf32, #tpu.memory_space<vmem>>)
      %dma_start3A_168 = arith.constant 0 : i32
      %dma_start3A_169 = tpu.memref_slice %arg7[%add3A_161, %dma_start3A_168] : memref<125x80xi32, #tpu.memory_space<vmem>> -> memref<1x80xi32, #tpu.memory_space<vmem>>
      %dma_start3A_170 = tpu.memref_squeeze %dma_start3A_169 : memref<1x80xi32, #tpu.memory_space<vmem>> -> memref<80xi32, #tpu.memory_space<vmem>>
      %dma_start3A_171 = arith.constant 0 : i32
      %dma_start3A_172 = arith.constant 0 : i32
      %dma_start3A_173 = tpu.memref_slice %arg13[%dma_start3A_171, %dma_start3A_172] : memref<10000x32xf32, #tpu.memory_space<vmem_shared>> -> memref<10000x32xf32, #tpu.memory_space<vmem_shared>>
      tpu.enqueue_indirect_dma source(%arg11 : memref<80x32xf32, #tpu.memory_space<vmem>>) target(%dma_start3A_173 : memref<10000x32xf32, #tpu.memory_space<vmem_shared>>) offsets(%dma_start3A_170 : memref<80xi32, #tpu.memory_space<vmem>>) semaphore(%arg22 : memref<!tpu.dma_semaphore, #tpu.memory_space<semaphore_mem>>) {add = true}
      %add3A_174 = arith.constant 5 : i32
      %add3A_175 = arith.addi %add3A_161, %add3A_174 : i32
      %lt3A_176 = arith.constant 125 : i32
      %lt3A_177 = arith.cmpi slt, %add3A_175, %lt3A_176 : i32
      %convert_element_type3A_178 = arith.extui %lt3A_177 : i1 to i32
      %cond3A_179 = arith.constant 0 : i32
      %cond3A_180 = arith.cmpi ne, %convert_element_type3A_178, %cond3A_179 : i32
      scf.if %cond3A_180 {
        %dma_wait3A_202 = arith.constant 0 : i32
        %dma_wait3A_203 = tpu.memref_slice %arg7[%add3A_161, %dma_wait3A_202] : memref<125x80xi32, #tpu.memory_space<vmem>> -> memref<1x80xi32, #tpu.memory_space<vmem>>
        %dma_wait3A_204 = tpu.memref_squeeze %dma_wait3A_203 : memref<1x80xi32, #tpu.memory_space<vmem>> -> memref<80xi32, #tpu.memory_space<vmem>>
        %dma_wait3A_205 = arith.constant 0 : i32
        %dma_wait3A_206 = arith.constant 0 : i32
        %dma_wait3A_207 = tpu.memref_slice %arg13[%dma_wait3A_205, %dma_wait3A_206] : memref<10000x32xf32, #tpu.memory_space<vmem_shared>> -> memref<10000x32xf32, #tpu.memory_space<vmem_shared>>
        tpu.wait_indirect_dma semaphore(%arg22 : memref<!tpu.dma_semaphore, #tpu.memory_space<semaphore_mem>>) src(%arg11 : memref<80x32xf32, #tpu.memory_space<vmem>>) dst(%dma_wait3A_207 : memref<10000x32xf32, #tpu.memory_space<vmem_shared>>)
        %add3A_208 = arith.constant 5 : i32
        %add3A_209 = arith.addi %add3A_161, %add3A_208 : i32
        %dma_start3A_210 = arith.constant 0 : i32
        %dma_start3A_211 = tpu.memref_slice %arg6[%add3A_209, %dma_start3A_210] : memref<125x80xi32, #tpu.memory_space<vmem>> -> memref<1x80xi32, #tpu.memory_space<vmem>>
        %dma_start3A_212 = tpu.memref_squeeze %dma_start3A_211 : memref<1x80xi32, #tpu.memory_space<vmem>> -> memref<80xi32, #tpu.memory_space<vmem>>
        %dma_start3A_213 = arith.constant 0 : i32
        %dma_start3A_214 = arith.constant 0 : i32
        %dma_start3A_215 = tpu.memref_slice %arg2[%dma_start3A_213, %dma_start3A_214] : memref<10000x32xf32, #tpu.memory_space<hbm>> -> memref<10000x32xf32, #tpu.memory_space<hbm>>
        tpu.enqueue_indirect_dma source(%dma_start3A_215 : memref<10000x32xf32, #tpu.memory_space<hbm>>) target(%arg11 : memref<80x32xf32, #tpu.memory_space<vmem>>) offsets(%dma_start3A_212 : memref<80xi32, #tpu.memory_space<vmem>>) semaphore(%arg17 : memref<!tpu.dma_semaphore, #tpu.memory_space<semaphore_mem>>)
      } else {
      }
      %add3A_181 = arith.constant 4 : i32
      %add3A_182 = arith.addi %add3A_97, %add3A_181 : i32
      %dma_wait3A_183 = arith.constant 0 : i32
      %dma_wait3A_184 = tpu.memref_slice %arg6[%add3A_182, %dma_wait3A_183] : memref<125x80xi32, #tpu.memory_space<vmem>> -> memref<1x80xi32, #tpu.memory_space<vmem>>
      %dma_wait3A_185 = tpu.memref_squeeze %dma_wait3A_184 : memref<1x80xi32, #tpu.memory_space<vmem>> -> memref<80xi32, #tpu.memory_space<vmem>>
      %dma_wait3A_186 = arith.constant 0 : i32
      %dma_wait3A_187 = arith.constant 0 : i32
      %dma_wait3A_188 = tpu.memref_slice %arg2[%dma_wait3A_186, %dma_wait3A_187] : memref<10000x32xf32, #tpu.memory_space<hbm>> -> memref<10000x32xf32, #tpu.memory_space<hbm>>
      tpu.wait_indirect_dma semaphore(%arg18 : memref<!tpu.dma_semaphore, #tpu.memory_space<semaphore_mem>>) src(%dma_wait3A_188 : memref<10000x32xf32, #tpu.memory_space<hbm>>) dst(%arg12 : memref<80x32xf32, #tpu.memory_space<vmem>>)
      %dma_start3A_189 = arith.constant 0 : i32
      %dma_start3A_190 = tpu.memref_slice %arg7[%add3A_182, %dma_start3A_189] : memref<125x80xi32, #tpu.memory_space<vmem>> -> memref<1x80xi32, #tpu.memory_space<vmem>>
      %dma_start3A_191 = tpu.memref_squeeze %dma_start3A_190 : memref<1x80xi32, #tpu.memory_space<vmem>> -> memref<80xi32, #tpu.memory_space<vmem>>
      %dma_start3A_192 = arith.constant 0 : i32
      %dma_start3A_193 = arith.constant 0 : i32
      %dma_start3A_194 = tpu.memref_slice %arg13[%dma_start3A_192, %dma_start3A_193] : memref<10000x32xf32, #tpu.memory_space<vmem_shared>> -> memref<10000x32xf32, #tpu.memory_space<vmem_shared>>
      tpu.enqueue_indirect_dma source(%arg12 : memref<80x32xf32, #tpu.memory_space<vmem>>) target(%dma_start3A_194 : memref<10000x32xf32, #tpu.memory_space<vmem_shared>>) offsets(%dma_start3A_191 : memref<80xi32, #tpu.memory_space<vmem>>) semaphore(%arg23 : memref<!tpu.dma_semaphore, #tpu.memory_space<semaphore_mem>>) {add = true}
      %add3A_195 = arith.constant 5 : i32
      %add3A_196 = arith.addi %add3A_182, %add3A_195 : i32
      %lt3A_197 = arith.constant 125 : i32
      %lt3A_198 = arith.cmpi slt, %add3A_196, %lt3A_197 : i32
      %convert_element_type3A_199 = arith.extui %lt3A_198 : i1 to i32
      %cond3A_200 = arith.constant 0 : i32
      %cond3A_201 = arith.cmpi ne, %convert_element_type3A_199, %cond3A_200 : i32
      scf.if %cond3A_201 {
        %dma_wait3A_202 = arith.constant 0 : i32
        %dma_wait3A_203 = tpu.memref_slice %arg7[%add3A_182, %dma_wait3A_202] : memref<125x80xi32, #tpu.memory_space<vmem>> -> memref<1x80xi32, #tpu.memory_space<vmem>>
        %dma_wait3A_204 = tpu.memref_squeeze %dma_wait3A_203 : memref<1x80xi32, #tpu.memory_space<vmem>> -> memref<80xi32, #tpu.memory_space<vmem>>
        %dma_wait3A_205 = arith.constant 0 : i32
        %dma_wait3A_206 = arith.constant 0 : i32
        %dma_wait3A_207 = tpu.memref_slice %arg13[%dma_wait3A_205, %dma_wait3A_206] : memref<10000x32xf32, #tpu.memory_space<vmem_shared>> -> memref<10000x32xf32, #tpu.memory_space<vmem_shared>>
        tpu.wait_indirect_dma semaphore(%arg23 : memref<!tpu.dma_semaphore, #tpu.memory_space<semaphore_mem>>) src(%arg12 : memref<80x32xf32, #tpu.memory_space<vmem>>) dst(%dma_wait3A_207 : memref<10000x32xf32, #tpu.memory_space<vmem_shared>>)
        %add3A_208 = arith.constant 5 : i32
        %add3A_209 = arith.addi %add3A_182, %add3A_208 : i32
        %dma_start3A_210 = arith.constant 0 : i32
        %dma_start3A_211 = tpu.memref_slice %arg6[%add3A_209, %dma_start3A_210] : memref<125x80xi32, #tpu.memory_space<vmem>> -> memref<1x80xi32, #tpu.memory_space<vmem>>
        %dma_start3A_212 = tpu.memref_squeeze %dma_start3A_211 : memref<1x80xi32, #tpu.memory_space<vmem>> -> memref<80xi32, #tpu.memory_space<vmem>>
        %dma_start3A_213 = arith.constant 0 : i32
        %dma_start3A_214 = arith.constant 0 : i32
        %dma_start3A_215 = tpu.memref_slice %arg2[%dma_start3A_213, %dma_start3A_214] : memref<10000x32xf32, #tpu.memory_space<hbm>> -> memref<10000x32xf32, #tpu.memory_space<hbm>>
        tpu.enqueue_indirect_dma source(%dma_start3A_215 : memref<10000x32xf32, #tpu.memory_space<hbm>>) target(%arg12 : memref<80x32xf32, #tpu.memory_space<vmem>>) offsets(%dma_start3A_212 : memref<80xi32, #tpu.memory_space<vmem>>) semaphore(%arg18 : memref<!tpu.dma_semaphore, #tpu.memory_space<semaphore_mem>>)
      } else {
      }
    }
    %scan3A_45 = arith.constant 25 : i32
    %dma_wait3A = arith.constant 120 : i32
    %dma_wait3A_46 = arith.constant 0 : i32
    %dma_wait3A_47 = tpu.memref_slice %arg7[%dma_wait3A, %dma_wait3A_46] : memref<125x80xi32, #tpu.memory_space<vmem>> -> memref<1x80xi32, #tpu.memory_space<vmem>>
    %dma_wait3A_48 = tpu.memref_squeeze %dma_wait3A_47 : memref<1x80xi32, #tpu.memory_space<vmem>> -> memref<80xi32, #tpu.memory_space<vmem>>
    %dma_wait3A_49 = arith.constant 0 : i32
    %dma_wait3A_50 = arith.constant 0 : i32
    %dma_wait3A_51 = tpu.memref_slice %arg13[%dma_wait3A_49, %dma_wait3A_50] : memref<10000x32xf32, #tpu.memory_space<vmem_shared>> -> memref<10000x32xf32, #tpu.memory_space<vmem_shared>>
    tpu.wait_indirect_dma semaphore(%arg19 : memref<!tpu.dma_semaphore, #tpu.memory_space<semaphore_mem>>) src(%arg8 : memref<80x32xf32, #tpu.memory_space<vmem>>) dst(%dma_wait3A_51 : memref<10000x32xf32, #tpu.memory_space<vmem_shared>>)
    %dma_wait3A_52 = arith.constant 121 : i32
    %dma_wait3A_53 = arith.constant 0 : i32
    %dma_wait3A_54 = tpu.memref_slice %arg7[%dma_wait3A_52, %dma_wait3A_53] : memref<125x80xi32, #tpu.memory_space<vmem>> -> memref<1x80xi32, #tpu.memory_space<vmem>>
    %dma_wait3A_55 = tpu.memref_squeeze %dma_wait3A_54 : memref<1x80xi32, #tpu.memory_space<vmem>> -> memref<80xi32, #tpu.memory_space<vmem>>
    %dma_wait3A_56 = arith.constant 0 : i32
    %dma_wait3A_57 = arith.constant 0 : i32
    %dma_wait3A_58 = tpu.memref_slice %arg13[%dma_wait3A_56, %dma_wait3A_57] : memref<10000x32xf32, #tpu.memory_space<vmem_shared>> -> memref<10000x32xf32, #tpu.memory_space<vmem_shared>>
    tpu.wait_indirect_dma semaphore(%arg20 : memref<!tpu.dma_semaphore, #tpu.memory_space<semaphore_mem>>) src(%arg9 : memref<80x32xf32, #tpu.memory_space<vmem>>) dst(%dma_wait3A_58 : memref<10000x32xf32, #tpu.memory_space<vmem_shared>>)
    %dma_wait3A_59 = arith.constant 122 : i32
    %dma_wait3A_60 = arith.constant 0 : i32
    %dma_wait3A_61 = tpu.memref_slice %arg7[%dma_wait3A_59, %dma_wait3A_60] : memref<125x80xi32, #tpu.memory_space<vmem>> -> memref<1x80xi32, #tpu.memory_space<vmem>>
    %dma_wait3A_62 = tpu.memref_squeeze %dma_wait3A_61 : memref<1x80xi32, #tpu.memory_space<vmem>> -> memref<80xi32, #tpu.memory_space<vmem>>
    %dma_wait3A_63 = arith.constant 0 : i32
    %dma_wait3A_64 = arith.constant 0 : i32
    %dma_wait3A_65 = tpu.memref_slice %arg13[%dma_wait3A_63, %dma_wait3A_64] : memref<10000x32xf32, #tpu.memory_space<vmem_shared>> -> memref<10000x32xf32, #tpu.memory_space<vmem_shared>>
    tpu.wait_indirect_dma semaphore(%arg21 : memref<!tpu.dma_semaphore, #tpu.memory_space<semaphore_mem>>) src(%arg10 : memref<80x32xf32, #tpu.memory_space<vmem>>) dst(%dma_wait3A_65 : memref<10000x32xf32, #tpu.memory_space<vmem_shared>>)
    %dma_wait3A_66 = arith.constant 123 : i32
    %dma_wait3A_67 = arith.constant 0 : i32
    %dma_wait3A_68 = tpu.memref_slice %arg7[%dma_wait3A_66, %dma_wait3A_67] : memref<125x80xi32, #tpu.memory_space<vmem>> -> memref<1x80xi32, #tpu.memory_space<vmem>>
    %dma_wait3A_69 = tpu.memref_squeeze %dma_wait3A_68 : memref<1x80xi32, #tpu.memory_space<vmem>> -> memref<80xi32, #tpu.memory_space<vmem>>
    %dma_wait3A_70 = arith.constant 0 : i32
    %dma_wait3A_71 = arith.constant 0 : i32
    %dma_wait3A_72 = tpu.memref_slice %arg13[%dma_wait3A_70, %dma_wait3A_71] : memref<10000x32xf32, #tpu.memory_space<vmem_shared>> -> memref<10000x32xf32, #tpu.memory_space<vmem_shared>>
    tpu.wait_indirect_dma semaphore(%arg22 : memref<!tpu.dma_semaphore, #tpu.memory_space<semaphore_mem>>) src(%arg11 : memref<80x32xf32, #tpu.memory_space<vmem>>) dst(%dma_wait3A_72 : memref<10000x32xf32, #tpu.memory_space<vmem_shared>>)
    %dma_wait3A_73 = arith.constant 124 : i32
    %dma_wait3A_74 = arith.constant 0 : i32
    %dma_wait3A_75 = tpu.memref_slice %arg7[%dma_wait3A_73, %dma_wait3A_74] : memref<125x80xi32, #tpu.memory_space<vmem>> -> memref<1x80xi32, #tpu.memory_space<vmem>>
    %dma_wait3A_76 = tpu.memref_squeeze %dma_wait3A_75 : memref<1x80xi32, #tpu.memory_space<vmem>> -> memref<80xi32, #tpu.memory_space<vmem>>
    %dma_wait3A_77 = arith.constant 0 : i32
    %dma_wait3A_78 = arith.constant 0 : i32
    %dma_wait3A_79 = tpu.memref_slice %arg13[%dma_wait3A_77, %dma_wait3A_78] : memref<10000x32xf32, #tpu.memory_space<vmem_shared>> -> memref<10000x32xf32, #tpu.memory_space<vmem_shared>>
    tpu.wait_indirect_dma semaphore(%arg23 : memref<!tpu.dma_semaphore, #tpu.memory_space<semaphore_mem>>) src(%arg12 : memref<80x32xf32, #tpu.memory_space<vmem>>) dst(%dma_wait3A_79 : memref<10000x32xf32, #tpu.memory_space<vmem_shared>>)
    %barrier3A_80 = arith.constant 0 : index
    tpu.barrier barrier_id(%barrier3A_80)
    %mul3A_81 = arith.constant 624 : i32
    %mul3A_82 = arith.muli %arg1, %mul3A_81 : i32
    %mul3A_83 = arith.constant 10000 : i32
    %mul3A_84 = arith.muli %arg0, %mul3A_83 : i32
    %mul3A_85 = arith.constant 624 : i32
    %mul3A_86 = arith.muli %arg1, %mul3A_85 : i32
    %add3A_87 = arith.addi %mul3A_84, %mul3A_86 : i32
    "tpu.region"() ({
      %run_scoped3A_93 = tpu.sem_alloc : memref<!tpu.dma_semaphore, #tpu.memory_space<semaphore_mem>>
      %dma_start3A_94 = arith.constant 0 : i32
      %dma_start3A_95 = tpu.memref_slice %arg5[%add3A_87, %dma_start3A_94] : memref<20000x32xf32, #tpu.memory_space<hbm>> -> memref<624x32xf32, #tpu.memory_space<hbm>>
      %dma_start3A_96 = arith.constant 0 : i32
      %dma_start3A_97 = tpu.memref_slice %arg13[%mul3A_82, %dma_start3A_96] : memref<10000x32xf32, #tpu.memory_space<vmem_shared>> -> memref<624x32xf32, #tpu.memory_space<vmem_shared>>
      tpu.enqueue_dma source(%dma_start3A_97 : memref<624x32xf32, #tpu.memory_space<vmem_shared>>) target(%dma_start3A_95 : memref<624x32xf32, #tpu.memory_space<hbm>>) target_semaphore(%run_scoped3A_93 : memref<!tpu.dma_semaphore, #tpu.memory_space<semaphore_mem>>)
      %dma_wait3A_98 = arith.constant 0 : i32
      %dma_wait3A_99 = tpu.memref_slice %arg5[%add3A_87, %dma_wait3A_98] : memref<20000x32xf32, #tpu.memory_space<hbm>> -> memref<624x32xf32, #tpu.memory_space<hbm>>
      %dma_wait3A_100 = arith.constant 0 : i32
      %dma_wait3A_101 = tpu.memref_slice %arg13[%mul3A_82, %dma_wait3A_100] : memref<10000x32xf32, #tpu.memory_space<vmem_shared>> -> memref<624x32xf32, #tpu.memory_space<vmem_shared>>
      tpu.wait_dma2 semaphore(%run_scoped3A_93 : memref<!tpu.dma_semaphore, #tpu.memory_space<semaphore_mem>>) src(%dma_wait3A_101 : memref<624x32xf32, #tpu.memory_space<vmem_shared>>) dst(%dma_wait3A_99 : memref<624x32xf32, #tpu.memory_space<hbm>>)
      tpu.yield
    }) : () -> ()
    %eq3A_88 = arith.constant 15 : i32
    %eq3A_89 = arith.cmpi eq, %arg1, %eq3A_88 : i32
    %convert_element_type3A_90 = arith.extui %eq3A_89 : i1 to i32
    %cond3A_91 = arith.constant 0 : i32
    %cond3A_92 = arith.cmpi ne, %convert_element_type3A_90, %cond3A_91 : i32
    scf.if %cond3A_92 {
      %mul3A_93 = arith.constant 10000 : i32
      %mul3A_94 = arith.muli %arg0, %mul3A_93 : i32
      %add3A_95 = arith.constant 9984 : i32
      %add3A_96 = arith.addi %mul3A_94, %add3A_95 : i32
      "tpu.region"() ({
        %run_scoped3A_97 = tpu.sem_alloc : memref<!tpu.dma_semaphore, #tpu.memory_space<semaphore_mem>>
        %dma_start3A_98 = arith.constant 0 : i32
        %dma_start3A_99 = tpu.memref_slice %arg5[%add3A_96, %dma_start3A_98] : memref<20000x32xf32, #tpu.memory_space<hbm>> -> memref<16x32xf32, #tpu.memory_space<hbm>>
        %dma_start3A_100 = arith.constant 9984 : i32
        %dma_start3A_101 = arith.constant 0 : i32
        %dma_start3A_102 = tpu.memref_slice %arg13[%dma_start3A_100, %dma_start3A_101] : memref<10000x32xf32, #tpu.memory_space<vmem_shared>> -> memref<16x32xf32, #tpu.memory_space<vmem_shared>>
        tpu.enqueue_dma source(%dma_start3A_102 : memref<16x32xf32, #tpu.memory_space<vmem_shared>>) target(%dma_start3A_99 : memref<16x32xf32, #tpu.memory_space<hbm>>) target_semaphore(%run_scoped3A_97 : memref<!tpu.dma_semaphore, #tpu.memory_space<semaphore_mem>>)
        %dma_wait3A_103 = arith.constant 0 : i32
        %dma_wait3A_104 = tpu.memref_slice %arg5[%add3A_96, %dma_wait3A_103] : memref<20000x32xf32, #tpu.memory_space<hbm>> -> memref<16x32xf32, #tpu.memory_space<hbm>>
        %dma_wait3A_105 = arith.constant 9984 : i32
        %dma_wait3A_106 = arith.constant 0 : i32
        %dma_wait3A_107 = tpu.memref_slice %arg13[%dma_wait3A_105, %dma_wait3A_106] : memref<10000x32xf32, #tpu.memory_space<vmem_shared>> -> memref<16x32xf32, #tpu.memory_space<vmem_shared>>
        tpu.wait_dma2 semaphore(%run_scoped3A_97 : memref<!tpu.dma_semaphore, #tpu.memory_space<semaphore_mem>>) src(%dma_wait3A_107 : memref<16x32xf32, #tpu.memory_space<vmem_shared>>) dst(%dma_wait3A_104 : memref<16x32xf32, #tpu.memory_space<hbm>>)
        tpu.yield
      }) : () -> ()
    } else {
    }
    return
  }
}

#map = affine_map<(d0, d1) -> (0, 0)>
#map1 = affine_map<(d0, d1) -> (0, 0, 0, 0)>
module attributes {stable_mosaic.version = 14 : i64} {
  func.func @body(%arg0: i32, %arg1: i32, %arg2: memref<10000x32xf32, #tpu.memory_space<hbm>>, %arg3: memref<2x32x125x80xi32, #tpu.memory_space<hbm>>, %arg4: memref<10000x32xf32, #tpu.memory_space<hbm>>, %arg5: memref<20000x32xf32, #tpu.memory_space<hbm>>, %arg6: memref<125x80xi32, #tpu.memory_space<vmem>>, %arg7: memref<125x80xi32, #tpu.memory_space<vmem>>, %arg8: memref<80x32xf32, #tpu.memory_space<vmem>>, %arg9: memref<80x32xf32, #tpu.memory_space<vmem>>, %arg10: memref<80x32xf32, #tpu.memory_space<vmem>>, %arg11: memref<80x32xf32, #tpu.memory_space<vmem>>, %arg12: memref<80x32xf32, #tpu.memory_space<vmem>>, %arg13: memref<10000x32xf32, #tpu.memory_space<vmem_shared>>, %arg14: memref<!tpu.dma_semaphore, #tpu.memory_space<semaphore_mem>>, %arg15: memref<!tpu.dma_semaphore, #tpu.memory_space<semaphore_mem>>, %arg16: memref<!tpu.dma_semaphore, #tpu.memory_space<semaphore_mem>>, %arg17: memref<!tpu.dma_semaphore, #tpu.memory_space<semaphore_mem>>, %arg18: memref<!tpu.dma_semaphore, #tpu.memory_space<semaphore_mem>>, %arg19: memref<!tpu.dma_semaphore, #tpu.memory_space<semaphore_mem>>, %arg20: memref<!tpu.dma_semaphore, #tpu.memory_space<semaphore_mem>>, %arg21: memref<!tpu.dma_semaphore, #tpu.memory_space<semaphore_mem>>, %arg22: memref<!tpu.dma_semaphore, #tpu.memory_space<semaphore_mem>>, %arg23: memref<!tpu.dma_semaphore, #tpu.memory_space<semaphore_mem>>) attributes {dimension_semantics = [#tpu.dimension_semantics<core_parallel>, #tpu.dimension_semantics<subcore_parallel>], iteration_bounds = array<i64: 2, 16>, scalar_prefetch = 0 : i64, scratch_operands = 18 : i64, tpu.core_type = #tpu.core_type<sc_vector_subcore>, window_params = [{transform_indices = #map}, {transform_indices = #map1}, {transform_indices = #map}, {transform_indices = #map}]} {
    %mul3A = arith.constant 16 : i32
    %mul3A_0 = arith.muli %arg0, %mul3A : i32
    %add3A = arith.addi %mul3A_0, %arg1 : i32
    %mul3A_1 = arith.constant 624 : i32
    %mul3A_2 = arith.muli %arg1, %mul3A_1 : i32
    %mul3A_3 = arith.constant 624 : i32
    %mul3A_4 = arith.muli %arg1, %mul3A_3 : i32
    "tpu.region"() ({
      %run_scoped3A_93 = tpu.sem_alloc : memref<!tpu.dma_semaphore, #tpu.memory_space<semaphore_mem>>
      %dma_start3A_94 = arith.constant 0 : i32
      %dma_start3A_95 = tpu.memref_slice %arg13[%mul3A_4, %dma_start3A_94] : memref<10000x32xf32, #tpu.memory_space<vmem_shared>> -> memref<624x32xf32, #tpu.memory_space<vmem_shared>>
      %dma_start3A_96 = arith.constant 0 : i32
      %dma_start3A_97 = tpu.memref_slice %arg4[%mul3A_2, %dma_start3A_96] : memref<10000x32xf32, #tpu.memory_space<hbm>> -> memref<624x32xf32, #tpu.memory_space<hbm>>
      tpu.enqueue_dma source(%dma_start3A_97 : memref<624x32xf32, #tpu.memory_space<hbm>>) target(%dma_start3A_95 : memref<624x32xf32, #tpu.memory_space<vmem_shared>>) target_semaphore(%run_scoped3A_93 : memref<!tpu.dma_semaphore, #tpu.memory_space<semaphore_mem>>)
      %dma_wait3A_98 = arith.constant 0 : i32
      %dma_wait3A_99 = tpu.memref_slice %arg13[%mul3A_4, %dma_wait3A_98] : memref<10000x32xf32, #tpu.memory_space<vmem_shared>> -> memref<624x32xf32, #tpu.memory_space<vmem_shared>>
      %dma_wait3A_100 = arith.constant 0 : i32
      %dma_wait3A_101 = tpu.memref_slice %arg4[%mul3A_2, %dma_wait3A_100] : memref<10000x32xf32, #tpu.memory_space<hbm>> -> memref<624x32xf32, #tpu.memory_space<hbm>>
      tpu.wait_dma2 semaphore(%run_scoped3A_93 : memref<!tpu.dma_semaphore, #tpu.memory_space<semaphore_mem>>) src(%dma_wait3A_101 : memref<624x32xf32, #tpu.memory_space<hbm>>) dst(%dma_wait3A_99 : memref<624x32xf32, #tpu.memory_space<vmem_shared>>)
      tpu.yield
    }) : () -> ()
    %eq3A = arith.constant 15 : i32
    %eq3A_5 = arith.cmpi eq, %arg1, %eq3A : i32
    %convert_element_type3A = arith.extui %eq3A_5 : i1 to i32
    %cond3A = arith.constant 0 : i32
    %cond3A_6 = arith.cmpi ne, %convert_element_type3A, %cond3A : i32
    scf.if %cond3A_6 {
      "tpu.region"() ({
        %run_scoped3A_93 = tpu.sem_alloc : memref<!tpu.dma_semaphore, #tpu.memory_space<semaphore_mem>>
        %dma_start3A_94 = arith.constant 9984 : i32
        %dma_start3A_95 = arith.constant 0 : i32
        %dma_start3A_96 = tpu.memref_slice %arg13[%dma_start3A_94, %dma_start3A_95] : memref<10000x32xf32, #tpu.memory_space<vmem_shared>> -> memref<16x32xf32, #tpu.memory_space<vmem_shared>>
        %dma_start3A_97 = arith.constant 9984 : i32
        %dma_start3A_98 = arith.constant 0 : i32
        %dma_start3A_99 = tpu.memref_slice %arg4[%dma_start3A_97, %dma_start3A_98] : memref<10000x32xf32, #tpu.memory_space<hbm>> -> memref<16x32xf32, #tpu.memory_space<hbm>>
        tpu.enqueue_dma source(%dma_start3A_99 : memref<16x32xf32, #tpu.memory_space<hbm>>) target(%dma_start3A_96 : memref<16x32xf32, #tpu.memory_space<vmem_shared>>) target_semaphore(%run_scoped3A_93 : memref<!tpu.dma_semaphore, #tpu.memory_space<semaphore_mem>>)
        %dma_wait3A_100 = arith.constant 9984 : i32
        %dma_wait3A_101 = arith.constant 0 : i32
        %dma_wait3A_102 = tpu.memref_slice %arg13[%dma_wait3A_100, %dma_wait3A_101] : memref<10000x32xf32, #tpu.memory_space<vmem_shared>> -> memref<16x32xf32, #tpu.memory_space<vmem_shared>>
        %dma_wait3A_103 = arith.constant 9984 : i32
        %dma_wait3A_104 = arith.constant 0 : i32
        %dma_wait3A_105 = tpu.memref_slice %arg4[%dma_wait3A_103, %dma_wait3A_104] : memref<10000x32xf32, #tpu.memory_space<hbm>> -> memref<16x32xf32, #tpu.memory_space<hbm>>
        tpu.wait_dma2 semaphore(%run_scoped3A_93 : memref<!tpu.dma_semaphore, #tpu.memory_space<semaphore_mem>>) src(%dma_wait3A_105 : memref<16x32xf32, #tpu.memory_space<hbm>>) dst(%dma_wait3A_102 : memref<16x32xf32, #tpu.memory_space<vmem_shared>>)
        tpu.yield
      }) : () -> ()
    } else {
    }
    %run_scoped3A = arith.constant 0 : i32
    "tpu.region"() ({
      %run_scoped3A_93 = tpu.sem_alloc : memref<!tpu.dma_semaphore, #tpu.memory_space<semaphore_mem>>
      %dma_start3A_94 = arith.constant 0 : i32
      %dma_start3A_95 = arith.constant 0 : i32
      %dma_start3A_96 = tpu.memref_slice %arg3[%run_scoped3A, %add3A, %dma_start3A_94, %dma_start3A_95] : memref<2x32x125x80xi32, #tpu.memory_space<hbm>> -> memref<1x1x125x80xi32, #tpu.memory_space<hbm>>
      %dma_start3A_97 = tpu.memref_squeeze %dma_start3A_96 : memref<1x1x125x80xi32, #tpu.memory_space<hbm>> -> memref<125x80xi32, #tpu.memory_space<hbm>>
      %dma_start3A_98 = arith.constant 0 : i32
      %dma_start3A_99 = arith.constant 0 : i32
      %dma_start3A_100 = tpu.memref_slice %arg3[%run_scoped3A, %add3A, %dma_start3A_98, %dma_start3A_99] : memref<2x32x125x80xi32, #tpu.memory_space<hbm>> -> memref<1x1x125x80xi32, #tpu.memory_space<hbm>>
      %dma_start3A_101 = tpu.memref_squeeze %dma_start3A_100 : memref<1x1x125x80xi32, #tpu.memory_space<hbm>> -> memref<125x80xi32, #tpu.memory_space<hbm>>
      tpu.enqueue_dma source(%dma_start3A_101 : memref<125x80xi32, #tpu.memory_space<hbm>>) target(%arg6 : memref<125x80xi32, #tpu.memory_space<vmem>>) target_semaphore(%run_scoped3A_93 : memref<!tpu.dma_semaphore, #tpu.memory_space<semaphore_mem>>)
      %dma_wait3A_102 = arith.constant 0 : i32
      %dma_wait3A_103 = arith.constant 0 : i32
      %dma_wait3A_104 = tpu.memref_slice %arg3[%run_scoped3A, %add3A, %dma_wait3A_102, %dma_wait3A_103] : memref<2x32x125x80xi32, #tpu.memory_space<hbm>> -> memref<1x1x125x80xi32, #tpu.memory_space<hbm>>
      %dma_wait3A_105 = tpu.memref_squeeze %dma_wait3A_104 : memref<1x1x125x80xi32, #tpu.memory_space<hbm>> -> memref<125x80xi32, #tpu.memory_space<hbm>>
      %dma_wait3A_106 = arith.constant 0 : i32
      %dma_wait3A_107 = arith.constant 0 : i32
      %dma_wait3A_108 = tpu.memref_slice %arg3[%run_scoped3A, %add3A, %dma_wait3A_106, %dma_wait3A_107] : memref<2x32x125x80xi32, #tpu.memory_space<hbm>> -> memref<1x1x125x80xi32, #tpu.memory_space<hbm>>
      %dma_wait3A_109 = tpu.memref_squeeze %dma_wait3A_108 : memref<1x1x125x80xi32, #tpu.memory_space<hbm>> -> memref<125x80xi32, #tpu.memory_space<hbm>>
      tpu.wait_dma2 semaphore(%run_scoped3A_93 : memref<!tpu.dma_semaphore, #tpu.memory_space<semaphore_mem>>) src(%dma_wait3A_109 : memref<125x80xi32, #tpu.memory_space<hbm>>) dst(%arg6 : memref<125x80xi32, #tpu.memory_space<vmem>>)
      tpu.yield
    }) : () -> ()
    %run_scoped3A_7 = arith.constant 1 : i32
    "tpu.region"() ({
      %run_scoped3A_93 = tpu.sem_alloc : memref<!tpu.dma_semaphore, #tpu.memory_space<semaphore_mem>>
      %dma_start3A_94 = arith.constant 0 : i32
      %dma_start3A_95 = arith.constant 0 : i32
      %dma_start3A_96 = tpu.memref_slice %arg3[%run_scoped3A_7, %add3A, %dma_start3A_94, %dma_start3A_95] : memref<2x32x125x80xi32, #tpu.memory_space<hbm>> -> memref<1x1x125x80xi32, #tpu.memory_space<hbm>>
      %dma_start3A_97 = tpu.memref_squeeze %dma_start3A_96 : memref<1x1x125x80xi32, #tpu.memory_space<hbm>> -> memref<125x80xi32, #tpu.memory_space<hbm>>
      %dma_start3A_98 = arith.constant 0 : i32
      %dma_start3A_99 = arith.constant 0 : i32
      %dma_start3A_100 = tpu.memref_slice %arg3[%run_scoped3A_7, %add3A, %dma_start3A_98, %dma_start3A_99] : memref<2x32x125x80xi32, #tpu.memory_space<hbm>> -> memref<1x1x125x80xi32, #tpu.memory_space<hbm>>
      %dma_start3A_101 = tpu.memref_squeeze %dma_start3A_100 : memref<1x1x125x80xi32, #tpu.memory_space<hbm>> -> memref<125x80xi32, #tpu.memory_space<hbm>>
      tpu.enqueue_dma source(%dma_start3A_101 : memref<125x80xi32, #tpu.memory_space<hbm>>) target(%arg7 : memref<125x80xi32, #tpu.memory_space<vmem>>) target_semaphore(%run_scoped3A_93 : memref<!tpu.dma_semaphore, #tpu.memory_space<semaphore_mem>>)
      %dma_wait3A_102 = arith.constant 0 : i32
      %dma_wait3A_103 = arith.constant 0 : i32
      %dma_wait3A_104 = tpu.memref_slice %arg3[%run_scoped3A_7, %add3A, %dma_wait3A_102, %dma_wait3A_103] : memref<2x32x125x80xi32, #tpu.memory_space<hbm>> -> memref<1x1x125x80xi32, #tpu.memory_space<hbm>>
      %dma_wait3A_105 = tpu.memref_squeeze %dma_wait3A_104 : memref<1x1x125x80xi32, #tpu.memory_space<hbm>> -> memref<125x80xi32, #tpu.memory_space<hbm>>
      %dma_wait3A_106 = arith.constant 0 : i32
      %dma_wait3A_107 = arith.constant 0 : i32
      %dma_wait3A_108 = tpu.memref_slice %arg3[%run_scoped3A_7, %add3A, %dma_wait3A_106, %dma_wait3A_107] : memref<2x32x125x80xi32, #tpu.memory_space<hbm>> -> memref<1x1x125x80xi32, #tpu.memory_space<hbm>>
      %dma_wait3A_109 = tpu.memref_squeeze %dma_wait3A_108 : memref<1x1x125x80xi32, #tpu.memory_space<hbm>> -> memref<125x80xi32, #tpu.memory_space<hbm>>
      tpu.wait_dma2 semaphore(%run_scoped3A_93 : memref<!tpu.dma_semaphore, #tpu.memory_space<semaphore_mem>>) src(%dma_wait3A_109 : memref<125x80xi32, #tpu.memory_space<hbm>>) dst(%arg7 : memref<125x80xi32, #tpu.memory_space<vmem>>)
      tpu.yield
    }) : () -> ()
    %barrier3A = arith.constant 0 : index
    tpu.barrier barrier_id(%barrier3A)
    %dma_start3A = arith.constant 0 : i32
    %dma_start3A_8 = arith.constant 0 : i32
    %dma_start3A_9 = tpu.memref_slice %arg6[%dma_start3A, %dma_start3A_8] : memref<125x80xi32, #tpu.memory_space<vmem>> -> memref<1x80xi32, #tpu.memory_space<vmem>>
    %dma_start3A_10 = tpu.memref_squeeze %dma_start3A_9 : memref<1x80xi32, #tpu.memory_space<vmem>> -> memref<80xi32, #tpu.memory_space<vmem>>
    %dma_start3A_11 = arith.constant 0 : i32
    %dma_start3A_12 = arith.constant 0 : i32
    %dma_start3A_13 = tpu.memref_slice %arg2[%dma_start3A_11, %dma_start3A_12] : memref<10000x32xf32, #tpu.memory_space<hbm>> -> memref<10000x32xf32, #tpu.memory_space<hbm>>
    tpu.enqueue_indirect_dma source(%dma_start3A_13 : memref<10000x32xf32, #tpu.memory_space<hbm>>) target(%arg8 : memref<80x32xf32, #tpu.memory_space<vmem>>) offsets(%dma_start3A_10 : memref<80xi32, #tpu.memory_space<vmem>>) semaphore(%arg14 : memref<!tpu.dma_semaphore, #tpu.memory_space<semaphore_mem>>)
    %dma_start3A_14 = arith.constant 1 : i32
    %dma_start3A_15 = arith.constant 0 : i32
    %dma_start3A_16 = tpu.memref_slice %arg6[%dma_start3A_14, %dma_start3A_15] : memref<125x80xi32, #tpu.memory_space<vmem>> -> memref<1x80xi32, #tpu.memory_space<vmem>>
    %dma_start3A_17 = tpu.memref_squeeze %dma_start3A_16 : memref<1x80xi32, #tpu.memory_space<vmem>> -> memref<80xi32, #tpu.memory_space<vmem>>
    %dma_start3A_18 = arith.constant 0 : i32
    %dma_start3A_19 = arith.constant 0 : i32
    %dma_start3A_20 = tpu.memref_slice %arg2[%dma_start3A_18, %dma_start3A_19] : memref<10000x32xf32, #tpu.memory_space<hbm>> -> memref<10000x32xf32, #tpu.memory_space<hbm>>
    tpu.enqueue_indirect_dma source(%dma_start3A_20 : memref<10000x32xf32, #tpu.memory_space<hbm>>) target(%arg9 : memref<80x32xf32, #tpu.memory_space<vmem>>) offsets(%dma_start3A_17 : memref<80xi32, #tpu.memory_space<vmem>>) semaphore(%arg15 : memref<!tpu.dma_semaphore, #tpu.memory_space<semaphore_mem>>)
    %dma_start3A_21 = arith.constant 2 : i32
    %dma_start3A_22 = arith.constant 0 : i32
    %dma_start3A_23 = tpu.memref_slice %arg6[%dma_start3A_21, %dma_start3A_22] : memref<125x80xi32, #tpu.memory_space<vmem>> -> memref<1x80xi32, #tpu.memory_space<vmem>>
    %dma_start3A_24 = tpu.memref_squeeze %dma_start3A_23 : memref<1x80xi32, #tpu.memory_space<vmem>> -> memref<80xi32, #tpu.memory_space<vmem>>
    %dma_start3A_25 = arith.constant 0 : i32
    %dma_start3A_26 = arith.constant 0 : i32
    %dma_start3A_27 = tpu.memref_slice %arg2[%dma_start3A_25, %dma_start3A_26] : memref<10000x32xf32, #tpu.memory_space<hbm>> -> memref<10000x32xf32, #tpu.memory_space<hbm>>
    tpu.enqueue_indirect_dma source(%dma_start3A_27 : memref<10000x32xf32, #tpu.memory_space<hbm>>) target(%arg10 : memref<80x32xf32, #tpu.memory_space<vmem>>) offsets(%dma_start3A_24 : memref<80xi32, #tpu.memory_space<vmem>>) semaphore(%arg16 : memref<!tpu.dma_semaphore, #tpu.memory_space<semaphore_mem>>)
    %dma_start3A_28 = arith.constant 3 : i32
    %dma_start3A_29 = arith.constant 0 : i32
    %dma_start3A_30 = tpu.memref_slice %arg6[%dma_start3A_28, %dma_start3A_29] : memref<125x80xi32, #tpu.memory_space<vmem>> -> memref<1x80xi32, #tpu.memory_space<vmem>>
    %dma_start3A_31 = tpu.memref_squeeze %dma_start3A_30 : memref<1x80xi32, #tpu.memory_space<vmem>> -> memref<80xi32, #tpu.memory_space<vmem>>
    %dma_start3A_32 = arith.constant 0 : i32
    %dma_start3A_33 = arith.constant 0 : i32
    %dma_start3A_34 = tpu.memref_slice %arg2[%dma_start3A_32, %dma_start3A_33] : memref<10000x32xf32, #tpu.memory_space<hbm>> -> memref<10000x32xf32, #tpu.memory_space<hbm>>
    tpu.enqueue_indirect_dma source(%dma_start3A_34 : memref<10000x32xf32, #tpu.memory_space<hbm>>) target(%arg11 : memref<80x32xf32, #tpu.memory_space<vmem>>) offsets(%dma_start3A_31 : memref<80xi32, #tpu.memory_space<vmem>>) semaphore(%arg17 : memref<!tpu.dma_semaphore, #tpu.memory_space<semaphore_mem>>)
    %dma_start3A_35 = arith.constant 4 : i32
    %dma_start3A_36 = arith.constant 0 : i32
    %dma_start3A_37 = tpu.memref_slice %arg6[%dma_start3A_35, %dma_start3A_36] : memref<125x80xi32, #tpu.memory_space<vmem>> -> memref<1x80xi32, #tpu.memory_space<vmem>>
    %dma_start3A_38 = tpu.memref_squeeze %dma_start3A_37 : memref<1x80xi32, #tpu.memory_space<vmem>> -> memref<80xi32, #tpu.memory_space<vmem>>
    %dma_start3A_39 = arith.constant 0 : i32
    %dma_start3A_40 = arith.constant 0 : i32
    %dma_start3A_41 = tpu.memref_slice %arg2[%dma_start3A_39, %dma_start3A_40] : memref<10000x32xf32, #tpu.memory_space<hbm>> -> memref<10000x32xf32, #tpu.memory_space<hbm>>
    tpu.enqueue_indirect_dma source(%dma_start3A_41 : memref<10000x32xf32, #tpu.memory_space<hbm>>) target(%arg12 : memref<80x32xf32, #tpu.memory_space<vmem>>) offsets(%dma_start3A_38 : memref<80xi32, #tpu.memory_space<vmem>>) semaphore(%arg18 : memref<!tpu.dma_semaphore, #tpu.memory_space<semaphore_mem>>)
    %scan3A = arith.constant 0 : i32
    %scan3A_42 = arith.constant 25 : i32
    %scan3A_43 = arith.addi %scan3A, %scan3A_42 : i32
    %scan3A_44 = arith.constant 1 : i32
    scf.for %scan3A_93 = %scan3A to %scan3A_43 step %scan3A_44  : i32 {
      %mul3A_94 = arith.constant 5 : i32
      %mul3A_95 = arith.muli %scan3A_93, %mul3A_94 : i32
      %add3A_96 = arith.constant 0 : i32
      %add3A_97 = arith.addi %add3A_96, %mul3A_95 : i32
      %add3A_98 = arith.constant 0 : i32
      %add3A_99 = arith.addi %add3A_97, %add3A_98 : i32
      %dma_wait3A_100 = arith.constant 0 : i32
      %dma_wait3A_101 = tpu.memref_slice %arg6[%add3A_99, %dma_wait3A_100] : memref<125x80xi32, #tpu.memory_space<vmem>> -> memref<1x80xi32, #tpu.memory_space<vmem>>
      %dma_wait3A_102 = tpu.memref_squeeze %dma_wait3A_101 : memref<1x80xi32, #tpu.memory_space<vmem>> -> memref<80xi32, #tpu.memory_space<vmem>>
      %dma_wait3A_103 = arith.constant 0 : i32
      %dma_wait3A_104 = arith.constant 0 : i32
      %dma_wait3A_105 = tpu.memref_slice %arg2[%dma_wait3A_103, %dma_wait3A_104] : memref<10000x32xf32, #tpu.memory_space<hbm>> -> memref<10000x32xf32, #tpu.memory_space<hbm>>
      tpu.wait_indirect_dma semaphore(%arg14 : memref<!tpu.dma_semaphore, #tpu.memory_space<semaphore_mem>>) src(%dma_wait3A_105 : memref<10000x32xf32, #tpu.memory_space<hbm>>) dst(%arg8 : memref<80x32xf32, #tpu.memory_space<vmem>>)
      %dma_start3A_106 = arith.constant 0 : i32
      %dma_start3A_107 = tpu.memref_slice %arg7[%add3A_99, %dma_start3A_106] : memref<125x80xi32, #tpu.memory_space<vmem>> -> memref<1x80xi32, #tpu.memory_space<vmem>>
      %dma_start3A_108 = tpu.memref_squeeze %dma_start3A_107 : memref<1x80xi32, #tpu.memory_space<vmem>> -> memref<80xi32, #tpu.memory_space<vmem>>
      %dma_start3A_109 = arith.constant 0 : i32
      %dma_start3A_110 = arith.constant 0 : i32
      %dma_start3A_111 = tpu.memref_slice %arg13[%dma_start3A_109, %dma_start3A_110] : memref<10000x32xf32, #tpu.memory_space<vmem_shared>> -> memref<10000x32xf32, #tpu.memory_space<vmem_shared>>
      tpu.enqueue_indirect_dma source(%arg8 : memref<80x32xf32, #tpu.memory_space<vmem>>) target(%dma_start3A_111 : memref<10000x32xf32, #tpu.memory_space<vmem_shared>>) offsets(%dma_start3A_108 : memref<80xi32, #tpu.memory_space<vmem>>) semaphore(%arg19 : memref<!tpu.dma_semaphore, #tpu.memory_space<semaphore_mem>>) {add = true}
      %add3A_112 = arith.constant 5 : i32
      %add3A_113 = arith.addi %add3A_99, %add3A_112 : i32
      %lt3A = arith.constant 125 : i32
      %lt3A_114 = arith.cmpi slt, %add3A_113, %lt3A : i32
      %convert_element_type3A_115 = arith.extui %lt3A_114 : i1 to i32
      %cond3A_116 = arith.constant 0 : i32
      %cond3A_117 = arith.cmpi ne, %convert_element_type3A_115, %cond3A_116 : i32
      scf.if %cond3A_117 {
        %dma_wait3A_202 = arith.constant 0 : i32
        %dma_wait3A_203 = tpu.memref_slice %arg7[%add3A_99, %dma_wait3A_202] : memref<125x80xi32, #tpu.memory_space<vmem>> -> memref<1x80xi32, #tpu.memory_space<vmem>>
        %dma_wait3A_204 = tpu.memref_squeeze %dma_wait3A_203 : memref<1x80xi32, #tpu.memory_space<vmem>> -> memref<80xi32, #tpu.memory_space<vmem>>
        %dma_wait3A_205 = arith.constant 0 : i32
        %dma_wait3A_206 = arith.constant 0 : i32
        %dma_wait3A_207 = tpu.memref_slice %arg13[%dma_wait3A_205, %dma_wait3A_206] : memref<10000x32xf32, #tpu.memory_space<vmem_shared>> -> memref<10000x32xf32, #tpu.memory_space<vmem_shared>>
        tpu.wait_indirect_dma semaphore(%arg19 : memref<!tpu.dma_semaphore, #tpu.memory_space<semaphore_mem>>) src(%arg8 : memref<80x32xf32, #tpu.memory_space<vmem>>) dst(%dma_wait3A_207 : memref<10000x32xf32, #tpu.memory_space<vmem_shared>>)
        %add3A_208 = arith.constant 5 : i32
        %add3A_209 = arith.addi %add3A_99, %add3A_208 : i32
        %dma_start3A_210 = arith.constant 0 : i32
        %dma_start3A_211 = tpu.memref_slice %arg6[%add3A_209, %dma_start3A_210] : memref<125x80xi32, #tpu.memory_space<vmem>> -> memref<1x80xi32, #tpu.memory_space<vmem>>
        %dma_start3A_212 = tpu.memref_squeeze %dma_start3A_211 : memref<1x80xi32, #tpu.memory_space<vmem>> -> memref<80xi32, #tpu.memory_space<vmem>>
        %dma_start3A_213 = arith.constant 0 : i32
        %dma_start3A_214 = arith.constant 0 : i32
        %dma_start3A_215 = tpu.memref_slice %arg2[%dma_start3A_213, %dma_start3A_214] : memref<10000x32xf32, #tpu.memory_space<hbm>> -> memref<10000x32xf32, #tpu.memory_space<hbm>>
        tpu.enqueue_indirect_dma source(%dma_start3A_215 : memref<10000x32xf32, #tpu.memory_space<hbm>>) target(%arg8 : memref<80x32xf32, #tpu.memory_space<vmem>>) offsets(%dma_start3A_212 : memref<80xi32, #tpu.memory_space<vmem>>) semaphore(%arg14 : memref<!tpu.dma_semaphore, #tpu.memory_space<semaphore_mem>>)
      } else {
      }
      %add3A_118 = arith.constant 1 : i32
      %add3A_119 = arith.addi %add3A_97, %add3A_118 : i32
      %dma_wait3A_120 = arith.constant 0 : i32
      %dma_wait3A_121 = tpu.memref_slice %arg6[%add3A_119, %dma_wait3A_120] : memref<125x80xi32, #tpu.memory_space<vmem>> -> memref<1x80xi32, #tpu.memory_space<vmem>>
      %dma_wait3A_122 = tpu.memref_squeeze %dma_wait3A_121 : memref<1x80xi32, #tpu.memory_space<vmem>> -> memref<80xi32, #tpu.memory_space<vmem>>
      %dma_wait3A_123 = arith.constant 0 : i32
      %dma_wait3A_124 = arith.constant 0 : i32
      %dma_wait3A_125 = tpu.memref_slice %arg2[%dma_wait3A_123, %dma_wait3A_124] : memref<10000x32xf32, #tpu.memory_space<hbm>> -> memref<10000x32xf32, #tpu.memory_space<hbm>>
      tpu.wait_indirect_dma semaphore(%arg15 : memref<!tpu.dma_semaphore, #tpu.memory_space<semaphore_mem>>) src(%dma_wait3A_125 : memref<10000x32xf32, #tpu.memory_space<hbm>>) dst(%arg9 : memref<80x32xf32, #tpu.memory_space<vmem>>)
      %dma_start3A_126 = arith.constant 0 : i32
      %dma_start3A_127 = tpu.memref_slice %arg7[%add3A_119, %dma_start3A_126] : memref<125x80xi32, #tpu.memory_space<vmem>> -> memref<1x80xi32, #tpu.memory_space<vmem>>
      %dma_start3A_128 = tpu.memref_squeeze %dma_start3A_127 : memref<1x80xi32, #tpu.memory_space<vmem>> -> memref<80xi32, #tpu.memory_space<vmem>>
      %dma_start3A_129 = arith.constant 0 : i32
      %dma_start3A_130 = arith.constant 0 : i32
      %dma_start3A_131 = tpu.memref_slice %arg13[%dma_start3A_129, %dma_start3A_130] : memref<10000x32xf32, #tpu.memory_space<vmem_shared>> -> memref<10000x32xf32, #tpu.memory_space<vmem_shared>>
      tpu.enqueue_indirect_dma source(%arg9 : memref<80x32xf32, #tpu.memory_space<vmem>>) target(%dma_start3A_131 : memref<10000x32xf32, #tpu.memory_space<vmem_shared>>) offsets(%dma_start3A_128 : memref<80xi32, #tpu.memory_space<vmem>>) semaphore(%arg20 : memref<!tpu.dma_semaphore, #tpu.memory_space<semaphore_mem>>) {add = true}
      %add3A_132 = arith.constant 5 : i32
      %add3A_133 = arith.addi %add3A_119, %add3A_132 : i32
      %lt3A_134 = arith.constant 125 : i32
      %lt3A_135 = arith.cmpi slt, %add3A_133, %lt3A_134 : i32
      %convert_element_type3A_136 = arith.extui %lt3A_135 : i1 to i32
      %cond3A_137 = arith.constant 0 : i32
      %cond3A_138 = arith.cmpi ne, %convert_element_type3A_136, %cond3A_137 : i32
      scf.if %cond3A_138 {
        %dma_wait3A_202 = arith.constant 0 : i32
        %dma_wait3A_203 = tpu.memref_slice %arg7[%add3A_119, %dma_wait3A_202] : memref<125x80xi32, #tpu.memory_space<vmem>> -> memref<1x80xi32, #tpu.memory_space<vmem>>
        %dma_wait3A_204 = tpu.memref_squeeze %dma_wait3A_203 : memref<1x80xi32, #tpu.memory_space<vmem>> -> memref<80xi32, #tpu.memory_space<vmem>>
        %dma_wait3A_205 = arith.constant 0 : i32
        %dma_wait3A_206 = arith.constant 0 : i32
        %dma_wait3A_207 = tpu.memref_slice %arg13[%dma_wait3A_205, %dma_wait3A_206] : memref<10000x32xf32, #tpu.memory_space<vmem_shared>> -> memref<10000x32xf32, #tpu.memory_space<vmem_shared>>
        tpu.wait_indirect_dma semaphore(%arg20 : memref<!tpu.dma_semaphore, #tpu.memory_space<semaphore_mem>>) src(%arg9 : memref<80x32xf32, #tpu.memory_space<vmem>>) dst(%dma_wait3A_207 : memref<10000x32xf32, #tpu.memory_space<vmem_shared>>)
        %add3A_208 = arith.constant 5 : i32
        %add3A_209 = arith.addi %add3A_119, %add3A_208 : i32
        %dma_start3A_210 = arith.constant 0 : i32
        %dma_start3A_211 = tpu.memref_slice %arg6[%add3A_209, %dma_start3A_210] : memref<125x80xi32, #tpu.memory_space<vmem>> -> memref<1x80xi32, #tpu.memory_space<vmem>>
        %dma_start3A_212 = tpu.memref_squeeze %dma_start3A_211 : memref<1x80xi32, #tpu.memory_space<vmem>> -> memref<80xi32, #tpu.memory_space<vmem>>
        %dma_start3A_213 = arith.constant 0 : i32
        %dma_start3A_214 = arith.constant 0 : i32
        %dma_start3A_215 = tpu.memref_slice %arg2[%dma_start3A_213, %dma_start3A_214] : memref<10000x32xf32, #tpu.memory_space<hbm>> -> memref<10000x32xf32, #tpu.memory_space<hbm>>
        tpu.enqueue_indirect_dma source(%dma_start3A_215 : memref<10000x32xf32, #tpu.memory_space<hbm>>) target(%arg9 : memref<80x32xf32, #tpu.memory_space<vmem>>) offsets(%dma_start3A_212 : memref<80xi32, #tpu.memory_space<vmem>>) semaphore(%arg15 : memref<!tpu.dma_semaphore, #tpu.memory_space<semaphore_mem>>)
      } else {
      }
      %add3A_139 = arith.constant 2 : i32
      %add3A_140 = arith.addi %add3A_97, %add3A_139 : i32
      %dma_wait3A_141 = arith.constant 0 : i32
      %dma_wait3A_142 = tpu.memref_slice %arg6[%add3A_140, %dma_wait3A_141] : memref<125x80xi32, #tpu.memory_space<vmem>> -> memref<1x80xi32, #tpu.memory_space<vmem>>
      %dma_wait3A_143 = tpu.memref_squeeze %dma_wait3A_142 : memref<1x80xi32, #tpu.memory_space<vmem>> -> memref<80xi32, #tpu.memory_space<vmem>>
      %dma_wait3A_144 = arith.constant 0 : i32
      %dma_wait3A_145 = arith.constant 0 : i32
      %dma_wait3A_146 = tpu.memref_slice %arg2[%dma_wait3A_144, %dma_wait3A_145] : memref<10000x32xf32, #tpu.memory_space<hbm>> -> memref<10000x32xf32, #tpu.memory_space<hbm>>
      tpu.wait_indirect_dma semaphore(%arg16 : memref<!tpu.dma_semaphore, #tpu.memory_space<semaphore_mem>>) src(%dma_wait3A_146 : memref<10000x32xf32, #tpu.memory_space<hbm>>) dst(%arg10 : memref<80x32xf32, #tpu.memory_space<vmem>>)
      %dma_start3A_147 = arith.constant 0 : i32
      %dma_start3A_148 = tpu.memref_slice %arg7[%add3A_140, %dma_start3A_147] : memref<125x80xi32, #tpu.memory_space<vmem>> -> memref<1x80xi32, #tpu.memory_space<vmem>>
      %dma_start3A_149 = tpu.memref_squeeze %dma_start3A_148 : memref<1x80xi32, #tpu.memory_space<vmem>> -> memref<80xi32, #tpu.memory_space<vmem>>
      %dma_start3A_150 = arith.constant 0 : i32
      %dma_start3A_151 = arith.constant 0 : i32
      %dma_start3A_152 = tpu.memref_slice %arg13[%dma_start3A_150, %dma_start3A_151] : memref<10000x32xf32, #tpu.memory_space<vmem_shared>> -> memref<10000x32xf32, #tpu.memory_space<vmem_shared>>
      tpu.enqueue_indirect_dma source(%arg10 : memref<80x32xf32, #tpu.memory_space<vmem>>) target(%dma_start3A_152 : memref<10000x32xf32, #tpu.memory_space<vmem_shared>>) offsets(%dma_start3A_149 : memref<80xi32, #tpu.memory_space<vmem>>) semaphore(%arg21 : memref<!tpu.dma_semaphore, #tpu.memory_space<semaphore_mem>>) {add = true}
      %add3A_153 = arith.constant 5 : i32
      %add3A_154 = arith.addi %add3A_140, %add3A_153 : i32
      %lt3A_155 = arith.constant 125 : i32
      %lt3A_156 = arith.cmpi slt, %add3A_154, %lt3A_155 : i32
      %convert_element_type3A_157 = arith.extui %lt3A_156 : i1 to i32
      %cond3A_158 = arith.constant 0 : i32
      %cond3A_159 = arith.cmpi ne, %convert_element_type3A_157, %cond3A_158 : i32
      scf.if %cond3A_159 {
        %dma_wait3A_202 = arith.constant 0 : i32
        %dma_wait3A_203 = tpu.memref_slice %arg7[%add3A_140, %dma_wait3A_202] : memref<125x80xi32, #tpu.memory_space<vmem>> -> memref<1x80xi32, #tpu.memory_space<vmem>>
        %dma_wait3A_204 = tpu.memref_squeeze %dma_wait3A_203 : memref<1x80xi32, #tpu.memory_space<vmem>> -> memref<80xi32, #tpu.memory_space<vmem>>
        %dma_wait3A_205 = arith.constant 0 : i32
        %dma_wait3A_206 = arith.constant 0 : i32
        %dma_wait3A_207 = tpu.memref_slice %arg13[%dma_wait3A_205, %dma_wait3A_206] : memref<10000x32xf32, #tpu.memory_space<vmem_shared>> -> memref<10000x32xf32, #tpu.memory_space<vmem_shared>>
        tpu.wait_indirect_dma semaphore(%arg21 : memref<!tpu.dma_semaphore, #tpu.memory_space<semaphore_mem>>) src(%arg10 : memref<80x32xf32, #tpu.memory_space<vmem>>) dst(%dma_wait3A_207 : memref<10000x32xf32, #tpu.memory_space<vmem_shared>>)
        %add3A_208 = arith.constant 5 : i32
        %add3A_209 = arith.addi %add3A_140, %add3A_208 : i32
        %dma_start3A_210 = arith.constant 0 : i32
        %dma_start3A_211 = tpu.memref_slice %arg6[%add3A_209, %dma_start3A_210] : memref<125x80xi32, #tpu.memory_space<vmem>> -> memref<1x80xi32, #tpu.memory_space<vmem>>
        %dma_start3A_212 = tpu.memref_squeeze %dma_start3A_211 : memref<1x80xi32, #tpu.memory_space<vmem>> -> memref<80xi32, #tpu.memory_space<vmem>>
        %dma_start3A_213 = arith.constant 0 : i32
        %dma_start3A_214 = arith.constant 0 : i32
        %dma_start3A_215 = tpu.memref_slice %arg2[%dma_start3A_213, %dma_start3A_214] : memref<10000x32xf32, #tpu.memory_space<hbm>> -> memref<10000x32xf32, #tpu.memory_space<hbm>>
        tpu.enqueue_indirect_dma source(%dma_start3A_215 : memref<10000x32xf32, #tpu.memory_space<hbm>>) target(%arg10 : memref<80x32xf32, #tpu.memory_space<vmem>>) offsets(%dma_start3A_212 : memref<80xi32, #tpu.memory_space<vmem>>) semaphore(%arg16 : memref<!tpu.dma_semaphore, #tpu.memory_space<semaphore_mem>>)
      } else {
      }
      %add3A_160 = arith.constant 3 : i32
      %add3A_161 = arith.addi %add3A_97, %add3A_160 : i32
      %dma_wait3A_162 = arith.constant 0 : i32
      %dma_wait3A_163 = tpu.memref_slice %arg6[%add3A_161, %dma_wait3A_162] : memref<125x80xi32, #tpu.memory_space<vmem>> -> memref<1x80xi32, #tpu.memory_space<vmem>>
      %dma_wait3A_164 = tpu.memref_squeeze %dma_wait3A_163 : memref<1x80xi32, #tpu.memory_space<vmem>> -> memref<80xi32, #tpu.memory_space<vmem>>
      %dma_wait3A_165 = arith.constant 0 : i32
      %dma_wait3A_166 = arith.constant 0 : i32
      %dma_wait3A_167 = tpu.memref_slice %arg2[%dma_wait3A_165, %dma_wait3A_166] : memref<10000x32xf32, #tpu.memory_space<hbm>> -> memref<10000x32xf32, #tpu.memory_space<hbm>>
      tpu.wait_indirect_dma semaphore(%arg17 : memref<!tpu.dma_semaphore, #tpu.memory_space<semaphore_mem>>) src(%dma_wait3A_167 : memref<10000x32xf32, #tpu.memory_space<hbm>>) dst(%arg11 : memref<80x32xf32, #tpu.memory_space<vmem>>)
      %dma_start3A_168 = arith.constant 0 : i32
      %dma_start3A_169 = tpu.memref_slice %arg7[%add3A_161, %dma_start3A_168] : memref<125x80xi32, #tpu.memory_space<vmem>> -> memref<1x80xi32, #tpu.memory_space<vmem>>
      %dma_start3A_170 = tpu.memref_squeeze %dma_start3A_169 : memref<1x80xi32, #tpu.memory_space<vmem>> -> memref<80xi32, #tpu.memory_space<vmem>>
      %dma_start3A_171 = arith.constant 0 : i32
      %dma_start3A_172 = arith.constant 0 : i32
      %dma_start3A_173 = tpu.memref_slice %arg13[%dma_start3A_171, %dma_start3A_172] : memref<10000x32xf32, #tpu.memory_space<vmem_shared>> -> memref<10000x32xf32, #tpu.memory_space<vmem_shared>>
      tpu.enqueue_indirect_dma source(%arg11 : memref<80x32xf32, #tpu.memory_space<vmem>>) target(%dma_start3A_173 : memref<10000x32xf32, #tpu.memory_space<vmem_shared>>) offsets(%dma_start3A_170 : memref<80xi32, #tpu.memory_space<vmem>>) semaphore(%arg22 : memref<!tpu.dma_semaphore, #tpu.memory_space<semaphore_mem>>) {add = true}
      %add3A_174 = arith.constant 5 : i32
      %add3A_175 = arith.addi %add3A_161, %add3A_174 : i32
      %lt3A_176 = arith.constant 125 : i32
      %lt3A_177 = arith.cmpi slt, %add3A_175, %lt3A_176 : i32
      %convert_element_type3A_178 = arith.extui %lt3A_177 : i1 to i32
      %cond3A_179 = arith.constant 0 : i32
      %cond3A_180 = arith.cmpi ne, %convert_element_type3A_178, %cond3A_179 : i32
      scf.if %cond3A_180 {
        %dma_wait3A_202 = arith.constant 0 : i32
        %dma_wait3A_203 = tpu.memref_slice %arg7[%add3A_161, %dma_wait3A_202] : memref<125x80xi32, #tpu.memory_space<vmem>> -> memref<1x80xi32, #tpu.memory_space<vmem>>
        %dma_wait3A_204 = tpu.memref_squeeze %dma_wait3A_203 : memref<1x80xi32, #tpu.memory_space<vmem>> -> memref<80xi32, #tpu.memory_space<vmem>>
        %dma_wait3A_205 = arith.constant 0 : i32
        %dma_wait3A_206 = arith.constant 0 : i32
        %dma_wait3A_207 = tpu.memref_slice %arg13[%dma_wait3A_205, %dma_wait3A_206] : memref<10000x32xf32, #tpu.memory_space<vmem_shared>> -> memref<10000x32xf32, #tpu.memory_space<vmem_shared>>
        tpu.wait_indirect_dma semaphore(%arg22 : memref<!tpu.dma_semaphore, #tpu.memory_space<semaphore_mem>>) src(%arg11 : memref<80x32xf32, #tpu.memory_space<vmem>>) dst(%dma_wait3A_207 : memref<10000x32xf32, #tpu.memory_space<vmem_shared>>)
        %add3A_208 = arith.constant 5 : i32
        %add3A_209 = arith.addi %add3A_161, %add3A_208 : i32
        %dma_start3A_210 = arith.constant 0 : i32
        %dma_start3A_211 = tpu.memref_slice %arg6[%add3A_209, %dma_start3A_210] : memref<125x80xi32, #tpu.memory_space<vmem>> -> memref<1x80xi32, #tpu.memory_space<vmem>>
        %dma_start3A_212 = tpu.memref_squeeze %dma_start3A_211 : memref<1x80xi32, #tpu.memory_space<vmem>> -> memref<80xi32, #tpu.memory_space<vmem>>
        %dma_start3A_213 = arith.constant 0 : i32
        %dma_start3A_214 = arith.constant 0 : i32
        %dma_start3A_215 = tpu.memref_slice %arg2[%dma_start3A_213, %dma_start3A_214] : memref<10000x32xf32, #tpu.memory_space<hbm>> -> memref<10000x32xf32, #tpu.memory_space<hbm>>
        tpu.enqueue_indirect_dma source(%dma_start3A_215 : memref<10000x32xf32, #tpu.memory_space<hbm>>) target(%arg11 : memref<80x32xf32, #tpu.memory_space<vmem>>) offsets(%dma_start3A_212 : memref<80xi32, #tpu.memory_space<vmem>>) semaphore(%arg17 : memref<!tpu.dma_semaphore, #tpu.memory_space<semaphore_mem>>)
      } else {
      }
      %add3A_181 = arith.constant 4 : i32
      %add3A_182 = arith.addi %add3A_97, %add3A_181 : i32
      %dma_wait3A_183 = arith.constant 0 : i32
      %dma_wait3A_184 = tpu.memref_slice %arg6[%add3A_182, %dma_wait3A_183] : memref<125x80xi32, #tpu.memory_space<vmem>> -> memref<1x80xi32, #tpu.memory_space<vmem>>
      %dma_wait3A_185 = tpu.memref_squeeze %dma_wait3A_184 : memref<1x80xi32, #tpu.memory_space<vmem>> -> memref<80xi32, #tpu.memory_space<vmem>>
      %dma_wait3A_186 = arith.constant 0 : i32
      %dma_wait3A_187 = arith.constant 0 : i32
      %dma_wait3A_188 = tpu.memref_slice %arg2[%dma_wait3A_186, %dma_wait3A_187] : memref<10000x32xf32, #tpu.memory_space<hbm>> -> memref<10000x32xf32, #tpu.memory_space<hbm>>
      tpu.wait_indirect_dma semaphore(%arg18 : memref<!tpu.dma_semaphore, #tpu.memory_space<semaphore_mem>>) src(%dma_wait3A_188 : memref<10000x32xf32, #tpu.memory_space<hbm>>) dst(%arg12 : memref<80x32xf32, #tpu.memory_space<vmem>>)
      %dma_start3A_189 = arith.constant 0 : i32
      %dma_start3A_190 = tpu.memref_slice %arg7[%add3A_182, %dma_start3A_189] : memref<125x80xi32, #tpu.memory_space<vmem>> -> memref<1x80xi32, #tpu.memory_space<vmem>>
      %dma_start3A_191 = tpu.memref_squeeze %dma_start3A_190 : memref<1x80xi32, #tpu.memory_space<vmem>> -> memref<80xi32, #tpu.memory_space<vmem>>
      %dma_start3A_192 = arith.constant 0 : i32
      %dma_start3A_193 = arith.constant 0 : i32
      %dma_start3A_194 = tpu.memref_slice %arg13[%dma_start3A_192, %dma_start3A_193] : memref<10000x32xf32, #tpu.memory_space<vmem_shared>> -> memref<10000x32xf32, #tpu.memory_space<vmem_shared>>
      tpu.enqueue_indirect_dma source(%arg12 : memref<80x32xf32, #tpu.memory_space<vmem>>) target(%dma_start3A_194 : memref<10000x32xf32, #tpu.memory_space<vmem_shared>>) offsets(%dma_start3A_191 : memref<80xi32, #tpu.memory_space<vmem>>) semaphore(%arg23 : memref<!tpu.dma_semaphore, #tpu.memory_space<semaphore_mem>>) {add = true}
      %add3A_195 = arith.constant 5 : i32
      %add3A_196 = arith.addi %add3A_182, %add3A_195 : i32
      %lt3A_197 = arith.constant 125 : i32
      %lt3A_198 = arith.cmpi slt, %add3A_196, %lt3A_197 : i32
      %convert_element_type3A_199 = arith.extui %lt3A_198 : i1 to i32
      %cond3A_200 = arith.constant 0 : i32
      %cond3A_201 = arith.cmpi ne, %convert_element_type3A_199, %cond3A_200 : i32
      scf.if %cond3A_201 {
        %dma_wait3A_202 = arith.constant 0 : i32
        %dma_wait3A_203 = tpu.memref_slice %arg7[%add3A_182, %dma_wait3A_202] : memref<125x80xi32, #tpu.memory_space<vmem>> -> memref<1x80xi32, #tpu.memory_space<vmem>>
        %dma_wait3A_204 = tpu.memref_squeeze %dma_wait3A_203 : memref<1x80xi32, #tpu.memory_space<vmem>> -> memref<80xi32, #tpu.memory_space<vmem>>
        %dma_wait3A_205 = arith.constant 0 : i32
        %dma_wait3A_206 = arith.constant 0 : i32
        %dma_wait3A_207 = tpu.memref_slice %arg13[%dma_wait3A_205, %dma_wait3A_206] : memref<10000x32xf32, #tpu.memory_space<vmem_shared>> -> memref<10000x32xf32, #tpu.memory_space<vmem_shared>>
        tpu.wait_indirect_dma semaphore(%arg23 : memref<!tpu.dma_semaphore, #tpu.memory_space<semaphore_mem>>) src(%arg12 : memref<80x32xf32, #tpu.memory_space<vmem>>) dst(%dma_wait3A_207 : memref<10000x32xf32, #tpu.memory_space<vmem_shared>>)
        %add3A_208 = arith.constant 5 : i32
        %add3A_209 = arith.addi %add3A_182, %add3A_208 : i32
        %dma_start3A_210 = arith.constant 0 : i32
        %dma_start3A_211 = tpu.memref_slice %arg6[%add3A_209, %dma_start3A_210] : memref<125x80xi32, #tpu.memory_space<vmem>> -> memref<1x80xi32, #tpu.memory_space<vmem>>
        %dma_start3A_212 = tpu.memref_squeeze %dma_start3A_211 : memref<1x80xi32, #tpu.memory_space<vmem>> -> memref<80xi32, #tpu.memory_space<vmem>>
        %dma_start3A_213 = arith.constant 0 : i32
        %dma_start3A_214 = arith.constant 0 : i32
        %dma_start3A_215 = tpu.memref_slice %arg2[%dma_start3A_213, %dma_start3A_214] : memref<10000x32xf32, #tpu.memory_space<hbm>> -> memref<10000x32xf32, #tpu.memory_space<hbm>>
        tpu.enqueue_indirect_dma source(%dma_start3A_215 : memref<10000x32xf32, #tpu.memory_space<hbm>>) target(%arg12 : memref<80x32xf32, #tpu.memory_space<vmem>>) offsets(%dma_start3A_212 : memref<80xi32, #tpu.memory_space<vmem>>) semaphore(%arg18 : memref<!tpu.dma_semaphore, #tpu.memory_space<semaphore_mem>>)
      } else {
      }
    }
    %scan3A_45 = arith.constant 25 : i32
    %dma_wait3A = arith.constant 120 : i32
    %dma_wait3A_46 = arith.constant 0 : i32
    %dma_wait3A_47 = tpu.memref_slice %arg7[%dma_wait3A, %dma_wait3A_46] : memref<125x80xi32, #tpu.memory_space<vmem>> -> memref<1x80xi32, #tpu.memory_space<vmem>>
    %dma_wait3A_48 = tpu.memref_squeeze %dma_wait3A_47 : memref<1x80xi32, #tpu.memory_space<vmem>> -> memref<80xi32, #tpu.memory_space<vmem>>
    %dma_wait3A_49 = arith.constant 0 : i32
    %dma_wait3A_50 = arith.constant 0 : i32
    %dma_wait3A_51 = tpu.memref_slice %arg13[%dma_wait3A_49, %dma_wait3A_50] : memref<10000x32xf32, #tpu.memory_space<vmem_shared>> -> memref<10000x32xf32, #tpu.memory_space<vmem_shared>>
    tpu.wait_indirect_dma semaphore(%arg19 : memref<!tpu.dma_semaphore, #tpu.memory_space<semaphore_mem>>) src(%arg8 : memref<80x32xf32, #tpu.memory_space<vmem>>) dst(%dma_wait3A_51 : memref<10000x32xf32, #tpu.memory_space<vmem_shared>>)
    %dma_wait3A_52 = arith.constant 121 : i32
    %dma_wait3A_53 = arith.constant 0 : i32
    %dma_wait3A_54 = tpu.memref_slice %arg7[%dma_wait3A_52, %dma_wait3A_53] : memref<125x80xi32, #tpu.memory_space<vmem>> -> memref<1x80xi32, #tpu.memory_space<vmem>>
    %dma_wait3A_55 = tpu.memref_squeeze %dma_wait3A_54 : memref<1x80xi32, #tpu.memory_space<vmem>> -> memref<80xi32, #tpu.memory_space<vmem>>
    %dma_wait3A_56 = arith.constant 0 : i32
    %dma_wait3A_57 = arith.constant 0 : i32
    %dma_wait3A_58 = tpu.memref_slice %arg13[%dma_wait3A_56, %dma_wait3A_57] : memref<10000x32xf32, #tpu.memory_space<vmem_shared>> -> memref<10000x32xf32, #tpu.memory_space<vmem_shared>>
    tpu.wait_indirect_dma semaphore(%arg20 : memref<!tpu.dma_semaphore, #tpu.memory_space<semaphore_mem>>) src(%arg9 : memref<80x32xf32, #tpu.memory_space<vmem>>) dst(%dma_wait3A_58 : memref<10000x32xf32, #tpu.memory_space<vmem_shared>>)
    %dma_wait3A_59 = arith.constant 122 : i32
    %dma_wait3A_60 = arith.constant 0 : i32
    %dma_wait3A_61 = tpu.memref_slice %arg7[%dma_wait3A_59, %dma_wait3A_60] : memref<125x80xi32, #tpu.memory_space<vmem>> -> memref<1x80xi32, #tpu.memory_space<vmem>>
    %dma_wait3A_62 = tpu.memref_squeeze %dma_wait3A_61 : memref<1x80xi32, #tpu.memory_space<vmem>> -> memref<80xi32, #tpu.memory_space<vmem>>
    %dma_wait3A_63 = arith.constant 0 : i32
    %dma_wait3A_64 = arith.constant 0 : i32
    %dma_wait3A_65 = tpu.memref_slice %arg13[%dma_wait3A_63, %dma_wait3A_64] : memref<10000x32xf32, #tpu.memory_space<vmem_shared>> -> memref<10000x32xf32, #tpu.memory_space<vmem_shared>>
    tpu.wait_indirect_dma semaphore(%arg21 : memref<!tpu.dma_semaphore, #tpu.memory_space<semaphore_mem>>) src(%arg10 : memref<80x32xf32, #tpu.memory_space<vmem>>) dst(%dma_wait3A_65 : memref<10000x32xf32, #tpu.memory_space<vmem_shared>>)
    %dma_wait3A_66 = arith.constant 123 : i32
    %dma_wait3A_67 = arith.constant 0 : i32
    %dma_wait3A_68 = tpu.memref_slice %arg7[%dma_wait3A_66, %dma_wait3A_67] : memref<125x80xi32, #tpu.memory_space<vmem>> -> memref<1x80xi32, #tpu.memory_space<vmem>>
    %dma_wait3A_69 = tpu.memref_squeeze %dma_wait3A_68 : memref<1x80xi32, #tpu.memory_space<vmem>> -> memref<80xi32, #tpu.memory_space<vmem>>
    %dma_wait3A_70 = arith.constant 0 : i32
    %dma_wait3A_71 = arith.constant 0 : i32
    %dma_wait3A_72 = tpu.memref_slice %arg13[%dma_wait3A_70, %dma_wait3A_71] : memref<10000x32xf32, #tpu.memory_space<vmem_shared>> -> memref<10000x32xf32, #tpu.memory_space<vmem_shared>>
    tpu.wait_indirect_dma semaphore(%arg22 : memref<!tpu.dma_semaphore, #tpu.memory_space<semaphore_mem>>) src(%arg11 : memref<80x32xf32, #tpu.memory_space<vmem>>) dst(%dma_wait3A_72 : memref<10000x32xf32, #tpu.memory_space<vmem_shared>>)
    %dma_wait3A_73 = arith.constant 124 : i32
    %dma_wait3A_74 = arith.constant 0 : i32
    %dma_wait3A_75 = tpu.memref_slice %arg7[%dma_wait3A_73, %dma_wait3A_74] : memref<125x80xi32, #tpu.memory_space<vmem>> -> memref<1x80xi32, #tpu.memory_space<vmem>>
    %dma_wait3A_76 = tpu.memref_squeeze %dma_wait3A_75 : memref<1x80xi32, #tpu.memory_space<vmem>> -> memref<80xi32, #tpu.memory_space<vmem>>
    %dma_wait3A_77 = arith.constant 0 : i32
    %dma_wait3A_78 = arith.constant 0 : i32
    %dma_wait3A_79 = tpu.memref_slice %arg13[%dma_wait3A_77, %dma_wait3A_78] : memref<10000x32xf32, #tpu.memory_space<vmem_shared>> -> memref<10000x32xf32, #tpu.memory_space<vmem_shared>>
    tpu.wait_indirect_dma semaphore(%arg23 : memref<!tpu.dma_semaphore, #tpu.memory_space<semaphore_mem>>) src(%arg12 : memref<80x32xf32, #tpu.memory_space<vmem>>) dst(%dma_wait3A_79 : memref<10000x32xf32, #tpu.memory_space<vmem_shared>>)
    %barrier3A_80 = arith.constant 0 : index
    tpu.barrier barrier_id(%barrier3A_80)
    %mul3A_81 = arith.constant 624 : i32
    %mul3A_82 = arith.muli %arg1, %mul3A_81 : i32
    %mul3A_83 = arith.constant 10000 : i32
    %mul3A_84 = arith.muli %arg0, %mul3A_83 : i32
    %mul3A_85 = arith.constant 624 : i32
    %mul3A_86 = arith.muli %arg1, %mul3A_85 : i32
    %add3A_87 = arith.addi %mul3A_84, %mul3A_86 : i32
    "tpu.region"() ({
      %run_scoped3A_93 = tpu.sem_alloc : memref<!tpu.dma_semaphore, #tpu.memory_space<semaphore_mem>>
      %dma_start3A_94 = arith.constant 0 : i32
      %dma_start3A_95 = tpu.memref_slice %arg5[%add3A_87, %dma_start3A_94] : memref<20000x32xf32, #tpu.memory_space<hbm>> -> memref<624x32xf32, #tpu.memory_space<hbm>>
      %dma_start3A_96 = arith.constant 0 : i32
      %dma_start3A_97 = tpu.memref_slice %arg13[%mul3A_82, %dma_start3A_96] : memref<10000x32xf32, #tpu.memory_space<vmem_shared>> -> memref<624x32xf32, #tpu.memory_space<vmem_shared>>
      tpu.enqueue_dma source(%dma_start3A_97 : memref<624x32xf32, #tpu.memory_space<vmem_shared>>) target(%dma_start3A_95 : memref<624x32xf32, #tpu.memory_space<hbm>>) target_semaphore(%run_scoped3A_93 : memref<!tpu.dma_semaphore, #tpu.memory_space<semaphore_mem>>)
      %dma_wait3A_98 = arith.constant 0 : i32
      %dma_wait3A_99 = tpu.memref_slice %arg5[%add3A_87, %dma_wait3A_98] : memref<20000x32xf32, #tpu.memory_space<hbm>> -> memref<624x32xf32, #tpu.memory_space<hbm>>
      %dma_wait3A_100 = arith.constant 0 : i32
      %dma_wait3A_101 = tpu.memref_slice %arg13[%mul3A_82, %dma_wait3A_100] : memref<10000x32xf32, #tpu.memory_space<vmem_shared>> -> memref<624x32xf32, #tpu.memory_space<vmem_shared>>
      tpu.wait_dma2 semaphore(%run_scoped3A_93 : memref<!tpu.dma_semaphore, #tpu.memory_space<semaphore_mem>>) src(%dma_wait3A_101 : memref<624x32xf32, #tpu.memory_space<vmem_shared>>) dst(%dma_wait3A_99 : memref<624x32xf32, #tpu.memory_space<hbm>>)
      tpu.yield
    }) : () -> ()
    %eq3A_88 = arith.constant 15 : i32
    %eq3A_89 = arith.cmpi eq, %arg1, %eq3A_88 : i32
    %convert_element_type3A_90 = arith.extui %eq3A_89 : i1 to i32
    %cond3A_91 = arith.constant 0 : i32
    %cond3A_92 = arith.cmpi ne, %convert_element_type3A_90, %cond3A_91 : i32
    scf.if %cond3A_92 {
      %mul3A_93 = arith.constant 10000 : i32
      %mul3A_94 = arith.muli %arg0, %mul3A_93 : i32
      %add3A_95 = arith.constant 9984 : i32
      %add3A_96 = arith.addi %mul3A_94, %add3A_95 : i32
      "tpu.region"() ({
        %run_scoped3A_97 = tpu.sem_alloc : memref<!tpu.dma_semaphore, #tpu.memory_space<semaphore_mem>>
        %dma_start3A_98 = arith.constant 0 : i32
        %dma_start3A_99 = tpu.memref_slice %arg5[%add3A_96, %dma_start3A_98] : memref<20000x32xf32, #tpu.memory_space<hbm>> -> memref<16x32xf32, #tpu.memory_space<hbm>>
        %dma_start3A_100 = arith.constant 9984 : i32
        %dma_start3A_101 = arith.constant 0 : i32
        %dma_start3A_102 = tpu.memref_slice %arg13[%dma_start3A_100, %dma_start3A_101] : memref<10000x32xf32, #tpu.memory_space<vmem_shared>> -> memref<16x32xf32, #tpu.memory_space<vmem_shared>>
        tpu.enqueue_dma source(%dma_start3A_102 : memref<16x32xf32, #tpu.memory_space<vmem_shared>>) target(%dma_start3A_99 : memref<16x32xf32, #tpu.memory_space<hbm>>) target_semaphore(%run_scoped3A_97 : memref<!tpu.dma_semaphore, #tpu.memory_space<semaphore_mem>>)
        %dma_wait3A_103 = arith.constant 0 : i32
        %dma_wait3A_104 = tpu.memref_slice %arg5[%add3A_96, %dma_wait3A_103] : memref<20000x32xf32, #tpu.memory_space<hbm>> -> memref<16x32xf32, #tpu.memory_space<hbm>>
        %dma_wait3A_105 = arith.constant 9984 : i32
        %dma_wait3A_106 = arith.constant 0 : i32
        %dma_wait3A_107 = tpu.memref_slice %arg13[%dma_wait3A_105, %dma_wait3A_106] : memref<10000x32xf32, #tpu.memory_space<vmem_shared>> -> memref<16x32xf32, #tpu.memory_space<vmem_shared>>
        tpu.wait_dma2 semaphore(%run_scoped3A_97 : memref<!tpu.dma_semaphore, #tpu.memory_space<semaphore_mem>>) src(%dma_wait3A_107 : memref<16x32xf32, #tpu.memory_space<vmem_shared>>) dst(%dma_wait3A_104 : memref<16x32xf32, #tpu.memory_space<hbm>>)
        tpu.yield
      }) : () -> ()
    } else {
    }
    return
  }
}

module attributes {stable_mosaic.version = 14 : i64} {
  func.func @body(%arg0: memref<20000x8xf32, #tpu.memory_space<vmem>>, %arg1: memref<10000x128xf32, #tpu.memory_space<vmem>>, %arg2: memref<128x64xf32, #tpu.memory_space<vmem>>, %arg3: memref<10000x8xf32, #tpu.memory_space<vmem>>, %arg4: memref<10000x64xf32, #tpu.memory_space<vmem>>) attributes {dimension_semantics = [], scalar_prefetch = 0 : i64, scratch_operands = 0 : i64, tpu.core_type = #tpu.core_type<tc>} {
    %get3A = arith.constant 0 : index
    %get3A_0 = arith.constant 0 : index
    %get3A_1 = vector.load %arg0[%get3A, %get3A_0] : memref<20000x8xf32, #tpu.memory_space<vmem>>, vector<10000x8xf32>
    %get3A_2 = arith.constant 10000 : index
    %get3A_3 = arith.constant 0 : index
    %get3A_4 = vector.load %arg0[%get3A_2, %get3A_3] : memref<20000x8xf32, #tpu.memory_space<vmem>>, vector<10000x8xf32>
    %add3A = arith.addf %get3A_1, %get3A_4 : vector<10000x8xf32>
    %add3A_5 = arith.constant 1.000000e+00 : f32
    %add3A_6 = vector.broadcast %add3A_5 : f32 to vector<10000x8xf32>
    %add3A_7 = arith.addf %add3A, %add3A_6 : vector<10000x8xf32>
    %rsqrt3A = math.rsqrt %add3A_7 : vector<10000x8xf32>
    %swap3A = arith.constant 0 : index
    %swap3A_8 = arith.constant 0 : index
    %swap3A_9 = vector.load %arg3[%swap3A, %swap3A_8] : memref<10000x8xf32, #tpu.memory_space<vmem>>, vector<10000x8xf32>
    tpu.vector_store %arg3[%swap3A, %swap3A_8], %rsqrt3A {strides = array<i32>} : memref<10000x8xf32, #tpu.memory_space<vmem>>, vector<10000x8xf32>,
    %get3A_10 = arith.constant 0 : index
    %get3A_11 = arith.constant 0 : index
    %get3A_12 = vector.load %arg1[%get3A_10, %get3A_11] : memref<10000x128xf32, #tpu.memory_space<vmem>>, vector<10000x128xf32>
    %get3A_13 = arith.constant 0 : index
    %get3A_14 = arith.constant 0 : index
    %get3A_15 = vector.load %arg2[%get3A_13, %get3A_14] : memref<128x64xf32, #tpu.memory_space<vmem>>, vector<128x64xf32>
    %dot_general3A = arith.constant dense<0.000000e+00> : vector<10000x64xf32>
    %dot_general3A_16 = tpu.matmul %get3A_12, %get3A_15, %dot_general3A {dimension_numbers = #tpu.dot_dimension_numbers<[1], [0], [0], [1], [0, 0, 1, 1], [], []>, transpose_lhs_hint = false} : vector<10000x128xf32>, vector<128x64xf32>, vector<10000x64xf32> -> vector<10000x64xf32>
    %slice3A = vector.extract_strided_slice %rsqrt3A {offsets = [0, 0], sizes = [10000, 1], strides = [1, 1]} : vector<10000x8xf32> to vector<10000x1xf32>
    %mul3A = vector.broadcast %slice3A : vector<10000x1xf32> to vector<10000x64xf32>
    %mul3A_17 = arith.mulf %dot_general3A_16, %mul3A : vector<10000x64xf32>
    %swap3A_18 = arith.constant 0 : index
    %swap3A_19 = arith.constant 0 : index
    %swap3A_20 = vector.load %arg4[%swap3A_18, %swap3A_19] : memref<10000x64xf32, #tpu.memory_space<vmem>>, vector<10000x64xf32>
    tpu.vector_store %arg4[%swap3A_18, %swap3A_19], %mul3A_17 {strides = array<i32>} : memref<10000x64xf32, #tpu.memory_space<vmem>>, vector<10000x64xf32>,
    return
  }
}

module attributes {stable_mosaic.version = 14 : i64} {
  func.func @body(%arg0: memref<20000x64xf32, #tpu.memory_space<vmem>>, %arg1: memref<10000x64xf32, #tpu.memory_space<vmem>>, %arg2: memref<10000x8xf32, #tpu.memory_space<vmem>>, %arg3: memref<1x64xf32, #tpu.memory_space<vmem>>, %arg4: memref<64x64xf32, #tpu.memory_space<vmem>>, %arg5: memref<10000x64xf32, #tpu.memory_space<vmem>>) attributes {dimension_semantics = [], scalar_prefetch = 0 : i64, scratch_operands = 0 : i64, tpu.core_type = #tpu.core_type<tc>} {
    %get3A = arith.constant 0 : index
    %get3A_0 = arith.constant 0 : index
    %get3A_1 = vector.load %arg2[%get3A, %get3A_0] : memref<10000x8xf32, #tpu.memory_space<vmem>>, vector<10000x8xf32>
    %slice3A = vector.extract_strided_slice %get3A_1 {offsets = [0, 0], sizes = [10000, 1], strides = [1, 1]} : vector<10000x8xf32> to vector<10000x1xf32>
    %get3A_2 = arith.constant 0 : index
    %get3A_3 = arith.constant 0 : index
    %get3A_4 = vector.load %arg0[%get3A_2, %get3A_3] : memref<20000x64xf32, #tpu.memory_space<vmem>>, vector<10000x64xf32>
    %get3A_5 = arith.constant 10000 : index
    %get3A_6 = arith.constant 0 : index
    %get3A_7 = vector.load %arg0[%get3A_5, %get3A_6] : memref<20000x64xf32, #tpu.memory_space<vmem>>, vector<10000x64xf32>
    %add3A = arith.addf %get3A_4, %get3A_7 : vector<10000x64xf32>
    %get3A_8 = arith.constant 0 : index
    %get3A_9 = arith.constant 0 : index
    %get3A_10 = vector.load %arg1[%get3A_8, %get3A_9] : memref<10000x64xf32, #tpu.memory_space<vmem>>, vector<10000x64xf32>
    %add3A_11 = arith.addf %add3A, %get3A_10 : vector<10000x64xf32>
    %mul3A = vector.broadcast %slice3A : vector<10000x1xf32> to vector<10000x64xf32>
    %mul3A_12 = arith.mulf %add3A_11, %mul3A : vector<10000x64xf32>
    %get3A_13 = arith.constant 0 : index
    %get3A_14 = arith.constant 0 : index
    %get3A_15 = vector.load %arg3[%get3A_13, %get3A_14] : memref<1x64xf32, #tpu.memory_space<vmem>>, vector<1x64xf32>
    %add3A_16 = vector.broadcast %get3A_15 : vector<1x64xf32> to vector<10000x64xf32>
    %add3A_17 = arith.addf %mul3A_12, %add3A_16 : vector<10000x64xf32>
    %tanh3A = math.tanh %add3A_17 : vector<10000x64xf32>
    %get3A_18 = arith.constant 0 : index
    %get3A_19 = arith.constant 0 : index
    %get3A_20 = vector.load %arg4[%get3A_18, %get3A_19] : memref<64x64xf32, #tpu.memory_space<vmem>>, vector<64x64xf32>
    %dot_general3A = arith.constant dense<0.000000e+00> : vector<10000x64xf32>
    %dot_general3A_21 = tpu.matmul %tanh3A, %get3A_20, %dot_general3A {dimension_numbers = #tpu.dot_dimension_numbers<[1], [0], [0], [1], [0, 0, 1, 1], [], []>, transpose_lhs_hint = false} : vector<10000x64xf32>, vector<64x64xf32>, vector<10000x64xf32> -> vector<10000x64xf32>
    %mul3A_22 = vector.broadcast %slice3A : vector<10000x1xf32> to vector<10000x64xf32>
    %mul3A_23 = arith.mulf %dot_general3A_21, %mul3A_22 : vector<10000x64xf32>
    %swap3A = arith.constant 0 : index
    %swap3A_24 = arith.constant 0 : index
    %swap3A_25 = vector.load %arg5[%swap3A, %swap3A_24] : memref<10000x64xf32, #tpu.memory_space<vmem>>, vector<10000x64xf32>
    tpu.vector_store %arg5[%swap3A, %swap3A_24], %mul3A_23 {strides = array<i32>} : memref<10000x64xf32, #tpu.memory_space<vmem>>, vector<10000x64xf32>,
    return
  }
}

module attributes {stable_mosaic.version = 14 : i64} {
  func.func @body(%arg0: memref<20000x64xf32, #tpu.memory_space<vmem>>, %arg1: memref<10000x64xf32, #tpu.memory_space<vmem>>, %arg2: memref<10000x8xf32, #tpu.memory_space<vmem>>, %arg3: memref<1x64xf32, #tpu.memory_space<vmem>>, %arg4: memref<64x32xf32, #tpu.memory_space<vmem>>, %arg5: memref<10000x32xf32, #tpu.memory_space<vmem>>) attributes {dimension_semantics = [], scalar_prefetch = 0 : i64, scratch_operands = 0 : i64, tpu.core_type = #tpu.core_type<tc>} {
    %get3A = arith.constant 0 : index
    %get3A_0 = arith.constant 0 : index
    %get3A_1 = vector.load %arg2[%get3A, %get3A_0] : memref<10000x8xf32, #tpu.memory_space<vmem>>, vector<10000x8xf32>
    %slice3A = vector.extract_strided_slice %get3A_1 {offsets = [0, 0], sizes = [10000, 1], strides = [1, 1]} : vector<10000x8xf32> to vector<10000x1xf32>
    %get3A_2 = arith.constant 0 : index
    %get3A_3 = arith.constant 0 : index
    %get3A_4 = vector.load %arg0[%get3A_2, %get3A_3] : memref<20000x64xf32, #tpu.memory_space<vmem>>, vector<10000x64xf32>
    %get3A_5 = arith.constant 10000 : index
    %get3A_6 = arith.constant 0 : index
    %get3A_7 = vector.load %arg0[%get3A_5, %get3A_6] : memref<20000x64xf32, #tpu.memory_space<vmem>>, vector<10000x64xf32>
    %add3A = arith.addf %get3A_4, %get3A_7 : vector<10000x64xf32>
    %get3A_8 = arith.constant 0 : index
    %get3A_9 = arith.constant 0 : index
    %get3A_10 = vector.load %arg1[%get3A_8, %get3A_9] : memref<10000x64xf32, #tpu.memory_space<vmem>>, vector<10000x64xf32>
    %add3A_11 = arith.addf %add3A, %get3A_10 : vector<10000x64xf32>
    %mul3A = vector.broadcast %slice3A : vector<10000x1xf32> to vector<10000x64xf32>
    %mul3A_12 = arith.mulf %add3A_11, %mul3A : vector<10000x64xf32>
    %get3A_13 = arith.constant 0 : index
    %get3A_14 = arith.constant 0 : index
    %get3A_15 = vector.load %arg3[%get3A_13, %get3A_14] : memref<1x64xf32, #tpu.memory_space<vmem>>, vector<1x64xf32>
    %add3A_16 = vector.broadcast %get3A_15 : vector<1x64xf32> to vector<10000x64xf32>
    %add3A_17 = arith.addf %mul3A_12, %add3A_16 : vector<10000x64xf32>
    %max3A = arith.constant 0.000000e+00 : f32
    %max3A_18 = vector.broadcast %max3A : f32 to vector<10000x64xf32>
    %max3A_19 = arith.maximumf %add3A_17, %max3A_18 : vector<10000x64xf32>
    %get3A_20 = arith.constant 0 : index
    %get3A_21 = arith.constant 0 : index
    %get3A_22 = vector.load %arg4[%get3A_20, %get3A_21] : memref<64x32xf32, #tpu.memory_space<vmem>>, vector<64x32xf32>
    %dot_general3A = arith.constant dense<0.000000e+00> : vector<10000x32xf32>
    %dot_general3A_23 = tpu.matmul %max3A_19, %get3A_22, %dot_general3A {dimension_numbers = #tpu.dot_dimension_numbers<[1], [0], [0], [1], [0, 0, 1, 1], [], []>, transpose_lhs_hint = false} : vector<10000x64xf32>, vector<64x32xf32>, vector<10000x32xf32> -> vector<10000x32xf32>
    %mul3A_24 = vector.broadcast %slice3A : vector<10000x1xf32> to vector<10000x32xf32>
    %mul3A_25 = arith.mulf %dot_general3A_23, %mul3A_24 : vector<10000x32xf32>
    %swap3A = arith.constant 0 : index
    %swap3A_26 = arith.constant 0 : index
    %swap3A_27 = vector.load %arg5[%swap3A, %swap3A_26] : memref<10000x32xf32, #tpu.memory_space<vmem>>, vector<10000x32xf32>
    tpu.vector_store %arg5[%swap3A, %swap3A_26], %mul3A_25 {strides = array<i32>} : memref<10000x32xf32, #tpu.memory_space<vmem>>, vector<10000x32xf32>,
    return
  }
}

module attributes {stable_mosaic.version = 14 : i64} {
  func.func @body(%arg0: memref<20000x32xf32, #tpu.memory_space<vmem>>, %arg1: memref<10000x32xf32, #tpu.memory_space<vmem>>, %arg2: memref<10000x8xf32, #tpu.memory_space<vmem>>, %arg3: memref<1x32xf32, #tpu.memory_space<vmem>>, %arg4: memref<32x32xf32, #tpu.memory_space<vmem>>, %arg5: memref<10000x32xf32, #tpu.memory_space<vmem>>) attributes {dimension_semantics = [], scalar_prefetch = 0 : i64, scratch_operands = 0 : i64, tpu.core_type = #tpu.core_type<tc>} {
    %get3A = arith.constant 0 : index
    %get3A_0 = arith.constant 0 : index
    %get3A_1 = vector.load %arg2[%get3A, %get3A_0] : memref<10000x8xf32, #tpu.memory_space<vmem>>, vector<10000x8xf32>
    %slice3A = vector.extract_strided_slice %get3A_1 {offsets = [0, 0], sizes = [10000, 1], strides = [1, 1]} : vector<10000x8xf32> to vector<10000x1xf32>
    %get3A_2 = arith.constant 0 : index
    %get3A_3 = arith.constant 0 : index
    %get3A_4 = vector.load %arg0[%get3A_2, %get3A_3] : memref<20000x32xf32, #tpu.memory_space<vmem>>, vector<10000x32xf32>
    %get3A_5 = arith.constant 10000 : index
    %get3A_6 = arith.constant 0 : index
    %get3A_7 = vector.load %arg0[%get3A_5, %get3A_6] : memref<20000x32xf32, #tpu.memory_space<vmem>>, vector<10000x32xf32>
    %add3A = arith.addf %get3A_4, %get3A_7 : vector<10000x32xf32>
    %get3A_8 = arith.constant 0 : index
    %get3A_9 = arith.constant 0 : index
    %get3A_10 = vector.load %arg1[%get3A_8, %get3A_9] : memref<10000x32xf32, #tpu.memory_space<vmem>>, vector<10000x32xf32>
    %add3A_11 = arith.addf %add3A, %get3A_10 : vector<10000x32xf32>
    %mul3A = vector.broadcast %slice3A : vector<10000x1xf32> to vector<10000x32xf32>
    %mul3A_12 = arith.mulf %add3A_11, %mul3A : vector<10000x32xf32>
    %get3A_13 = arith.constant 0 : index
    %get3A_14 = arith.constant 0 : index
    %get3A_15 = vector.load %arg3[%get3A_13, %get3A_14] : memref<1x32xf32, #tpu.memory_space<vmem>>, vector<1x32xf32>
    %add3A_16 = vector.broadcast %get3A_15 : vector<1x32xf32> to vector<10000x32xf32>
    %add3A_17 = arith.addf %mul3A_12, %add3A_16 : vector<10000x32xf32>
    %max3A = arith.constant 0.000000e+00 : f32
    %max3A_18 = vector.broadcast %max3A : f32 to vector<10000x32xf32>
    %max3A_19 = arith.maximumf %add3A_17, %max3A_18 : vector<10000x32xf32>
    %get3A_20 = arith.constant 0 : index
    %get3A_21 = arith.constant 0 : index
    %get3A_22 = vector.load %arg4[%get3A_20, %get3A_21] : memref<32x32xf32, #tpu.memory_space<vmem>>, vector<32x32xf32>
    %dot_general3A = arith.constant dense<0.000000e+00> : vector<10000x32xf32>
    %dot_general3A_23 = tpu.matmul %max3A_19, %get3A_22, %dot_general3A {dimension_numbers = #tpu.dot_dimension_numbers<[1], [0], [0], [1], [0, 0, 1, 1], [], []>, transpose_lhs_hint = false} : vector<10000x32xf32>, vector<32x32xf32>, vector<10000x32xf32> -> vector<10000x32xf32>
    %mul3A_24 = vector.broadcast %slice3A : vector<10000x1xf32> to vector<10000x32xf32>
    %mul3A_25 = arith.mulf %dot_general3A_23, %mul3A_24 : vector<10000x32xf32>
    %swap3A = arith.constant 0 : index
    %swap3A_26 = arith.constant 0 : index
    %swap3A_27 = vector.load %arg5[%swap3A, %swap3A_26] : memref<10000x32xf32, #tpu.memory_space<vmem>>, vector<10000x32xf32>
    tpu.vector_store %arg5[%swap3A, %swap3A_26], %mul3A_25 {strides = array<i32>} : memref<10000x32xf32, #tpu.memory_space<vmem>>, vector<10000x32xf32>,
    return
  }
}

module attributes {stable_mosaic.version = 14 : i64} {
  func.func @body(%arg0: i32, %arg1: memref<400x32xf32, #tpu.memory_space<vmem>>, %arg2: memref<400x32xf32, #tpu.memory_space<vmem>>, %arg3: memref<400x32xf32, #tpu.memory_space<vmem>>, %arg4: memref<400x8xf32, #tpu.memory_space<vmem>>, %arg5: memref<400x8xi32, #tpu.memory_space<vmem>>, %arg6: memref<1x32xf32, #tpu.memory_space<vmem>>, %arg7: memref<64x10xf32, #tpu.memory_space<vmem>>, %arg8: memref<1x10xf32, #tpu.memory_space<vmem>>, %arg9: memref<128x10xf32, #tpu.memory_space<vmem>>, %arg10: memref<128x32xf32, #tpu.memory_space<vmem>>, %arg11: memref<128x32xf32, #tpu.memory_space<vmem>>, %arg12: memref<128x1xf32, #tpu.memory_space<vmem>>) attributes {dimension_semantics = [#tpu.dimension_semantics<arbitrary>], iteration_bounds = array<i64: 25>, scalar_prefetch = 0 : i64, scratch_operands = 3 : i64, tpu.core_type = #tpu.core_type<tc>, window_params = [{transform_indices = @transform_0, window_bounds = array<i64: 400, 32>}, {transform_indices = @transform_1, window_bounds = array<i64: 400, 32>}, {transform_indices = @transform_2, window_bounds = array<i64: 400, 32>}, {transform_indices = @transform_3, window_bounds = array<i64: 400, 8>}, {transform_indices = @transform_4, window_bounds = array<i64: 400, 8>}, {pipeline_mode = #tpu.pipeline_mode<synchronous>, transform_indices = @transform_5, window_bounds = array<i64: 1, 32>}, {pipeline_mode = #tpu.pipeline_mode<synchronous>, transform_indices = @transform_6, window_bounds = array<i64: 64, 10>}, {pipeline_mode = #tpu.pipeline_mode<synchronous>, transform_indices = @transform_7, window_bounds = array<i64: 1, 10>}, {pipeline_mode = #tpu.pipeline_mode<synchronous>, transform_indices = @transform_8, window_bounds = array<i64: 128, 10>}]} {
    %eq3A = arith.constant 0 : i32
    %eq3A_0 = arith.cmpi eq, %arg0, %eq3A : i32
    %convert_element_type3A = arith.extui %eq3A_0 : i1 to i32
    %cond3A = arith.constant 0 : i32
    %cond3A_1 = arith.cmpi ne, %convert_element_type3A, %cond3A : i32
    scf.if %cond3A_1 {
      %broadcast_in_dim3A_79 = arith.constant 0.000000e+00 : f32
      %broadcast_in_dim3A_80 = vector.broadcast %broadcast_in_dim3A_79 : f32 to vector<128x32xf32>
      %swap3A_81 = arith.constant 0 : index
      %swap3A_82 = arith.constant 0 : index
      %swap3A_83 = vector.load %arg10[%swap3A_81, %swap3A_82] : memref<128x32xf32, #tpu.memory_space<vmem>>, vector<128x32xf32>
      tpu.vector_store %arg10[%swap3A_81, %swap3A_82], %broadcast_in_dim3A_80 {strides = array<i32>} : memref<128x32xf32, #tpu.memory_space<vmem>>, vector<128x32xf32>,
      %broadcast_in_dim3A_84 = arith.constant 0.000000e+00 : f32
      %broadcast_in_dim3A_85 = vector.broadcast %broadcast_in_dim3A_84 : f32 to vector<128x32xf32>
      %swap3A_86 = arith.constant 0 : index
      %swap3A_87 = arith.constant 0 : index
      %swap3A_88 = vector.load %arg11[%swap3A_86, %swap3A_87] : memref<128x32xf32, #tpu.memory_space<vmem>>, vector<128x32xf32>
      tpu.vector_store %arg11[%swap3A_86, %swap3A_87], %broadcast_in_dim3A_85 {strides = array<i32>} : memref<128x32xf32, #tpu.memory_space<vmem>>, vector<128x32xf32>,
      %broadcast_in_dim3A_89 = arith.constant 0.000000e+00 : f32
      %broadcast_in_dim3A_90 = vector.broadcast %broadcast_in_dim3A_89 : f32 to vector<128x1xf32>
      %swap3A_91 = arith.constant 0 : index
      %swap3A_92 = arith.constant 0 : index
      %swap3A_93 = vector.load %arg12[%swap3A_91, %swap3A_92] : memref<128x1xf32, #tpu.memory_space<vmem>>, vector<128x1xf32>
      tpu.vector_store %arg12[%swap3A_91, %swap3A_92], %broadcast_in_dim3A_90 {strides = array<i32>} : memref<128x1xf32, #tpu.memory_space<vmem>>, vector<128x1xf32>,
    } else {
    }
    %get3A = arith.constant 0 : index
    %get3A_2 = arith.constant 0 : index
    %get3A_3 = vector.load %arg1[%get3A, %get3A_2] : memref<400x32xf32, #tpu.memory_space<vmem>>, vector<400x32xf32>
    %get3A_4 = arith.constant 0 : index
    %get3A_5 = arith.constant 0 : index
    %get3A_6 = vector.load %arg2[%get3A_4, %get3A_5] : memref<400x32xf32, #tpu.memory_space<vmem>>, vector<400x32xf32>
    %add3A = arith.addf %get3A_3, %get3A_6 : vector<400x32xf32>
    %get3A_7 = arith.constant 0 : index
    %get3A_8 = arith.constant 0 : index
    %get3A_9 = vector.load %arg3[%get3A_7, %get3A_8] : memref<400x32xf32, #tpu.memory_space<vmem>>, vector<400x32xf32>
    %add3A_10 = arith.addf %add3A, %get3A_9 : vector<400x32xf32>
    %get3A_11 = arith.constant 0 : index
    %get3A_12 = arith.constant 0 : index
    %get3A_13 = vector.load %arg4[%get3A_11, %get3A_12] : memref<400x8xf32, #tpu.memory_space<vmem>>, vector<400x8xf32>
    %slice3A = vector.extract_strided_slice %get3A_13 {offsets = [0, 0], sizes = [400, 1], strides = [1, 1]} : vector<400x8xf32> to vector<400x1xf32>
    %mul3A = vector.broadcast %slice3A : vector<400x1xf32> to vector<400x32xf32>
    %mul3A_14 = arith.mulf %add3A_10, %mul3A : vector<400x32xf32>
    %get3A_15 = arith.constant 0 : index
    %get3A_16 = arith.constant 0 : index
    %get3A_17 = vector.load %arg6[%get3A_15, %get3A_16] : memref<1x32xf32, #tpu.memory_space<vmem>>, vector<1x32xf32>
    %add3A_18 = vector.broadcast %get3A_17 : vector<1x32xf32> to vector<400x32xf32>
    %add3A_19 = arith.addf %mul3A_14, %add3A_18 : vector<400x32xf32>
    %max3A = arith.constant 0.000000e+00 : f32
    %max3A_20 = vector.broadcast %max3A : f32 to vector<400x32xf32>
    %max3A_21 = arith.maximumf %add3A_19, %max3A_20 : vector<400x32xf32>
    %get3A_22 = arith.constant 0 : index
    %get3A_23 = arith.constant 0 : index
    %get3A_24 = vector.load %arg5[%get3A_22, %get3A_23] : memref<400x8xi32, #tpu.memory_space<vmem>>, vector<400x8xi32>
    %slice3A_25 = vector.extract_strided_slice %get3A_24 {offsets = [0, 0], sizes = [400, 1], strides = [1, 1]} : vector<400x8xi32> to vector<400x1xi32>
    %iota3A = tpu.iota {dimensions = array<i32: 1>} : vector<1x128xi32>
    %eq3A_26 = vector.broadcast %slice3A_25 : vector<400x1xi32> to vector<400x128xi32>
    %eq3A_27 = vector.broadcast %iota3A : vector<1x128xi32> to vector<400x128xi32>
    %eq3A_28 = arith.cmpi eq, %eq3A_26, %eq3A_27 : vector<400x128xi32>
    %convert_element_type3A_29 = arith.extui %eq3A_28 : vector<400x128xi1> to vector<400x128xi32>
    %convert_element_type3A_30 = arith.sitofp %convert_element_type3A_29 : vector<400x128xi32> to vector<400x128xf32>
    %get3A_31 = arith.constant 0 : index
    %get3A_32 = arith.constant 0 : index
    %get3A_33 = vector.load %arg11[%get3A_31, %get3A_32] : memref<128x32xf32, #tpu.memory_space<vmem>>, vector<128x32xf32>
    %dot_general3A = arith.constant dense<0.000000e+00> : vector<128x32xf32>
    %dot_general3A_34 = tpu.matmul %convert_element_type3A_30, %max3A_21, %dot_general3A {dimension_numbers = #tpu.dot_dimension_numbers<[0], [0], [1], [1], [0, 1, 1, 1], [], []>, transpose_lhs_hint = false} : vector<400x128xf32>, vector<400x32xf32>, vector<128x32xf32> -> vector<128x32xf32>
    %add3A_35 = arith.addf %get3A_33, %dot_general3A_34 : vector<128x32xf32>
    %swap3A = arith.constant 0 : index
    %swap3A_36 = arith.constant 0 : index
    %swap3A_37 = vector.load %arg11[%swap3A, %swap3A_36] : memref<128x32xf32, #tpu.memory_space<vmem>>, vector<128x32xf32>
    tpu.vector_store %arg11[%swap3A, %swap3A_36], %add3A_35 {strides = array<i32>} : memref<128x32xf32, #tpu.memory_space<vmem>>, vector<128x32xf32>,
    %get3A_38 = arith.constant 0 : index
    %get3A_39 = arith.constant 0 : index
    %get3A_40 = vector.load %arg12[%get3A_38, %get3A_39] : memref<128x1xf32, #tpu.memory_space<vmem>>, vector<128x1xf32>
    %broadcast_in_dim3A = arith.constant 1.000000e+00 : f32
    %broadcast_in_dim3A_41 = vector.broadcast %broadcast_in_dim3A : f32 to vector<400x1xf32>
    %dot_general3A_42 = arith.constant dense<0.000000e+00> : vector<128x1xf32>
    %dot_general3A_43 = tpu.matmul %convert_element_type3A_30, %broadcast_in_dim3A_41, %dot_general3A_42 {dimension_numbers = #tpu.dot_dimension_numbers<[0], [0], [1], [1], [0, 1, 1, 1], [], []>, transpose_lhs_hint = false} : vector<400x128xf32>, vector<400x1xf32>, vector<128x1xf32> -> vector<128x1xf32>
    %add3A_44 = arith.addf %get3A_40, %dot_general3A_43 : vector<128x1xf32>
    %swap3A_45 = arith.constant 0 : index
    %swap3A_46 = arith.constant 0 : index
    %swap3A_47 = vector.load %arg12[%swap3A_45, %swap3A_46] : memref<128x1xf32, #tpu.memory_space<vmem>>, vector<128x1xf32>
    tpu.vector_store %arg12[%swap3A_45, %swap3A_46], %add3A_44 {strides = array<i32>} : memref<128x1xf32, #tpu.memory_space<vmem>>, vector<128x1xf32>,
    %get3A_48 = arith.constant 0 : index
    %get3A_49 = arith.constant 0 : index
    %get3A_50 = vector.load %arg5[%get3A_48, %get3A_49] : memref<400x8xi32, #tpu.memory_space<vmem>>, vector<1x1xi32>
    %get3A_51 = vector.extract %get3A_50[0, 0] : i32 from vector<1x1xi32>
    %get3A_52 = arith.constant 399 : index
    %get3A_53 = arith.constant 0 : index
    %get3A_54 = vector.load %arg5[%get3A_52, %get3A_53] : memref<400x8xi32, #tpu.memory_space<vmem>>, vector<1x1xi32>
    %get3A_55 = vector.extract %get3A_54[0, 0] : i32 from vector<1x1xi32>
    %iota3A_56 = tpu.iota {dimensions = array<i32: 0>} : vector<128x1xi32>
    %add3A_57 = arith.constant 1 : i32
    %add3A_58 = arith.addi %get3A_55, %add3A_57 : i32
    %get3A_59 = arith.constant 0 : index
    %get3A_60 = arith.constant 0 : index
    %get3A_61 = vector.load %arg10[%get3A_59, %get3A_60] : memref<128x32xf32, #tpu.memory_space<vmem>>, vector<128x32xf32>
    %while3A = arith.subi %add3A_58, %get3A_51 : i32
    %while3A_62 = arith.addi %get3A_51, %while3A : i32
    %while3A_63 = arith.constant 1 : i32
    %while3A_64 = arith.divsi %while3A, %while3A_63 : i32
    %while3A_65 = arith.muli %while3A_64, %while3A_63 : i32
    %while3A_66 = arith.addi %get3A_51, %while3A_65 : i32
    %while3A_67 = arith.constant 1 : i32
    %while3A_68 = scf.for %while3A_79 = %get3A_51 to %while3A_66 step %while3A_67 iter_args(%while3A_80 = %get3A_61) -> (vector<128x32xf32>)  : i32 {
      %eq3A_81 = vector.broadcast %while3A_79 : i32 to vector<400x1xi32>
      %eq3A_82 = arith.cmpi eq, %slice3A_25, %eq3A_81 : vector<400x1xi32>
      %jit3A = arith.constant 0.000000e+00 : f32
      %broadcast_in_dim3A_83 = vector.shape_cast %eq3A_82 : vector<400x1xi1> to vector<400x1xi1>
      %broadcast_in_dim3A_84 = vector.broadcast %broadcast_in_dim3A_83 : vector<400x1xi1> to vector<400x32xi1>
      %broadcast_in_dim3A_85 = vector.broadcast %jit3A : f32 to vector<400x32xf32>
      %select_n3A = arith.select %broadcast_in_dim3A_84, %max3A_21, %broadcast_in_dim3A_85 : vector<400x32xi1>, vector<400x32xf32>
      %reduce_max3A = arith.constant dense<0xFF800000> : vector<32xf32>
      %reduce_max3A_86 = vector.multi_reduction <maximumf>, %select_n3A, %reduce_max3A [0] : vector<400x32xf32> to vector<32xf32>
      %broadcast_in_dim3A_87 = vector.shape_cast %reduce_max3A_86 : vector<32xf32> to vector<1x32xf32>
      %eq3A_88 = vector.broadcast %while3A_79 : i32 to vector<128x1xi32>
      %eq3A_89 = arith.cmpi eq, %iota3A_56, %eq3A_88 : vector<128x1xi32>
      %max3A_90 = vector.broadcast %broadcast_in_dim3A_87 : vector<1x32xf32> to vector<128x32xf32>
      %max3A_91 = arith.maximumf %while3A_80, %max3A_90 : vector<128x32xf32>
      %broadcast_in_dim3A_92 = vector.shape_cast %eq3A_89 : vector<128x1xi1> to vector<128x1xi1>
      %broadcast_in_dim3A_93 = vector.broadcast %broadcast_in_dim3A_92 : vector<128x1xi1> to vector<128x32xi1>
      %select_n3A_94 = arith.select %broadcast_in_dim3A_93, %max3A_91, %while3A_80 : vector<128x32xi1>, vector<128x32xf32>
      scf.yield %select_n3A_94 : vector<128x32xf32>
    }
    %while3A_69 = arith.constant 1 : i32
    %while3A_70 = scf.for %while3A_79 = %while3A_66 to %while3A_62 step %while3A_69 iter_args(%while3A_80 = %while3A_68) -> (vector<128x32xf32>)  : i32 {
      %eq3A_81 = vector.broadcast %while3A_79 : i32 to vector<400x1xi32>
      %eq3A_82 = arith.cmpi eq, %slice3A_25, %eq3A_81 : vector<400x1xi32>
      %jit3A = arith.constant 0.000000e+00 : f32
      %broadcast_in_dim3A_83 = vector.shape_cast %eq3A_82 : vector<400x1xi1> to vector<400x1xi1>
      %broadcast_in_dim3A_84 = vector.broadcast %broadcast_in_dim3A_83 : vector<400x1xi1> to vector<400x32xi1>
      %broadcast_in_dim3A_85 = vector.broadcast %jit3A : f32 to vector<400x32xf32>
      %select_n3A = arith.select %broadcast_in_dim3A_84, %max3A_21, %broadcast_in_dim3A_85 : vector<400x32xi1>, vector<400x32xf32>
      %reduce_max3A = arith.constant dense<0xFF800000> : vector<32xf32>
      %reduce_max3A_86 = vector.multi_reduction <maximumf>, %select_n3A, %reduce_max3A [0] : vector<400x32xf32> to vector<32xf32>
      %broadcast_in_dim3A_87 = vector.shape_cast %reduce_max3A_86 : vector<32xf32> to vector<1x32xf32>
      %eq3A_88 = vector.broadcast %while3A_79 : i32 to vector<128x1xi32>
      %eq3A_89 = arith.cmpi eq, %iota3A_56, %eq3A_88 : vector<128x1xi32>
      %max3A_90 = vector.broadcast %broadcast_in_dim3A_87 : vector<1x32xf32> to vector<128x32xf32>
      %max3A_91 = arith.maximumf %while3A_80, %max3A_90 : vector<128x32xf32>
      %broadcast_in_dim3A_92 = vector.shape_cast %eq3A_89 : vector<128x1xi1> to vector<128x1xi1>
      %broadcast_in_dim3A_93 = vector.broadcast %broadcast_in_dim3A_92 : vector<128x1xi1> to vector<128x32xi1>
      %select_n3A_94 = arith.select %broadcast_in_dim3A_93, %max3A_91, %while3A_80 : vector<128x32xi1>, vector<128x32xf32>
      scf.yield %select_n3A_94 : vector<128x32xf32>
    }
    %swap3A_71 = arith.constant 0 : index
    %swap3A_72 = arith.constant 0 : index
    %swap3A_73 = vector.load %arg10[%swap3A_71, %swap3A_72] : memref<128x32xf32, #tpu.memory_space<vmem>>, vector<128x32xf32>
    tpu.vector_store %arg10[%swap3A_71, %swap3A_72], %while3A_70 {strides = array<i32>} : memref<128x32xf32, #tpu.memory_space<vmem>>, vector<128x32xf32>,
    %eq3A_74 = arith.constant 24 : i32
    %eq3A_75 = arith.cmpi eq, %arg0, %eq3A_74 : i32
    %convert_element_type3A_76 = arith.extui %eq3A_75 : i1 to i32
    %cond3A_77 = arith.constant 0 : i32
    %cond3A_78 = arith.cmpi ne, %convert_element_type3A_76, %cond3A_77 : i32
    scf.if %cond3A_78 {
      %get3A_79 = arith.constant 0 : index
      %get3A_80 = arith.constant 0 : index
      %get3A_81 = vector.load %arg12[%get3A_79, %get3A_80] : memref<128x1xf32, #tpu.memory_space<vmem>>, vector<128x1xf32>
      %gt3A = arith.constant 0.000000e+00 : f32
      %gt3A_82 = vector.broadcast %gt3A : f32 to vector<128x1xf32>
      %gt3A_83 = arith.cmpf ogt, %get3A_81, %gt3A_82 : vector<128x1xf32>
      %get3A_84 = arith.constant 0 : index
      %get3A_85 = arith.constant 0 : index
      %get3A_86 = vector.load %arg10[%get3A_84, %get3A_85] : memref<128x32xf32, #tpu.memory_space<vmem>>, vector<128x32xf32>
      %jit3A = arith.constant 0xFF800000 : f32
      %broadcast_in_dim3A_87 = vector.shape_cast %gt3A_83 : vector<128x1xi1> to vector<128x1xi1>
      %broadcast_in_dim3A_88 = vector.broadcast %broadcast_in_dim3A_87 : vector<128x1xi1> to vector<128x32xi1>
      %broadcast_in_dim3A_89 = vector.broadcast %jit3A : f32 to vector<128x32xf32>
      %select_n3A = arith.select %broadcast_in_dim3A_88, %get3A_86, %broadcast_in_dim3A_89 : vector<128x32xi1>, vector<128x32xf32>
      %get3A_90 = arith.constant 0 : index
      %get3A_91 = arith.constant 0 : index
      %get3A_92 = vector.load %arg11[%get3A_90, %get3A_91] : memref<128x32xf32, #tpu.memory_space<vmem>>, vector<128x32xf32>
      %max3A_93 = arith.constant 1.000000e+00 : f32
      %max3A_94 = vector.broadcast %max3A_93 : f32 to vector<128x1xf32>
      %max3A_95 = arith.maximumf %get3A_81, %max3A_94 : vector<128x1xf32>
      %div3A = vector.broadcast %max3A_95 : vector<128x1xf32> to vector<128x32xf32>
      %div3A_96 = arith.divf %get3A_92, %div3A : vector<128x32xf32>
      %get3A_97 = arith.constant 0 : index
      %get3A_98 = arith.constant 0 : index
      %get3A_99 = vector.load %arg7[%get3A_97, %get3A_98] : memref<64x10xf32, #tpu.memory_space<vmem>>, vector<32x10xf32>
      %get3A_100 = arith.constant 32 : index
      %get3A_101 = arith.constant 0 : index
      %get3A_102 = vector.load %arg7[%get3A_100, %get3A_101] : memref<64x10xf32, #tpu.memory_space<vmem>>, vector<32x10xf32>
      %dot_general3A_103 = arith.constant dense<0.000000e+00> : vector<128x10xf32>
      %dot_general3A_104 = tpu.matmul %select_n3A, %get3A_99, %dot_general3A_103 {dimension_numbers = #tpu.dot_dimension_numbers<[1], [0], [0], [1], [0, 0, 1, 1], [], []>, transpose_lhs_hint = false} : vector<128x32xf32>, vector<32x10xf32>, vector<128x10xf32> -> vector<128x10xf32>
      %dot_general3A_105 = arith.constant dense<0.000000e+00> : vector<128x10xf32>
      %dot_general3A_106 = tpu.matmul %div3A_96, %get3A_102, %dot_general3A_105 {dimension_numbers = #tpu.dot_dimension_numbers<[1], [0], [0], [1], [0, 0, 1, 1], [], []>, transpose_lhs_hint = false} : vector<128x32xf32>, vector<32x10xf32>, vector<128x10xf32> -> vector<128x10xf32>
      %add3A_107 = arith.addf %dot_general3A_104, %dot_general3A_106 : vector<128x10xf32>
      %get3A_108 = arith.constant 0 : index
      %get3A_109 = arith.constant 0 : index
      %get3A_110 = vector.load %arg8[%get3A_108, %get3A_109] : memref<1x10xf32, #tpu.memory_space<vmem>>, vector<1x10xf32>
      %add3A_111 = vector.broadcast %get3A_110 : vector<1x10xf32> to vector<128x10xf32>
      %add3A_112 = arith.addf %add3A_107, %add3A_111 : vector<128x10xf32>
      %swap3A_113 = arith.constant 0 : index
      %swap3A_114 = arith.constant 0 : index
      %swap3A_115 = vector.load %arg9[%swap3A_113, %swap3A_114] : memref<128x10xf32, #tpu.memory_space<vmem>>, vector<128x10xf32>
      tpu.vector_store %arg9[%swap3A_113, %swap3A_114], %add3A_112 {strides = array<i32>} : memref<128x10xf32, #tpu.memory_space<vmem>>, vector<128x10xf32>,
    } else {
    }
    return
  }
  func.func @transform_0(%arg0: i32) -> (i32, i32) {
    %c0_i32 = arith.constant 0 : i32
    %c0_i32_0 = arith.constant 0 : i32
    return %arg0, %c0_i32 : i32, i32
  }
  func.func @transform_1(%arg0: i32) -> (i32, i32) {
    %add3A = arith.constant 25 : i32
    %add3A_0 = arith.addi %add3A, %arg0 : i32
    %c0_i32 = arith.constant 0 : i32
    %c0_i32_1 = arith.constant 0 : i32
    return %add3A_0, %c0_i32 : i32, i32
  }
  func.func @transform_2(%arg0: i32) -> (i32, i32) {
    %c0_i32 = arith.constant 0 : i32
    %c0_i32_0 = arith.constant 0 : i32
    return %arg0, %c0_i32 : i32, i32
  }
  func.func @transform_3(%arg0: i32) -> (i32, i32) {
    %c0_i32 = arith.constant 0 : i32
    %c0_i32_0 = arith.constant 0 : i32
    return %arg0, %c0_i32 : i32, i32
  }
  func.func @transform_4(%arg0: i32) -> (i32, i32) {
    %c0_i32 = arith.constant 0 : i32
    %c0_i32_0 = arith.constant 0 : i32
    return %arg0, %c0_i32 : i32, i32
  }
  func.func @transform_5(%arg0: i32) -> (i32, i32) {
    %c0_i32 = arith.constant 0 : i32
    %c0_i32_0 = arith.constant 0 : i32
    %c0_i32_1 = arith.constant 0 : i32
    return %c0_i32, %c0_i32_0 : i32, i32
  }
  func.func @transform_6(%arg0: i32) -> (i32, i32) {
    %c0_i32 = arith.constant 0 : i32
    %c0_i32_0 = arith.constant 0 : i32
    %c0_i32_1 = arith.constant 0 : i32
    return %c0_i32, %c0_i32_0 : i32, i32
  }
  func.func @transform_7(%arg0: i32) -> (i32, i32) {
    %c0_i32 = arith.constant 0 : i32
    %c0_i32_0 = arith.constant 0 : i32
    %c0_i32_1 = arith.constant 0 : i32
    return %c0_i32, %c0_i32_0 : i32, i32
  }
  func.func @transform_8(%arg0: i32) -> (i32, i32) {
    %c0_i32 = arith.constant 0 : i32
    %c0_i32_0 = arith.constant 0 : i32
    %c0_i32_1 = arith.constant 0 : i32
    return %c0_i32, %c0_i32_0 : i32, i32
  }
}

</mosaic_0001>

<sc_bundles>
// kernel: kernel.12.cloned.1.call-start
scs
__scs_entry_jumppad:
0x0: {  	(pc) =	sbr.rel $0x88, $3  }
0x1: {  	(tag) =	ssettag $0x0;
	lr =	simm.s32 $0x1  }
0x2: {  	[smem:$0x3F94] =	sst lr;
	_ =	strace $0xD0000000  }
0x3: {  	_ = 	snop  }
0x4: {  	_ = 	snop  }
0x5: {  	_ = 	snop  }
0x6: {  	_ = 	snop  }
0x7: {  	_ = 	snop  }
__scs_overlays_trampoline_lowered:
0x8: {  	[smem:$0x3FA3] =	sst s0  }
0x9: {  	[smem:$0x3FA4] =	sst s1  }
0xa: {  	[smem:$0x3FA5] =	sst s2  }
0xb: {  	[smem:$0x3FA6] =	sst s3  }
0xc: {  	[smem:$0x3FA7] =	sst s4  }
0xd: {  	[smem:$0x3FA8] =	sst s5  }
0xe: {  	[smem:$0x3FA9] =	sst s6  }
0xf: {  	[smem:$0x3FAA] =	sst s7  }
0x10: {  	[smem:$0x3FAB] =	sst s8  }
0x11: {  	[smem:$0x3FAC] =	sst s9;
	s0 =	simm.s32 @!p0 $0x0  }
0x12: {  	s1 =	sld [smem:$0x3F92];
	s0 =	simm.s32 @p0 $0x1  }
0x13: {  	[smem:$0x3FAD] =	sst s0;
	s0 =	simm.s32 @!p1 $0x0  }
0x14: {  	s2 =	sld [smem:$0x3F91];
	s0 =	simm.s32 @p1 $0x1  }
0x15: {  	[smem:$0x3FAE] =	sst s0;
	s0 =	simm.s32 @!p2 $0x0  }
0x16: {  	s3 =	sld [smem:$0x3FDB];
	s0 =	simm.s32 @p2 $0x1  }
0x17: {  	s4 =	simm.s32 $0x1BF5;
	[smem:$0x3FB0] =	sst s0  }
0x18: {  	s0 =	sld [smem:$0x3F93];
	_ =	swait.ge [sflag:s4], $0x0  }
0x19: {  	s7 =	sld [smem:$0x3F94]  }
0x1a: {  	s8 =	sadd.s32 $0xFFFFE003, lr  }
0x1b: {  	s9 =	sadd.s32 $0xFFFFFEF7, lr;
	s5 =	simm.s32 $0xFFFFFFFF;
	p2 =	slt.u32 s8, $0xFFFFF086  }
0x1c: {  	p1 =	slt.u32 s9, $0xF7A;
	s5 =	simm.s32 @!p2 $0x0  }
0x1d: {  	s5 =	simm.s32 @p1 $0x1;
	p0 =	seq.s32 s7, s2  }
0x1e: {  	s7 =	smul.u32 @!p0 $0xF7A, s2;
	p2 =	seq.s32 @!p0 s5, $0x0  }
0x1f: {  	s9 =	smul.u32 $0xF7A, s1;
	s8 =	simm.s32 @!p0 $0x1BF5;
	p2 =	por !p2, p0  }
0x20: {  	[sflag:s8] =	ssyncset.s32 @!p0 $0xFFFFF086;
	s6 =	sadd.s32 @!p0 s3, s7;
	s7 =	simm.s32 @!p0 $0x108  }
0x21: {  	s3 =	sadd.s32 s3, s9;
	s6 =	sadd.s32 @!p0 $0x88, s6;
	s7 =	simm.s32 @p2 $0x1082  }
0x22: {  	[simem:s7], [sflag:s8] =	dma.local @!p0 [hbm:s6], $0xF7A  }
0x23: {  	s9 =	sor.u32 $0xD0000000, s2;
	s6 =	simm.s32 $0x108;
	_ =	swait.ge @!p0 [sflag:s8], $0x0  }
0x24: {  	s3 =	sadd.s32 $0x88, s3;
	s6 =	simm.s32 @!p1 $0x1082;
	[sflag:s4] =	ssyncset.s32 $0xFFFFF086  }
0x25: {  	[simem:s6], [sflag:s4] =	dma.local [hbm:s3], $0xF7A  }
0x26: {  	[smem:$0x3F94] =	sst s1;
	(tag) =	ssettag s2;
	_ =	strace s9  }
0x27: {  	s1 =	sld [smem:$0x3FA4]  }
0x28: {  	s2 =	sld [smem:$0x3FA5]  }
0x29: {  	s4 =	sld [smem:$0x3FA7]  }
0x2a: {  	p0 =	seq.s32 s5, $0x0;
	s5 =	sld [smem:$0x3FA8]  }
0x2b: {  	s6 =	sld [smem:$0x3FA9]  }
0x2c: {  	s7 =	sld [smem:$0x3FAA]  }
0x2d: {  	s3 =	simm.s32 $0x108;
	s8 =	sld [smem:$0x3FAB]  }
0x2e: {  	s3 =	simm.s32 @!p0 $0x1082;
	s9 =	sld [smem:$0x3FAC]  }
0x2f: {  	lr =	sadd.s32 s0, s3;
	s0 =	sld [smem:$0x3FA3]  }
0x30: {  	s3 =	sld [smem:$0x3FA6]  }
0x31: {  	[smem:$0x3FAF] =	sst s10  }
0x32: {  	s10 =	sld [smem:$0x3FAD];
	_ =	sdelay $0x3  }
0x33: {  	p0 =	seq.s32 s10, $0x1;
	s10 =	sld [smem:$0x3FAF];
	_ =	sdelay $0x3  }
0x34: {  	[smem:$0x3FAF] =	sst s10  }
0x35: {  	s10 =	sld [smem:$0x3FAE];
	_ =	sdelay $0x3  }
0x36: {  	p1 =	seq.s32 s10, $0x1;
	s10 =	sld [smem:$0x3FAF];
	_ =	sdelay $0x3  }
0x37: {  	[smem:$0x3FAF] =	sst s10  }
0x38: {  	s10 =	sld [smem:$0x3FB0]  }
0x39: {  	_ = 	snop;
	(pc) =	sbr.ind lr, $3  }
0x3a: {  	_ = 	snop  }
0x3b: {  	_ = 	snop  }
0x3c: {  	p2 =	seq.s32 s10, $0x1;
	s10 =	sld [smem:$0x3FAF]  }
0x3d: {  	_ =	shalt  }
0x3e: {  	_ =	shalt  }
0x3f: {  	_ =	shalt  }
0x40: {  	_ =	shalt  }
0x41: {  	_ =	shalt  }
0x42: {  	_ =	shalt  }
0x43: {  	_ =	shalt  }
0x44: {  	_ =	shalt  }
0x45: {  	_ =	shalt  }
0x46: {  	_ =	shalt  }
0x47: {  	_ =	shalt  }
0x48: {  	_ =	shalt  }
0x49: {  	_ =	shalt  }
0x4a: {  	_ =	shalt  }
0x4b: {  	_ =	shalt  }
0x4c: {  	_ =	shalt  }
0x4d: {  	_ =	shalt  }
0x4e: {  	_ =	shalt  }
0x4f: {  	_ =	shalt  }
0x50: {  	_ =	shalt  }
0x51: {  	_ =	shalt  }
0x52: {  	_ =	shalt  }
0x53: {  	_ =	shalt  }
0x54: {  	_ =	shalt  }
0x55: {  	_ =	shalt  }
0x56: {  	_ =	shalt  }
0x57: {  	_ =	shalt  }
0x58: {  	_ =	shalt  }
0x59: {  	_ =	shalt  }
0x5a: {  	_ =	shalt  }
0x5b: {  	_ =	shalt  }
0x5c: {  	_ =	shalt  }
0x5d: {  	_ =	shalt  }
0x5e: {  	_ =	shalt  }
0x5f: {  	_ =	shalt  }
0x60: {  	_ =	shalt  }
0x61: {  	_ =	shalt  }
0x62: {  	_ =	shalt  }
0x63: {  	_ =	shalt  }
0x64: {  	_ =	shalt  }
0x65: {  	_ =	shalt  }
0x66: {  	_ =	shalt  }
0x67: {  	_ =	shalt  }
0x68: {  	_ =	shalt  }
0x69: {  	_ =	shalt  }
0x6a: {  	_ =	shalt  }
0x6b: {  	_ =	shalt  }
0x6c: {  	_ =	shalt  }
0x6d: {  	_ =	shalt  }
0x6e: {  	_ =	shalt  }
0x6f: {  	_ =	shalt  }
0x70: {  	_ =	shalt  }
0x71: {  	_ =	shalt  }
0x72: {  	_ =	shalt  }
0x73: {  	_ =	shalt  }
0x74: {  	_ =	shalt  }
0x75: {  	_ =	shalt  }
0x76: {  	_ =	shalt  }
0x77: {  	_ =	shalt  }
0x78: {  	_ =	shalt  }
0x79: {  	_ =	shalt  }
0x7a: {  	_ =	shalt  }
0x7b: {  	_ =	shalt  }
0x7c: {  	_ =	shalt  }
0x7d: {  	_ =	shalt  }
0x7e: {  	_ =	shalt  }
0x7f: {  	_ =	shalt  }
0x80: {  	_ =	shalt  }
0x81: {  	_ =	shalt  }
0x82: {  	_ =	shalt  }
0x83: {  	_ =	shalt  }
0x84: {  	_ =	shalt  }
0x85: {  	_ =	shalt  }
0x86: {  	_ =	shalt  }
0x87: {  	_ =	shalt  }
.Lfunc_end0:
.L_simem_size_0:
called_computation_lowered:
.L_overlay_start_0:
0x88: {  	s2 =	sld [smem:$0x3FD9]  }
0x89: {  	s3 =	sld [smem:$0x3FFE];
	_ =	sdelay $0x1  }
0x8a: {  	s1 =	srdreg.scid  }
0x8b: {  	s0 =	sand.u32 $0x1, s1  }
0x8c: {  	s17 =	sshll.u32 s0, $0xA;
	s2 =	sadd.s32 s3, s2  }
0x8d: {  	s2 =	sadd.s32 s2, s17  }
0x8e: {  	[smem:$0x3FBB] =	sst s2  }
0x8f: {  	_ = 	snop  }
0x90: {  	s2 =	sld [smem:$0x3FD0];
	(tm) =	ssettm $0x1  }
0x91: {  	s18 =	sld [smem:$0x3FFB];
	_ =	sdelay $0x3  }
0x92: {  	_ =	strace s18  }
0x93: {  	s3 =	sld [smem:$0x3FFC];
	_ =	sdelay $0x3  }
0x94: {  	_ =	strace s3  }
0x95: {  	s3 =	sld [smem:$0x3FFD];
	_ =	sdelay $0x3  }
0x96: {  	_ =	strace s3  }
0x97: {  	_ =	strace $0x8FFFFFFF  }
0x98: {  	s19 =	sld [smem:$0x3FDB];
	_ =	sdelay $0x1  }
0x99: {  	s4 =	simm.s32 $_scs_section_size  }
0x9a: {  	s5 =	simm.s32 $_size__tile_overlayer_lowered;
	s6 =	simm.s32 $_tile_overlayer_lowered  }
0x9b: {  	s22 =	simm.s32 $0x1BFF;
	s21 =	sshll.u32 s6, $0x1;
	s3 =	sadd.s32 s4, s19  }
0x9c: {  	s7 =	simm.s32 $0x0;
	s20 =	sshll.u32 s5, $0x1;
	s5 =	sadd.s32 s21, s3  }
0x9d: {  	[timem:s7], [sflag:s22] =	dma.local [hbm:s5], s20  }
0x9e: {  	_ =	swait.ge [sflag:s22], s20  }
0x9f: {  	s4 =	ssub.s32 $0x0, s20;
	[sflag:s22] =	ssyncset.done $0x0  }
0xa0: {  	[sflag:s22] =	ssyncadd.s32 s4;
	_ =	sdelay $0x1  }
0xa1: {  	s23 =	simm.s32 $0x1B8B  }
0xa2: {  	_ =	swait.ge [sflag:s23], $0x1  }
0xa3: {  	[sflag:s23] =	ssyncset.done $0x0  }
0xa4: {  	s25 =	simm.s32 $0x1B8E;
	s24 =	sld [smem:$0x3FFE];
	[sflag:s23] =	ssyncadd.s32 $0xFFFFFFFF  }
0xa5: {  	s26 =	simm.s32 $execute0_lowered;
	[smem:$0x3FD2] =	sst s25  }
0xa6: {  	s5 =	sshll.u32 s26, $0x1;
	_ =	strace $0x80000046;
	[dreg:$0x1] =	wrdreg $0xFFFFFFFF  }
0xa7: {  	s28 =	simm.s32 $_size_execute0_lowered;
	s3 =	sadd.s32 s3, s5;
	[dreg:$0x0] =	wrdreg $0x0  }
0xa8: {  	s5 =	sshll.u32 s28, $0x1;
	[dreg:$0x2] =	wrdreg s3  }
0xa9: {  	[dreg:$0x3] =	wrdreg s5  }
0xaa: {  	[dreg:$0x4] =	wrdreg $0xC0  }
0xab: {  	_ =	task [dreg:s7], $0x5FFFF  }
0xac: {  	[dreg:$0x1] =	wrdreg $0xFFFFFFFF  }
0xad: {  	[dreg:$0x0] =	wrdreg $0x60  }
0xae: {  	[dreg:$0x2] =	wrdreg s24  }
0xaf: {  	[dreg:$0x3] =	wrdreg s2  }
0xb0: {  	[dreg:$0x4] =	wrdreg $0x29900  }
0xb1: {  	[dreg:$0x5] =	wrdreg $0x9  }
0xb2: {  	_ =	task.clear_ibuf [dreg:s7], $0x6FFFF;
	_ =	strace $0x90000046  }
0xb3: {  	s29 =	simm.s32 $0x9;
	_ =	strace $0x80000048  }
0xb4: {  	_ =	swait.ge [sflag:s29], $0x1  }
0xb5: {  	[sflag:s29] =	ssyncadd.s32 $0xFFFFFFFF  }
0xb6: {  	_ =	strace $0x90000048  }
0xb7: {  	_ =	sfence  }
0xb8: {  	s30 =	sld [smem:$0x0];
	_ =	sdelay $0x2  }
0xb9: {  	s31 =	sshll.u32 s1, $0xD;
	s1 =	sshrl.u32 s1, $0x2  }
0xba: {  	s3 =	sand.u32 $0x4000, s31;
	s1 =	sadd.s32 s1, s30  }
0xbb: {  	s0 =	sor.u32 s3, s0;
	s1 =	sshll.u32 s1, $0x11  }
0xbc: {  	s0 =	sor.u32 s1, s0  }
0xbd: {  	s0 =	sadd.s32 $0x8F2B, s0  }
0xbe: {  	[sflag:s0] =	ssyncadd.remote.s32 $0x1  }
0xbf: {  	_ =	sfence.sel $0xFFFF  }
0xc0: {  	[dreg:$0x0] =	wrdreg $0xFFFFFFFF;
	(pc) =	sbr.abs _section_cstart, $3  }
0xc1: {  	[dreg:$0x1] =	wrdreg $0xFFFFFFFF  }
0xc2: {  	_ =	task.clear_ibuf [dreg:s7], $0x2FFFF;
	_ =	strace $0x9FFFFFFF  }
0xc3: {  	(tm) =	ssettm $0x7FFFFFFF  }
tec
execute0_lowered:
.L_overlay_start_1:
0x0: {  	(tag) =	ssettag $0x1  }
0x1: {  	s8 =	rddreg [dreg:$0x0]  }
0x2: {  	s2 =	rddreg [dreg:$0x1]  }
0x3: {  	s0 =	stileid.u32;
	s3 =	rddreg [dreg:$0x2]  }
0x4: {  	s1 =	rddreg [dreg:$0x3];
	s4 =	simm.s32 $0x0;
	s7 =	srdreg.scid  }
0x5: {  	s17 =	simm.s32 $0x1;
	s18 =	simm.s32 $0x0;
	s5 =	smul.u32 $0x1380, s0  }
0x6: {  	[smem:$0x7FF] =	sst s4;
	s9 =	sand.u32 $0x1, s7;
	s10 =	sadd.s32 $0x19600, s8  }
0x7: {  	s13 =	smul.u32 $0x270, s0;
	s30 =	sshll.u32 s0, $0x6;
	s16 =	sadd.s32 $0x13800, s3  }
0x8: {  	p0 =	sne.s32 s0, $0xF;
	_ =	strace $0x80000047;
	s15 =	smul.u32 $0x13880, s9  }
0x9: {  	s7 =	ssub.s32 $0x2, s9;
	s11 =	sshll.u32 s9, $0x4;
	s9 =	smul.u32 $0x2710, s9  }
0xa: {  	s6 =	sshrl.u32 s5, $0x3;
	s12 =	sshrl.u32 s7, $0x1;
	s11 =	sor.u32 s0, s11  }
0xb: {  	s14 =	sadd.s32 s5, s3;
	s31 =	sadd.s32 s10, s13;
	s13 =	simm.s32 $0x2  }
0xc: {  	s6 =	sadd.s32 s6, s8;
	s12 =	ssub.s32 s7, s12;
	s11 =	smul.u32 $0x2710, s11  }
0xd: {  	s7 =	sadd.s32 $0x19500, s8;
	s15 =	sshrl.u32 s15, $0x3;
	s9 =	sadd.s32 s9, s31  }
0xe: {  	s5 =	sadd.s32 $0x16E00, s6;
	s6 =	sor.u32 $0x1C02, s30;
	s10 =	sadd.s32 s10, s15  }
0xf: {  	s15 =	simm.s32 $0x280;
	s11 =	sshrl.u32 s11, $0x3;
	s10 =	sadd.s32 $0x2700, s10  }
0x10: {  	s8 =	sadd.s32 s8, s11;
	s11 =	smax.u32 s12, $0x1;
	s12 =	sshrl.u32 s14, $0x3  }
0x11: {  	s14 =	sshrl.u32 @!p0 s16, $0x3;
	s16 =	simm.s32 $0x50;
	s8 =	sadd.s32 $0xD040, s8  }
.LBB2_1:
0x12: {  	[spmem:s12], [sflag:s6] =	dma.local [hbm:s5], $0x270  }
0x13: {  	_ =	swait.ge [sflag:s13], $0x270  }
0x14: {  	[sflag:s13] =	ssyncset.done $0x0  }
0x15: {  	s19 =	simm.s32 @!p0 $0x2;
	[sflag:s13] =	ssyncadd.s32 $0xFFFFFD90  }
0x16: {  	[spmem:s14], [sflag:s6] =	dma.local @!p0 [hbm:s7], $0x10  }
0x17: {  	_ =	swait.ge @!p0 [sflag:s19], $0x10  }
0x18: {  	[sflag:s19] =	ssyncset.done @!p0 $0x0  }
0x19: {  	[sflag:s19] =	ssyncadd.s32 @!p0 $0xFFFFFFF0  }
0x1a: {  	[tilespmem:s4], [sflag:$0x2] =	stream.linear.gather [hbm4b:s2+s4], $0x280, $0x38;
	[tilespmem:$0x3D18] =	vst v63  }
0x1b: {  	_ =	swait.ge [sflag:s13], $0x280  }
0x1c: {  	[sflag:s13] =	ssyncset.done $0x0  }
0x1d: {  	[sflag:s13] =	ssyncadd.s32 $0xFFFFFD80  }
0x1e: {  	[tilespmem:s15], [sflag:$0x2] =	stream.linear.gather [hbm4b:s8+s4], $0x2710, $0x38;
	[tilespmem:$0x3D18] =	vst v63  }
0x1f: {  	_ =	swait.ge [sflag:s13], $0x2710  }
0x20: {  	[sflag:s13] =	ssyncset.done $0x0  }
0x21: {  	[sflag:s13] =	ssyncadd.s32 $0xFFFFD8F0  }
0x22: {  	s26 =	simm.s32 $0x280;
	[bflag:$0x0] =	sbarrier.arrive $0xFFFF  }
0x23: {  	[spmem:s3] =	stream.indirect.scatter.add.f32 [tilespmem:s4], [sflag:$0x1], $0x8, s26, s16, $0xb8;
	[tilespmem:$0x3D18] =	vst v63  }
0x24: {  	s28 =	simm.s32 $0x2D0  }
0x25: {  	[spmem:s3] =	stream.indirect.scatter.add.f32 [tilespmem:s4], [sflag:$0x1], $0x8, s28, s16, $0xb8;
	[tilespmem:$0x3D18] =	vst v63  }
0x26: {  	s29 =	simm.s32 $0x320  }
0x27: {  	[spmem:s3] =	stream.indirect.scatter.add.f32 [tilespmem:s4], [sflag:$0x1], $0x8, s29, s16, $0xb8;
	[tilespmem:$0x3D18] =	vst v63  }
0x28: {  	s30 =	simm.s32 $0x370  }
0x29: {  	[spmem:s3] =	stream.indirect.scatter.add.f32 [tilespmem:s4], [sflag:$0x1], $0x8, s30, s16, $0xb8;
	[tilespmem:$0x3D18] =	vst v63  }
0x2a: {  	s31 =	simm.s32 $0x3C0  }
0x2b: {  	[spmem:s3] =	stream.indirect.scatter.add.f32 [tilespmem:s4], [sflag:$0x1], $0x8, s31, s16, $0xb8;
	[tilespmem:$0x3D18] =	vst v63  }
0x2c: {  	_ =	swait.ge [sflag:s17], $0x280  }
0x2d: {  	[sflag:s17] =	ssyncset.done $0x0  }
0x2e: {  	[sflag:s17] =	ssyncadd.s32 $0xFFFFFD80  }
0x2f: {  	_ =	swait.ge [sflag:s17], $0x280  }
0x30: {  	[sflag:s17] =	ssyncset.done $0x0  }
0x31: {  	[sflag:s17] =	ssyncadd.s32 $0xFFFFFD80  }
0x32: {  	_ =	swait.ge [sflag:s17], $0x280  }
0x33: {  	[sflag:s17] =	ssyncset.done $0x0  }
0x34: {  	[sflag:s17] =	ssyncadd.s32 $0xFFFFFD80  }
0x35: {  	_ =	swait.ge [sflag:s17], $0x280  }
0x36: {  	[sflag:s17] =	ssyncset.done $0x0  }
0x37: {  	[sflag:s17] =	ssyncadd.s32 $0xFFFFFD80  }
0x38: {  	_ =	swait.ge [sflag:s17], $0x280  }
0x39: {  	s20 =	simm.s32 $0xC80;
	s19 =	simm.s32 $0x190;
	[sflag:s17] =	ssyncset.done $0x0  }
.LBB2_2:
0x3a: {  	s21 =	sadd.s32 $0x280, s19  }
0x3b: {  	[sflag:s17] =	ssyncadd.s32 $0xFFFFFD80;
	s22 =	smov.u32 s20;
	s23 =	sadd.s32 $0x640, s20  }
0x3c: {  	[spmem:s3] =	stream.indirect.scatter.add.f32 [tilespmem:s4], [sflag:$0x1], $0x8, s21, s16, $0xb8;
	[tilespmem:$0x3D18] =	vst v63  }
0x3d: {  	p1 =	sne.s32 s20, $0x9600;
	s20 =	sadd.s32 $0x2D0, s19  }
0x3e: {  	[spmem:s3] =	stream.indirect.scatter.add.f32 [tilespmem:s4], [sflag:$0x1], $0x8, s20, s16, $0xb8;
	[tilespmem:$0x3D18] =	vst v63  }
0x3f: {  	s20 =	sadd.s32 $0x320, s19  }
0x40: {  	[spmem:s3] =	stream.indirect.scatter.add.f32 [tilespmem:s4], [sflag:$0x1], $0x8, s20, s16, $0xb8;
	[tilespmem:$0x3D18] =	vst v63  }
0x41: {  	s20 =	sadd.s32 $0x370, s19  }
0x42: {  	[spmem:s3] =	stream.indirect.scatter.add.f32 [tilespmem:s4], [sflag:$0x1], $0x8, s20, s16, $0xb8;
	[tilespmem:$0x3D18] =	vst v63  }
0x43: {  	s19 =	sadd.s32 $0x3C0, s19  }
0x44: {  	[spmem:s3] =	stream.indirect.scatter.add.f32 [tilespmem:s4], [sflag:$0x1], $0x8, s19, s16, $0xb8;
	[tilespmem:$0x3D18] =	vst v63  }
0x45: {  	_ =	swait.ge [sflag:s17], $0x280  }
0x46: {  	[sflag:s17] =	ssyncset.done $0x0  }
0x47: {  	[sflag:s17] =	ssyncadd.s32 $0xFFFFFD80  }
0x48: {  	_ =	swait.ge [sflag:s17], $0x280  }
0x49: {  	[sflag:s17] =	ssyncset.done $0x0  }
0x4a: {  	[sflag:s17] =	ssyncadd.s32 $0xFFFFFD80  }
0x4b: {  	_ =	swait.ge [sflag:s17], $0x280  }
0x4c: {  	[sflag:s17] =	ssyncset.done $0x0  }
0x4d: {  	[sflag:s17] =	ssyncadd.s32 $0xFFFFFD80  }
.Ltmp0:
0x4e: {  	_ =	swait.ge [sflag:s17], $0x280;
	(pc) =	sbr.rel @p1 .LBB2_2-.Ltmp0, $4  }
0x4f: {  	[sflag:s17] =	ssyncset.done $0x0  }
0x50: {  	[sflag:s17] =	ssyncadd.s32 $0xFFFFFD80  }
0x51: {  	_ =	swait.ge [sflag:s17], $0x280  }
0x52: {  	s20 =	smov.u32 s23;
	s19 =	sshra.s32 s22, $0x2;
	[sflag:s17] =	ssyncset.done $0x0  }
0x53: {  	s20 =	sadd.s32 $0x280, s19;
	[sflag:s17] =	ssyncadd.s32 $0xFFFFFD80  }
0x54: {  	[spmem:s3] =	stream.indirect.scatter.add.f32 [tilespmem:s4], [sflag:$0x1], $0x8, s20, s16, $0xb8;
	[tilespmem:$0x3D18] =	vst v63  }
0x55: {  	s28 =	sadd.s32 $0x2D0, s19  }
0x56: {  	[spmem:s3] =	stream.indirect.scatter.add.f32 [tilespmem:s4], [sflag:$0x1], $0x8, s28, s16, $0xb8;
	[tilespmem:$0x3D18] =	vst v63  }
0x57: {  	s29 =	sadd.s32 $0x320, s19  }
0x58: {  	[spmem:s3] =	stream.indirect.scatter.add.f32 [tilespmem:s4], [sflag:$0x1], $0x8, s29, s16, $0xb8;
	[tilespmem:$0x3D18] =	vst v63  }
0x59: {  	s30 =	sadd.s32 $0x370, s19  }
0x5a: {  	[spmem:s3] =	stream.indirect.scatter.add.f32 [tilespmem:s4], [sflag:$0x1], $0x8, s30, s16, $0xb8;
	[tilespmem:$0x3D18] =	vst v63  }
0x5b: {  	s31 =	sadd.s32 $0x3C0, s19  }
0x5c: {  	[spmem:s3] =	stream.indirect.scatter.add.f32 [tilespmem:s4], [sflag:$0x1], $0x8, s31, s16, $0xb8;
	[tilespmem:$0x3D18] =	vst v63  }
0x5d: {  	_ =	swait.ge [sflag:s17], $0x280  }
0x5e: {  	[sflag:s17] =	ssyncset.done $0x0  }
0x5f: {  	[sflag:s17] =	ssyncadd.s32 $0xFFFFFD80  }
0x60: {  	_ =	swait.ge [sflag:s17], $0x280  }
0x61: {  	[sflag:s17] =	ssyncset.done $0x0  }
0x62: {  	[sflag:s17] =	ssyncadd.s32 $0xFFFFFD80  }
0x63: {  	_ =	swait.ge [sflag:s17], $0x280  }
0x64: {  	[sflag:s17] =	ssyncset.done $0x0  }
0x65: {  	[sflag:s17] =	ssyncadd.s32 $0xFFFFFD80  }
0x66: {  	_ =	swait.ge [sflag:s17], $0x280  }
0x67: {  	[sflag:s17] =	ssyncset.done $0x0  }
0x68: {  	[sflag:s17] =	ssyncadd.s32 $0xFFFFFD80  }
0x69: {  	_ =	swait.ge [sflag:s17], $0x280  }
0x6a: {  	[sflag:s17] =	ssyncset.done $0x0  }
0x6b: {  	[sflag:s17] =	ssyncadd.s32 $0xFFFFFD80  }
0x6c: {  	[bflag:$0x0] =	sbarrier.arrive $0xFFFF  }
0x6d: {  	[hbm:s9], [sflag:s6] =	dma.local [spmem:s12], $0x270  }
0x6e: {  	s18 =	sadd.s32 $0x1, s18;
	_ =	swait.ge [sflag:s13], $0x270  }
0x6f: {  	p1 =	sne.s32 s18, s11;
	[sflag:s13] =	ssyncset.done $0x0  }
.Ltmp1:
0x70: {  	s19 =	simm.s32 @!p0 $0x2;
	[sflag:s13] =	ssyncadd.s32 $0xFFFFFD90;
	(pc) =	sbr.rel @p1 .LBB2_1-.Ltmp1, $4  }
0x71: {  	[hbm:s10], [sflag:s6] =	dma.local @!p0 [spmem:s14], $0x10  }
0x72: {  	_ =	swait.ge @!p0 [sflag:s19], $0x10  }
0x73: {  	[sflag:s19] =	ssyncset.done @!p0 $0x0  }
0x74: {  	[sflag:s19] =	ssyncadd.s32 @!p0 $0xFFFFFFF0  }
0x75: {  	_ =	sfence.sel $0x180000  }
0x76: {  	[bflag:$0x0] =	sbarrier.arrive $0xFFFF  }
0x77: {  	p0 =	sne.s32 s0, $0x0;
	_ =	strace $0x90000047  }
0x78: {  	s0 =	sadd.s32 @!p0 $0x100000, s1;
	[bflag:$0x2] =	sbarrier.arrive $0xFFFF  }
0x79: {  	[sflag:s0] =	ssyncadd.tile.s32 @!p0 $0x1;
	_ =	shalt  }
.Lfunc_end2:
_tile_overlayer_lowered:
.L_overlay_start_2:
0x7a: {  	(tag) =	ssettag $0x2  }
0x7b: {  	s0 =	rddreg [dreg:$0x0];
	s2 =	stileid.u32  }
0x7c: {  	s1 =	rddreg [dreg:$0x1];
	p0 =	sne.s32 s2, $0x0  }
0x7d: {  	s3 =	rddreg [dreg:$0x2];
	[bflag:$0x3] =	sbarrier.arrive $0xFFFF;
	s2 =	simm.s32 @!p0 $0x1C02  }
0x7e: {  	[timem:s3], [sflag:s2] =	dma.local @!p0 [hbm:s0], s1  }
0x7f: {  	s0 =	simm.s32 @!p0 $0x2  }
0x80: {  	_ =	swait.ge @!p0 [sflag:s0], s1  }
0x81: {  	s1 =	ssub.s32 @!p0 $0x0, s1;
	[sflag:s0] =	ssyncset.done @!p0 $0x0  }
0x82: {  	[sflag:s0] =	ssyncadd.s32 @!p0 s1  }
0x83: {  	[bflag:$0x3] =	sbarrier.arrive $0xFFFF  }
0x84: {  	_ =	shalt  }

// kernel: kernel.15.cloned.1.call-start
scs
__scs_entry_jumppad:
0x0: {  	(pc) =	sbr.rel $0x88, $3  }
0x1: {  	(tag) =	ssettag $0x0;
	lr =	simm.s32 $0x1  }
0x2: {  	[smem:$0x3F94] =	sst lr;
	_ =	strace $0xD0000000  }
0x3: {  	_ = 	snop  }
0x4: {  	_ = 	snop  }
0x5: {  	_ = 	snop  }
0x6: {  	_ = 	snop  }
0x7: {  	_ = 	snop  }
__scs_overlays_trampoline_lowered:
0x8: {  	[smem:$0x3FA3] =	sst s0  }
0x9: {  	[smem:$0x3FA4] =	sst s1  }
0xa: {  	[smem:$0x3FA5] =	sst s2  }
0xb: {  	[smem:$0x3FA6] =	sst s3  }
0xc: {  	[smem:$0x3FA7] =	sst s4  }
0xd: {  	[smem:$0x3FA8] =	sst s5  }
0xe: {  	[smem:$0x3FA9] =	sst s6  }
0xf: {  	[smem:$0x3FAA] =	sst s7  }
0x10: {  	[smem:$0x3FAB] =	sst s8  }
0x11: {  	[smem:$0x3FAC] =	sst s9;
	s0 =	simm.s32 @!p0 $0x0  }
0x12: {  	s1 =	sld [smem:$0x3F92];
	s0 =	simm.s32 @p0 $0x1  }
0x13: {  	[smem:$0x3FAD] =	sst s0;
	s0 =	simm.s32 @!p1 $0x0  }
0x14: {  	s2 =	sld [smem:$0x3F91];
	s0 =	simm.s32 @p1 $0x1  }
0x15: {  	[smem:$0x3FAE] =	sst s0;
	s0 =	simm.s32 @!p2 $0x0  }
0x16: {  	s3 =	sld [smem:$0x3FDB];
	s0 =	simm.s32 @p2 $0x1  }
0x17: {  	s4 =	simm.s32 $0x1BF5;
	[smem:$0x3FB0] =	sst s0  }
0x18: {  	s0 =	sld [smem:$0x3F93];
	_ =	swait.ge [sflag:s4], $0x0  }
0x19: {  	s7 =	sld [smem:$0x3F94]  }
0x1a: {  	s8 =	sadd.s32 $0xFFFFE003, lr  }
0x1b: {  	s9 =	sadd.s32 $0xFFFFFEF7, lr;
	s5 =	simm.s32 $0xFFFFFFFF;
	p2 =	slt.u32 s8, $0xFFFFF086  }
0x1c: {  	p1 =	slt.u32 s9, $0xF7A;
	s5 =	simm.s32 @!p2 $0x0  }
0x1d: {  	s5 =	simm.s32 @p1 $0x1;
	p0 =	seq.s32 s7, s2  }
0x1e: {  	s7 =	smul.u32 @!p0 $0xF7A, s2;
	p2 =	seq.s32 @!p0 s5, $0x0  }
0x1f: {  	s9 =	smul.u32 $0xF7A, s1;
	s8 =	simm.s32 @!p0 $0x1BF5;
	p2 =	por !p2, p0  }
0x20: {  	[sflag:s8] =	ssyncset.s32 @!p0 $0xFFFFF086;
	s6 =	sadd.s32 @!p0 s3, s7;
	s7 =	simm.s32 @!p0 $0x108  }
0x21: {  	s3 =	sadd.s32 s3, s9;
	s6 =	sadd.s32 @!p0 $0x88, s6;
	s7 =	simm.s32 @p2 $0x1082  }
0x22: {  	[simem:s7], [sflag:s8] =	dma.local @!p0 [hbm:s6], $0xF7A  }
0x23: {  	s9 =	sor.u32 $0xD0000000, s2;
	s6 =	simm.s32 $0x108;
	_ =	swait.ge @!p0 [sflag:s8], $0x0  }
0x24: {  	s3 =	sadd.s32 $0x88, s3;
	s6 =	simm.s32 @!p1 $0x1082;
	[sflag:s4] =	ssyncset.s32 $0xFFFFF086  }
0x25: {  	[simem:s6], [sflag:s4] =	dma.local [hbm:s3], $0xF7A  }
0x26: {  	[smem:$0x3F94] =	sst s1;
	(tag) =	ssettag s2;
	_ =	strace s9  }
0x27: {  	s1 =	sld [smem:$0x3FA4]  }
0x28: {  	s2 =	sld [smem:$0x3FA5]  }
0x29: {  	s4 =	sld [smem:$0x3FA7]  }
0x2a: {  	p0 =	seq.s32 s5, $0x0;
	s5 =	sld [smem:$0x3FA8]  }
0x2b: {  	s6 =	sld [smem:$0x3FA9]  }
0x2c: {  	s7 =	sld [smem:$0x3FAA]  }
0x2d: {  	s3 =	simm.s32 $0x108;
	s8 =	sld [smem:$0x3FAB]  }
0x2e: {  	s3 =	simm.s32 @!p0 $0x1082;
	s9 =	sld [smem:$0x3FAC]  }
0x2f: {  	lr =	sadd.s32 s0, s3;
	s0 =	sld [smem:$0x3FA3]  }
0x30: {  	s3 =	sld [smem:$0x3FA6]  }
0x31: {  	[smem:$0x3FAF] =	sst s10  }
0x32: {  	s10 =	sld [smem:$0x3FAD];
	_ =	sdelay $0x3  }
0x33: {  	p0 =	seq.s32 s10, $0x1;
	s10 =	sld [smem:$0x3FAF];
	_ =	sdelay $0x3  }
0x34: {  	[smem:$0x3FAF] =	sst s10  }
0x35: {  	s10 =	sld [smem:$0x3FAE];
	_ =	sdelay $0x3  }
0x36: {  	p1 =	seq.s32 s10, $0x1;
	s10 =	sld [smem:$0x3FAF];
	_ =	sdelay $0x3  }
0x37: {  	[smem:$0x3FAF] =	sst s10  }
0x38: {  	s10 =	sld [smem:$0x3FB0]  }
0x39: {  	_ = 	snop;
	(pc) =	sbr.ind lr, $3  }
0x3a: {  	_ = 	snop  }
0x3b: {  	_ = 	snop  }
0x3c: {  	p2 =	seq.s32 s10, $0x1;
	s10 =	sld [smem:$0x3FAF]  }
0x3d: {  	_ =	shalt  }
0x3e: {  	_ =	shalt  }
0x3f: {  	_ =	shalt  }
0x40: {  	_ =	shalt  }
0x41: {  	_ =	shalt  }
0x42: {  	_ =	shalt  }
0x43: {  	_ =	shalt  }
0x44: {  	_ =	shalt  }
0x45: {  	_ =	shalt  }
0x46: {  	_ =	shalt  }
0x47: {  	_ =	shalt  }
0x48: {  	_ =	shalt  }
0x49: {  	_ =	shalt  }
0x4a: {  	_ =	shalt  }
0x4b: {  	_ =	shalt  }
0x4c: {  	_ =	shalt  }
0x4d: {  	_ =	shalt  }
0x4e: {  	_ =	shalt  }
0x4f: {  	_ =	shalt  }
0x50: {  	_ =	shalt  }
0x51: {  	_ =	shalt  }
0x52: {  	_ =	shalt  }
0x53: {  	_ =	shalt  }
0x54: {  	_ =	shalt  }
0x55: {  	_ =	shalt  }
0x56: {  	_ =	shalt  }
0x57: {  	_ =	shalt  }
0x58: {  	_ =	shalt  }
0x59: {  	_ =	shalt  }
0x5a: {  	_ =	shalt  }
0x5b: {  	_ =	shalt  }
0x5c: {  	_ =	shalt  }
0x5d: {  	_ =	shalt  }
0x5e: {  	_ =	shalt  }
0x5f: {  	_ =	shalt  }
0x60: {  	_ =	shalt  }
0x61: {  	_ =	shalt  }
0x62: {  	_ =	shalt  }
0x63: {  	_ =	shalt  }
0x64: {  	_ =	shalt  }
0x65: {  	_ =	shalt  }
0x66: {  	_ =	shalt  }
0x67: {  	_ =	shalt  }
0x68: {  	_ =	shalt  }
0x69: {  	_ =	shalt  }
0x6a: {  	_ =	shalt  }
0x6b: {  	_ =	shalt  }
0x6c: {  	_ =	shalt  }
0x6d: {  	_ =	shalt  }
0x6e: {  	_ =	shalt  }
0x6f: {  	_ =	shalt  }
0x70: {  	_ =	shalt  }
0x71: {  	_ =	shalt  }
0x72: {  	_ =	shalt  }
0x73: {  	_ =	shalt  }
0x74: {  	_ =	shalt  }
0x75: {  	_ =	shalt  }
0x76: {  	_ =	shalt  }
0x77: {  	_ =	shalt  }
0x78: {  	_ =	shalt  }
0x79: {  	_ =	shalt  }
0x7a: {  	_ =	shalt  }
0x7b: {  	_ =	shalt  }
0x7c: {  	_ =	shalt  }
0x7d: {  	_ =	shalt  }
0x7e: {  	_ =	shalt  }
0x7f: {  	_ =	shalt  }
0x80: {  	_ =	shalt  }
0x81: {  	_ =	shalt  }
0x82: {  	_ =	shalt  }
0x83: {  	_ =	shalt  }
0x84: {  	_ =	shalt  }
0x85: {  	_ =	shalt  }
0x86: {  	_ =	shalt  }
0x87: {  	_ =	shalt  }
.Lfunc_end0:
.L_simem_size_0:
called_computation.1_lowered:
.L_overlay_start_0:
0x88: {  	s2 =	sld [smem:$0x3FD9]  }
0x89: {  	s3 =	sld [smem:$0x3FFE];
	_ =	sdelay $0x1  }
0x8a: {  	s1 =	srdreg.scid  }
0x8b: {  	s0 =	sand.u32 $0x1, s1  }
0x8c: {  	s16 =	sshll.u32 s0, $0xA;
	s2 =	sadd.s32 s3, s2  }
0x8d: {  	s2 =	sadd.s32 s2, s16  }
0x8e: {  	[smem:$0x3FBB] =	sst s2  }
0x8f: {  	_ = 	snop  }
0x90: {  	(tm) =	ssettm $0x1  }
0x91: {  	s17 =	sld [smem:$0x3FFB];
	_ =	sdelay $0x3  }
0x92: {  	_ =	strace s17  }
0x93: {  	s2 =	sld [smem:$0x3FFC];
	_ =	sdelay $0x3  }
0x94: {  	_ =	strace s2  }
0x95: {  	s2 =	sld [smem:$0x3FFD];
	_ =	sdelay $0x3  }
0x96: {  	_ =	strace s2  }
0x97: {  	_ =	strace $0x8FFFFFFF  }
0x98: {  	s18 =	sld [smem:$0x3FDB];
	_ =	sdelay $0x1  }
0x99: {  	s19 =	simm.s32 $_scs_section_size  }
0x9a: {  	s4 =	simm.s32 $_size__tile_overlayer_lowered;
	s5 =	simm.s32 $_tile_overlayer_lowered  }
0x9b: {  	s22 =	simm.s32 $0x1BFF;
	s21 =	sshll.u32 s5, $0x1;
	s2 =	sadd.s32 s19, s18  }
0x9c: {  	s6 =	simm.s32 $0x0;
	s20 =	sshll.u32 s4, $0x1;
	s4 =	sadd.s32 s21, s2  }
0x9d: {  	[timem:s6], [sflag:s22] =	dma.local [hbm:s4], s20  }
0x9e: {  	_ =	swait.ge [sflag:s22], s20  }
0x9f: {  	s3 =	ssub.s32 $0x0, s20;
	[sflag:s22] =	ssyncset.done $0x0  }
0xa0: {  	[sflag:s22] =	ssyncadd.s32 s3;
	_ =	sdelay $0x1  }
0xa1: {  	s23 =	simm.s32 $0x1B8B  }
0xa2: {  	_ =	swait.ge [sflag:s23], $0x1  }
0xa3: {  	[sflag:s23] =	ssyncset.done $0x0  }
0xa4: {  	s25 =	simm.s32 $0x1B8E;
	s24 =	sld [smem:$0x3FFE];
	[sflag:s23] =	ssyncadd.s32 $0xFFFFFFFF  }
0xa5: {  	s26 =	simm.s32 $execute0_lowered;
	[smem:$0x3FD2] =	sst s25  }
0xa6: {  	s4 =	sshll.u32 s26, $0x1;
	_ =	strace $0x80000049;
	[dreg:$0x1] =	wrdreg $0xFFFFFFFF  }
0xa7: {  	s28 =	simm.s32 $_size_execute0_lowered;
	s2 =	sadd.s32 s2, s4;
	[dreg:$0x0] =	wrdreg $0x0  }
0xa8: {  	s4 =	sshll.u32 s28, $0x1;
	[dreg:$0x2] =	wrdreg s2  }
0xa9: {  	[dreg:$0x3] =	wrdreg s4  }
0xaa: {  	[dreg:$0x4] =	wrdreg $0xC0  }
0xab: {  	_ =	task [dreg:s6], $0x5FFFF  }
0xac: {  	[dreg:$0x1] =	wrdreg $0xFFFFFFFF  }
0xad: {  	[dreg:$0x0] =	wrdreg $0x60  }
0xae: {  	[dreg:$0x2] =	wrdreg s24  }
0xaf: {  	[dreg:$0x3] =	wrdreg $0xB2200  }
0xb0: {  	[dreg:$0x4] =	wrdreg $0x9  }
0xb1: {  	_ =	task.clear_ibuf [dreg:s6], $0x5FFFF;
	_ =	strace $0x90000049  }
0xb2: {  	s29 =	simm.s32 $0x9;
	_ =	strace $0x8000004B  }
0xb3: {  	_ =	swait.ge [sflag:s29], $0x1  }
0xb4: {  	[sflag:s29] =	ssyncadd.s32 $0xFFFFFFFF  }
0xb5: {  	_ =	strace $0x9000004B  }
0xb6: {  	_ =	sfence  }
0xb7: {  	s30 =	sld [smem:$0x0];
	_ =	sdelay $0x2  }
0xb8: {  	s31 =	sshll.u32 s1, $0xD;
	s1 =	sshrl.u32 s1, $0x2  }
0xb9: {  	s3 =	sand.u32 $0x4000, s31;
	s1 =	sadd.s32 s1, s30  }
0xba: {  	s0 =	sor.u32 s3, s0;
	s1 =	sshll.u32 s1, $0x11  }
0xbb: {  	s0 =	sor.u32 s1, s0  }
0xbc: {  	s0 =	sadd.s32 $0x8F2B, s0  }
0xbd: {  	[sflag:s0] =	ssyncadd.remote.s32 $0x1  }
0xbe: {  	_ =	sfence.sel $0xFFFF  }
0xbf: {  	[dreg:$0x0] =	wrdreg $0xFFFFFFFF;
	(pc) =	sbr.abs _section_cstart, $3  }
0xc0: {  	[dreg:$0x1] =	wrdreg $0xFFFFFFFF  }
0xc1: {  	_ =	task.clear_ibuf [dreg:s6], $0x2FFFF;
	_ =	strace $0x9FFFFFFF  }
0xc2: {  	(tm) =	ssettm $0x7FFFFFFF  }
0xc3: {  	_ =	shalt  }
tec
execute0_lowered:
.L_overlay_start_1:
0x0: {  	(tag) =	ssettag $0x1  }
0x1: {  	s0 =	srdreg.scid;
	s1 =	rddreg [dreg:$0x0]  }
0x2: {  	s14 =	stileid.u32;
	s2 =	rddreg [dreg:$0x1];
	s17 =	simm.s32 $0x50  }
0x3: {  	s18 =	simm.s32 $0x4E20;
	s19 =	simm.s32 $0x6220;
	s21 =	simm.s32 $0x7620  }
0x4: {  	s28 =	simm.s32 $0x6;
	s29 =	simm.s32 $0x2;
	s30 =	simm.s32 $0x7  }
0x5: {  	s31 =	simm.s32 $0x3;
	s16 =	simm.s32 $0x9;
	s20 =	simm.s32 $0x5  }
0x6: {  	s0 =	sand.u32 $0x1, s0;
	s6 =	smul.u32 $0x9C00, s14;
	s10 =	sadd.s32 $0x3E200, s1  }
0x7: {  	s11 =	smul.u32 $0x1380, s14;
	s23 =	sshll.u32 s14, $0x6;
	s15 =	sadd.s32 $0x9C000, s2  }
0x8: {  	p0 =	sne.s32 s14, $0xF;
	s3 =	sshll.u32 s0, $0x4;
	s24 =	smul.u32 $0x9C400, s0  }
0x9: {  	s8 =	ssub.s32 $0x2, s0;
	s0 =	smul.u32 $0x13880, s0;
	s15 =	sshrl.u32 @!p0 s15, $0x3  }
0xa: {  	s4 =	sor.u32 s14, s3;
	s3 =	simm.s32 $0x0;
	s7 =	sshrl.u32 s6, $0x3  }
0xb: {  	s9 =	sshrl.u32 s8, $0x1;
	s13 =	sadd.s32 s6, s2;
	s6 =	sor.u32 $0x1C0B, s23  }
0xc: {  	s14 =	simm.s32 $0xB;
	s23 =	simm.s32 $0x8A20;
	s5 =	smul.u32 $0x2710, s4  }
0xd: {  	[smem:$0x7FF] =	sst s3;
	s4 =	sadd.s32 $0x16E00, s1;
	s7 =	sadd.s32 s7, s1  }
0xe: {  	s12 =	ssub.s32 s8, s9;
	s26 =	sshrl.u32 s24, $0x3;
	s0 =	sadd.s32 s11, s0  }
0xf: {  	s13 =	sshrl.u32 s13, $0x3;
	s24 =	simm.s32 $0x0;
	_ =	strace $0x8000004A  }
0x10: {  	s22 =	sadd.s32 $0x2A800, s7;
	s12 =	smax.u32 s12, $0x1;
	s5 =	sshrl.u32 s5, $0x3  }
0x11: {  	[dreg:$0x3] =	wrdreg s22;
	s5 =	sadd.s32 s5, s1;
	s1 =	sadd.s32 $0x3E000, s1  }
0x12: {  	s22 =	simm.s32 $0xA;
	[dreg:$0x4] =	wrdreg s1;
	s25 =	sadd.s32 $0x3400, s5  }
0x13: {  	s9 =	sadd.s32 $0xD040, s5;
	s1 =	sadd.s32 s10, s26;
	s10 =	sadd.s32 s10, s0  }
0x14: {  	s26 =	simm.s32 $0x1;
	s0 =	simm.s32 $0x4;
	[dreg:$0x5] =	wrdreg s25  }
0x15: {  	s11 =	sadd.s32 $0x13800, s1;
	s25 =	simm.s32 $0x9E20;
	s1 =	simm.s32 $0x8  }
.LBB2_1:
0x16: {  	s5 =	rddreg [dreg:$0x3]  }
0x17: {  	[spmem:s13], [sflag:s6] =	dma.local [hbm:s5], $0x1380  }
0x18: {  	_ =	swait.ge [sflag:s14], $0x1380  }
0x19: {  	[sflag:s14] =	ssyncset.done $0x0  }
0x1a: {  	s5 =	rddreg [dreg:$0x4];
	[sflag:s14] =	ssyncadd.s32 $0xFFFFEC80  }
0x1b: {  	[spmem:s15], [sflag:s6] =	dma.local @!p0 [hbm:s5], $0x80  }
0x1c: {  	s5 =	simm.s32 @!p0 $0xB  }
0x1d: {  	_ =	swait.ge @!p0 [sflag:s5], $0x80  }
0x1e: {  	[sflag:s5] =	ssyncset.done @!p0 $0x0  }
0x1f: {  	s7 =	rddreg [dreg:$0x5];
	[sflag:s5] =	ssyncadd.s32 @!p0 $0xFFFFFF80  }
0x20: {  	[tilespmem:s3], [sflag:$0xB] =	stream.linear.gather [hbm4b:s7+s3], $0x2710, $0x38;
	[tilespmem:$0x14E60] =	vst v63  }
0x21: {  	_ =	swait.ge [sflag:s14], $0x2710  }
0x22: {  	[sflag:s14] =	ssyncset.done $0x0  }
0x23: {  	s8 =	simm.s32 $0x2710;
	[sflag:s14] =	ssyncadd.s32 $0xFFFFD8F0  }
0x24: {  	[tilespmem:s8], [sflag:$0xB] =	stream.linear.gather [hbm4b:s9+s3], $0x2710, $0x38;
	[tilespmem:$0x14E60] =	vst v63  }
0x25: {  	_ =	swait.ge [sflag:s14], $0x2710  }
0x26: {  	[sflag:s14] =	ssyncset.done $0x0  }
0x27: {  	[sflag:s14] =	ssyncadd.s32 $0xFFFFD8F0  }
0x28: {  	[bflag:$0x0] =	sbarrier.arrive $0xFFFF  }
0x29: {  	[tilespmem:s18], [sflag:$0x1] =	stream.indirect.gather [hbm4b:s4+s17], $0x40, s3, s17, $0xb8;
	[tilespmem:$0x14E60] =	vst v63  }
0x2a: {  	_ = 	snop  }
0x2b: {  	[tilespmem:s19], [sflag:$0x2] =	stream.indirect.gather [hbm4b:s4+s17], $0x40, s17, s17, $0xb8;
	[tilespmem:$0x14E60] =	vst v63  }
0x2c: {  	s7 =	simm.s32 $0xA0  }
0x2d: {  	[tilespmem:s21], [sflag:$0x3] =	stream.indirect.gather [hbm4b:s4+s17], $0x40, s7, s17, $0xb8;
	[tilespmem:$0x14E60] =	vst v63  }
0x2e: {  	s8 =	simm.s32 $0xF0  }
0x2f: {  	[tilespmem:s23], [sflag:$0x4] =	stream.indirect.gather [hbm4b:s4+s17], $0x40, s8, s17, $0xb8;
	[tilespmem:$0x14E60] =	vst v63  }
0x30: {  	s7 =	simm.s32 $0x140  }
0x31: {  	[tilespmem:s25], [sflag:$0x5] =	stream.indirect.gather [hbm4b:s4+s17], $0x40, s7, s17, $0xb8;
	[tilespmem:$0x14E60] =	vst v63  }
0x32: {  	_ =	swait.ge [sflag:s26], $0x1400  }
0x33: {  	[sflag:s26] =	ssyncset.done $0x0  }
0x34: {  	s8 =	simm.s32 $0x2710;
	[sflag:s26] =	ssyncadd.s32 $0xFFFFEC00  }
0x35: {  	[spmem:s2] =	stream.indirect.scatter.add.f32 [tilespmem:s18], [sflag:$0x6], $0x40, s8, s17, $0xb8;
	[tilespmem:$0x14E60] =	vst v63  }
0x36: {  	_ =	swait.ge [sflag:s28], $0x1400  }
0x37: {  	[sflag:s28] =	ssyncset.done $0x0  }
0x38: {  	s7 =	simm.s32 $0x190;
	[sflag:s28] =	ssyncadd.s32 $0xFFFFEC00  }
0x39: {  	[tilespmem:s18], [sflag:$0x1] =	stream.indirect.gather [hbm4b:s4+s17], $0x40, s7, s17, $0xb8;
	[tilespmem:$0x14E60] =	vst v63  }
0x3a: {  	_ =	swait.ge [sflag:s29], $0x1400  }
0x3b: {  	[sflag:s29] =	ssyncset.done $0x0  }
0x3c: {  	s8 =	simm.s32 $0x2760;
	[sflag:s29] =	ssyncadd.s32 $0xFFFFEC00  }
0x3d: {  	[spmem:s2] =	stream.indirect.scatter.add.f32 [tilespmem:s19], [sflag:$0x7], $0x40, s8, s17, $0xb8;
	[tilespmem:$0x14E60] =	vst v63  }
0x3e: {  	_ =	swait.ge [sflag:s30], $0x1400  }
0x3f: {  	[sflag:s30] =	ssyncset.done $0x0  }
0x40: {  	s7 =	simm.s32 $0x1E0;
	[sflag:s30] =	ssyncadd.s32 $0xFFFFEC00  }
0x41: {  	[tilespmem:s19], [sflag:$0x2] =	stream.indirect.gather [hbm4b:s4+s17], $0x40, s7, s17, $0xb8;
	[tilespmem:$0x14E60] =	vst v63  }
0x42: {  	_ =	swait.ge [sflag:s31], $0x1400  }
0x43: {  	[sflag:s31] =	ssyncset.done $0x0  }
0x44: {  	s8 =	simm.s32 $0x27B0;
	[sflag:s31] =	ssyncadd.s32 $0xFFFFEC00  }
0x45: {  	[spmem:s2] =	stream.indirect.scatter.add.f32 [tilespmem:s21], [sflag:$0x8], $0x40, s8, s17, $0xb8;
	[tilespmem:$0x14E60] =	vst v63  }
0x46: {  	_ =	swait.ge [sflag:s1], $0x1400  }
0x47: {  	[sflag:s1] =	ssyncset.done $0x0  }
0x48: {  	s7 =	simm.s32 $0x230;
	[sflag:s1] =	ssyncadd.s32 $0xFFFFEC00  }
0x49: {  	[tilespmem:s21], [sflag:$0x3] =	stream.indirect.gather [hbm4b:s4+s17], $0x40, s7, s17, $0xb8;
	[tilespmem:$0x14E60] =	vst v63  }
0x4a: {  	_ =	swait.ge [sflag:s0], $0x1400  }
0x4b: {  	[sflag:s0] =	ssyncset.done $0x0  }
0x4c: {  	s8 =	simm.s32 $0x2800;
	[sflag:s0] =	ssyncadd.s32 $0xFFFFEC00  }
0x4d: {  	[spmem:s2] =	stream.indirect.scatter.add.f32 [tilespmem:s23], [sflag:$0x9], $0x40, s8, s17, $0xb8;
	[tilespmem:$0x14E60] =	vst v63  }
0x4e: {  	_ =	swait.ge [sflag:s16], $0x1400  }
0x4f: {  	[sflag:s16] =	ssyncset.done $0x0  }
0x50: {  	s7 =	simm.s32 $0x280;
	[sflag:s16] =	ssyncadd.s32 $0xFFFFEC00  }
0x51: {  	[tilespmem:s23], [sflag:$0x4] =	stream.indirect.gather [hbm4b:s4+s17], $0x40, s7, s17, $0xb8;
	[tilespmem:$0x14E60] =	vst v63  }
0x52: {  	_ =	swait.ge [sflag:s20], $0x1400  }
0x53: {  	[sflag:s20] =	ssyncset.done $0x0  }
0x54: {  	s8 =	simm.s32 $0x2850;
	[sflag:s20] =	ssyncadd.s32 $0xFFFFEC00  }
0x55: {  	[spmem:s2] =	stream.indirect.scatter.add.f32 [tilespmem:s25], [sflag:$0xA], $0x40, s8, s17, $0xb8;
	[tilespmem:$0x14E60] =	vst v63  }
0x56: {  	_ =	swait.ge [sflag:s22], $0x1400  }
0x57: {  	[sflag:s22] =	ssyncset.done $0x0  }
0x58: {  	s5 =	simm.s32 $0x640;
	s7 =	simm.s32 $0x2D0;
	[sflag:s22] =	ssyncadd.s32 $0xFFFFEC00  }
.LBB2_2:
0x59: {  	[tilespmem:s25], [sflag:$0x5] =	stream.indirect.gather [hbm4b:s4+s17], $0x40, s7, s17, $0xb8;
	[tilespmem:$0x14E60] =	vst v63  }
0x5a: {  	s7 =	smov.u32 s5  }
0x5b: {  	p1 =	sne.s32 s5, $0x8FC0;
	s5 =	sadd.s32 $0x640, s5;
	_ =	swait.ge [sflag:s26], $0x1400  }
0x5c: {  	s7 =	sshra.s32 s7, $0x2;
	[sflag:s26] =	ssyncset.done $0x0  }
0x5d: {  	s8 =	sadd.s32 $0x2710, s7;
	[sflag:s26] =	ssyncadd.s32 $0xFFFFEC00  }
0x5e: {  	[spmem:s2] =	stream.indirect.scatter.add.f32 [tilespmem:s18], [sflag:$0x6], $0x40, s8, s17, $0xb8;
	[tilespmem:$0x14E60] =	vst v63  }
0x5f: {  	_ =	swait.ge [sflag:s28], $0x1400  }
0x60: {  	[sflag:s28] =	ssyncset.done $0x0  }
0x61: {  	s8 =	sadd.s32 $0x190, s7;
	[sflag:s28] =	ssyncadd.s32 $0xFFFFEC00  }
0x62: {  	[tilespmem:s18], [sflag:$0x1] =	stream.indirect.gather [hbm4b:s4+s17], $0x40, s8, s17, $0xb8;
	[tilespmem:$0x14E60] =	vst v63  }
0x63: {  	_ =	swait.ge [sflag:s29], $0x1400  }
0x64: {  	[sflag:s29] =	ssyncset.done $0x0  }
0x65: {  	s8 =	sadd.s32 $0x2760, s7;
	[sflag:s29] =	ssyncadd.s32 $0xFFFFEC00  }
0x66: {  	[spmem:s2] =	stream.indirect.scatter.add.f32 [tilespmem:s19], [sflag:$0x7], $0x40, s8, s17, $0xb8;
	[tilespmem:$0x14E60] =	vst v63  }
0x67: {  	_ =	swait.ge [sflag:s30], $0x1400  }
0x68: {  	[sflag:s30] =	ssyncset.done $0x0  }
0x69: {  	s8 =	sadd.s32 $0x1E0, s7;
	[sflag:s30] =	ssyncadd.s32 $0xFFFFEC00  }
0x6a: {  	[tilespmem:s19], [sflag:$0x2] =	stream.indirect.gather [hbm4b:s4+s17], $0x40, s8, s17, $0xb8;
	[tilespmem:$0x14E60] =	vst v63  }
0x6b: {  	_ =	swait.ge [sflag:s31], $0x1400  }
0x6c: {  	[sflag:s31] =	ssyncset.done $0x0  }
0x6d: {  	s8 =	sadd.s32 $0x27B0, s7;
	[sflag:s31] =	ssyncadd.s32 $0xFFFFEC00  }
0x6e: {  	[spmem:s2] =	stream.indirect.scatter.add.f32 [tilespmem:s21], [sflag:$0x8], $0x40, s8, s17, $0xb8;
	[tilespmem:$0x14E60] =	vst v63  }
0x6f: {  	_ =	swait.ge [sflag:s1], $0x1400  }
0x70: {  	[sflag:s1] =	ssyncset.done $0x0  }
0x71: {  	s8 =	sadd.s32 $0x230, s7;
	[sflag:s1] =	ssyncadd.s32 $0xFFFFEC00  }
0x72: {  	[tilespmem:s21], [sflag:$0x3] =	stream.indirect.gather [hbm4b:s4+s17], $0x40, s8, s17, $0xb8;
	[tilespmem:$0x14E60] =	vst v63  }
0x73: {  	_ =	swait.ge [sflag:s0], $0x1400  }
0x74: {  	[sflag:s0] =	ssyncset.done $0x0  }
0x75: {  	s8 =	sadd.s32 $0x2800, s7;
	[sflag:s0] =	ssyncadd.s32 $0xFFFFEC00  }
0x76: {  	[spmem:s2] =	stream.indirect.scatter.add.f32 [tilespmem:s23], [sflag:$0x9], $0x40, s8, s17, $0xb8;
	[tilespmem:$0x14E60] =	vst v63  }
0x77: {  	_ =	swait.ge [sflag:s16], $0x1400  }
0x78: {  	[sflag:s16] =	ssyncset.done $0x0  }
0x79: {  	s8 =	sadd.s32 $0x280, s7;
	[sflag:s16] =	ssyncadd.s32 $0xFFFFEC00  }
0x7a: {  	[tilespmem:s23], [sflag:$0x4] =	stream.indirect.gather [hbm4b:s4+s17], $0x40, s8, s17, $0xb8;
	[tilespmem:$0x14E60] =	vst v63  }
0x7b: {  	_ =	swait.ge [sflag:s20], $0x1400  }
0x7c: {  	[sflag:s20] =	ssyncset.done $0x0  }
.Ltmp0:
0x7d: {  	s8 =	sadd.s32 $0x2850, s7;
	[sflag:s20] =	ssyncadd.s32 $0xFFFFEC00;
	(pc) =	sbr.rel @p1 .LBB2_2-.Ltmp0, $4  }
0x7e: {  	[spmem:s2] =	stream.indirect.scatter.add.f32 [tilespmem:s25], [sflag:$0xA], $0x40, s8, s17, $0xb8;
	[tilespmem:$0x14E60] =	vst v63  }
0x7f: {  	_ =	swait.ge [sflag:s22], $0x1400  }
0x80: {  	[sflag:s22] =	ssyncset.done $0x0  }
0x81: {  	s7 =	sadd.s32 $0x2D0, s7;
	[sflag:s22] =	ssyncadd.s32 $0xFFFFEC00  }
0x82: {  	[tilespmem:s25], [sflag:$0x5] =	stream.indirect.gather [hbm4b:s4+s17], $0x40, s7, s17, $0xb8;
	[tilespmem:$0x14E60] =	vst v63  }
0x83: {  	_ =	swait.ge [sflag:s26], $0x1400  }
0x84: {  	[sflag:s26] =	ssyncset.done $0x0  }
0x85: {  	s5 =	simm.s32 $0x4C90;
	[sflag:s26] =	ssyncadd.s32 $0xFFFFEC00  }
0x86: {  	[spmem:s2] =	stream.indirect.scatter.add.f32 [tilespmem:s18], [sflag:$0x6], $0x40, s5, s17, $0xb8;
	[tilespmem:$0x14E60] =	vst v63  }
0x87: {  	_ =	swait.ge [sflag:s29], $0x1400  }
0x88: {  	[sflag:s29] =	ssyncset.done $0x0  }
0x89: {  	s7 =	simm.s32 $0x4CE0;
	[sflag:s29] =	ssyncadd.s32 $0xFFFFEC00  }
0x8a: {  	[spmem:s2] =	stream.indirect.scatter.add.f32 [tilespmem:s19], [sflag:$0x7], $0x40, s7, s17, $0xb8;
	[tilespmem:$0x14E60] =	vst v63  }
0x8b: {  	_ =	swait.ge [sflag:s31], $0x1400  }
0x8c: {  	[sflag:s31] =	ssyncset.done $0x0  }
0x8d: {  	s8 =	simm.s32 $0x4D30;
	[sflag:s31] =	ssyncadd.s32 $0xFFFFEC00  }
0x8e: {  	[spmem:s2] =	stream.indirect.scatter.add.f32 [tilespmem:s21], [sflag:$0x8], $0x40, s8, s17, $0xb8;
	[tilespmem:$0x14E60] =	vst v63  }
0x8f: {  	_ =	swait.ge [sflag:s0], $0x1400  }
0x90: {  	[sflag:s0] =	ssyncset.done $0x0  }
0x91: {  	s7 =	simm.s32 $0x4D80;
	[sflag:s0] =	ssyncadd.s32 $0xFFFFEC00  }
0x92: {  	[spmem:s2] =	stream.indirect.scatter.add.f32 [tilespmem:s23], [sflag:$0x9], $0x40, s7, s17, $0xb8;
	[tilespmem:$0x14E60] =	vst v63  }
0x93: {  	_ =	swait.ge [sflag:s20], $0x1400  }
0x94: {  	[sflag:s20] =	ssyncset.done $0x0  }
0x95: {  	s8 =	simm.s32 $0x4DD0;
	[sflag:s20] =	ssyncadd.s32 $0xFFFFEC00  }
0x96: {  	[spmem:s2] =	stream.indirect.scatter.add.f32 [tilespmem:s25], [sflag:$0xA], $0x40, s8, s17, $0xb8;
	[tilespmem:$0x14E60] =	vst v63  }
0x97: {  	_ =	swait.ge [sflag:s28], $0x1400  }
0x98: {  	[sflag:s28] =	ssyncset.done $0x0  }
0x99: {  	[sflag:s28] =	ssyncadd.s32 $0xFFFFEC00  }
0x9a: {  	_ =	swait.ge [sflag:s30], $0x1400  }
0x9b: {  	[sflag:s30] =	ssyncset.done $0x0  }
0x9c: {  	[sflag:s30] =	ssyncadd.s32 $0xFFFFEC00  }
0x9d: {  	_ =	swait.ge [sflag:s1], $0x1400  }
0x9e: {  	[sflag:s1] =	ssyncset.done $0x0  }
0x9f: {  	[sflag:s1] =	ssyncadd.s32 $0xFFFFEC00  }
0xa0: {  	_ =	swait.ge [sflag:s16], $0x1400  }
0xa1: {  	[sflag:s16] =	ssyncset.done $0x0  }
0xa2: {  	[sflag:s16] =	ssyncadd.s32 $0xFFFFEC00  }
0xa3: {  	_ =	swait.ge [sflag:s22], $0x1400  }
0xa4: {  	[sflag:s22] =	ssyncset.done $0x0  }
0xa5: {  	[sflag:s22] =	ssyncadd.s32 $0xFFFFEC00  }
0xa6: {  	[bflag:$0x0] =	sbarrier.arrive $0xFFFF  }
0xa7: {  	[hbm:s10], [sflag:s6] =	dma.local [spmem:s13], $0x1380  }
0xa8: {  	s24 =	sadd.s32 $0x1, s24;
	_ =	swait.ge [sflag:s14], $0x1380  }
0xa9: {  	p1 =	sne.s32 s24, s12;
	[sflag:s14] =	ssyncset.done $0x0  }
.Ltmp1:
0xaa: {  	s5 =	simm.s32 @!p0 $0xB;
	[sflag:s14] =	ssyncadd.s32 $0xFFFFEC80;
	(pc) =	sbr.rel @p1 .LBB2_1-.Ltmp1, $4  }
0xab: {  	[hbm:s11], [sflag:s6] =	dma.local @!p0 [spmem:s15], $0x80  }
0xac: {  	_ =	swait.ge @!p0 [sflag:s5], $0x80  }
0xad: {  	[sflag:s5] =	ssyncset.done @!p0 $0x0  }
0xae: {  	[sflag:s5] =	ssyncadd.s32 @!p0 $0xFFFFFF80  }
0xaf: {  	_ =	sfence.sel $0x180000  }
0xb0: {  	[bflag:$0x0] =	sbarrier.arrive $0xFFFF  }
0xb1: {  	_ =	strace $0x9000004A  }
0xb2: {  	s0 =	stileid.u32;
	[bflag:$0x2] =	sbarrier.arrive $0xFFFF  }
0xb3: {  	p0 =	sne.s32 s0, $0x0;
	s0 =	rddreg [dreg:$0x2]  }
0xb4: {  	s0 =	sadd.s32 @!p0 $0x100000, s0  }
0xb5: {  	[sflag:s0] =	ssyncadd.tile.s32 @!p0 $0x1;
	_ =	shalt  }
.Lfunc_end2:
_tile_overlayer_lowered:
.L_overlay_start_2:
0xb6: {  	(tag) =	ssettag $0x2  }
0xb7: {  	s0 =	rddreg [dreg:$0x0];
	s2 =	stileid.u32  }
0xb8: {  	s1 =	rddreg [dreg:$0x1];
	p0 =	sne.s32 s2, $0x0  }
0xb9: {  	s3 =	rddreg [dreg:$0x2];
	[bflag:$0x3] =	sbarrier.arrive $0xFFFF;
	s2 =	simm.s32 @!p0 $0x1C0B  }
0xba: {  	[timem:s3], [sflag:s2] =	dma.local @!p0 [hbm:s0], s1  }
0xbb: {  	s0 =	simm.s32 @!p0 $0xB  }
0xbc: {  	_ =	swait.ge @!p0 [sflag:s0], s1  }
0xbd: {  	s1 =	ssub.s32 @!p0 $0x0, s1;
	[sflag:s0] =	ssyncset.done @!p0 $0x0  }
0xbe: {  	[sflag:s0] =	ssyncadd.s32 @!p0 s1  }
0xbf: {  	[bflag:$0x3] =	sbarrier.arrive $0xFFFF  }
0xc0: {  	_ =	shalt  }

// kernel: kernel.18.cloned.1.call-start
scs
__scs_entry_jumppad:
0x0: {  	(pc) =	sbr.rel $0x88, $3  }
0x1: {  	(tag) =	ssettag $0x0;
	lr =	simm.s32 $0x1  }
0x2: {  	[smem:$0x3F94] =	sst lr;
	_ =	strace $0xD0000000  }
0x3: {  	_ = 	snop  }
0x4: {  	_ = 	snop  }
0x5: {  	_ = 	snop  }
0x6: {  	_ = 	snop  }
0x7: {  	_ = 	snop  }
__scs_overlays_trampoline_lowered:
0x8: {  	[smem:$0x3FA3] =	sst s0  }
0x9: {  	[smem:$0x3FA4] =	sst s1  }
0xa: {  	[smem:$0x3FA5] =	sst s2  }
0xb: {  	[smem:$0x3FA6] =	sst s3  }
0xc: {  	[smem:$0x3FA7] =	sst s4  }
0xd: {  	[smem:$0x3FA8] =	sst s5  }
0xe: {  	[smem:$0x3FA9] =	sst s6  }
0xf: {  	[smem:$0x3FAA] =	sst s7  }
0x10: {  	[smem:$0x3FAB] =	sst s8  }
0x11: {  	[smem:$0x3FAC] =	sst s9;
	s0 =	simm.s32 @!p0 $0x0  }
0x12: {  	s1 =	sld [smem:$0x3F92];
	s0 =	simm.s32 @p0 $0x1  }
0x13: {  	[smem:$0x3FAD] =	sst s0;
	s0 =	simm.s32 @!p1 $0x0  }
0x14: {  	s2 =	sld [smem:$0x3F91];
	s0 =	simm.s32 @p1 $0x1  }
0x15: {  	[smem:$0x3FAE] =	sst s0;
	s0 =	simm.s32 @!p2 $0x0  }
0x16: {  	s3 =	sld [smem:$0x3FDB];
	s0 =	simm.s32 @p2 $0x1  }
0x17: {  	s4 =	simm.s32 $0x1BF5;
	[smem:$0x3FB0] =	sst s0  }
0x18: {  	s0 =	sld [smem:$0x3F93];
	_ =	swait.ge [sflag:s4], $0x0  }
0x19: {  	s7 =	sld [smem:$0x3F94]  }
0x1a: {  	s8 =	sadd.s32 $0xFFFFE003, lr  }
0x1b: {  	s9 =	sadd.s32 $0xFFFFFEF7, lr;
	s5 =	simm.s32 $0xFFFFFFFF;
	p2 =	slt.u32 s8, $0xFFFFF086  }
0x1c: {  	p1 =	slt.u32 s9, $0xF7A;
	s5 =	simm.s32 @!p2 $0x0  }
0x1d: {  	s5 =	simm.s32 @p1 $0x1;
	p0 =	seq.s32 s7, s2  }
0x1e: {  	s7 =	smul.u32 @!p0 $0xF7A, s2;
	p2 =	seq.s32 @!p0 s5, $0x0  }
0x1f: {  	s9 =	smul.u32 $0xF7A, s1;
	s8 =	simm.s32 @!p0 $0x1BF5;
	p2 =	por !p2, p0  }
0x20: {  	[sflag:s8] =	ssyncset.s32 @!p0 $0xFFFFF086;
	s6 =	sadd.s32 @!p0 s3, s7;
	s7 =	simm.s32 @!p0 $0x108  }
0x21: {  	s3 =	sadd.s32 s3, s9;
	s6 =	sadd.s32 @!p0 $0x88, s6;
	s7 =	simm.s32 @p2 $0x1082  }
0x22: {  	[simem:s7], [sflag:s8] =	dma.local @!p0 [hbm:s6], $0xF7A  }
0x23: {  	s9 =	sor.u32 $0xD0000000, s2;
	s6 =	simm.s32 $0x108;
	_ =	swait.ge @!p0 [sflag:s8], $0x0  }
0x24: {  	s3 =	sadd.s32 $0x88, s3;
	s6 =	simm.s32 @!p1 $0x1082;
	[sflag:s4] =	ssyncset.s32 $0xFFFFF086  }
0x25: {  	[simem:s6], [sflag:s4] =	dma.local [hbm:s3], $0xF7A  }
0x26: {  	[smem:$0x3F94] =	sst s1;
	(tag) =	ssettag s2;
	_ =	strace s9  }
0x27: {  	s1 =	sld [smem:$0x3FA4]  }
0x28: {  	s2 =	sld [smem:$0x3FA5]  }
0x29: {  	s4 =	sld [smem:$0x3FA7]  }
0x2a: {  	p0 =	seq.s32 s5, $0x0;
	s5 =	sld [smem:$0x3FA8]  }
0x2b: {  	s6 =	sld [smem:$0x3FA9]  }
0x2c: {  	s7 =	sld [smem:$0x3FAA]  }
0x2d: {  	s3 =	simm.s32 $0x108;
	s8 =	sld [smem:$0x3FAB]  }
0x2e: {  	s3 =	simm.s32 @!p0 $0x1082;
	s9 =	sld [smem:$0x3FAC]  }
0x2f: {  	lr =	sadd.s32 s0, s3;
	s0 =	sld [smem:$0x3FA3]  }
0x30: {  	s3 =	sld [smem:$0x3FA6]  }
0x31: {  	[smem:$0x3FAF] =	sst s10  }
0x32: {  	s10 =	sld [smem:$0x3FAD];
	_ =	sdelay $0x3  }
0x33: {  	p0 =	seq.s32 s10, $0x1;
	s10 =	sld [smem:$0x3FAF];
	_ =	sdelay $0x3  }
0x34: {  	[smem:$0x3FAF] =	sst s10  }
0x35: {  	s10 =	sld [smem:$0x3FAE];
	_ =	sdelay $0x3  }
0x36: {  	p1 =	seq.s32 s10, $0x1;
	s10 =	sld [smem:$0x3FAF];
	_ =	sdelay $0x3  }
0x37: {  	[smem:$0x3FAF] =	sst s10  }
0x38: {  	s10 =	sld [smem:$0x3FB0]  }
0x39: {  	_ = 	snop;
	(pc) =	sbr.ind lr, $3  }
0x3a: {  	_ = 	snop  }
0x3b: {  	_ = 	snop  }
0x3c: {  	p2 =	seq.s32 s10, $0x1;
	s10 =	sld [smem:$0x3FAF]  }
0x3d: {  	_ =	shalt  }
0x3e: {  	_ =	shalt  }
0x3f: {  	_ =	shalt  }
0x40: {  	_ =	shalt  }
0x41: {  	_ =	shalt  }
0x42: {  	_ =	shalt  }
0x43: {  	_ =	shalt  }
0x44: {  	_ =	shalt  }
0x45: {  	_ =	shalt  }
0x46: {  	_ =	shalt  }
0x47: {  	_ =	shalt  }
0x48: {  	_ =	shalt  }
0x49: {  	_ =	shalt  }
0x4a: {  	_ =	shalt  }
0x4b: {  	_ =	shalt  }
0x4c: {  	_ =	shalt  }
0x4d: {  	_ =	shalt  }
0x4e: {  	_ =	shalt  }
0x4f: {  	_ =	shalt  }
0x50: {  	_ =	shalt  }
0x51: {  	_ =	shalt  }
0x52: {  	_ =	shalt  }
0x53: {  	_ =	shalt  }
0x54: {  	_ =	shalt  }
0x55: {  	_ =	shalt  }
0x56: {  	_ =	shalt  }
0x57: {  	_ =	shalt  }
0x58: {  	_ =	shalt  }
0x59: {  	_ =	shalt  }
0x5a: {  	_ =	shalt  }
0x5b: {  	_ =	shalt  }
0x5c: {  	_ =	shalt  }
0x5d: {  	_ =	shalt  }
0x5e: {  	_ =	shalt  }
0x5f: {  	_ =	shalt  }
0x60: {  	_ =	shalt  }
0x61: {  	_ =	shalt  }
0x62: {  	_ =	shalt  }
0x63: {  	_ =	shalt  }
0x64: {  	_ =	shalt  }
0x65: {  	_ =	shalt  }
0x66: {  	_ =	shalt  }
0x67: {  	_ =	shalt  }
0x68: {  	_ =	shalt  }
0x69: {  	_ =	shalt  }
0x6a: {  	_ =	shalt  }
0x6b: {  	_ =	shalt  }
0x6c: {  	_ =	shalt  }
0x6d: {  	_ =	shalt  }
0x6e: {  	_ =	shalt  }
0x6f: {  	_ =	shalt  }
0x70: {  	_ =	shalt  }
0x71: {  	_ =	shalt  }
0x72: {  	_ =	shalt  }
0x73: {  	_ =	shalt  }
0x74: {  	_ =	shalt  }
0x75: {  	_ =	shalt  }
0x76: {  	_ =	shalt  }
0x77: {  	_ =	shalt  }
0x78: {  	_ =	shalt  }
0x79: {  	_ =	shalt  }
0x7a: {  	_ =	shalt  }
0x7b: {  	_ =	shalt  }
0x7c: {  	_ =	shalt  }
0x7d: {  	_ =	shalt  }
0x7e: {  	_ =	shalt  }
0x7f: {  	_ =	shalt  }
0x80: {  	_ =	shalt  }
0x81: {  	_ =	shalt  }
0x82: {  	_ =	shalt  }
0x83: {  	_ =	shalt  }
0x84: {  	_ =	shalt  }
0x85: {  	_ =	shalt  }
0x86: {  	_ =	shalt  }
0x87: {  	_ =	shalt  }
.Lfunc_end0:
.L_simem_size_0:
called_computation.2_lowered:
.L_overlay_start_0:
0x88: {  	s2 =	sld [smem:$0x3FD9]  }
0x89: {  	s3 =	sld [smem:$0x3FFE];
	_ =	sdelay $0x1  }
0x8a: {  	s1 =	srdreg.scid  }
0x8b: {  	s0 =	sand.u32 $0x1, s1  }
0x8c: {  	s16 =	sshll.u32 s0, $0xA;
	s2 =	sadd.s32 s3, s2  }
0x8d: {  	s2 =	sadd.s32 s2, s16  }
0x8e: {  	[smem:$0x3FBB] =	sst s2  }
0x8f: {  	_ = 	snop  }
0x90: {  	(tm) =	ssettm $0x1  }
0x91: {  	s17 =	sld [smem:$0x3FFB];
	_ =	sdelay $0x3  }
0x92: {  	_ =	strace s17  }
0x93: {  	s2 =	sld [smem:$0x3FFC];
	_ =	sdelay $0x3  }
0x94: {  	_ =	strace s2  }
0x95: {  	s2 =	sld [smem:$0x3FFD];
	_ =	sdelay $0x3  }
0x96: {  	_ =	strace s2  }
0x97: {  	_ =	strace $0x8FFFFFFF  }
0x98: {  	s18 =	sld [smem:$0x3FDB];
	_ =	sdelay $0x1  }
0x99: {  	s19 =	simm.s32 $_scs_section_size  }
0x9a: {  	s4 =	simm.s32 $_size__tile_overlayer_lowered;
	s5 =	simm.s32 $_tile_overlayer_lowered  }
0x9b: {  	s22 =	simm.s32 $0x1BFF;
	s21 =	sshll.u32 s5, $0x1;
	s2 =	sadd.s32 s19, s18  }
0x9c: {  	s6 =	simm.s32 $0x0;
	s20 =	sshll.u32 s4, $0x1;
	s4 =	sadd.s32 s21, s2  }
0x9d: {  	[timem:s6], [sflag:s22] =	dma.local [hbm:s4], s20  }
0x9e: {  	_ =	swait.ge [sflag:s22], s20  }
0x9f: {  	s3 =	ssub.s32 $0x0, s20;
	[sflag:s22] =	ssyncset.done $0x0  }
0xa0: {  	[sflag:s22] =	ssyncadd.s32 s3;
	_ =	sdelay $0x1  }
0xa1: {  	s23 =	simm.s32 $0x1B8B  }
0xa2: {  	_ =	swait.ge [sflag:s23], $0x1  }
0xa3: {  	[sflag:s23] =	ssyncset.done $0x0  }
0xa4: {  	s25 =	simm.s32 $0x1B8E;
	s24 =	sld [smem:$0x3FFE];
	[sflag:s23] =	ssyncadd.s32 $0xFFFFFFFF  }
0xa5: {  	s26 =	simm.s32 $execute0_lowered;
	[smem:$0x3FD2] =	sst s25  }
0xa6: {  	s4 =	sshll.u32 s26, $0x1;
	_ =	strace $0x8000004C;
	[dreg:$0x1] =	wrdreg $0xFFFFFFFF  }
0xa7: {  	s28 =	simm.s32 $_size_execute0_lowered;
	s2 =	sadd.s32 s2, s4;
	[dreg:$0x0] =	wrdreg $0x0  }
0xa8: {  	s4 =	sshll.u32 s28, $0x1;
	[dreg:$0x2] =	wrdreg s2  }
0xa9: {  	[dreg:$0x3] =	wrdreg s4  }
0xaa: {  	[dreg:$0x4] =	wrdreg $0xC0  }
0xab: {  	_ =	task [dreg:s6], $0x5FFFF  }
0xac: {  	[dreg:$0x1] =	wrdreg $0xFFFFFFFF  }
0xad: {  	[dreg:$0x0] =	wrdreg $0x60  }
0xae: {  	[dreg:$0x2] =	wrdreg s24  }
0xaf: {  	[dreg:$0x3] =	wrdreg $0xB2200  }
0xb0: {  	[dreg:$0x4] =	wrdreg $0x9  }
0xb1: {  	_ =	task.clear_ibuf [dreg:s6], $0x5FFFF;
	_ =	strace $0x9000004C  }
0xb2: {  	s29 =	simm.s32 $0x9;
	_ =	strace $0x8000004E  }
0xb3: {  	_ =	swait.ge [sflag:s29], $0x1  }
0xb4: {  	[sflag:s29] =	ssyncadd.s32 $0xFFFFFFFF  }
0xb5: {  	_ =	strace $0x9000004E  }
0xb6: {  	_ =	sfence  }
0xb7: {  	s30 =	sld [smem:$0x0];
	_ =	sdelay $0x2  }
0xb8: {  	s31 =	sshll.u32 s1, $0xD;
	s1 =	sshrl.u32 s1, $0x2  }
0xb9: {  	s3 =	sand.u32 $0x4000, s31;
	s1 =	sadd.s32 s1, s30  }
0xba: {  	s0 =	sor.u32 s3, s0;
	s1 =	sshll.u32 s1, $0x11  }
0xbb: {  	s0 =	sor.u32 s1, s0  }
0xbc: {  	s0 =	sadd.s32 $0x8F2B, s0  }
0xbd: {  	[sflag:s0] =	ssyncadd.remote.s32 $0x1  }
0xbe: {  	_ =	sfence.sel $0xFFFF  }
0xbf: {  	[dreg:$0x0] =	wrdreg $0xFFFFFFFF;
	(pc) =	sbr.abs _section_cstart, $3  }
0xc0: {  	[dreg:$0x1] =	wrdreg $0xFFFFFFFF  }
0xc1: {  	_ =	task.clear_ibuf [dreg:s6], $0x2FFFF;
	_ =	strace $0x9FFFFFFF  }
0xc2: {  	(tm) =	ssettm $0x7FFFFFFF  }
0xc3: {  	_ =	shalt  }
tec
execute0_lowered:
.L_overlay_start_1:
0x0: {  	(tag) =	ssettag $0x1  }
0x1: {  	s0 =	srdreg.scid;
	s1 =	rddreg [dreg:$0x0]  }
0x2: {  	s14 =	stileid.u32;
	s2 =	rddreg [dreg:$0x1];
	s17 =	simm.s32 $0x50  }
0x3: {  	s18 =	simm.s32 $0x4E20;
	s19 =	simm.s32 $0x6220;
	s21 =	simm.s32 $0x7620  }
0x4: {  	s28 =	simm.s32 $0x6;
	s29 =	simm.s32 $0x2;
	s30 =	simm.s32 $0x7  }
0x5: {  	s31 =	simm.s32 $0x3;
	s16 =	simm.s32 $0x9;
	s20 =	simm.s32 $0x5  }
0x6: {  	s0 =	sand.u32 $0x1, s0;
	s6 =	smul.u32 $0x9C00, s14;
	s10 =	sadd.s32 $0x3E200, s1  }
0x7: {  	s11 =	smul.u32 $0x1380, s14;
	s23 =	sshll.u32 s14, $0x6;
	s15 =	sadd.s32 $0x9C000, s2  }
0x8: {  	p0 =	sne.s32 s14, $0xF;
	s3 =	sshll.u32 s0, $0x4;
	s24 =	smul.u32 $0x9C400, s0  }
0x9: {  	s8 =	ssub.s32 $0x2, s0;
	s0 =	smul.u32 $0x13880, s0;
	s15 =	sshrl.u32 @!p0 s15, $0x3  }
0xa: {  	s4 =	sor.u32 s14, s3;
	s3 =	simm.s32 $0x0;
	s7 =	sshrl.u32 s6, $0x3  }
0xb: {  	s9 =	sshrl.u32 s8, $0x1;
	s13 =	sadd.s32 s6, s2;
	s6 =	sor.u32 $0x1C0B, s23  }
0xc: {  	s14 =	simm.s32 $0xB;
	s23 =	simm.s32 $0x8A20;
	s5 =	smul.u32 $0x2710, s4  }
0xd: {  	[smem:$0x7FF] =	sst s3;
	s4 =	sadd.s32 $0x16E00, s1;
	s7 =	sadd.s32 s7, s1  }
0xe: {  	s12 =	ssub.s32 s8, s9;
	s26 =	sshrl.u32 s24, $0x3;
	s0 =	sadd.s32 s11, s0  }
0xf: {  	s13 =	sshrl.u32 s13, $0x3;
	s24 =	simm.s32 $0x0;
	_ =	strace $0x8000004D  }
0x10: {  	s22 =	sadd.s32 $0x2A800, s7;
	s12 =	smax.u32 s12, $0x1;
	s5 =	sshrl.u32 s5, $0x3  }
0x11: {  	[dreg:$0x3] =	wrdreg s22;
	s5 =	sadd.s32 s5, s1;
	s1 =	sadd.s32 $0x3E000, s1  }
0x12: {  	s22 =	simm.s32 $0xA;
	[dreg:$0x4] =	wrdreg s1;
	s25 =	sadd.s32 $0x3400, s5  }
0x13: {  	s9 =	sadd.s32 $0xD040, s5;
	s1 =	sadd.s32 s10, s26;
	s10 =	sadd.s32 s10, s0  }
0x14: {  	s26 =	simm.s32 $0x1;
	s0 =	simm.s32 $0x4;
	[dreg:$0x5] =	wrdreg s25  }
0x15: {  	s11 =	sadd.s32 $0x13800, s1;
	s25 =	simm.s32 $0x9E20;
	s1 =	simm.s32 $0x8  }
.LBB2_1:
0x16: {  	s5 =	rddreg [dreg:$0x3]  }
0x17: {  	[spmem:s13], [sflag:s6] =	dma.local [hbm:s5], $0x1380  }
0x18: {  	_ =	swait.ge [sflag:s14], $0x1380  }
0x19: {  	[sflag:s14] =	ssyncset.done $0x0  }
0x1a: {  	s5 =	rddreg [dreg:$0x4];
	[sflag:s14] =	ssyncadd.s32 $0xFFFFEC80  }
0x1b: {  	[spmem:s15], [sflag:s6] =	dma.local @!p0 [hbm:s5], $0x80  }
0x1c: {  	s5 =	simm.s32 @!p0 $0xB  }
0x1d: {  	_ =	swait.ge @!p0 [sflag:s5], $0x80  }
0x1e: {  	[sflag:s5] =	ssyncset.done @!p0 $0x0  }
0x1f: {  	s7 =	rddreg [dreg:$0x5];
	[sflag:s5] =	ssyncadd.s32 @!p0 $0xFFFFFF80  }
0x20: {  	[tilespmem:s3], [sflag:$0xB] =	stream.linear.gather [hbm4b:s7+s3], $0x2710, $0x38;
	[tilespmem:$0x14E60] =	vst v63  }
0x21: {  	_ =	swait.ge [sflag:s14], $0x2710  }
0x22: {  	[sflag:s14] =	ssyncset.done $0x0  }
0x23: {  	s8 =	simm.s32 $0x2710;
	[sflag:s14] =	ssyncadd.s32 $0xFFFFD8F0  }
0x24: {  	[tilespmem:s8], [sflag:$0xB] =	stream.linear.gather [hbm4b:s9+s3], $0x2710, $0x38;
	[tilespmem:$0x14E60] =	vst v63  }
0x25: {  	_ =	swait.ge [sflag:s14], $0x2710  }
0x26: {  	[sflag:s14] =	ssyncset.done $0x0  }
0x27: {  	[sflag:s14] =	ssyncadd.s32 $0xFFFFD8F0  }
0x28: {  	[bflag:$0x0] =	sbarrier.arrive $0xFFFF  }
0x29: {  	[tilespmem:s18], [sflag:$0x1] =	stream.indirect.gather [hbm4b:s4+s17], $0x40, s3, s17, $0xb8;
	[tilespmem:$0x14E60] =	vst v63  }
0x2a: {  	_ = 	snop  }
0x2b: {  	[tilespmem:s19], [sflag:$0x2] =	stream.indirect.gather [hbm4b:s4+s17], $0x40, s17, s17, $0xb8;
	[tilespmem:$0x14E60] =	vst v63  }
0x2c: {  	s7 =	simm.s32 $0xA0  }
0x2d: {  	[tilespmem:s21], [sflag:$0x3] =	stream.indirect.gather [hbm4b:s4+s17], $0x40, s7, s17, $0xb8;
	[tilespmem:$0x14E60] =	vst v63  }
0x2e: {  	s8 =	simm.s32 $0xF0  }
0x2f: {  	[tilespmem:s23], [sflag:$0x4] =	stream.indirect.gather [hbm4b:s4+s17], $0x40, s8, s17, $0xb8;
	[tilespmem:$0x14E60] =	vst v63  }
0x30: {  	s7 =	simm.s32 $0x140  }
0x31: {  	[tilespmem:s25], [sflag:$0x5] =	stream.indirect.gather [hbm4b:s4+s17], $0x40, s7, s17, $0xb8;
	[tilespmem:$0x14E60] =	vst v63  }
0x32: {  	_ =	swait.ge [sflag:s26], $0x1400  }
0x33: {  	[sflag:s26] =	ssyncset.done $0x0  }
0x34: {  	s8 =	simm.s32 $0x2710;
	[sflag:s26] =	ssyncadd.s32 $0xFFFFEC00  }
0x35: {  	[spmem:s2] =	stream.indirect.scatter.add.f32 [tilespmem:s18], [sflag:$0x6], $0x40, s8, s17, $0xb8;
	[tilespmem:$0x14E60] =	vst v63  }
0x36: {  	_ =	swait.ge [sflag:s28], $0x1400  }
0x37: {  	[sflag:s28] =	ssyncset.done $0x0  }
0x38: {  	s7 =	simm.s32 $0x190;
	[sflag:s28] =	ssyncadd.s32 $0xFFFFEC00  }
0x39: {  	[tilespmem:s18], [sflag:$0x1] =	stream.indirect.gather [hbm4b:s4+s17], $0x40, s7, s17, $0xb8;
	[tilespmem:$0x14E60] =	vst v63  }
0x3a: {  	_ =	swait.ge [sflag:s29], $0x1400  }
0x3b: {  	[sflag:s29] =	ssyncset.done $0x0  }
0x3c: {  	s8 =	simm.s32 $0x2760;
	[sflag:s29] =	ssyncadd.s32 $0xFFFFEC00  }
0x3d: {  	[spmem:s2] =	stream.indirect.scatter.add.f32 [tilespmem:s19], [sflag:$0x7], $0x40, s8, s17, $0xb8;
	[tilespmem:$0x14E60] =	vst v63  }
0x3e: {  	_ =	swait.ge [sflag:s30], $0x1400  }
0x3f: {  	[sflag:s30] =	ssyncset.done $0x0  }
0x40: {  	s7 =	simm.s32 $0x1E0;
	[sflag:s30] =	ssyncadd.s32 $0xFFFFEC00  }
0x41: {  	[tilespmem:s19], [sflag:$0x2] =	stream.indirect.gather [hbm4b:s4+s17], $0x40, s7, s17, $0xb8;
	[tilespmem:$0x14E60] =	vst v63  }
0x42: {  	_ =	swait.ge [sflag:s31], $0x1400  }
0x43: {  	[sflag:s31] =	ssyncset.done $0x0  }
0x44: {  	s8 =	simm.s32 $0x27B0;
	[sflag:s31] =	ssyncadd.s32 $0xFFFFEC00  }
0x45: {  	[spmem:s2] =	stream.indirect.scatter.add.f32 [tilespmem:s21], [sflag:$0x8], $0x40, s8, s17, $0xb8;
	[tilespmem:$0x14E60] =	vst v63  }
0x46: {  	_ =	swait.ge [sflag:s1], $0x1400  }
0x47: {  	[sflag:s1] =	ssyncset.done $0x0  }
0x48: {  	s7 =	simm.s32 $0x230;
	[sflag:s1] =	ssyncadd.s32 $0xFFFFEC00  }
0x49: {  	[tilespmem:s21], [sflag:$0x3] =	stream.indirect.gather [hbm4b:s4+s17], $0x40, s7, s17, $0xb8;
	[tilespmem:$0x14E60] =	vst v63  }
0x4a: {  	_ =	swait.ge [sflag:s0], $0x1400  }
0x4b: {  	[sflag:s0] =	ssyncset.done $0x0  }
0x4c: {  	s8 =	simm.s32 $0x2800;
	[sflag:s0] =	ssyncadd.s32 $0xFFFFEC00  }
0x4d: {  	[spmem:s2] =	stream.indirect.scatter.add.f32 [tilespmem:s23], [sflag:$0x9], $0x40, s8, s17, $0xb8;
	[tilespmem:$0x14E60] =	vst v63  }
0x4e: {  	_ =	swait.ge [sflag:s16], $0x1400  }
0x4f: {  	[sflag:s16] =	ssyncset.done $0x0  }
0x50: {  	s7 =	simm.s32 $0x280;
	[sflag:s16] =	ssyncadd.s32 $0xFFFFEC00  }
0x51: {  	[tilespmem:s23], [sflag:$0x4] =	stream.indirect.gather [hbm4b:s4+s17], $0x40, s7, s17, $0xb8;
	[tilespmem:$0x14E60] =	vst v63  }
0x52: {  	_ =	swait.ge [sflag:s20], $0x1400  }
0x53: {  	[sflag:s20] =	ssyncset.done $0x0  }
0x54: {  	s8 =	simm.s32 $0x2850;
	[sflag:s20] =	ssyncadd.s32 $0xFFFFEC00  }
0x55: {  	[spmem:s2] =	stream.indirect.scatter.add.f32 [tilespmem:s25], [sflag:$0xA], $0x40, s8, s17, $0xb8;
	[tilespmem:$0x14E60] =	vst v63  }
0x56: {  	_ =	swait.ge [sflag:s22], $0x1400  }
0x57: {  	[sflag:s22] =	ssyncset.done $0x0  }
0x58: {  	s5 =	simm.s32 $0x640;
	s7 =	simm.s32 $0x2D0;
	[sflag:s22] =	ssyncadd.s32 $0xFFFFEC00  }
.LBB2_2:
0x59: {  	[tilespmem:s25], [sflag:$0x5] =	stream.indirect.gather [hbm4b:s4+s17], $0x40, s7, s17, $0xb8;
	[tilespmem:$0x14E60] =	vst v63  }
0x5a: {  	s7 =	smov.u32 s5  }
0x5b: {  	p1 =	sne.s32 s5, $0x8FC0;
	s5 =	sadd.s32 $0x640, s5;
	_ =	swait.ge [sflag:s26], $0x1400  }
0x5c: {  	s7 =	sshra.s32 s7, $0x2;
	[sflag:s26] =	ssyncset.done $0x0  }
0x5d: {  	s8 =	sadd.s32 $0x2710, s7;
	[sflag:s26] =	ssyncadd.s32 $0xFFFFEC00  }
0x5e: {  	[spmem:s2] =	stream.indirect.scatter.add.f32 [tilespmem:s18], [sflag:$0x6], $0x40, s8, s17, $0xb8;
	[tilespmem:$0x14E60] =	vst v63  }
0x5f: {  	_ =	swait.ge [sflag:s28], $0x1400  }
0x60: {  	[sflag:s28] =	ssyncset.done $0x0  }
0x61: {  	s8 =	sadd.s32 $0x190, s7;
	[sflag:s28] =	ssyncadd.s32 $0xFFFFEC00  }
0x62: {  	[tilespmem:s18], [sflag:$0x1] =	stream.indirect.gather [hbm4b:s4+s17], $0x40, s8, s17, $0xb8;
	[tilespmem:$0x14E60] =	vst v63  }
0x63: {  	_ =	swait.ge [sflag:s29], $0x1400  }
0x64: {  	[sflag:s29] =	ssyncset.done $0x0  }
0x65: {  	s8 =	sadd.s32 $0x2760, s7;
	[sflag:s29] =	ssyncadd.s32 $0xFFFFEC00  }
0x66: {  	[spmem:s2] =	stream.indirect.scatter.add.f32 [tilespmem:s19], [sflag:$0x7], $0x40, s8, s17, $0xb8;
	[tilespmem:$0x14E60] =	vst v63  }
0x67: {  	_ =	swait.ge [sflag:s30], $0x1400  }
0x68: {  	[sflag:s30] =	ssyncset.done $0x0  }
0x69: {  	s8 =	sadd.s32 $0x1E0, s7;
	[sflag:s30] =	ssyncadd.s32 $0xFFFFEC00  }
0x6a: {  	[tilespmem:s19], [sflag:$0x2] =	stream.indirect.gather [hbm4b:s4+s17], $0x40, s8, s17, $0xb8;
	[tilespmem:$0x14E60] =	vst v63  }
0x6b: {  	_ =	swait.ge [sflag:s31], $0x1400  }
0x6c: {  	[sflag:s31] =	ssyncset.done $0x0  }
0x6d: {  	s8 =	sadd.s32 $0x27B0, s7;
	[sflag:s31] =	ssyncadd.s32 $0xFFFFEC00  }
0x6e: {  	[spmem:s2] =	stream.indirect.scatter.add.f32 [tilespmem:s21], [sflag:$0x8], $0x40, s8, s17, $0xb8;
	[tilespmem:$0x14E60] =	vst v63  }
0x6f: {  	_ =	swait.ge [sflag:s1], $0x1400  }
0x70: {  	[sflag:s1] =	ssyncset.done $0x0  }
0x71: {  	s8 =	sadd.s32 $0x230, s7;
	[sflag:s1] =	ssyncadd.s32 $0xFFFFEC00  }
0x72: {  	[tilespmem:s21], [sflag:$0x3] =	stream.indirect.gather [hbm4b:s4+s17], $0x40, s8, s17, $0xb8;
	[tilespmem:$0x14E60] =	vst v63  }
0x73: {  	_ =	swait.ge [sflag:s0], $0x1400  }
0x74: {  	[sflag:s0] =	ssyncset.done $0x0  }
0x75: {  	s8 =	sadd.s32 $0x2800, s7;
	[sflag:s0] =	ssyncadd.s32 $0xFFFFEC00  }
0x76: {  	[spmem:s2] =	stream.indirect.scatter.add.f32 [tilespmem:s23], [sflag:$0x9], $0x40, s8, s17, $0xb8;
	[tilespmem:$0x14E60] =	vst v63  }
0x77: {  	_ =	swait.ge [sflag:s16], $0x1400  }
0x78: {  	[sflag:s16] =	ssyncset.done $0x0  }
0x79: {  	s8 =	sadd.s32 $0x280, s7;
	[sflag:s16] =	ssyncadd.s32 $0xFFFFEC00  }
0x7a: {  	[tilespmem:s23], [sflag:$0x4] =	stream.indirect.gather [hbm4b:s4+s17], $0x40, s8, s17, $0xb8;
	[tilespmem:$0x14E60] =	vst v63  }
0x7b: {  	_ =	swait.ge [sflag:s20], $0x1400  }
0x7c: {  	[sflag:s20] =	ssyncset.done $0x0  }
.Ltmp0:
0x7d: {  	s8 =	sadd.s32 $0x2850, s7;
	[sflag:s20] =	ssyncadd.s32 $0xFFFFEC00;
	(pc) =	sbr.rel @p1 .LBB2_2-.Ltmp0, $4  }
0x7e: {  	[spmem:s2] =	stream.indirect.scatter.add.f32 [tilespmem:s25], [sflag:$0xA], $0x40, s8, s17, $0xb8;
	[tilespmem:$0x14E60] =	vst v63  }
0x7f: {  	_ =	swait.ge [sflag:s22], $0x1400  }
0x80: {  	[sflag:s22] =	ssyncset.done $0x0  }
0x81: {  	s7 =	sadd.s32 $0x2D0, s7;
	[sflag:s22] =	ssyncadd.s32 $0xFFFFEC00  }
0x82: {  	[tilespmem:s25], [sflag:$0x5] =	stream.indirect.gather [hbm4b:s4+s17], $0x40, s7, s17, $0xb8;
	[tilespmem:$0x14E60] =	vst v63  }
0x83: {  	_ =	swait.ge [sflag:s26], $0x1400  }
0x84: {  	[sflag:s26] =	ssyncset.done $0x0  }
0x85: {  	s5 =	simm.s32 $0x4C90;
	[sflag:s26] =	ssyncadd.s32 $0xFFFFEC00  }
0x86: {  	[spmem:s2] =	stream.indirect.scatter.add.f32 [tilespmem:s18], [sflag:$0x6], $0x40, s5, s17, $0xb8;
	[tilespmem:$0x14E60] =	vst v63  }
0x87: {  	_ =	swait.ge [sflag:s29], $0x1400  }
0x88: {  	[sflag:s29] =	ssyncset.done $0x0  }
0x89: {  	s7 =	simm.s32 $0x4CE0;
	[sflag:s29] =	ssyncadd.s32 $0xFFFFEC00  }
0x8a: {  	[spmem:s2] =	stream.indirect.scatter.add.f32 [tilespmem:s19], [sflag:$0x7], $0x40, s7, s17, $0xb8;
	[tilespmem:$0x14E60] =	vst v63  }
0x8b: {  	_ =	swait.ge [sflag:s31], $0x1400  }
0x8c: {  	[sflag:s31] =	ssyncset.done $0x0  }
0x8d: {  	s8 =	simm.s32 $0x4D30;
	[sflag:s31] =	ssyncadd.s32 $0xFFFFEC00  }
0x8e: {  	[spmem:s2] =	stream.indirect.scatter.add.f32 [tilespmem:s21], [sflag:$0x8], $0x40, s8, s17, $0xb8;
	[tilespmem:$0x14E60] =	vst v63  }
0x8f: {  	_ =	swait.ge [sflag:s0], $0x1400  }
0x90: {  	[sflag:s0] =	ssyncset.done $0x0  }
0x91: {  	s7 =	simm.s32 $0x4D80;
	[sflag:s0] =	ssyncadd.s32 $0xFFFFEC00  }
0x92: {  	[spmem:s2] =	stream.indirect.scatter.add.f32 [tilespmem:s23], [sflag:$0x9], $0x40, s7, s17, $0xb8;
	[tilespmem:$0x14E60] =	vst v63  }
0x93: {  	_ =	swait.ge [sflag:s20], $0x1400  }
0x94: {  	[sflag:s20] =	ssyncset.done $0x0  }
0x95: {  	s8 =	simm.s32 $0x4DD0;
	[sflag:s20] =	ssyncadd.s32 $0xFFFFEC00  }
0x96: {  	[spmem:s2] =	stream.indirect.scatter.add.f32 [tilespmem:s25], [sflag:$0xA], $0x40, s8, s17, $0xb8;
	[tilespmem:$0x14E60] =	vst v63  }
0x97: {  	_ =	swait.ge [sflag:s28], $0x1400  }
0x98: {  	[sflag:s28] =	ssyncset.done $0x0  }
0x99: {  	[sflag:s28] =	ssyncadd.s32 $0xFFFFEC00  }
0x9a: {  	_ =	swait.ge [sflag:s30], $0x1400  }
0x9b: {  	[sflag:s30] =	ssyncset.done $0x0  }
0x9c: {  	[sflag:s30] =	ssyncadd.s32 $0xFFFFEC00  }
0x9d: {  	_ =	swait.ge [sflag:s1], $0x1400  }
0x9e: {  	[sflag:s1] =	ssyncset.done $0x0  }
0x9f: {  	[sflag:s1] =	ssyncadd.s32 $0xFFFFEC00  }
0xa0: {  	_ =	swait.ge [sflag:s16], $0x1400  }
0xa1: {  	[sflag:s16] =	ssyncset.done $0x0  }
0xa2: {  	[sflag:s16] =	ssyncadd.s32 $0xFFFFEC00  }
0xa3: {  	_ =	swait.ge [sflag:s22], $0x1400  }
0xa4: {  	[sflag:s22] =	ssyncset.done $0x0  }
0xa5: {  	[sflag:s22] =	ssyncadd.s32 $0xFFFFEC00  }
0xa6: {  	[bflag:$0x0] =	sbarrier.arrive $0xFFFF  }
0xa7: {  	[hbm:s10], [sflag:s6] =	dma.local [spmem:s13], $0x1380  }
0xa8: {  	s24 =	sadd.s32 $0x1, s24;
	_ =	swait.ge [sflag:s14], $0x1380  }
0xa9: {  	p1 =	sne.s32 s24, s12;
	[sflag:s14] =	ssyncset.done $0x0  }
.Ltmp1:
0xaa: {  	s5 =	simm.s32 @!p0 $0xB;
	[sflag:s14] =	ssyncadd.s32 $0xFFFFEC80;
	(pc) =	sbr.rel @p1 .LBB2_1-.Ltmp1, $4  }
0xab: {  	[hbm:s11], [sflag:s6] =	dma.local @!p0 [spmem:s15], $0x80  }
0xac: {  	_ =	swait.ge @!p0 [sflag:s5], $0x80  }
0xad: {  	[sflag:s5] =	ssyncset.done @!p0 $0x0  }
0xae: {  	[sflag:s5] =	ssyncadd.s32 @!p0 $0xFFFFFF80  }
0xaf: {  	_ =	sfence.sel $0x180000  }
0xb0: {  	[bflag:$0x0] =	sbarrier.arrive $0xFFFF  }
0xb1: {  	_ =	strace $0x9000004D  }
0xb2: {  	s0 =	stileid.u32;
	[bflag:$0x2] =	sbarrier.arrive $0xFFFF  }
0xb3: {  	p0 =	sne.s32 s0, $0x0;
	s0 =	rddreg [dreg:$0x2]  }
0xb4: {  	s0 =	sadd.s32 @!p0 $0x100000, s0  }
0xb5: {  	[sflag:s0] =	ssyncadd.tile.s32 @!p0 $0x1;
	_ =	shalt  }
.Lfunc_end2:
_tile_overlayer_lowered:
.L_overlay_start_2:
0xb6: {  	(tag) =	ssettag $0x2  }
0xb7: {  	s0 =	rddreg [dreg:$0x0];
	s2 =	stileid.u32  }
0xb8: {  	s1 =	rddreg [dreg:$0x1];
	p0 =	sne.s32 s2, $0x0  }
0xb9: {  	s3 =	rddreg [dreg:$0x2];
	[bflag:$0x3] =	sbarrier.arrive $0xFFFF;
	s2 =	simm.s32 @!p0 $0x1C0B  }
0xba: {  	[timem:s3], [sflag:s2] =	dma.local @!p0 [hbm:s0], s1  }
0xbb: {  	s0 =	simm.s32 @!p0 $0xB  }
0xbc: {  	_ =	swait.ge @!p0 [sflag:s0], s1  }
0xbd: {  	s1 =	ssub.s32 @!p0 $0x0, s1;
	[sflag:s0] =	ssyncset.done @!p0 $0x0  }
0xbe: {  	[sflag:s0] =	ssyncadd.s32 @!p0 s1  }
0xbf: {  	[bflag:$0x3] =	sbarrier.arrive $0xFFFF  }
0xc0: {  	_ =	shalt  }

// kernel: kernel.21.cloned.1.call-start
scs
__scs_entry_jumppad:
0x0: {  	(pc) =	sbr.rel $0x88, $3  }
0x1: {  	(tag) =	ssettag $0x0;
	lr =	simm.s32 $0x1  }
0x2: {  	[smem:$0x3F94] =	sst lr;
	_ =	strace $0xD0000000  }
0x3: {  	_ = 	snop  }
0x4: {  	_ = 	snop  }
0x5: {  	_ = 	snop  }
0x6: {  	_ = 	snop  }
0x7: {  	_ = 	snop  }
__scs_overlays_trampoline_lowered:
0x8: {  	[smem:$0x3FA3] =	sst s0  }
0x9: {  	[smem:$0x3FA4] =	sst s1  }
0xa: {  	[smem:$0x3FA5] =	sst s2  }
0xb: {  	[smem:$0x3FA6] =	sst s3  }
0xc: {  	[smem:$0x3FA7] =	sst s4  }
0xd: {  	[smem:$0x3FA8] =	sst s5  }
0xe: {  	[smem:$0x3FA9] =	sst s6  }
0xf: {  	[smem:$0x3FAA] =	sst s7  }
0x10: {  	[smem:$0x3FAB] =	sst s8  }
0x11: {  	[smem:$0x3FAC] =	sst s9;
	s0 =	simm.s32 @!p0 $0x0  }
0x12: {  	s1 =	sld [smem:$0x3F92];
	s0 =	simm.s32 @p0 $0x1  }
0x13: {  	[smem:$0x3FAD] =	sst s0;
	s0 =	simm.s32 @!p1 $0x0  }
0x14: {  	s2 =	sld [smem:$0x3F91];
	s0 =	simm.s32 @p1 $0x1  }
0x15: {  	[smem:$0x3FAE] =	sst s0;
	s0 =	simm.s32 @!p2 $0x0  }
0x16: {  	s3 =	sld [smem:$0x3FDB];
	s0 =	simm.s32 @p2 $0x1  }
0x17: {  	s4 =	simm.s32 $0x1BF5;
	[smem:$0x3FB0] =	sst s0  }
0x18: {  	s0 =	sld [smem:$0x3F93];
	_ =	swait.ge [sflag:s4], $0x0  }
0x19: {  	s7 =	sld [smem:$0x3F94]  }
0x1a: {  	s8 =	sadd.s32 $0xFFFFE003, lr  }
0x1b: {  	s9 =	sadd.s32 $0xFFFFFEF7, lr;
	s5 =	simm.s32 $0xFFFFFFFF;
	p2 =	slt.u32 s8, $0xFFFFF086  }
0x1c: {  	p1 =	slt.u32 s9, $0xF7A;
	s5 =	simm.s32 @!p2 $0x0  }
0x1d: {  	s5 =	simm.s32 @p1 $0x1;
	p0 =	seq.s32 s7, s2  }
0x1e: {  	s7 =	smul.u32 @!p0 $0xF7A, s2;
	p2 =	seq.s32 @!p0 s5, $0x0  }
0x1f: {  	s9 =	smul.u32 $0xF7A, s1;
	s8 =	simm.s32 @!p0 $0x1BF5;
	p2 =	por !p2, p0  }
0x20: {  	[sflag:s8] =	ssyncset.s32 @!p0 $0xFFFFF086;
	s6 =	sadd.s32 @!p0 s3, s7;
	s7 =	simm.s32 @!p0 $0x108  }
0x21: {  	s3 =	sadd.s32 s3, s9;
	s6 =	sadd.s32 @!p0 $0x88, s6;
	s7 =	simm.s32 @p2 $0x1082  }
0x22: {  	[simem:s7], [sflag:s8] =	dma.local @!p0 [hbm:s6], $0xF7A  }
0x23: {  	s9 =	sor.u32 $0xD0000000, s2;
	s6 =	simm.s32 $0x108;
	_ =	swait.ge @!p0 [sflag:s8], $0x0  }
0x24: {  	s3 =	sadd.s32 $0x88, s3;
	s6 =	simm.s32 @!p1 $0x1082;
	[sflag:s4] =	ssyncset.s32 $0xFFFFF086  }
0x25: {  	[simem:s6], [sflag:s4] =	dma.local [hbm:s3], $0xF7A  }
0x26: {  	[smem:$0x3F94] =	sst s1;
	(tag) =	ssettag s2;
	_ =	strace s9  }
0x27: {  	s1 =	sld [smem:$0x3FA4]  }
0x28: {  	s2 =	sld [smem:$0x3FA5]  }
0x29: {  	s4 =	sld [smem:$0x3FA7]  }
0x2a: {  	p0 =	seq.s32 s5, $0x0;
	s5 =	sld [smem:$0x3FA8]  }
0x2b: {  	s6 =	sld [smem:$0x3FA9]  }
0x2c: {  	s7 =	sld [smem:$0x3FAA]  }
0x2d: {  	s3 =	simm.s32 $0x108;
	s8 =	sld [smem:$0x3FAB]  }
0x2e: {  	s3 =	simm.s32 @!p0 $0x1082;
	s9 =	sld [smem:$0x3FAC]  }
0x2f: {  	lr =	sadd.s32 s0, s3;
	s0 =	sld [smem:$0x3FA3]  }
0x30: {  	s3 =	sld [smem:$0x3FA6]  }
0x31: {  	[smem:$0x3FAF] =	sst s10  }
0x32: {  	s10 =	sld [smem:$0x3FAD];
	_ =	sdelay $0x3  }
0x33: {  	p0 =	seq.s32 s10, $0x1;
	s10 =	sld [smem:$0x3FAF];
	_ =	sdelay $0x3  }
0x34: {  	[smem:$0x3FAF] =	sst s10  }
0x35: {  	s10 =	sld [smem:$0x3FAE];
	_ =	sdelay $0x3  }
0x36: {  	p1 =	seq.s32 s10, $0x1;
	s10 =	sld [smem:$0x3FAF];
	_ =	sdelay $0x3  }
0x37: {  	[smem:$0x3FAF] =	sst s10  }
0x38: {  	s10 =	sld [smem:$0x3FB0]  }
0x39: {  	_ = 	snop;
	(pc) =	sbr.ind lr, $3  }
0x3a: {  	_ = 	snop  }
0x3b: {  	_ = 	snop  }
0x3c: {  	p2 =	seq.s32 s10, $0x1;
	s10 =	sld [smem:$0x3FAF]  }
0x3d: {  	_ =	shalt  }
0x3e: {  	_ =	shalt  }
0x3f: {  	_ =	shalt  }
0x40: {  	_ =	shalt  }
0x41: {  	_ =	shalt  }
0x42: {  	_ =	shalt  }
0x43: {  	_ =	shalt  }
0x44: {  	_ =	shalt  }
0x45: {  	_ =	shalt  }
0x46: {  	_ =	shalt  }
0x47: {  	_ =	shalt  }
0x48: {  	_ =	shalt  }
0x49: {  	_ =	shalt  }
0x4a: {  	_ =	shalt  }
0x4b: {  	_ =	shalt  }
0x4c: {  	_ =	shalt  }
0x4d: {  	_ =	shalt  }
0x4e: {  	_ =	shalt  }
0x4f: {  	_ =	shalt  }
0x50: {  	_ =	shalt  }
0x51: {  	_ =	shalt  }
0x52: {  	_ =	shalt  }
0x53: {  	_ =	shalt  }
0x54: {  	_ =	shalt  }
0x55: {  	_ =	shalt  }
0x56: {  	_ =	shalt  }
0x57: {  	_ =	shalt  }
0x58: {  	_ =	shalt  }
0x59: {  	_ =	shalt  }
0x5a: {  	_ =	shalt  }
0x5b: {  	_ =	shalt  }
0x5c: {  	_ =	shalt  }
0x5d: {  	_ =	shalt  }
0x5e: {  	_ =	shalt  }
0x5f: {  	_ =	shalt  }
0x60: {  	_ =	shalt  }
0x61: {  	_ =	shalt  }
0x62: {  	_ =	shalt  }
0x63: {  	_ =	shalt  }
0x64: {  	_ =	shalt  }
0x65: {  	_ =	shalt  }
0x66: {  	_ =	shalt  }
0x67: {  	_ =	shalt  }
0x68: {  	_ =	shalt  }
0x69: {  	_ =	shalt  }
0x6a: {  	_ =	shalt  }
0x6b: {  	_ =	shalt  }
0x6c: {  	_ =	shalt  }
0x6d: {  	_ =	shalt  }
0x6e: {  	_ =	shalt  }
0x6f: {  	_ =	shalt  }
0x70: {  	_ =	shalt  }
0x71: {  	_ =	shalt  }
0x72: {  	_ =	shalt  }
0x73: {  	_ =	shalt  }
0x74: {  	_ =	shalt  }
0x75: {  	_ =	shalt  }
0x76: {  	_ =	shalt  }
0x77: {  	_ =	shalt  }
0x78: {  	_ =	shalt  }
0x79: {  	_ =	shalt  }
0x7a: {  	_ =	shalt  }
0x7b: {  	_ =	shalt  }
0x7c: {  	_ =	shalt  }
0x7d: {  	_ =	shalt  }
0x7e: {  	_ =	shalt  }
0x7f: {  	_ =	shalt  }
0x80: {  	_ =	shalt  }
0x81: {  	_ =	shalt  }
0x82: {  	_ =	shalt  }
0x83: {  	_ =	shalt  }
0x84: {  	_ =	shalt  }
0x85: {  	_ =	shalt  }
0x86: {  	_ =	shalt  }
0x87: {  	_ =	shalt  }
.Lfunc_end0:
.L_simem_size_0:
called_computation.3_lowered:
.L_overlay_start_0:
0x88: {  	s2 =	sld [smem:$0x3FD9]  }
0x89: {  	s3 =	sld [smem:$0x3FFE];
	_ =	sdelay $0x1  }
0x8a: {  	s1 =	srdreg.scid  }
0x8b: {  	s0 =	sand.u32 $0x1, s1  }
0x8c: {  	s16 =	sshll.u32 s0, $0xA;
	s2 =	sadd.s32 s3, s2  }
0x8d: {  	s2 =	sadd.s32 s2, s16  }
0x8e: {  	[smem:$0x3FBB] =	sst s2  }
0x8f: {  	_ = 	snop  }
0x90: {  	(tm) =	ssettm $0x1  }
0x91: {  	s17 =	sld [smem:$0x3FFB];
	_ =	sdelay $0x3  }
0x92: {  	_ =	strace s17  }
0x93: {  	s2 =	sld [smem:$0x3FFC];
	_ =	sdelay $0x3  }
0x94: {  	_ =	strace s2  }
0x95: {  	s2 =	sld [smem:$0x3FFD];
	_ =	sdelay $0x3  }
0x96: {  	_ =	strace s2  }
0x97: {  	_ =	strace $0x8FFFFFFF  }
0x98: {  	s18 =	sld [smem:$0x3FDB];
	_ =	sdelay $0x1  }
0x99: {  	s19 =	simm.s32 $_scs_section_size  }
0x9a: {  	s4 =	simm.s32 $_size__tile_overlayer_lowered;
	s5 =	simm.s32 $_tile_overlayer_lowered  }
0x9b: {  	s22 =	simm.s32 $0x1BFF;
	s21 =	sshll.u32 s5, $0x1;
	s2 =	sadd.s32 s19, s18  }
0x9c: {  	s6 =	simm.s32 $0x0;
	s20 =	sshll.u32 s4, $0x1;
	s4 =	sadd.s32 s21, s2  }
0x9d: {  	[timem:s6], [sflag:s22] =	dma.local [hbm:s4], s20  }
0x9e: {  	_ =	swait.ge [sflag:s22], s20  }
0x9f: {  	s3 =	ssub.s32 $0x0, s20;
	[sflag:s22] =	ssyncset.done $0x0  }
0xa0: {  	[sflag:s22] =	ssyncadd.s32 s3;
	_ =	sdelay $0x1  }
0xa1: {  	s23 =	simm.s32 $0x1B8B  }
0xa2: {  	_ =	swait.ge [sflag:s23], $0x1  }
0xa3: {  	[sflag:s23] =	ssyncset.done $0x0  }
0xa4: {  	s25 =	simm.s32 $0x1B8E;
	s24 =	sld [smem:$0x3FFE];
	[sflag:s23] =	ssyncadd.s32 $0xFFFFFFFF  }
0xa5: {  	s26 =	simm.s32 $execute0_lowered;
	[smem:$0x3FD2] =	sst s25  }
0xa6: {  	s4 =	sshll.u32 s26, $0x1;
	_ =	strace $0x8000004F;
	[dreg:$0x1] =	wrdreg $0xFFFFFFFF  }
0xa7: {  	s28 =	simm.s32 $_size_execute0_lowered;
	s2 =	sadd.s32 s2, s4;
	[dreg:$0x0] =	wrdreg $0x0  }
0xa8: {  	s4 =	sshll.u32 s28, $0x1;
	[dreg:$0x2] =	wrdreg s2  }
0xa9: {  	[dreg:$0x3] =	wrdreg s4  }
0xaa: {  	[dreg:$0x4] =	wrdreg $0xC0  }
0xab: {  	_ =	task [dreg:s6], $0x5FFFF  }
0xac: {  	[dreg:$0x1] =	wrdreg $0xFFFFFFFF  }
0xad: {  	[dreg:$0x0] =	wrdreg $0x60  }
0xae: {  	[dreg:$0x2] =	wrdreg s24  }
0xaf: {  	[dreg:$0x3] =	wrdreg $0x80200  }
0xb0: {  	[dreg:$0x4] =	wrdreg $0x9  }
0xb1: {  	_ =	task.clear_ibuf [dreg:s6], $0x5FFFF;
	_ =	strace $0x9000004F  }
0xb2: {  	s29 =	simm.s32 $0x9;
	_ =	strace $0x80000051  }
0xb3: {  	_ =	swait.ge [sflag:s29], $0x1  }
0xb4: {  	[sflag:s29] =	ssyncadd.s32 $0xFFFFFFFF  }
0xb5: {  	_ =	strace $0x90000051  }
0xb6: {  	_ =	sfence  }
0xb7: {  	s30 =	sld [smem:$0x0];
	_ =	sdelay $0x2  }
0xb8: {  	s31 =	sshll.u32 s1, $0xD;
	s1 =	sshrl.u32 s1, $0x2  }
0xb9: {  	s3 =	sand.u32 $0x4000, s31;
	s1 =	sadd.s32 s1, s30  }
0xba: {  	s0 =	sor.u32 s3, s0;
	s1 =	sshll.u32 s1, $0x11  }
0xbb: {  	s0 =	sor.u32 s1, s0  }
0xbc: {  	s0 =	sadd.s32 $0x8F2B, s0  }
0xbd: {  	[sflag:s0] =	ssyncadd.remote.s32 $0x1  }
0xbe: {  	_ =	sfence.sel $0xFFFF  }
0xbf: {  	[dreg:$0x0] =	wrdreg $0xFFFFFFFF;
	(pc) =	sbr.abs _section_cstart, $3  }
0xc0: {  	[dreg:$0x1] =	wrdreg $0xFFFFFFFF  }
0xc1: {  	_ =	task.clear_ibuf [dreg:s6], $0x2FFFF;
	_ =	strace $0x9FFFFFFF  }
0xc2: {  	(tm) =	ssettm $0x7FFFFFFF  }
0xc3: {  	_ =	shalt  }
tec
execute0_lowered:
.L_overlay_start_1:
0x0: {  	(tag) =	ssettag $0x1  }
0x1: {  	s0 =	srdreg.scid;
	s1 =	rddreg [dreg:$0x0]  }
0x2: {  	s14 =	stileid.u32;
	s2 =	rddreg [dreg:$0x1];
	s17 =	simm.s32 $0x50  }
0x3: {  	s18 =	simm.s32 $0x4E20;
	s19 =	simm.s32 $0x5820;
	s21 =	simm.s32 $0x6220  }
0x4: {  	s28 =	simm.s32 $0x6;
	s29 =	simm.s32 $0x2;
	s30 =	simm.s32 $0x7  }
0x5: {  	s31 =	simm.s32 $0x3;
	s16 =	simm.s32 $0x9;
	s20 =	simm.s32 $0x5  }
0x6: {  	s0 =	sand.u32 $0x1, s0;
	s6 =	smul.u32 $0x4E00, s14;
	s10 =	sadd.s32 $0x2AA00, s1  }
0x7: {  	s11 =	smul.u32 $0x9C0, s14;
	s23 =	sshll.u32 s14, $0x6;
	s15 =	sadd.s32 $0x4E000, s2  }
0x8: {  	p0 =	sne.s32 s14, $0xF;
	s3 =	sshll.u32 s0, $0x4;
	s24 =	smul.u32 $0x4E200, s0  }
0x9: {  	s8 =	ssub.s32 $0x2, s0;
	s0 =	smul.u32 $0x9C40, s0;
	s15 =	sshrl.u32 @!p0 s15, $0x3  }
0xa: {  	s4 =	sor.u32 s14, s3;
	s3 =	simm.s32 $0x0;
	s7 =	sshrl.u32 s6, $0x3  }
0xb: {  	s9 =	sshrl.u32 s8, $0x1;
	s13 =	sadd.s32 s6, s2;
	s6 =	sor.u32 $0x1C0B, s23  }
0xc: {  	s14 =	simm.s32 $0xB;
	s23 =	simm.s32 $0x6C20;
	s5 =	smul.u32 $0x2710, s4  }
0xd: {  	[smem:$0x7FF] =	sst s3;
	s4 =	sadd.s32 $0x16E00, s1;
	s7 =	sadd.s32 s7, s1  }
0xe: {  	s12 =	ssub.s32 s8, s9;
	s26 =	sshrl.u32 s24, $0x3;
	s0 =	sadd.s32 s11, s0  }
0xf: {  	s13 =	sshrl.u32 s13, $0x3;
	s24 =	simm.s32 $0x0;
	_ =	strace $0x80000050  }
0x10: {  	s22 =	sadd.s32 $0x20C00, s7;
	s12 =	smax.u32 s12, $0x1;
	s5 =	sshrl.u32 s5, $0x3  }
0x11: {  	[dreg:$0x3] =	wrdreg s22;
	s5 =	sadd.s32 s5, s1;
	s1 =	sadd.s32 $0x2A800, s1  }
0x12: {  	s22 =	simm.s32 $0xA;
	[dreg:$0x4] =	wrdreg s1;
	s25 =	sadd.s32 $0x3400, s5  }
0x13: {  	s9 =	sadd.s32 $0xD040, s5;
	s1 =	sadd.s32 s10, s26;
	s10 =	sadd.s32 s10, s0  }
0x14: {  	s26 =	simm.s32 $0x1;
	s0 =	simm.s32 $0x4;
	[dreg:$0x5] =	wrdreg s25  }
0x15: {  	s11 =	sadd.s32 $0x9C00, s1;
	s25 =	simm.s32 $0x7620;
	s1 =	simm.s32 $0x8  }
.LBB2_1:
0x16: {  	s5 =	rddreg [dreg:$0x3]  }
0x17: {  	[spmem:s13], [sflag:s6] =	dma.local [hbm:s5], $0x9C0  }
0x18: {  	_ =	swait.ge [sflag:s14], $0x9C0  }
0x19: {  	[sflag:s14] =	ssyncset.done $0x0  }
0x1a: {  	s5 =	rddreg [dreg:$0x4];
	[sflag:s14] =	ssyncadd.s32 $0xFFFFF640  }
0x1b: {  	[spmem:s15], [sflag:s6] =	dma.local @!p0 [hbm:s5], $0x40  }
0x1c: {  	s5 =	simm.s32 @!p0 $0xB  }
0x1d: {  	_ =	swait.ge @!p0 [sflag:s5], $0x40  }
0x1e: {  	[sflag:s5] =	ssyncset.done @!p0 $0x0  }
0x1f: {  	s7 =	rddreg [dreg:$0x5];
	[sflag:s5] =	ssyncadd.s32 @!p0 $0xFFFFFFC0  }
0x20: {  	[tilespmem:s3], [sflag:$0xB] =	stream.linear.gather [hbm4b:s7+s3], $0x2710, $0x38;
	[tilespmem:$0xCE40] =	vst v63  }
0x21: {  	_ =	swait.ge [sflag:s14], $0x2710  }
0x22: {  	[sflag:s14] =	ssyncset.done $0x0  }
0x23: {  	s8 =	simm.s32 $0x2710;
	[sflag:s14] =	ssyncadd.s32 $0xFFFFD8F0  }
0x24: {  	[tilespmem:s8], [sflag:$0xB] =	stream.linear.gather [hbm4b:s9+s3], $0x2710, $0x38;
	[tilespmem:$0xCE40] =	vst v63  }
0x25: {  	_ =	swait.ge [sflag:s14], $0x2710  }
0x26: {  	[sflag:s14] =	ssyncset.done $0x0  }
0x27: {  	[sflag:s14] =	ssyncadd.s32 $0xFFFFD8F0  }
0x28: {  	[bflag:$0x0] =	sbarrier.arrive $0xFFFF  }
0x29: {  	[tilespmem:s18], [sflag:$0x1] =	stream.indirect.gather [hbm4b:s4+s17], $0x20, s3, s17, $0xb8;
	[tilespmem:$0xCE40] =	vst v63  }
0x2a: {  	_ = 	snop  }
0x2b: {  	[tilespmem:s19], [sflag:$0x2] =	stream.indirect.gather [hbm4b:s4+s17], $0x20, s17, s17, $0xb8;
	[tilespmem:$0xCE40] =	vst v63  }
0x2c: {  	s7 =	simm.s32 $0xA0  }
0x2d: {  	[tilespmem:s21], [sflag:$0x3] =	stream.indirect.gather [hbm4b:s4+s17], $0x20, s7, s17, $0xb8;
	[tilespmem:$0xCE40] =	vst v63  }
0x2e: {  	s8 =	simm.s32 $0xF0  }
0x2f: {  	[tilespmem:s23], [sflag:$0x4] =	stream.indirect.gather [hbm4b:s4+s17], $0x20, s8, s17, $0xb8;
	[tilespmem:$0xCE40] =	vst v63  }
0x30: {  	s7 =	simm.s32 $0x140  }
0x31: {  	[tilespmem:s25], [sflag:$0x5] =	stream.indirect.gather [hbm4b:s4+s17], $0x20, s7, s17, $0xb8;
	[tilespmem:$0xCE40] =	vst v63  }
0x32: {  	_ =	swait.ge [sflag:s26], $0xA00  }
0x33: {  	[sflag:s26] =	ssyncset.done $0x0  }
0x34: {  	s8 =	simm.s32 $0x2710;
	[sflag:s26] =	ssyncadd.s32 $0xFFFFF600  }
0x35: {  	[spmem:s2] =	stream.indirect.scatter.add.f32 [tilespmem:s18], [sflag:$0x6], $0x20, s8, s17, $0xb8;
	[tilespmem:$0xCE40] =	vst v63  }
0x36: {  	_ =	swait.ge [sflag:s28], $0xA00  }
0x37: {  	[sflag:s28] =	ssyncset.done $0x0  }
0x38: {  	s7 =	simm.s32 $0x190;
	[sflag:s28] =	ssyncadd.s32 $0xFFFFF600  }
0x39: {  	[tilespmem:s18], [sflag:$0x1] =	stream.indirect.gather [hbm4b:s4+s17], $0x20, s7, s17, $0xb8;
	[tilespmem:$0xCE40] =	vst v63  }
0x3a: {  	_ =	swait.ge [sflag:s29], $0xA00  }
0x3b: {  	[sflag:s29] =	ssyncset.done $0x0  }
0x3c: {  	s8 =	simm.s32 $0x2760;
	[sflag:s29] =	ssyncadd.s32 $0xFFFFF600  }
0x3d: {  	[spmem:s2] =	stream.indirect.scatter.add.f32 [tilespmem:s19], [sflag:$0x7], $0x20, s8, s17, $0xb8;
	[tilespmem:$0xCE40] =	vst v63  }
0x3e: {  	_ =	swait.ge [sflag:s30], $0xA00  }
0x3f: {  	[sflag:s30] =	ssyncset.done $0x0  }
0x40: {  	s7 =	simm.s32 $0x1E0;
	[sflag:s30] =	ssyncadd.s32 $0xFFFFF600  }
0x41: {  	[tilespmem:s19], [sflag:$0x2] =	stream.indirect.gather [hbm4b:s4+s17], $0x20, s7, s17, $0xb8;
	[tilespmem:$0xCE40] =	vst v63  }
0x42: {  	_ =	swait.ge [sflag:s31], $0xA00  }
0x43: {  	[sflag:s31] =	ssyncset.done $0x0  }
0x44: {  	s8 =	simm.s32 $0x27B0;
	[sflag:s31] =	ssyncadd.s32 $0xFFFFF600  }
0x45: {  	[spmem:s2] =	stream.indirect.scatter.add.f32 [tilespmem:s21], [sflag:$0x8], $0x20, s8, s17, $0xb8;
	[tilespmem:$0xCE40] =	vst v63  }
0x46: {  	_ =	swait.ge [sflag:s1], $0xA00  }
0x47: {  	[sflag:s1] =	ssyncset.done $0x0  }
0x48: {  	s7 =	simm.s32 $0x230;
	[sflag:s1] =	ssyncadd.s32 $0xFFFFF600  }
0x49: {  	[tilespmem:s21], [sflag:$0x3] =	stream.indirect.gather [hbm4b:s4+s17], $0x20, s7, s17, $0xb8;
	[tilespmem:$0xCE40] =	vst v63  }
0x4a: {  	_ =	swait.ge [sflag:s0], $0xA00  }
0x4b: {  	[sflag:s0] =	ssyncset.done $0x0  }
0x4c: {  	s8 =	simm.s32 $0x2800;
	[sflag:s0] =	ssyncadd.s32 $0xFFFFF600  }
0x4d: {  	[spmem:s2] =	stream.indirect.scatter.add.f32 [tilespmem:s23], [sflag:$0x9], $0x20, s8, s17, $0xb8;
	[tilespmem:$0xCE40] =	vst v63  }
0x4e: {  	_ =	swait.ge [sflag:s16], $0xA00  }
0x4f: {  	[sflag:s16] =	ssyncset.done $0x0  }
0x50: {  	s7 =	simm.s32 $0x280;
	[sflag:s16] =	ssyncadd.s32 $0xFFFFF600  }
0x51: {  	[tilespmem:s23], [sflag:$0x4] =	stream.indirect.gather [hbm4b:s4+s17], $0x20, s7, s17, $0xb8;
	[tilespmem:$0xCE40] =	vst v63  }
0x52: {  	_ =	swait.ge [sflag:s20], $0xA00  }
0x53: {  	[sflag:s20] =	ssyncset.done $0x0  }
0x54: {  	s8 =	simm.s32 $0x2850;
	[sflag:s20] =	ssyncadd.s32 $0xFFFFF600  }
0x55: {  	[spmem:s2] =	stream.indirect.scatter.add.f32 [tilespmem:s25], [sflag:$0xA], $0x20, s8, s17, $0xb8;
	[tilespmem:$0xCE40] =	vst v63  }
0x56: {  	_ =	swait.ge [sflag:s22], $0xA00  }
0x57: {  	[sflag:s22] =	ssyncset.done $0x0  }
0x58: {  	s5 =	simm.s32 $0x640;
	s7 =	simm.s32 $0x2D0;
	[sflag:s22] =	ssyncadd.s32 $0xFFFFF600  }
.LBB2_2:
0x59: {  	[tilespmem:s25], [sflag:$0x5] =	stream.indirect.gather [hbm4b:s4+s17], $0x20, s7, s17, $0xb8;
	[tilespmem:$0xCE40] =	vst v63  }
0x5a: {  	s7 =	smov.u32 s5  }
0x5b: {  	p1 =	sne.s32 s5, $0x8FC0;
	s5 =	sadd.s32 $0x640, s5;
	_ =	swait.ge [sflag:s26], $0xA00  }
0x5c: {  	s7 =	sshra.s32 s7, $0x2;
	[sflag:s26] =	ssyncset.done $0x0  }
0x5d: {  	s8 =	sadd.s32 $0x2710, s7;
	[sflag:s26] =	ssyncadd.s32 $0xFFFFF600  }
0x5e: {  	[spmem:s2] =	stream.indirect.scatter.add.f32 [tilespmem:s18], [sflag:$0x6], $0x20, s8, s17, $0xb8;
	[tilespmem:$0xCE40] =	vst v63  }
0x5f: {  	_ =	swait.ge [sflag:s28], $0xA00  }
0x60: {  	[sflag:s28] =	ssyncset.done $0x0  }
0x61: {  	s8 =	sadd.s32 $0x190, s7;
	[sflag:s28] =	ssyncadd.s32 $0xFFFFF600  }
0x62: {  	[tilespmem:s18], [sflag:$0x1] =	stream.indirect.gather [hbm4b:s4+s17], $0x20, s8, s17, $0xb8;
	[tilespmem:$0xCE40] =	vst v63  }
0x63: {  	_ =	swait.ge [sflag:s29], $0xA00  }
0x64: {  	[sflag:s29] =	ssyncset.done $0x0  }
0x65: {  	s8 =	sadd.s32 $0x2760, s7;
	[sflag:s29] =	ssyncadd.s32 $0xFFFFF600  }
0x66: {  	[spmem:s2] =	stream.indirect.scatter.add.f32 [tilespmem:s19], [sflag:$0x7], $0x20, s8, s17, $0xb8;
	[tilespmem:$0xCE40] =	vst v63  }
0x67: {  	_ =	swait.ge [sflag:s30], $0xA00  }
0x68: {  	[sflag:s30] =	ssyncset.done $0x0  }
0x69: {  	s8 =	sadd.s32 $0x1E0, s7;
	[sflag:s30] =	ssyncadd.s32 $0xFFFFF600  }
0x6a: {  	[tilespmem:s19], [sflag:$0x2] =	stream.indirect.gather [hbm4b:s4+s17], $0x20, s8, s17, $0xb8;
	[tilespmem:$0xCE40] =	vst v63  }
0x6b: {  	_ =	swait.ge [sflag:s31], $0xA00  }
0x6c: {  	[sflag:s31] =	ssyncset.done $0x0  }
0x6d: {  	s8 =	sadd.s32 $0x27B0, s7;
	[sflag:s31] =	ssyncadd.s32 $0xFFFFF600  }
0x6e: {  	[spmem:s2] =	stream.indirect.scatter.add.f32 [tilespmem:s21], [sflag:$0x8], $0x20, s8, s17, $0xb8;
	[tilespmem:$0xCE40] =	vst v63  }
0x6f: {  	_ =	swait.ge [sflag:s1], $0xA00  }
0x70: {  	[sflag:s1] =	ssyncset.done $0x0  }
0x71: {  	s8 =	sadd.s32 $0x230, s7;
	[sflag:s1] =	ssyncadd.s32 $0xFFFFF600  }
0x72: {  	[tilespmem:s21], [sflag:$0x3] =	stream.indirect.gather [hbm4b:s4+s17], $0x20, s8, s17, $0xb8;
	[tilespmem:$0xCE40] =	vst v63  }
0x73: {  	_ =	swait.ge [sflag:s0], $0xA00  }
0x74: {  	[sflag:s0] =	ssyncset.done $0x0  }
0x75: {  	s8 =	sadd.s32 $0x2800, s7;
	[sflag:s0] =	ssyncadd.s32 $0xFFFFF600  }
0x76: {  	[spmem:s2] =	stream.indirect.scatter.add.f32 [tilespmem:s23], [sflag:$0x9], $0x20, s8, s17, $0xb8;
	[tilespmem:$0xCE40] =	vst v63  }
0x77: {  	_ =	swait.ge [sflag:s16], $0xA00  }
0x78: {  	[sflag:s16] =	ssyncset.done $0x0  }
0x79: {  	s8 =	sadd.s32 $0x280, s7;
	[sflag:s16] =	ssyncadd.s32 $0xFFFFF600  }
0x7a: {  	[tilespmem:s23], [sflag:$0x4] =	stream.indirect.gather [hbm4b:s4+s17], $0x20, s8, s17, $0xb8;
	[tilespmem:$0xCE40] =	vst v63  }
0x7b: {  	_ =	swait.ge [sflag:s20], $0xA00  }
0x7c: {  	[sflag:s20] =	ssyncset.done $0x0  }
.Ltmp0:
0x7d: {  	s8 =	sadd.s32 $0x2850, s7;
	[sflag:s20] =	ssyncadd.s32 $0xFFFFF600;
	(pc) =	sbr.rel @p1 .LBB2_2-.Ltmp0, $4  }
0x7e: {  	[spmem:s2] =	stream.indirect.scatter.add.f32 [tilespmem:s25], [sflag:$0xA], $0x20, s8, s17, $0xb8;
	[tilespmem:$0xCE40] =	vst v63  }
0x7f: {  	_ =	swait.ge [sflag:s22], $0xA00  }
0x80: {  	[sflag:s22] =	ssyncset.done $0x0  }
0x81: {  	s7 =	sadd.s32 $0x2D0, s7;
	[sflag:s22] =	ssyncadd.s32 $0xFFFFF600  }
0x82: {  	[tilespmem:s25], [sflag:$0x5] =	stream.indirect.gather [hbm4b:s4+s17], $0x20, s7, s17, $0xb8;
	[tilespmem:$0xCE40] =	vst v63  }
0x83: {  	_ =	swait.ge [sflag:s26], $0xA00  }
0x84: {  	[sflag:s26] =	ssyncset.done $0x0  }
0x85: {  	s5 =	simm.s32 $0x4C90;
	[sflag:s26] =	ssyncadd.s32 $0xFFFFF600  }
0x86: {  	[spmem:s2] =	stream.indirect.scatter.add.f32 [tilespmem:s18], [sflag:$0x6], $0x20, s5, s17, $0xb8;
	[tilespmem:$0xCE40] =	vst v63  }
0x87: {  	_ =	swait.ge [sflag:s29], $0xA00  }
0x88: {  	[sflag:s29] =	ssyncset.done $0x0  }
0x89: {  	s7 =	simm.s32 $0x4CE0;
	[sflag:s29] =	ssyncadd.s32 $0xFFFFF600  }
0x8a: {  	[spmem:s2] =	stream.indirect.scatter.add.f32 [tilespmem:s19], [sflag:$0x7], $0x20, s7, s17, $0xb8;
	[tilespmem:$0xCE40] =	vst v63  }
0x8b: {  	_ =	swait.ge [sflag:s31], $0xA00  }
0x8c: {  	[sflag:s31] =	ssyncset.done $0x0  }
0x8d: {  	s8 =	simm.s32 $0x4D30;
	[sflag:s31] =	ssyncadd.s32 $0xFFFFF600  }
0x8e: {  	[spmem:s2] =	stream.indirect.scatter.add.f32 [tilespmem:s21], [sflag:$0x8], $0x20, s8, s17, $0xb8;
	[tilespmem:$0xCE40] =	vst v63  }
0x8f: {  	_ =	swait.ge [sflag:s0], $0xA00  }
0x90: {  	[sflag:s0] =	ssyncset.done $0x0  }
0x91: {  	s7 =	simm.s32 $0x4D80;
	[sflag:s0] =	ssyncadd.s32 $0xFFFFF600  }
0x92: {  	[spmem:s2] =	stream.indirect.scatter.add.f32 [tilespmem:s23], [sflag:$0x9], $0x20, s7, s17, $0xb8;
	[tilespmem:$0xCE40] =	vst v63  }
0x93: {  	_ =	swait.ge [sflag:s20], $0xA00  }
0x94: {  	[sflag:s20] =	ssyncset.done $0x0  }
0x95: {  	s8 =	simm.s32 $0x4DD0;
	[sflag:s20] =	ssyncadd.s32 $0xFFFFF600  }
0x96: {  	[spmem:s2] =	stream.indirect.scatter.add.f32 [tilespmem:s25], [sflag:$0xA], $0x20, s8, s17, $0xb8;
	[tilespmem:$0xCE40] =	vst v63  }
0x97: {  	_ =	swait.ge [sflag:s28], $0xA00  }
0x98: {  	[sflag:s28] =	ssyncset.done $0x0  }
0x99: {  	[sflag:s28] =	ssyncadd.s32 $0xFFFFF600  }
0x9a: {  	_ =	swait.ge [sflag:s30], $0xA00  }
0x9b: {  	[sflag:s30] =	ssyncset.done $0x0  }
0x9c: {  	[sflag:s30] =	ssyncadd.s32 $0xFFFFF600  }
0x9d: {  	_ =	swait.ge [sflag:s1], $0xA00  }
0x9e: {  	[sflag:s1] =	ssyncset.done $0x0  }
0x9f: {  	[sflag:s1] =	ssyncadd.s32 $0xFFFFF600  }
0xa0: {  	_ =	swait.ge [sflag:s16], $0xA00  }
0xa1: {  	[sflag:s16] =	ssyncset.done $0x0  }
0xa2: {  	[sflag:s16] =	ssyncadd.s32 $0xFFFFF600  }
0xa3: {  	_ =	swait.ge [sflag:s22], $0xA00  }
0xa4: {  	[sflag:s22] =	ssyncset.done $0x0  }
0xa5: {  	[sflag:s22] =	ssyncadd.s32 $0xFFFFF600  }
0xa6: {  	[bflag:$0x0] =	sbarrier.arrive $0xFFFF  }
0xa7: {  	[hbm:s10], [sflag:s6] =	dma.local [spmem:s13], $0x9C0  }
0xa8: {  	s24 =	sadd.s32 $0x1, s24;
	_ =	swait.ge [sflag:s14], $0x9C0  }
0xa9: {  	p1 =	sne.s32 s24, s12;
	[sflag:s14] =	ssyncset.done $0x0  }
.Ltmp1:
0xaa: {  	s5 =	simm.s32 @!p0 $0xB;
	[sflag:s14] =	ssyncadd.s32 $0xFFFFF640;
	(pc) =	sbr.rel @p1 .LBB2_1-.Ltmp1, $4  }
0xab: {  	[hbm:s11], [sflag:s6] =	dma.local @!p0 [spmem:s15], $0x40  }
0xac: {  	_ =	swait.ge @!p0 [sflag:s5], $0x40  }
0xad: {  	[sflag:s5] =	ssyncset.done @!p0 $0x0  }
0xae: {  	[sflag:s5] =	ssyncadd.s32 @!p0 $0xFFFFFFC0  }
0xaf: {  	_ =	sfence.sel $0x180000  }
0xb0: {  	[bflag:$0x0] =	sbarrier.arrive $0xFFFF  }
0xb1: {  	_ =	strace $0x90000050  }
0xb2: {  	s0 =	stileid.u32;
	[bflag:$0x2] =	sbarrier.arrive $0xFFFF  }
0xb3: {  	p0 =	sne.s32 s0, $0x0;
	s0 =	rddreg [dreg:$0x2]  }
0xb4: {  	s0 =	sadd.s32 @!p0 $0x100000, s0  }
0xb5: {  	[sflag:s0] =	ssyncadd.tile.s32 @!p0 $0x1;
	_ =	shalt  }
.Lfunc_end2:
_tile_overlayer_lowered:
.L_overlay_start_2:
0xb6: {  	(tag) =	ssettag $0x2  }
0xb7: {  	s0 =	rddreg [dreg:$0x0];
	s2 =	stileid.u32  }
0xb8: {  	s1 =	rddreg [dreg:$0x1];
	p0 =	sne.s32 s2, $0x0  }
0xb9: {  	s3 =	rddreg [dreg:$0x2];
	[bflag:$0x3] =	sbarrier.arrive $0xFFFF;
	s2 =	simm.s32 @!p0 $0x1C0B  }
0xba: {  	[timem:s3], [sflag:s2] =	dma.local @!p0 [hbm:s0], s1  }
0xbb: {  	s0 =	simm.s32 @!p0 $0xB  }
0xbc: {  	_ =	swait.ge @!p0 [sflag:s0], s1  }
0xbd: {  	s1 =	ssub.s32 @!p0 $0x0, s1;
	[sflag:s0] =	ssyncset.done @!p0 $0x0  }
0xbe: {  	[sflag:s0] =	ssyncadd.s32 @!p0 s1  }
0xbf: {  	[bflag:$0x3] =	sbarrier.arrive $0xFFFF  }
0xc0: {  	_ =	shalt  }

// kernel: kernel.24.cloned.1.call-start
scs
__scs_entry_jumppad:
0x0: {  	(pc) =	sbr.rel $0x88, $3  }
0x1: {  	(tag) =	ssettag $0x0;
	lr =	simm.s32 $0x1  }
0x2: {  	[smem:$0x3F94] =	sst lr;
	_ =	strace $0xD0000000  }
0x3: {  	_ = 	snop  }
0x4: {  	_ = 	snop  }
0x5: {  	_ = 	snop  }
0x6: {  	_ = 	snop  }
0x7: {  	_ = 	snop  }
__scs_overlays_trampoline_lowered:
0x8: {  	[smem:$0x3FA3] =	sst s0  }
0x9: {  	[smem:$0x3FA4] =	sst s1  }
0xa: {  	[smem:$0x3FA5] =	sst s2  }
0xb: {  	[smem:$0x3FA6] =	sst s3  }
0xc: {  	[smem:$0x3FA7] =	sst s4  }
0xd: {  	[smem:$0x3FA8] =	sst s5  }
0xe: {  	[smem:$0x3FA9] =	sst s6  }
0xf: {  	[smem:$0x3FAA] =	sst s7  }
0x10: {  	[smem:$0x3FAB] =	sst s8  }
0x11: {  	[smem:$0x3FAC] =	sst s9;
	s0 =	simm.s32 @!p0 $0x0  }
0x12: {  	s1 =	sld [smem:$0x3F92];
	s0 =	simm.s32 @p0 $0x1  }
0x13: {  	[smem:$0x3FAD] =	sst s0;
	s0 =	simm.s32 @!p1 $0x0  }
0x14: {  	s2 =	sld [smem:$0x3F91];
	s0 =	simm.s32 @p1 $0x1  }
0x15: {  	[smem:$0x3FAE] =	sst s0;
	s0 =	simm.s32 @!p2 $0x0  }
0x16: {  	s3 =	sld [smem:$0x3FDB];
	s0 =	simm.s32 @p2 $0x1  }
0x17: {  	s4 =	simm.s32 $0x1BF5;
	[smem:$0x3FB0] =	sst s0  }
0x18: {  	s0 =	sld [smem:$0x3F93];
	_ =	swait.ge [sflag:s4], $0x0  }
0x19: {  	s7 =	sld [smem:$0x3F94]  }
0x1a: {  	s8 =	sadd.s32 $0xFFFFE003, lr  }
0x1b: {  	s9 =	sadd.s32 $0xFFFFFEF7, lr;
	s5 =	simm.s32 $0xFFFFFFFF;
	p2 =	slt.u32 s8, $0xFFFFF086  }
0x1c: {  	p1 =	slt.u32 s9, $0xF7A;
	s5 =	simm.s32 @!p2 $0x0  }
0x1d: {  	s5 =	simm.s32 @p1 $0x1;
	p0 =	seq.s32 s7, s2  }
0x1e: {  	s7 =	smul.u32 @!p0 $0xF7A, s2;
	p2 =	seq.s32 @!p0 s5, $0x0  }
0x1f: {  	s9 =	smul.u32 $0xF7A, s1;
	s8 =	simm.s32 @!p0 $0x1BF5;
	p2 =	por !p2, p0  }
0x20: {  	[sflag:s8] =	ssyncset.s32 @!p0 $0xFFFFF086;
	s6 =	sadd.s32 @!p0 s3, s7;
	s7 =	simm.s32 @!p0 $0x108  }
0x21: {  	s3 =	sadd.s32 s3, s9;
	s6 =	sadd.s32 @!p0 $0x88, s6;
	s7 =	simm.s32 @p2 $0x1082  }
0x22: {  	[simem:s7], [sflag:s8] =	dma.local @!p0 [hbm:s6], $0xF7A  }
0x23: {  	s9 =	sor.u32 $0xD0000000, s2;
	s6 =	simm.s32 $0x108;
	_ =	swait.ge @!p0 [sflag:s8], $0x0  }
0x24: {  	s3 =	sadd.s32 $0x88, s3;
	s6 =	simm.s32 @!p1 $0x1082;
	[sflag:s4] =	ssyncset.s32 $0xFFFFF086  }
0x25: {  	[simem:s6], [sflag:s4] =	dma.local [hbm:s3], $0xF7A  }
0x26: {  	[smem:$0x3F94] =	sst s1;
	(tag) =	ssettag s2;
	_ =	strace s9  }
0x27: {  	s1 =	sld [smem:$0x3FA4]  }
0x28: {  	s2 =	sld [smem:$0x3FA5]  }
0x29: {  	s4 =	sld [smem:$0x3FA7]  }
0x2a: {  	p0 =	seq.s32 s5, $0x0;
	s5 =	sld [smem:$0x3FA8]  }
0x2b: {  	s6 =	sld [smem:$0x3FA9]  }
0x2c: {  	s7 =	sld [smem:$0x3FAA]  }
0x2d: {  	s3 =	simm.s32 $0x108;
	s8 =	sld [smem:$0x3FAB]  }
0x2e: {  	s3 =	simm.s32 @!p0 $0x1082;
	s9 =	sld [smem:$0x3FAC]  }
0x2f: {  	lr =	sadd.s32 s0, s3;
	s0 =	sld [smem:$0x3FA3]  }
0x30: {  	s3 =	sld [smem:$0x3FA6]  }
0x31: {  	[smem:$0x3FAF] =	sst s10  }
0x32: {  	s10 =	sld [smem:$0x3FAD];
	_ =	sdelay $0x3  }
0x33: {  	p0 =	seq.s32 s10, $0x1;
	s10 =	sld [smem:$0x3FAF];
	_ =	sdelay $0x3  }
0x34: {  	[smem:$0x3FAF] =	sst s10  }
0x35: {  	s10 =	sld [smem:$0x3FAE];
	_ =	sdelay $0x3  }
0x36: {  	p1 =	seq.s32 s10, $0x1;
	s10 =	sld [smem:$0x3FAF];
	_ =	sdelay $0x3  }
0x37: {  	[smem:$0x3FAF] =	sst s10  }
0x38: {  	s10 =	sld [smem:$0x3FB0]  }
0x39: {  	_ = 	snop;
	(pc) =	sbr.ind lr, $3  }
0x3a: {  	_ = 	snop  }
0x3b: {  	_ = 	snop  }
0x3c: {  	p2 =	seq.s32 s10, $0x1;
	s10 =	sld [smem:$0x3FAF]  }
0x3d: {  	_ =	shalt  }
0x3e: {  	_ =	shalt  }
0x3f: {  	_ =	shalt  }
0x40: {  	_ =	shalt  }
0x41: {  	_ =	shalt  }
0x42: {  	_ =	shalt  }
0x43: {  	_ =	shalt  }
0x44: {  	_ =	shalt  }
0x45: {  	_ =	shalt  }
0x46: {  	_ =	shalt  }
0x47: {  	_ =	shalt  }
0x48: {  	_ =	shalt  }
0x49: {  	_ =	shalt  }
0x4a: {  	_ =	shalt  }
0x4b: {  	_ =	shalt  }
0x4c: {  	_ =	shalt  }
0x4d: {  	_ =	shalt  }
0x4e: {  	_ =	shalt  }
0x4f: {  	_ =	shalt  }
0x50: {  	_ =	shalt  }
0x51: {  	_ =	shalt  }
0x52: {  	_ =	shalt  }
0x53: {  	_ =	shalt  }
0x54: {  	_ =	shalt  }
0x55: {  	_ =	shalt  }
0x56: {  	_ =	shalt  }
0x57: {  	_ =	shalt  }
0x58: {  	_ =	shalt  }
0x59: {  	_ =	shalt  }
0x5a: {  	_ =	shalt  }
0x5b: {  	_ =	shalt  }
0x5c: {  	_ =	shalt  }
0x5d: {  	_ =	shalt  }
0x5e: {  	_ =	shalt  }
0x5f: {  	_ =	shalt  }
0x60: {  	_ =	shalt  }
0x61: {  	_ =	shalt  }
0x62: {  	_ =	shalt  }
0x63: {  	_ =	shalt  }
0x64: {  	_ =	shalt  }
0x65: {  	_ =	shalt  }
0x66: {  	_ =	shalt  }
0x67: {  	_ =	shalt  }
0x68: {  	_ =	shalt  }
0x69: {  	_ =	shalt  }
0x6a: {  	_ =	shalt  }
0x6b: {  	_ =	shalt  }
0x6c: {  	_ =	shalt  }
0x6d: {  	_ =	shalt  }
0x6e: {  	_ =	shalt  }
0x6f: {  	_ =	shalt  }
0x70: {  	_ =	shalt  }
0x71: {  	_ =	shalt  }
0x72: {  	_ =	shalt  }
0x73: {  	_ =	shalt  }
0x74: {  	_ =	shalt  }
0x75: {  	_ =	shalt  }
0x76: {  	_ =	shalt  }
0x77: {  	_ =	shalt  }
0x78: {  	_ =	shalt  }
0x79: {  	_ =	shalt  }
0x7a: {  	_ =	shalt  }
0x7b: {  	_ =	shalt  }
0x7c: {  	_ =	shalt  }
0x7d: {  	_ =	shalt  }
0x7e: {  	_ =	shalt  }
0x7f: {  	_ =	shalt  }
0x80: {  	_ =	shalt  }
0x81: {  	_ =	shalt  }
0x82: {  	_ =	shalt  }
0x83: {  	_ =	shalt  }
0x84: {  	_ =	shalt  }
0x85: {  	_ =	shalt  }
0x86: {  	_ =	shalt  }
0x87: {  	_ =	shalt  }
.Lfunc_end0:
.L_simem_size_0:
called_computation.4_lowered:
.L_overlay_start_0:
0x88: {  	s2 =	sld [smem:$0x3FD9]  }
0x89: {  	s3 =	sld [smem:$0x3FFE];
	_ =	sdelay $0x1  }
0x8a: {  	s1 =	srdreg.scid  }
0x8b: {  	s0 =	sand.u32 $0x1, s1  }
0x8c: {  	s16 =	sshll.u32 s0, $0xA;
	s2 =	sadd.s32 s3, s2  }
0x8d: {  	s2 =	sadd.s32 s2, s16  }
0x8e: {  	[smem:$0x3FBB] =	sst s2  }
0x8f: {  	_ = 	snop  }
0x90: {  	(tm) =	ssettm $0x1  }
0x91: {  	s17 =	sld [smem:$0x3FFB];
	_ =	sdelay $0x3  }
0x92: {  	_ =	strace s17  }
0x93: {  	s2 =	sld [smem:$0x3FFC];
	_ =	sdelay $0x3  }
0x94: {  	_ =	strace s2  }
0x95: {  	s2 =	sld [smem:$0x3FFD];
	_ =	sdelay $0x3  }
0x96: {  	_ =	strace s2  }
0x97: {  	_ =	strace $0x8FFFFFFF  }
0x98: {  	s18 =	sld [smem:$0x3FDB];
	_ =	sdelay $0x1  }
0x99: {  	s19 =	simm.s32 $_scs_section_size  }
0x9a: {  	s4 =	simm.s32 $_size__tile_overlayer_lowered;
	s5 =	simm.s32 $_tile_overlayer_lowered  }
0x9b: {  	s22 =	simm.s32 $0x1BFF;
	s21 =	sshll.u32 s5, $0x1;
	s2 =	sadd.s32 s19, s18  }
0x9c: {  	s6 =	simm.s32 $0x0;
	s20 =	sshll.u32 s4, $0x1;
	s4 =	sadd.s32 s21, s2  }
0x9d: {  	[timem:s6], [sflag:s22] =	dma.local [hbm:s4], s20  }
0x9e: {  	_ =	swait.ge [sflag:s22], s20  }
0x9f: {  	s3 =	ssub.s32 $0x0, s20;
	[sflag:s22] =	ssyncset.done $0x0  }
0xa0: {  	[sflag:s22] =	ssyncadd.s32 s3;
	_ =	sdelay $0x1  }
0xa1: {  	s23 =	simm.s32 $0x1B8B  }
0xa2: {  	_ =	swait.ge [sflag:s23], $0x1  }
0xa3: {  	[sflag:s23] =	ssyncset.done $0x0  }
0xa4: {  	s25 =	simm.s32 $0x1B8E;
	s24 =	sld [smem:$0x3FFE];
	[sflag:s23] =	ssyncadd.s32 $0xFFFFFFFF  }
0xa5: {  	s26 =	simm.s32 $execute0_lowered;
	[smem:$0x3FD2] =	sst s25  }
0xa6: {  	s4 =	sshll.u32 s26, $0x1;
	_ =	strace $0x80000052;
	[dreg:$0x1] =	wrdreg $0xFFFFFFFF  }
0xa7: {  	s28 =	simm.s32 $_size_execute0_lowered;
	s2 =	sadd.s32 s2, s4;
	[dreg:$0x0] =	wrdreg $0x0  }
0xa8: {  	s4 =	sshll.u32 s28, $0x1;
	[dreg:$0x2] =	wrdreg s2  }
0xa9: {  	[dreg:$0x3] =	wrdreg s4  }
0xaa: {  	[dreg:$0x4] =	wrdreg $0xC0  }
0xab: {  	_ =	task [dreg:s6], $0x5FFFF  }
0xac: {  	[dreg:$0x1] =	wrdreg $0xFFFFFFFF  }
0xad: {  	[dreg:$0x0] =	wrdreg $0x60  }
0xae: {  	[dreg:$0x2] =	wrdreg s24  }
0xaf: {  	[dreg:$0x3] =	wrdreg $0x80200  }
0xb0: {  	[dreg:$0x4] =	wrdreg $0x9  }
0xb1: {  	_ =	task.clear_ibuf [dreg:s6], $0x5FFFF;
	_ =	strace $0x90000052  }
0xb2: {  	s29 =	simm.s32 $0x9;
	_ =	strace $0x80000054  }
0xb3: {  	_ =	swait.ge [sflag:s29], $0x1  }
0xb4: {  	[sflag:s29] =	ssyncadd.s32 $0xFFFFFFFF  }
0xb5: {  	_ =	strace $0x90000054  }
0xb6: {  	_ =	sfence  }
0xb7: {  	s30 =	sld [smem:$0x0];
	_ =	sdelay $0x2  }
0xb8: {  	s31 =	sshll.u32 s1, $0xD;
	s1 =	sshrl.u32 s1, $0x2  }
0xb9: {  	s3 =	sand.u32 $0x4000, s31;
	s1 =	sadd.s32 s1, s30  }
0xba: {  	s0 =	sor.u32 s3, s0;
	s1 =	sshll.u32 s1, $0x11  }
0xbb: {  	s0 =	sor.u32 s1, s0  }
0xbc: {  	s0 =	sadd.s32 $0x8F2B, s0  }
0xbd: {  	[sflag:s0] =	ssyncadd.remote.s32 $0x1  }
0xbe: {  	_ =	sfence.sel $0xFFFF  }
0xbf: {  	[dreg:$0x0] =	wrdreg $0xFFFFFFFF;
	(pc) =	sbr.abs _section_cstart, $3  }
0xc0: {  	[dreg:$0x1] =	wrdreg $0xFFFFFFFF  }
0xc1: {  	_ =	task.clear_ibuf [dreg:s6], $0x2FFFF;
	_ =	strace $0x9FFFFFFF  }
0xc2: {  	(tm) =	ssettm $0x7FFFFFFF  }
0xc3: {  	_ =	shalt  }
tec
execute0_lowered:
.L_overlay_start_1:
0x0: {  	(tag) =	ssettag $0x1  }
0x1: {  	s0 =	srdreg.scid;
	s1 =	rddreg [dreg:$0x0]  }
0x2: {  	s14 =	stileid.u32;
	s2 =	rddreg [dreg:$0x1];
	s17 =	simm.s32 $0x50  }
0x3: {  	s18 =	simm.s32 $0x4E20;
	s19 =	simm.s32 $0x5820;
	s21 =	simm.s32 $0x6220  }
0x4: {  	s28 =	simm.s32 $0x6;
	s29 =	simm.s32 $0x2;
	s30 =	simm.s32 $0x7  }
0x5: {  	s31 =	simm.s32 $0x3;
	s16 =	simm.s32 $0x9;
	s20 =	simm.s32 $0x5  }
0x6: {  	s0 =	sand.u32 $0x1, s0;
	s6 =	smul.u32 $0x4E00, s14;
	s10 =	sadd.s32 $0x2AA00, s1  }
0x7: {  	s11 =	smul.u32 $0x9C0, s14;
	s23 =	sshll.u32 s14, $0x6;
	s15 =	sadd.s32 $0x4E000, s2  }
0x8: {  	p0 =	sne.s32 s14, $0xF;
	s3 =	sshll.u32 s0, $0x4;
	s24 =	smul.u32 $0x4E200, s0  }
0x9: {  	s8 =	ssub.s32 $0x2, s0;
	s0 =	smul.u32 $0x9C40, s0;
	s15 =	sshrl.u32 @!p0 s15, $0x3  }
0xa: {  	s4 =	sor.u32 s14, s3;
	s3 =	simm.s32 $0x0;
	s7 =	sshrl.u32 s6, $0x3  }
0xb: {  	s9 =	sshrl.u32 s8, $0x1;
	s13 =	sadd.s32 s6, s2;
	s6 =	sor.u32 $0x1C0B, s23  }
0xc: {  	s14 =	simm.s32 $0xB;
	s23 =	simm.s32 $0x6C20;
	s5 =	smul.u32 $0x2710, s4  }
0xd: {  	[smem:$0x7FF] =	sst s3;
	s4 =	sadd.s32 $0x16E00, s1;
	s7 =	sadd.s32 s7, s1  }
0xe: {  	s12 =	ssub.s32 s8, s9;
	s26 =	sshrl.u32 s24, $0x3;
	s0 =	sadd.s32 s11, s0  }
0xf: {  	s13 =	sshrl.u32 s13, $0x3;
	s24 =	simm.s32 $0x0;
	_ =	strace $0x80000053  }
0x10: {  	s22 =	sadd.s32 $0x20C00, s7;
	s12 =	smax.u32 s12, $0x1;
	s5 =	sshrl.u32 s5, $0x3  }
0x11: {  	[dreg:$0x3] =	wrdreg s22;
	s5 =	sadd.s32 s5, s1;
	s1 =	sadd.s32 $0x2A800, s1  }
0x12: {  	s22 =	simm.s32 $0xA;
	[dreg:$0x4] =	wrdreg s1;
	s25 =	sadd.s32 $0x3400, s5  }
0x13: {  	s9 =	sadd.s32 $0xD040, s5;
	s1 =	sadd.s32 s10, s26;
	s10 =	sadd.s32 s10, s0  }
0x14: {  	s26 =	simm.s32 $0x1;
	s0 =	simm.s32 $0x4;
	[dreg:$0x5] =	wrdreg s25  }
0x15: {  	s11 =	sadd.s32 $0x9C00, s1;
	s25 =	simm.s32 $0x7620;
	s1 =	simm.s32 $0x8  }
.LBB2_1:
0x16: {  	s5 =	rddreg [dreg:$0x3]  }
0x17: {  	[spmem:s13], [sflag:s6] =	dma.local [hbm:s5], $0x9C0  }
0x18: {  	_ =	swait.ge [sflag:s14], $0x9C0  }
0x19: {  	[sflag:s14] =	ssyncset.done $0x0  }
0x1a: {  	s5 =	rddreg [dreg:$0x4];
	[sflag:s14] =	ssyncadd.s32 $0xFFFFF640  }
0x1b: {  	[spmem:s15], [sflag:s6] =	dma.local @!p0 [hbm:s5], $0x40  }
0x1c: {  	s5 =	simm.s32 @!p0 $0xB  }
0x1d: {  	_ =	swait.ge @!p0 [sflag:s5], $0x40  }
0x1e: {  	[sflag:s5] =	ssyncset.done @!p0 $0x0  }
0x1f: {  	s7 =	rddreg [dreg:$0x5];
	[sflag:s5] =	ssyncadd.s32 @!p0 $0xFFFFFFC0  }
0x20: {  	[tilespmem:s3], [sflag:$0xB] =	stream.linear.gather [hbm4b:s7+s3], $0x2710, $0x38;
	[tilespmem:$0xCE40] =	vst v63  }
0x21: {  	_ =	swait.ge [sflag:s14], $0x2710  }
0x22: {  	[sflag:s14] =	ssyncset.done $0x0  }
0x23: {  	s8 =	simm.s32 $0x2710;
	[sflag:s14] =	ssyncadd.s32 $0xFFFFD8F0  }
0x24: {  	[tilespmem:s8], [sflag:$0xB] =	stream.linear.gather [hbm4b:s9+s3], $0x2710, $0x38;
	[tilespmem:$0xCE40] =	vst v63  }
0x25: {  	_ =	swait.ge [sflag:s14], $0x2710  }
0x26: {  	[sflag:s14] =	ssyncset.done $0x0  }
0x27: {  	[sflag:s14] =	ssyncadd.s32 $0xFFFFD8F0  }
0x28: {  	[bflag:$0x0] =	sbarrier.arrive $0xFFFF  }
0x29: {  	[tilespmem:s18], [sflag:$0x1] =	stream.indirect.gather [hbm4b:s4+s17], $0x20, s3, s17, $0xb8;
	[tilespmem:$0xCE40] =	vst v63  }
0x2a: {  	_ = 	snop  }
0x2b: {  	[tilespmem:s19], [sflag:$0x2] =	stream.indirect.gather [hbm4b:s4+s17], $0x20, s17, s17, $0xb8;
	[tilespmem:$0xCE40] =	vst v63  }
0x2c: {  	s7 =	simm.s32 $0xA0  }
0x2d: {  	[tilespmem:s21], [sflag:$0x3] =	stream.indirect.gather [hbm4b:s4+s17], $0x20, s7, s17, $0xb8;
	[tilespmem:$0xCE40] =	vst v63  }
0x2e: {  	s8 =	simm.s32 $0xF0  }
0x2f: {  	[tilespmem:s23], [sflag:$0x4] =	stream.indirect.gather [hbm4b:s4+s17], $0x20, s8, s17, $0xb8;
	[tilespmem:$0xCE40] =	vst v63  }
0x30: {  	s7 =	simm.s32 $0x140  }
0x31: {  	[tilespmem:s25], [sflag:$0x5] =	stream.indirect.gather [hbm4b:s4+s17], $0x20, s7, s17, $0xb8;
	[tilespmem:$0xCE40] =	vst v63  }
0x32: {  	_ =	swait.ge [sflag:s26], $0xA00  }
0x33: {  	[sflag:s26] =	ssyncset.done $0x0  }
0x34: {  	s8 =	simm.s32 $0x2710;
	[sflag:s26] =	ssyncadd.s32 $0xFFFFF600  }
0x35: {  	[spmem:s2] =	stream.indirect.scatter.add.f32 [tilespmem:s18], [sflag:$0x6], $0x20, s8, s17, $0xb8;
	[tilespmem:$0xCE40] =	vst v63  }
0x36: {  	_ =	swait.ge [sflag:s28], $0xA00  }
0x37: {  	[sflag:s28] =	ssyncset.done $0x0  }
0x38: {  	s7 =	simm.s32 $0x190;
	[sflag:s28] =	ssyncadd.s32 $0xFFFFF600  }
0x39: {  	[tilespmem:s18], [sflag:$0x1] =	stream.indirect.gather [hbm4b:s4+s17], $0x20, s7, s17, $0xb8;
	[tilespmem:$0xCE40] =	vst v63  }
0x3a: {  	_ =	swait.ge [sflag:s29], $0xA00  }
0x3b: {  	[sflag:s29] =	ssyncset.done $0x0  }
0x3c: {  	s8 =	simm.s32 $0x2760;
	[sflag:s29] =	ssyncadd.s32 $0xFFFFF600  }
0x3d: {  	[spmem:s2] =	stream.indirect.scatter.add.f32 [tilespmem:s19], [sflag:$0x7], $0x20, s8, s17, $0xb8;
	[tilespmem:$0xCE40] =	vst v63  }
0x3e: {  	_ =	swait.ge [sflag:s30], $0xA00  }
0x3f: {  	[sflag:s30] =	ssyncset.done $0x0  }
0x40: {  	s7 =	simm.s32 $0x1E0;
	[sflag:s30] =	ssyncadd.s32 $0xFFFFF600  }
0x41: {  	[tilespmem:s19], [sflag:$0x2] =	stream.indirect.gather [hbm4b:s4+s17], $0x20, s7, s17, $0xb8;
	[tilespmem:$0xCE40] =	vst v63  }
0x42: {  	_ =	swait.ge [sflag:s31], $0xA00  }
0x43: {  	[sflag:s31] =	ssyncset.done $0x0  }
0x44: {  	s8 =	simm.s32 $0x27B0;
	[sflag:s31] =	ssyncadd.s32 $0xFFFFF600  }
0x45: {  	[spmem:s2] =	stream.indirect.scatter.add.f32 [tilespmem:s21], [sflag:$0x8], $0x20, s8, s17, $0xb8;
	[tilespmem:$0xCE40] =	vst v63  }
0x46: {  	_ =	swait.ge [sflag:s1], $0xA00  }
0x47: {  	[sflag:s1] =	ssyncset.done $0x0  }
0x48: {  	s7 =	simm.s32 $0x230;
	[sflag:s1] =	ssyncadd.s32 $0xFFFFF600  }
0x49: {  	[tilespmem:s21], [sflag:$0x3] =	stream.indirect.gather [hbm4b:s4+s17], $0x20, s7, s17, $0xb8;
	[tilespmem:$0xCE40] =	vst v63  }
0x4a: {  	_ =	swait.ge [sflag:s0], $0xA00  }
0x4b: {  	[sflag:s0] =	ssyncset.done $0x0  }
0x4c: {  	s8 =	simm.s32 $0x2800;
	[sflag:s0] =	ssyncadd.s32 $0xFFFFF600  }
0x4d: {  	[spmem:s2] =	stream.indirect.scatter.add.f32 [tilespmem:s23], [sflag:$0x9], $0x20, s8, s17, $0xb8;
	[tilespmem:$0xCE40] =	vst v63  }
0x4e: {  	_ =	swait.ge [sflag:s16], $0xA00  }
0x4f: {  	[sflag:s16] =	ssyncset.done $0x0  }
0x50: {  	s7 =	simm.s32 $0x280;
	[sflag:s16] =	ssyncadd.s32 $0xFFFFF600  }
0x51: {  	[tilespmem:s23], [sflag:$0x4] =	stream.indirect.gather [hbm4b:s4+s17], $0x20, s7, s17, $0xb8;
	[tilespmem:$0xCE40] =	vst v63  }
0x52: {  	_ =	swait.ge [sflag:s20], $0xA00  }
0x53: {  	[sflag:s20] =	ssyncset.done $0x0  }
0x54: {  	s8 =	simm.s32 $0x2850;
	[sflag:s20] =	ssyncadd.s32 $0xFFFFF600  }
0x55: {  	[spmem:s2] =	stream.indirect.scatter.add.f32 [tilespmem:s25], [sflag:$0xA], $0x20, s8, s17, $0xb8;
	[tilespmem:$0xCE40] =	vst v63  }
0x56: {  	_ =	swait.ge [sflag:s22], $0xA00  }
0x57: {  	[sflag:s22] =	ssyncset.done $0x0  }
0x58: {  	s5 =	simm.s32 $0x640;
	s7 =	simm.s32 $0x2D0;
	[sflag:s22] =	ssyncadd.s32 $0xFFFFF600  }
.LBB2_2:
0x59: {  	[tilespmem:s25], [sflag:$0x5] =	stream.indirect.gather [hbm4b:s4+s17], $0x20, s7, s17, $0xb8;
	[tilespmem:$0xCE40] =	vst v63  }
0x5a: {  	s7 =	smov.u32 s5  }
0x5b: {  	p1 =	sne.s32 s5, $0x8FC0;
	s5 =	sadd.s32 $0x640, s5;
	_ =	swait.ge [sflag:s26], $0xA00  }
0x5c: {  	s7 =	sshra.s32 s7, $0x2;
	[sflag:s26] =	ssyncset.done $0x0  }
0x5d: {  	s8 =	sadd.s32 $0x2710, s7;
	[sflag:s26] =	ssyncadd.s32 $0xFFFFF600  }
0x5e: {  	[spmem:s2] =	stream.indirect.scatter.add.f32 [tilespmem:s18], [sflag:$0x6], $0x20, s8, s17, $0xb8;
	[tilespmem:$0xCE40] =	vst v63  }
0x5f: {  	_ =	swait.ge [sflag:s28], $0xA00  }
0x60: {  	[sflag:s28] =	ssyncset.done $0x0  }
0x61: {  	s8 =	sadd.s32 $0x190, s7;
	[sflag:s28] =	ssyncadd.s32 $0xFFFFF600  }
0x62: {  	[tilespmem:s18], [sflag:$0x1] =	stream.indirect.gather [hbm4b:s4+s17], $0x20, s8, s17, $0xb8;
	[tilespmem:$0xCE40] =	vst v63  }
0x63: {  	_ =	swait.ge [sflag:s29], $0xA00  }
0x64: {  	[sflag:s29] =	ssyncset.done $0x0  }
0x65: {  	s8 =	sadd.s32 $0x2760, s7;
	[sflag:s29] =	ssyncadd.s32 $0xFFFFF600  }
0x66: {  	[spmem:s2] =	stream.indirect.scatter.add.f32 [tilespmem:s19], [sflag:$0x7], $0x20, s8, s17, $0xb8;
	[tilespmem:$0xCE40] =	vst v63  }
0x67: {  	_ =	swait.ge [sflag:s30], $0xA00  }
0x68: {  	[sflag:s30] =	ssyncset.done $0x0  }
0x69: {  	s8 =	sadd.s32 $0x1E0, s7;
	[sflag:s30] =	ssyncadd.s32 $0xFFFFF600  }
0x6a: {  	[tilespmem:s19], [sflag:$0x2] =	stream.indirect.gather [hbm4b:s4+s17], $0x20, s8, s17, $0xb8;
	[tilespmem:$0xCE40] =	vst v63  }
0x6b: {  	_ =	swait.ge [sflag:s31], $0xA00  }
0x6c: {  	[sflag:s31] =	ssyncset.done $0x0  }
0x6d: {  	s8 =	sadd.s32 $0x27B0, s7;
	[sflag:s31] =	ssyncadd.s32 $0xFFFFF600  }
0x6e: {  	[spmem:s2] =	stream.indirect.scatter.add.f32 [tilespmem:s21], [sflag:$0x8], $0x20, s8, s17, $0xb8;
	[tilespmem:$0xCE40] =	vst v63  }
0x6f: {  	_ =	swait.ge [sflag:s1], $0xA00  }
0x70: {  	[sflag:s1] =	ssyncset.done $0x0  }
0x71: {  	s8 =	sadd.s32 $0x230, s7;
	[sflag:s1] =	ssyncadd.s32 $0xFFFFF600  }
0x72: {  	[tilespmem:s21], [sflag:$0x3] =	stream.indirect.gather [hbm4b:s4+s17], $0x20, s8, s17, $0xb8;
	[tilespmem:$0xCE40] =	vst v63  }
0x73: {  	_ =	swait.ge [sflag:s0], $0xA00  }
0x74: {  	[sflag:s0] =	ssyncset.done $0x0  }
0x75: {  	s8 =	sadd.s32 $0x2800, s7;
	[sflag:s0] =	ssyncadd.s32 $0xFFFFF600  }
0x76: {  	[spmem:s2] =	stream.indirect.scatter.add.f32 [tilespmem:s23], [sflag:$0x9], $0x20, s8, s17, $0xb8;
	[tilespmem:$0xCE40] =	vst v63  }
0x77: {  	_ =	swait.ge [sflag:s16], $0xA00  }
0x78: {  	[sflag:s16] =	ssyncset.done $0x0  }
0x79: {  	s8 =	sadd.s32 $0x280, s7;
	[sflag:s16] =	ssyncadd.s32 $0xFFFFF600  }
0x7a: {  	[tilespmem:s23], [sflag:$0x4] =	stream.indirect.gather [hbm4b:s4+s17], $0x20, s8, s17, $0xb8;
	[tilespmem:$0xCE40] =	vst v63  }
0x7b: {  	_ =	swait.ge [sflag:s20], $0xA00  }
0x7c: {  	[sflag:s20] =	ssyncset.done $0x0  }
.Ltmp0:
0x7d: {  	s8 =	sadd.s32 $0x2850, s7;
	[sflag:s20] =	ssyncadd.s32 $0xFFFFF600;
	(pc) =	sbr.rel @p1 .LBB2_2-.Ltmp0, $4  }
0x7e: {  	[spmem:s2] =	stream.indirect.scatter.add.f32 [tilespmem:s25], [sflag:$0xA], $0x20, s8, s17, $0xb8;
	[tilespmem:$0xCE40] =	vst v63  }
0x7f: {  	_ =	swait.ge [sflag:s22], $0xA00  }
0x80: {  	[sflag:s22] =	ssyncset.done $0x0  }
0x81: {  	s7 =	sadd.s32 $0x2D0, s7;
	[sflag:s22] =	ssyncadd.s32 $0xFFFFF600  }
0x82: {  	[tilespmem:s25], [sflag:$0x5] =	stream.indirect.gather [hbm4b:s4+s17], $0x20, s7, s17, $0xb8;
	[tilespmem:$0xCE40] =	vst v63  }
0x83: {  	_ =	swait.ge [sflag:s26], $0xA00  }
0x84: {  	[sflag:s26] =	ssyncset.done $0x0  }
0x85: {  	s5 =	simm.s32 $0x4C90;
	[sflag:s26] =	ssyncadd.s32 $0xFFFFF600  }
0x86: {  	[spmem:s2] =	stream.indirect.scatter.add.f32 [tilespmem:s18], [sflag:$0x6], $0x20, s5, s17, $0xb8;
	[tilespmem:$0xCE40] =	vst v63  }
0x87: {  	_ =	swait.ge [sflag:s29], $0xA00  }
0x88: {  	[sflag:s29] =	ssyncset.done $0x0  }
0x89: {  	s7 =	simm.s32 $0x4CE0;
	[sflag:s29] =	ssyncadd.s32 $0xFFFFF600  }
0x8a: {  	[spmem:s2] =	stream.indirect.scatter.add.f32 [tilespmem:s19], [sflag:$0x7], $0x20, s7, s17, $0xb8;
	[tilespmem:$0xCE40] =	vst v63  }
0x8b: {  	_ =	swait.ge [sflag:s31], $0xA00  }
0x8c: {  	[sflag:s31] =	ssyncset.done $0x0  }
0x8d: {  	s8 =	simm.s32 $0x4D30;
	[sflag:s31] =	ssyncadd.s32 $0xFFFFF600  }
0x8e: {  	[spmem:s2] =	stream.indirect.scatter.add.f32 [tilespmem:s21], [sflag:$0x8], $0x20, s8, s17, $0xb8;
	[tilespmem:$0xCE40] =	vst v63  }
0x8f: {  	_ =	swait.ge [sflag:s0], $0xA00  }
0x90: {  	[sflag:s0] =	ssyncset.done $0x0  }
0x91: {  	s7 =	simm.s32 $0x4D80;
	[sflag:s0] =	ssyncadd.s32 $0xFFFFF600  }
0x92: {  	[spmem:s2] =	stream.indirect.scatter.add.f32 [tilespmem:s23], [sflag:$0x9], $0x20, s7, s17, $0xb8;
	[tilespmem:$0xCE40] =	vst v63  }
0x93: {  	_ =	swait.ge [sflag:s20], $0xA00  }
0x94: {  	[sflag:s20] =	ssyncset.done $0x0  }
0x95: {  	s8 =	simm.s32 $0x4DD0;
	[sflag:s20] =	ssyncadd.s32 $0xFFFFF600  }
0x96: {  	[spmem:s2] =	stream.indirect.scatter.add.f32 [tilespmem:s25], [sflag:$0xA], $0x20, s8, s17, $0xb8;
	[tilespmem:$0xCE40] =	vst v63  }
0x97: {  	_ =	swait.ge [sflag:s28], $0xA00  }
0x98: {  	[sflag:s28] =	ssyncset.done $0x0  }
0x99: {  	[sflag:s28] =	ssyncadd.s32 $0xFFFFF600  }
0x9a: {  	_ =	swait.ge [sflag:s30], $0xA00  }
0x9b: {  	[sflag:s30] =	ssyncset.done $0x0  }
0x9c: {  	[sflag:s30] =	ssyncadd.s32 $0xFFFFF600  }
0x9d: {  	_ =	swait.ge [sflag:s1], $0xA00  }
0x9e: {  	[sflag:s1] =	ssyncset.done $0x0  }
0x9f: {  	[sflag:s1] =	ssyncadd.s32 $0xFFFFF600  }
0xa0: {  	_ =	swait.ge [sflag:s16], $0xA00  }
0xa1: {  	[sflag:s16] =	ssyncset.done $0x0  }
0xa2: {  	[sflag:s16] =	ssyncadd.s32 $0xFFFFF600  }
0xa3: {  	_ =	swait.ge [sflag:s22], $0xA00  }
0xa4: {  	[sflag:s22] =	ssyncset.done $0x0  }
0xa5: {  	[sflag:s22] =	ssyncadd.s32 $0xFFFFF600  }
0xa6: {  	[bflag:$0x0] =	sbarrier.arrive $0xFFFF  }
0xa7: {  	[hbm:s10], [sflag:s6] =	dma.local [spmem:s13], $0x9C0  }
0xa8: {  	s24 =	sadd.s32 $0x1, s24;
	_ =	swait.ge [sflag:s14], $0x9C0  }
0xa9: {  	p1 =	sne.s32 s24, s12;
	[sflag:s14] =	ssyncset.done $0x0  }
.Ltmp1:
0xaa: {  	s5 =	simm.s32 @!p0 $0xB;
	[sflag:s14] =	ssyncadd.s32 $0xFFFFF640;
	(pc) =	sbr.rel @p1 .LBB2_1-.Ltmp1, $4  }
0xab: {  	[hbm:s11], [sflag:s6] =	dma.local @!p0 [spmem:s15], $0x40  }
0xac: {  	_ =	swait.ge @!p0 [sflag:s5], $0x40  }
0xad: {  	[sflag:s5] =	ssyncset.done @!p0 $0x0  }
0xae: {  	[sflag:s5] =	ssyncadd.s32 @!p0 $0xFFFFFFC0  }
0xaf: {  	_ =	sfence.sel $0x180000  }
0xb0: {  	[bflag:$0x0] =	sbarrier.arrive $0xFFFF  }
0xb1: {  	_ =	strace $0x90000053  }
0xb2: {  	s0 =	stileid.u32;
	[bflag:$0x2] =	sbarrier.arrive $0xFFFF  }
0xb3: {  	p0 =	sne.s32 s0, $0x0;
	s0 =	rddreg [dreg:$0x2]  }
0xb4: {  	s0 =	sadd.s32 @!p0 $0x100000, s0  }
0xb5: {  	[sflag:s0] =	ssyncadd.tile.s32 @!p0 $0x1;
	_ =	shalt  }
.Lfunc_end2:
_tile_overlayer_lowered:
.L_overlay_start_2:
0xb6: {  	(tag) =	ssettag $0x2  }
0xb7: {  	s0 =	rddreg [dreg:$0x0];
	s2 =	stileid.u32  }
0xb8: {  	s1 =	rddreg [dreg:$0x1];
	p0 =	sne.s32 s2, $0x0  }
0xb9: {  	s3 =	rddreg [dreg:$0x2];
	[bflag:$0x3] =	sbarrier.arrive $0xFFFF;
	s2 =	simm.s32 @!p0 $0x1C0B  }
0xba: {  	[timem:s3], [sflag:s2] =	dma.local @!p0 [hbm:s0], s1  }
0xbb: {  	s0 =	simm.s32 @!p0 $0xB  }
0xbc: {  	_ =	swait.ge @!p0 [sflag:s0], s1  }
0xbd: {  	s1 =	ssub.s32 @!p0 $0x0, s1;
	[sflag:s0] =	ssyncset.done @!p0 $0x0  }
0xbe: {  	[sflag:s0] =	ssyncadd.s32 @!p0 s1  }
0xbf: {  	[bflag:$0x3] =	sbarrier.arrive $0xFFFF  }
0xc0: {  	_ =	shalt  }

</sc_bundles>
